<compile_context>
chip_gen: v7x
topology: tpu7x:2x2x1
jax: 0.10.2.dev20260603
libtpu: 0.0.44.dev20260713+nightly
codegen_flags: <defaults>
</compile_context>

<pallas_src>
import jax
import jax.numpy as jnp
from jax import lax
from jax.experimental import pallas as pl
from jax.experimental.pallas import tpu as pltpu
from jax.experimental.pallas import tpu_sc as plsc

N = 10000
E = 320000
DIN = 128
DHID = 128
DOUT = 128
EDIM = 16
NCLS = 10

NC = 2
NS = 16
NW = NC * NS
CH = 64
CPT = 160
GRP = 32
E_PAD = NW * CPT * CH
NCHUNKS = NW * CPT
N_ACC = 10112
RPT = N_ACC // NS

_f32 = jnp.float32



def _nfw_tc(x_ref, w_ref, o_ref):
    o_ref[...] = jnp.dot(x_ref[...], w_ref[...], preferred_element_type=_f32)


def _efw_tc(ef_ref, w1_ref, b1_ref, w2_ref, b2_ref, o1_ref, o2_ref):
    ef = ef_ref[...]
    o1_ref[...] = jnp.dot(ef, w1_ref[...], preferred_element_type=_f32) + b1_ref[...]
    o2_ref[...] = jnp.dot(ef, w2_ref[...], preferred_element_type=_f32) + b2_ref[...]


def _mid_tc(nf_ref, sp_ref, cp_ref, waxT_ref, wahT_ref,
            ba_ref, wm2xT_ref, h1_o, nfw2_o, inv_o):
    cnt = cp_ref[0][:, 0:1] + cp_ref[1][:, 0:1]
    inv = 1.0 / jnp.maximum(cnt, 1.0)
    hn = (sp_ref[0] + sp_ref[1]) * inv
    h1 = jnp.maximum(
        jnp.dot(nf_ref[...], waxT_ref[...], preferred_element_type=_f32)
        + jnp.dot(hn, wahT_ref[...], preferred_element_type=_f32)
        + ba_ref[...], 0.0)
    h1_o[...] = h1
    nfw2_o[...] = jnp.dot(h1, wm2xT_ref[...], preferred_element_type=_f32)
    inv_o[...] = jnp.broadcast_to(inv, inv_o.shape)


def _fin_tc(h1_ref, sp_ref, inv_ref, waxT_ref, wahT_ref, ba_ref,
            wpuT_ref, wpvT_ref, bp_ref, pu_o, pv_o):
    hn = (sp_ref[0] + sp_ref[1]) * inv_ref[...][:, 0:1]
    h2 = jnp.maximum(
        jnp.dot(h1_ref[...], waxT_ref[...], preferred_element_type=_f32)
        + jnp.dot(hn, wahT_ref[...], preferred_element_type=_f32)
        + ba_ref[...], 0.0)
    pu_o[...] = jnp.dot(h2, wpuT_ref[...], preferred_element_type=_f32) + bp_ref[...]
    pv_o[...] = jnp.dot(h2, wpvT_ref[...], preferred_element_type=_f32)


_NBLK = 1264
_EBLK = 2000


def _row_spec(blk, cols):
    return pl.BlockSpec((blk, cols), lambda i: (i, 0))


def _pair_spec(blk, cols):
    return pl.BlockSpec((2, blk, cols), lambda i: (0, i, 0))


def _full_spec(r, c):
    return pl.BlockSpec((r, c), lambda i: (0, 0))



_MESH = plsc.VectorSubcoreMesh(core_axis_name="c", subcore_axis_name="s",
                               num_cores=NC, num_subcores=NS)


def _sage_sc_body(nfw, efw, srcs, dsts, z128,
                  out,
                  src_v, dst_v, g_a, e_a, g_b, e_b, acc,
                  sem_a, sem_b):
    c = lax.axis_index("c")
    s = lax.axis_index("s")
    wid = s * NC + c
    r0 = s * RPT

    pltpu.sync_copy(z128.at[pl.ds(r0, RPT)], acc.at[pl.ds(r0, RPT)])
    plsc.subcore_barrier()

    def _issue(jj, cbase, g_v, e_v, sem):
        base = (cbase + jj) * CH
        pltpu.async_copy(efw.at[pl.ds(base, CH)], e_v, sem)
        pltpu.async_copy(nfw.at[src_v.at[jj]], g_v, sem)

    def _wait(jj, cbase, g_v, e_v, sem):
        base = (cbase + jj) * CH
        pltpu.make_async_copy(efw.at[pl.ds(base, CH)], e_v, sem).wait()
        pltpu.make_async_copy(nfw.at[src_v.at[jj]], g_v, sem).wait()

    def _compute(g_v, e_v):
        def _row(i, carry2):
            for r in range(2):
                for k in range(8):
                    sl = pl.ds(k * 16, 16)
                    g_v[2 * i + r, sl] = jnp.maximum(
                        g_v[2 * i + r, sl] + e_v[2 * i + r, sl], 0.0)
            return carry2
        lax.fori_loop(0, CH // 2, _row, 0)

    def _group(g, carry):
        cbase = wid * CPT + g * GRP
        pltpu.sync_copy(srcs.at[pl.ds(cbase, GRP)], src_v)
        pltpu.sync_copy(dsts.at[pl.ds(cbase, GRP)], dst_v)
        _issue(0, cbase, g_a, e_a, sem_a)

        def _pair(t, carry1):
            ja = 2 * t
            jb = 2 * t + 1
            _issue(jb, cbase, g_b, e_b, sem_b)
            _wait(ja, cbase, g_a, e_a, sem_a)
            _compute(g_a, e_a)
            pltpu.sync_copy(g_a, acc.at[dst_v.at[ja]], add=True)

            @pl.when(jb + 1 < GRP)
            def _():
                _issue(jb + 1, cbase, g_a, e_a, sem_a)

            _wait(jb, cbase, g_b, e_b, sem_b)
            _compute(g_b, e_b)
            pltpu.sync_copy(g_b, acc.at[dst_v.at[jb]], add=True)
            return carry1
        lax.fori_loop(0, GRP // 2, _pair, 0)
        return carry
    lax.fori_loop(0, CPT // GRP, _group, 0)

    plsc.subcore_barrier()
    pltpu.sync_copy(acc.at[pl.ds(r0, RPT)], out.at[c, pl.ds(r0, RPT)])


_sage_sc = pl.kernel(
    _sage_sc_body,
    out_type=jax.ShapeDtypeStruct((NC, N_ACC, 128), _f32),
    mesh=_MESH,
    compiler_params=pltpu.CompilerParams(use_tc_tiling_on_sc=False),
    scratch_types=[
        pltpu.VMEM((GRP, CH), jnp.int32),
        pltpu.VMEM((GRP, CH), jnp.int32),
        pltpu.VMEM((CH, 128), _f32),
        pltpu.VMEM((CH, 128), _f32),
        pltpu.VMEM((CH, 128), _f32),
        pltpu.VMEM((CH, 128), _f32),
        pltpu.VMEM_SHARED((N_ACC, 128), _f32),
        pltpu.SemaphoreType.DMA,
        pltpu.SemaphoreType.DMA,
    ],
)


def _cnt_sc_body(dsts, z16, cnt_out, dst_v, ones_v, cacc):
    c = lax.axis_index("c")
    s = lax.axis_index("s")
    wid = s * NC + c
    r0 = s * RPT

    pltpu.sync_copy(z16.at[pl.ds(r0, RPT)], cacc.at[pl.ds(r0, RPT)])

    def _ones_row(i, carry):
        ones_v[i, :] = jnp.ones((16,), _f32)
        return carry
    lax.fori_loop(0, CH, _ones_row, 0)

    pltpu.sync_copy(dsts.at[pl.ds(wid * CPT, CPT)], dst_v)
    plsc.subcore_barrier()

    def _chunk(j, carry):
        pltpu.sync_copy(ones_v, cacc.at[dst_v.at[j]], add=True)
        return carry
    lax.fori_loop(0, CPT, _chunk, 0)

    plsc.subcore_barrier()
    pltpu.sync_copy(cacc.at[pl.ds(r0, RPT)], cnt_out.at[c, pl.ds(r0, RPT)])


_cnt_sc = pl.kernel(
    _cnt_sc_body,
    out_type=jax.ShapeDtypeStruct((NC, N_ACC, 16), _f32),
    mesh=_MESH,
    compiler_params=pltpu.CompilerParams(use_tc_tiling_on_sc=False),
    scratch_types=[
        pltpu.VMEM((CPT, CH), jnp.int32),
        pltpu.VMEM((CH, 16), _f32),
        pltpu.VMEM_SHARED((N_ACC, 16), _f32),
    ],
)


CHP = 128
CPTP = E_PAD // (NW * CHP)


def _pred_sc_body(pu, pv, srcs, dsts, out,
                  src_v, dst_v, a_a, b_a, a_b, b_b,
                  sem_a, sem_b, sem_oa, sem_ob):
    c = lax.axis_index("c")
    s = lax.axis_index("s")
    wid = s * NC + c

    pltpu.sync_copy(srcs.at[pl.ds(wid * CPTP, CPTP)], src_v)
    pltpu.sync_copy(dsts.at[pl.ds(wid * CPTP, CPTP)], dst_v)

    def _issue(jj, a_v, b_v, sem):
        pltpu.async_copy(pu.at[src_v.at[jj]], a_v, sem)
        pltpu.async_copy(pv.at[dst_v.at[jj]], b_v, sem)

    def _wait(jj, a_v, b_v, sem):
        pltpu.make_async_copy(pu.at[src_v.at[jj]], a_v, sem).wait()
        pltpu.make_async_copy(pv.at[dst_v.at[jj]], b_v, sem).wait()

    def _add(a_v, b_v):
        def _row(i, carry2):
            for r in range(2):
                a_v[2 * i + r, :] = a_v[2 * i + r, :] + b_v[2 * i + r, :]
            return carry2
        lax.fori_loop(0, CHP // 2, _row, 0)

    def _out_issue(jj, a_v, sem):
        pltpu.async_copy(a_v, out.at[pl.ds((wid * CPTP + jj) * CHP, CHP)], sem)

    def _out_wait(jj, a_v, sem):
        pltpu.make_async_copy(a_v, out.at[pl.ds((wid * CPTP + jj) * CHP, CHP)],
                              sem).wait()

    _issue(0, a_a, b_a, sem_a)
    _issue(1, a_b, b_b, sem_b)

    def _pair(t, carry):
        ja = 2 * t
        jb = 2 * t + 1
        _wait(ja, a_a, b_a, sem_a)
        _add(a_a, b_a)
        _out_issue(ja, a_a, sem_oa)
        _wait(jb, a_b, b_b, sem_b)
        _add(a_b, b_b)
        _out_issue(jb, a_b, sem_ob)
        _out_wait(ja, a_a, sem_oa)

        @pl.when(jb + 1 < CPTP)
        def _():
            _issue(jb + 1, a_a, b_a, sem_a)

        _out_wait(jb, a_b, sem_ob)

        @pl.when(jb + 2 < CPTP)
        def _():
            _issue(jb + 2, a_b, b_b, sem_b)
        return carry
    lax.fori_loop(0, CPTP // 2, _pair, 0)


_pred_sc = pl.kernel(
    _pred_sc_body,
    out_type=jax.ShapeDtypeStruct((E_PAD, 16), _f32),
    mesh=_MESH,
    compiler_params=pltpu.CompilerParams(use_tc_tiling_on_sc=False),
    scratch_types=[
        pltpu.VMEM((CPTP, CHP), jnp.int32),
        pltpu.VMEM((CPTP, CHP), jnp.int32),
        pltpu.VMEM((CHP, 16), _f32),
        pltpu.VMEM((CHP, 16), _f32),
        pltpu.VMEM((CHP, 16), _f32),
        pltpu.VMEM((CHP, 16), _f32),
        pltpu.SemaphoreType.DMA,
        pltpu.SemaphoreType.DMA,
        pltpu.SemaphoreType.DMA,
        pltpu.SemaphoreType.DMA,
    ],
)



def kernel(nfeats, efeats, edge_index, Wm1, bm1, Wa1, ba1, Wm2, bm2, Wa2,
           ba2, Wp, bp):
    nf = nfeats[:, 0, :]
    ef = efeats[:, 0, :]
    src = edge_index[0]
    dst = edge_index[1]

    pad = E_PAD - E
    src_p = jnp.concatenate([src, jnp.zeros((pad,), jnp.int32)])
    dst_p = jnp.concatenate([dst, jnp.full((pad,), N, jnp.int32)])
    srcs2 = src_p.reshape(NCHUNKS, CH)
    dsts2 = dst_p.reshape(NCHUNKS, CH)
    srcsP = src_p.reshape(E_PAD // CHP, CHP)
    dstsP = dst_p.reshape(E_PAD // CHP, CHP)
    nf_p = jnp.concatenate([nf, jnp.zeros((N_ACC - N, DIN), _f32)], axis=0)

    Wm1xT = Wm1[:, :DIN].T
    Wm1eT = Wm1[:, DIN:].T
    Wm2xT = Wm2[:, :DHID].T
    Wm2eT = Wm2[:, DHID:].T
    Wa1xT = Wa1[:, :DIN].T
    Wa1hT = Wa1[:, DIN:].T
    Wa2xT = Wa2[:, :DHID].T
    Wa2hT = Wa2[:, DHID:].T
    WpuT = jnp.zeros((DOUT, 16), _f32).at[:, :NCLS].set(Wp[:, :DOUT].T)
    WpvT = jnp.zeros((DOUT, 16), _f32).at[:, :NCLS].set(Wp[:, DOUT:].T)
    bp16 = jnp.zeros((1, 16), _f32).at[0, :NCLS].set(bp)
    bm1r = bm1[None, :]
    bm2r = bm2[None, :]
    ba1r = ba1[None, :]
    ba2r = ba2[None, :]

    z128 = jnp.zeros((N_ACC, 128), _f32)
    z16 = jnp.zeros((N_ACC, 16), _f32)

    nfw1 = pl.pallas_call(
        _nfw_tc,
        grid=(N_ACC // _NBLK,),
        in_specs=[_row_spec(_NBLK, 128), _full_spec(128, 128)],
        out_specs=_row_spec(_NBLK, 128),
        out_shape=jax.ShapeDtypeStruct((N_ACC, 128), _f32),
    )(nf_p, Wm1xT)

    efw1, efw2 = pl.pallas_call(
        _efw_tc,
        grid=(E // _EBLK,),
        in_specs=[_row_spec(_EBLK, EDIM), _full_spec(EDIM, 128),
                  _full_spec(1, 128), _full_spec(EDIM, 128),
                  _full_spec(1, 128)],
        out_specs=[_row_spec(_EBLK, 128), _row_spec(_EBLK, 128)],
        out_shape=[jax.ShapeDtypeStruct((E_PAD, 128), _f32),
                   jax.ShapeDtypeStruct((E_PAD, 128), _f32)],
    )(ef, Wm1eT, bm1r, Wm2eT, bm2r)

    c1p = _cnt_sc(dsts2, z16)

    s1p = _sage_sc(nfw1, efw1, srcs2, dsts2, z128)

    h1, nfw2, inv16 = pl.pallas_call(
        _mid_tc,
        grid=(N_ACC // _NBLK,),
        in_specs=[_row_spec(_NBLK, 128), _pair_spec(_NBLK, 128),
                  _pair_spec(_NBLK, 16), _full_spec(128, 128),
                  _full_spec(128, 128), _full_spec(1, 128),
                  _full_spec(128, 128)],
        out_specs=[_row_spec(_NBLK, 128), _row_spec(_NBLK, 128),
                   _row_spec(_NBLK, 16)],
        out_shape=[jax.ShapeDtypeStruct((N_ACC, 128), _f32),
                   jax.ShapeDtypeStruct((N_ACC, 128), _f32),
                   jax.ShapeDtypeStruct((N_ACC, 16), _f32)],
    )(nf_p, s1p, c1p, Wa1xT, Wa1hT, ba1r, Wm2xT)

    s2p = _sage_sc(nfw2, efw2, srcs2, dsts2, z128)

    pu, pv = pl.pallas_call(
        _fin_tc,
        grid=(N_ACC // _NBLK,),
        in_specs=[_row_spec(_NBLK, 128), _pair_spec(_NBLK, 128),
                  _row_spec(_NBLK, 16),
                  _full_spec(128, 128), _full_spec(128, 128),
                  _full_spec(1, 128), _full_spec(128, 16),
                  _full_spec(128, 16), _full_spec(1, 16)],
        out_specs=[_row_spec(_NBLK, 16), _row_spec(_NBLK, 16)],
        out_shape=[jax.ShapeDtypeStruct((N_ACC, 16), _f32),
                   jax.ShapeDtypeStruct((N_ACC, 16), _f32)],
    )(h1, s2p, inv16, Wa2xT, Wa2hT, ba2r, WpuT, WpvT, bp16)

    score16 = _pred_sc(pu, pv, srcsP, dstsP)
    return score16[:E, :NCLS]

# --- scband reference (transcript-rebuilt; emitter-appended) ---
"""Pipeline reference for scband-model-55594056680038 (READ-ONLY COPY).

The authoritative reference and input builder live on the scoring server;
editing this copy changes nothing except your own understanding.
"""

import jax, jax.numpy as jnp
import numpy as np

N = 10000
E = 320000
DIN = 128
DHID = 128
DOUT = 128
EDIM = 16
NCLS = 10


def setup_inputs(seed=0) -> dict:
    key = jax.random.key(seed)
    ks = jax.random.split(key, 14)
    inp = {}
    inp["nfeats"] = jax.random.normal(ks[0], (N, 1, DIN), dtype=jnp.float32)
    inp["efeats"] = jax.random.normal(ks[1], (E, 1, EDIM), dtype=jnp.float32)
    inp["edge_index"] = jax.random.randint(ks[2], (2, E), 0, N, dtype=jnp.int32)
    # SAGE layer 1 (ndim_in -> 128 hidden)
    inp["Wm1"] = jax.random.normal(ks[3], (DHID, DIN + EDIM), dtype=jnp.float32) * 0.05
    inp["bm1"] = jnp.zeros((DHID,), dtype=jnp.float32)
    inp["Wa1"] = jax.random.normal(ks[4], (DHID, DIN + DHID), dtype=jnp.float32) * 0.05
    inp["ba1"] = jnp.zeros((DHID,), dtype=jnp.float32)
    # SAGE layer 2 (128 hidden -> ndim_out)
    inp["Wm2"] = jax.random.normal(ks[5], (DOUT, DHID + EDIM), dtype=jnp.float32) * 0.05
    inp["bm2"] = jnp.zeros((DOUT,), dtype=jnp.float32)
    inp["Wa2"] = jax.random.normal(ks[6], (DOUT, DHID + DOUT), dtype=jnp.float32) * 0.05
    inp["ba2"] = jnp.zeros((DOUT,), dtype=jnp.float32)
    # MLP edge predictor (cat(h_u, h_v) -> 10 classes)
    inp["Wp"] = jax.random.normal(ks[7], (NCLS, 2 * DOUT), dtype=jnp.float32) * 0.05
    inp["bp"] = jnp.zeros((NCLS,), dtype=jnp.float32)
    return inp


def _sage_layer(nf, ef, src, dst, Wm, bm, Wa, ba):
    # nf: [N, 1, din], ef: [E, 1, edim]
    src_h = jnp.take(nf, src, axis=0)                     # [E, 1, din] gather
    m_in = jnp.concatenate([src_h, ef], axis=2)           # [E, 1, din+edim]
    m = jax.nn.relu(m_in @ Wm.T + bm)                     # message: relu(W_msg(...))
    s = jax.ops.segment_sum(m, dst, num_segments=N)       # scatter-add over dst
    cnt = jax.ops.segment_sum(jnp.ones((src.shape[0],), jnp.float32), dst, num_segments=N)
    h_neigh = s / jnp.maximum(cnt, 1.0)[:, None, None]    # mean aggregation
    h = jax.nn.relu(jnp.concatenate([nf, h_neigh], axis=2) @ Wa.T + ba)
    return h


def reference(nfeats, efeats, edge_index, Wm1, bm1, Wa1, ba1, Wm2, bm2, Wa2, ba2, Wp, bp):
    src = edge_index[0]
    dst = edge_index[1]
    # SAGE (dropout is identity in eval mode)
    h = _sage_layer(nfeats, efeats, src, dst, Wm1, bm1, Wa1, ba1)
    h = _sage_layer(h, efeats, src, dst, Wm2, bm2, Wa2, ba2)
    h = h.sum(axis=1)                                     # [N, DOUT]
    # MLPPredictor: per-edge score from cat(h_src, h_dst)
    h_u = jnp.take(h, src, axis=0)
    h_v = jnp.take(h, dst, axis=0)
    score = jnp.concatenate([h_u, h_v], axis=1) @ Wp.T + bp  # [E, NCLS]
    return score


if False:  # reference __main__ guard neutralized (emitter)
    out = reference(**setup_inputs())
    print(out.shape)

if __name__ == "__main__":
    import jax
    _d = setup_inputs()
    print(jax.jit(kernel)(*tuple(_d.values())))

</pallas_src>

<mosaic_0001>
#map = affine_map<(d0, d1) -> (0, 0)>
#map1 = affine_map<(d0, d1) -> (0, 0, 0)>
module attributes {stable_mosaic.version = 14 : i64} {
  func.func @_cnt_sc_body(%arg0: i32, %arg1: i32, %arg2: memref<5120x64xi32, #tpu.memory_space<hbm>>, %arg3: memref<10112x16xf32, #tpu.memory_space<hbm>>, %arg4: memref<2x10112x16xf32, #tpu.memory_space<hbm>>, %arg5: memref<160x64xi32, #tpu.memory_space<vmem>>, %arg6: memref<64x16xf32, #tpu.memory_space<vmem>>, %arg7: memref<10112x16xf32, #tpu.memory_space<vmem_shared>>) attributes {dimension_semantics = [#tpu.dimension_semantics<core_parallel>, #tpu.dimension_semantics<subcore_parallel>], iteration_bounds = array<i64: 2, 16>, scalar_prefetch = 0 : i64, scratch_operands = 3 : i64, tpu.core_type = #tpu.core_type<sc_vector_subcore>, window_params = [{transform_indices = #map}, {transform_indices = #map}, {transform_indices = #map1}]} {
    %mul3A = arith.constant 2 : i32
    %mul3A_0 = arith.muli %arg1, %mul3A : i32
    %add3A = arith.addi %mul3A_0, %arg0 : i32
    %mul3A_1 = arith.constant 632 : i32
    %mul3A_2 = arith.muli %arg1, %mul3A_1 : i32
    "tpu.region"() ({
      %run_scoped3A = tpu.sem_alloc : memref<!tpu.dma_semaphore, #tpu.memory_space<semaphore_mem>>
      %dma_start3A = arith.constant 0 : i32
      %dma_start3A_17 = tpu.memref_slice %arg7[%mul3A_2, %dma_start3A] : memref<10112x16xf32, #tpu.memory_space<vmem_shared>> -> memref<632x16xf32, #tpu.memory_space<vmem_shared>>
      %dma_start3A_18 = arith.constant 0 : i32
      %dma_start3A_19 = tpu.memref_slice %arg3[%mul3A_2, %dma_start3A_18] : memref<10112x16xf32, #tpu.memory_space<hbm>> -> memref<632x16xf32, #tpu.memory_space<hbm>>
      tpu.enqueue_dma source(%dma_start3A_19 : memref<632x16xf32, #tpu.memory_space<hbm>>) target(%dma_start3A_17 : memref<632x16xf32, #tpu.memory_space<vmem_shared>>) target_semaphore(%run_scoped3A : memref<!tpu.dma_semaphore, #tpu.memory_space<semaphore_mem>>)
      %dma_wait3A = arith.constant 0 : i32
      %dma_wait3A_20 = tpu.memref_slice %arg7[%mul3A_2, %dma_wait3A] : memref<10112x16xf32, #tpu.memory_space<vmem_shared>> -> memref<632x16xf32, #tpu.memory_space<vmem_shared>>
      %dma_wait3A_21 = arith.constant 0 : i32
      %dma_wait3A_22 = tpu.memref_slice %arg3[%mul3A_2, %dma_wait3A_21] : memref<10112x16xf32, #tpu.memory_space<hbm>> -> memref<632x16xf32, #tpu.memory_space<hbm>>
      tpu.wait_dma2 semaphore(%run_scoped3A : memref<!tpu.dma_semaphore, #tpu.memory_space<semaphore_mem>>) src(%dma_wait3A_22 : memref<632x16xf32, #tpu.memory_space<hbm>>) dst(%dma_wait3A_20 : memref<632x16xf32, #tpu.memory_space<vmem_shared>>)
      tpu.yield
    }) : () -> ()
    %scan3A = arith.constant 0 : i32
    %scan3A_3 = arith.constant 0 : i32
    %scan3A_4 = arith.constant 64 : i32
    %scan3A_5 = arith.addi %scan3A_3, %scan3A_4 : i32
    %scan3A_6 = arith.constant 1 : i32
    scf.for %scan3A_17 = %scan3A_3 to %scan3A_5 step %scan3A_6  : i32 {
      %broadcast_in_dim3A = arith.constant 1.000000e+00 : f32
      %broadcast_in_dim3A_18 = vector.broadcast %broadcast_in_dim3A : f32 to vector<16xf32>
      %swap3A = arith.index_cast %scan3A_17 : i32 to index
      %swap3A_19 = arith.constant 0 : index
      %swap3A_20 = tpu.vector_load %arg6[%swap3A, %swap3A_19] {strides = array<i32>} : memref<64x16xf32, #tpu.memory_space<vmem>>, vector<1x16xf32>,
      %swap3A_21 = vector.shape_cast %swap3A_20 : vector<1x16xf32> to vector<16xf32>
      %swap3A_22 = vector.shape_cast %broadcast_in_dim3A_18 : vector<16xf32> to vector<1x16xf32>
      tpu.vector_store %arg6[%swap3A, %swap3A_19], %swap3A_22 {strides = array<i32>} : memref<64x16xf32, #tpu.memory_space<vmem>>, vector<1x16xf32>,
    }
    %scan3A_7 = arith.constant 64 : i32
    %mul3A_8 = arith.constant 160 : i32
    %mul3A_9 = arith.muli %add3A, %mul3A_8 : i32
    "tpu.region"() ({
      %run_scoped3A = tpu.sem_alloc : memref<!tpu.dma_semaphore, #tpu.memory_space<semaphore_mem>>
      %dma_start3A = arith.constant 0 : i32
      %dma_start3A_17 = tpu.memref_slice %arg2[%mul3A_9, %dma_start3A] : memref<5120x64xi32, #tpu.memory_space<hbm>> -> memref<160x64xi32, #tpu.memory_space<hbm>>
      %dma_start3A_18 = arith.constant 0 : i32
      %dma_start3A_19 = tpu.memref_slice %arg2[%mul3A_9, %dma_start3A_18] : memref<5120x64xi32, #tpu.memory_space<hbm>> -> memref<160x64xi32, #tpu.memory_space<hbm>>
      tpu.enqueue_dma source(%dma_start3A_19 : memref<160x64xi32, #tpu.memory_space<hbm>>) target(%arg5 : memref<160x64xi32, #tpu.memory_space<vmem>>) target_semaphore(%run_scoped3A : memref<!tpu.dma_semaphore, #tpu.memory_space<semaphore_mem>>)
      %dma_wait3A = arith.constant 0 : i32
      %dma_wait3A_20 = tpu.memref_slice %arg2[%mul3A_9, %dma_wait3A] : memref<5120x64xi32, #tpu.memory_space<hbm>> -> memref<160x64xi32, #tpu.memory_space<hbm>>
      %dma_wait3A_21 = arith.constant 0 : i32
      %dma_wait3A_22 = tpu.memref_slice %arg2[%mul3A_9, %dma_wait3A_21] : memref<5120x64xi32, #tpu.memory_space<hbm>> -> memref<160x64xi32, #tpu.memory_space<hbm>>
      tpu.wait_dma2 semaphore(%run_scoped3A : memref<!tpu.dma_semaphore, #tpu.memory_space<semaphore_mem>>) src(%dma_wait3A_22 : memref<160x64xi32, #tpu.memory_space<hbm>>) dst(%arg5 : memref<160x64xi32, #tpu.memory_space<vmem>>)
      tpu.yield
    }) : () -> ()
    %barrier3A = arith.constant 0 : index
    tpu.barrier barrier_id(%barrier3A)
    %scan3A_10 = arith.constant 0 : i32
    %scan3A_11 = arith.constant 0 : i32
    %scan3A_12 = arith.constant 160 : i32
    %scan3A_13 = arith.addi %scan3A_11, %scan3A_12 : i32
    %scan3A_14 = arith.constant 1 : i32
    scf.for %scan3A_17 = %scan3A_11 to %scan3A_13 step %scan3A_14  : i32 {
      "tpu.region"() ({
        %run_scoped3A = tpu.sem_alloc : memref<!tpu.dma_semaphore, #tpu.memory_space<semaphore_mem>>
        %dma_start3A = arith.constant 0 : i32
        %dma_start3A_18 = tpu.memref_slice %arg5[%scan3A_17, %dma_start3A] : memref<160x64xi32, #tpu.memory_space<vmem>> -> memref<1x64xi32, #tpu.memory_space<vmem>>
        %dma_start3A_19 = tpu.memref_squeeze %dma_start3A_18 : memref<1x64xi32, #tpu.memory_space<vmem>> -> memref<64xi32, #tpu.memory_space<vmem>>
        %dma_start3A_20 = arith.constant 0 : i32
        %dma_start3A_21 = arith.constant 0 : i32
        %dma_start3A_22 = tpu.memref_slice %arg7[%dma_start3A_20, %dma_start3A_21] : memref<10112x16xf32, #tpu.memory_space<vmem_shared>> -> memref<10112x16xf32, #tpu.memory_space<vmem_shared>>
        tpu.enqueue_indirect_dma source(%arg6 : memref<64x16xf32, #tpu.memory_space<vmem>>) target(%dma_start3A_22 : memref<10112x16xf32, #tpu.memory_space<vmem_shared>>) offsets(%dma_start3A_19 : memref<64xi32, #tpu.memory_space<vmem>>) semaphore(%run_scoped3A : memref<!tpu.dma_semaphore, #tpu.memory_space<semaphore_mem>>) {add = true}
        %dma_wait3A = arith.constant 0 : i32
        %dma_wait3A_23 = tpu.memref_slice %arg5[%scan3A_17, %dma_wait3A] : memref<160x64xi32, #tpu.memory_space<vmem>> -> memref<1x64xi32, #tpu.memory_space<vmem>>
        %dma_wait3A_24 = tpu.memref_squeeze %dma_wait3A_23 : memref<1x64xi32, #tpu.memory_space<vmem>> -> memref<64xi32, #tpu.memory_space<vmem>>
        %dma_wait3A_25 = arith.constant 0 : i32
        %dma_wait3A_26 = arith.constant 0 : i32
        %dma_wait3A_27 = tpu.memref_slice %arg7[%dma_wait3A_25, %dma_wait3A_26] : memref<10112x16xf32, #tpu.memory_space<vmem_shared>> -> memref<10112x16xf32, #tpu.memory_space<vmem_shared>>
        tpu.wait_indirect_dma semaphore(%run_scoped3A : memref<!tpu.dma_semaphore, #tpu.memory_space<semaphore_mem>>) src(%arg6 : memref<64x16xf32, #tpu.memory_space<vmem>>) dst(%dma_wait3A_27 : memref<10112x16xf32, #tpu.memory_space<vmem_shared>>)
        tpu.yield
      }) : () -> ()
    }
    %scan3A_15 = arith.constant 160 : i32
    %barrier3A_16 = arith.constant 0 : index
    tpu.barrier barrier_id(%barrier3A_16)
    "tpu.region"() ({
      %run_scoped3A = tpu.sem_alloc : memref<!tpu.dma_semaphore, #tpu.memory_space<semaphore_mem>>
      %dma_start3A = arith.constant 0 : i32
      %dma_start3A_17 = tpu.memref_slice %arg4[%arg0, %mul3A_2, %dma_start3A] : memref<2x10112x16xf32, #tpu.memory_space<hbm>> -> memref<1x632x16xf32, #tpu.memory_space<hbm>>
      %dma_start3A_18 = tpu.memref_squeeze %dma_start3A_17 : memref<1x632x16xf32, #tpu.memory_space<hbm>> -> memref<632x16xf32, #tpu.memory_space<hbm>>
      %dma_start3A_19 = arith.constant 0 : i32
      %dma_start3A_20 = tpu.memref_slice %arg7[%mul3A_2, %dma_start3A_19] : memref<10112x16xf32, #tpu.memory_space<vmem_shared>> -> memref<632x16xf32, #tpu.memory_space<vmem_shared>>
      tpu.enqueue_dma source(%dma_start3A_20 : memref<632x16xf32, #tpu.memory_space<vmem_shared>>) target(%dma_start3A_18 : memref<632x16xf32, #tpu.memory_space<hbm>>) target_semaphore(%run_scoped3A : memref<!tpu.dma_semaphore, #tpu.memory_space<semaphore_mem>>)
      %dma_wait3A = arith.constant 0 : i32
      %dma_wait3A_21 = tpu.memref_slice %arg4[%arg0, %mul3A_2, %dma_wait3A] : memref<2x10112x16xf32, #tpu.memory_space<hbm>> -> memref<1x632x16xf32, #tpu.memory_space<hbm>>
      %dma_wait3A_22 = tpu.memref_squeeze %dma_wait3A_21 : memref<1x632x16xf32, #tpu.memory_space<hbm>> -> memref<632x16xf32, #tpu.memory_space<hbm>>
      %dma_wait3A_23 = arith.constant 0 : i32
      %dma_wait3A_24 = tpu.memref_slice %arg7[%mul3A_2, %dma_wait3A_23] : memref<10112x16xf32, #tpu.memory_space<vmem_shared>> -> memref<632x16xf32, #tpu.memory_space<vmem_shared>>
      tpu.wait_dma2 semaphore(%run_scoped3A : memref<!tpu.dma_semaphore, #tpu.memory_space<semaphore_mem>>) src(%dma_wait3A_24 : memref<632x16xf32, #tpu.memory_space<vmem_shared>>) dst(%dma_wait3A_22 : memref<632x16xf32, #tpu.memory_space<hbm>>)
      tpu.yield
    }) : () -> ()
    return
  }
}

#map = affine_map<(d0, d1) -> (0, 0)>
#map1 = affine_map<(d0, d1) -> (0, 0, 0)>
module attributes {stable_mosaic.version = 14 : i64} {
  func.func @_sage_sc_body(%arg0: i32, %arg1: i32, %arg2: memref<10112x128xf32, #tpu.memory_space<hbm>>, %arg3: memref<327680x128xf32, #tpu.memory_space<hbm>>, %arg4: memref<5120x64xi32, #tpu.memory_space<hbm>>, %arg5: memref<5120x64xi32, #tpu.memory_space<hbm>>, %arg6: memref<10112x128xf32, #tpu.memory_space<hbm>>, %arg7: memref<2x10112x128xf32, #tpu.memory_space<hbm>>, %arg8: memref<32x64xi32, #tpu.memory_space<vmem>>, %arg9: memref<32x64xi32, #tpu.memory_space<vmem>>, %arg10: memref<64x128xf32, #tpu.memory_space<vmem>>, %arg11: memref<64x128xf32, #tpu.memory_space<vmem>>, %arg12: memref<64x128xf32, #tpu.memory_space<vmem>>, %arg13: memref<64x128xf32, #tpu.memory_space<vmem>>, %arg14: memref<10112x128xf32, #tpu.memory_space<vmem_shared>>, %arg15: memref<!tpu.dma_semaphore, #tpu.memory_space<semaphore_mem>>, %arg16: memref<!tpu.dma_semaphore, #tpu.memory_space<semaphore_mem>>) attributes {dimension_semantics = [#tpu.dimension_semantics<core_parallel>, #tpu.dimension_semantics<subcore_parallel>], iteration_bounds = array<i64: 2, 16>, scalar_prefetch = 0 : i64, scratch_operands = 9 : i64, tpu.core_type = #tpu.core_type<sc_vector_subcore>, window_params = [{transform_indices = #map}, {transform_indices = #map}, {transform_indices = #map}, {transform_indices = #map}, {transform_indices = #map}, {transform_indices = #map1}]} {
    %mul3A = arith.constant 2 : i32
    %mul3A_0 = arith.muli %arg1, %mul3A : i32
    %add3A = arith.addi %mul3A_0, %arg0 : i32
    %mul3A_1 = arith.constant 632 : i32
    %mul3A_2 = arith.muli %arg1, %mul3A_1 : i32
    "tpu.region"() ({
      %run_scoped3A = tpu.sem_alloc : memref<!tpu.dma_semaphore, #tpu.memory_space<semaphore_mem>>
      %dma_start3A = arith.constant 0 : i32
      %dma_start3A_9 = tpu.memref_slice %arg14[%mul3A_2, %dma_start3A] : memref<10112x128xf32, #tpu.memory_space<vmem_shared>> -> memref<632x128xf32, #tpu.memory_space<vmem_shared>>
      %dma_start3A_10 = arith.constant 0 : i32
      %dma_start3A_11 = tpu.memref_slice %arg6[%mul3A_2, %dma_start3A_10] : memref<10112x128xf32, #tpu.memory_space<hbm>> -> memref<632x128xf32, #tpu.memory_space<hbm>>
      tpu.enqueue_dma source(%dma_start3A_11 : memref<632x128xf32, #tpu.memory_space<hbm>>) target(%dma_start3A_9 : memref<632x128xf32, #tpu.memory_space<vmem_shared>>) target_semaphore(%run_scoped3A : memref<!tpu.dma_semaphore, #tpu.memory_space<semaphore_mem>>)
      %dma_wait3A = arith.constant 0 : i32
      %dma_wait3A_12 = tpu.memref_slice %arg14[%mul3A_2, %dma_wait3A] : memref<10112x128xf32, #tpu.memory_space<vmem_shared>> -> memref<632x128xf32, #tpu.memory_space<vmem_shared>>
      %dma_wait3A_13 = arith.constant 0 : i32
      %dma_wait3A_14 = tpu.memref_slice %arg6[%mul3A_2, %dma_wait3A_13] : memref<10112x128xf32, #tpu.memory_space<hbm>> -> memref<632x128xf32, #tpu.memory_space<hbm>>
      tpu.wait_dma2 semaphore(%run_scoped3A : memref<!tpu.dma_semaphore, #tpu.memory_space<semaphore_mem>>) src(%dma_wait3A_14 : memref<632x128xf32, #tpu.memory_space<hbm>>) dst(%dma_wait3A_12 : memref<632x128xf32, #tpu.memory_space<vmem_shared>>)
      tpu.yield
    }) : () -> ()
    %barrier3A = arith.constant 0 : index
    tpu.barrier barrier_id(%barrier3A)
    %scan3A = arith.constant 0 : i32
    %scan3A_3 = arith.constant 0 : i32
    %scan3A_4 = arith.constant 5 : i32
    %scan3A_5 = arith.addi %scan3A_3, %scan3A_4 : i32
    %scan3A_6 = arith.constant 1 : i32
    scf.for %scan3A_9 = %scan3A_3 to %scan3A_5 step %scan3A_6  : i32 {
      %mul3A_10 = arith.constant 160 : i32
      %mul3A_11 = arith.muli %add3A, %mul3A_10 : i32
      %mul3A_12 = arith.constant 32 : i32
      %mul3A_13 = arith.muli %scan3A_9, %mul3A_12 : i32
      %add3A_14 = arith.addi %mul3A_11, %mul3A_13 : i32
      "tpu.region"() ({
        %run_scoped3A = tpu.sem_alloc : memref<!tpu.dma_semaphore, #tpu.memory_space<semaphore_mem>>
        %dma_start3A_35 = arith.constant 0 : i32
        %dma_start3A_36 = tpu.memref_slice %arg4[%add3A_14, %dma_start3A_35] : memref<5120x64xi32, #tpu.memory_space<hbm>> -> memref<32x64xi32, #tpu.memory_space<hbm>>
        %dma_start3A_37 = arith.constant 0 : i32
        %dma_start3A_38 = tpu.memref_slice %arg4[%add3A_14, %dma_start3A_37] : memref<5120x64xi32, #tpu.memory_space<hbm>> -> memref<32x64xi32, #tpu.memory_space<hbm>>
        tpu.enqueue_dma source(%dma_start3A_38 : memref<32x64xi32, #tpu.memory_space<hbm>>) target(%arg8 : memref<32x64xi32, #tpu.memory_space<vmem>>) target_semaphore(%run_scoped3A : memref<!tpu.dma_semaphore, #tpu.memory_space<semaphore_mem>>)
        %dma_wait3A = arith.constant 0 : i32
        %dma_wait3A_39 = tpu.memref_slice %arg4[%add3A_14, %dma_wait3A] : memref<5120x64xi32, #tpu.memory_space<hbm>> -> memref<32x64xi32, #tpu.memory_space<hbm>>
        %dma_wait3A_40 = arith.constant 0 : i32
        %dma_wait3A_41 = tpu.memref_slice %arg4[%add3A_14, %dma_wait3A_40] : memref<5120x64xi32, #tpu.memory_space<hbm>> -> memref<32x64xi32, #tpu.memory_space<hbm>>
        tpu.wait_dma2 semaphore(%run_scoped3A : memref<!tpu.dma_semaphore, #tpu.memory_space<semaphore_mem>>) src(%dma_wait3A_41 : memref<32x64xi32, #tpu.memory_space<hbm>>) dst(%arg8 : memref<32x64xi32, #tpu.memory_space<vmem>>)
        tpu.yield
      }) : () -> ()
      "tpu.region"() ({
        %run_scoped3A = tpu.sem_alloc : memref<!tpu.dma_semaphore, #tpu.memory_space<semaphore_mem>>
        %dma_start3A_35 = arith.constant 0 : i32
        %dma_start3A_36 = tpu.memref_slice %arg5[%add3A_14, %dma_start3A_35] : memref<5120x64xi32, #tpu.memory_space<hbm>> -> memref<32x64xi32, #tpu.memory_space<hbm>>
        %dma_start3A_37 = arith.constant 0 : i32
        %dma_start3A_38 = tpu.memref_slice %arg5[%add3A_14, %dma_start3A_37] : memref<5120x64xi32, #tpu.memory_space<hbm>> -> memref<32x64xi32, #tpu.memory_space<hbm>>
        tpu.enqueue_dma source(%dma_start3A_38 : memref<32x64xi32, #tpu.memory_space<hbm>>) target(%arg9 : memref<32x64xi32, #tpu.memory_space<vmem>>) target_semaphore(%run_scoped3A : memref<!tpu.dma_semaphore, #tpu.memory_space<semaphore_mem>>)
        %dma_wait3A = arith.constant 0 : i32
        %dma_wait3A_39 = tpu.memref_slice %arg5[%add3A_14, %dma_wait3A] : memref<5120x64xi32, #tpu.memory_space<hbm>> -> memref<32x64xi32, #tpu.memory_space<hbm>>
        %dma_wait3A_40 = arith.constant 0 : i32
        %dma_wait3A_41 = tpu.memref_slice %arg5[%add3A_14, %dma_wait3A_40] : memref<5120x64xi32, #tpu.memory_space<hbm>> -> memref<32x64xi32, #tpu.memory_space<hbm>>
        tpu.wait_dma2 semaphore(%run_scoped3A : memref<!tpu.dma_semaphore, #tpu.memory_space<semaphore_mem>>) src(%dma_wait3A_41 : memref<32x64xi32, #tpu.memory_space<hbm>>) dst(%arg9 : memref<32x64xi32, #tpu.memory_space<vmem>>)
        tpu.yield
      }) : () -> ()
      %add3A_15 = arith.constant 0 : i32
      %add3A_16 = arith.addi %add3A_14, %add3A_15 : i32
      %mul3A_17 = arith.constant 64 : i32
      %mul3A_18 = arith.muli %add3A_16, %mul3A_17 : i32
      %dma_start3A = arith.constant 0 : i32
      %dma_start3A_19 = tpu.memref_slice %arg3[%mul3A_18, %dma_start3A] : memref<327680x128xf32, #tpu.memory_space<hbm>> -> memref<64x128xf32, #tpu.memory_space<hbm>>
      %dma_start3A_20 = arith.constant 0 : i32
      %dma_start3A_21 = tpu.memref_slice %arg3[%mul3A_18, %dma_start3A_20] : memref<327680x128xf32, #tpu.memory_space<hbm>> -> memref<64x128xf32, #tpu.memory_space<hbm>>
      tpu.enqueue_dma source(%dma_start3A_21 : memref<64x128xf32, #tpu.memory_space<hbm>>) target(%arg11 : memref<64x128xf32, #tpu.memory_space<vmem>>) target_semaphore(%arg15 : memref<!tpu.dma_semaphore, #tpu.memory_space<semaphore_mem>>)
      %dma_start3A_22 = arith.constant 0 : i32
      %dma_start3A_23 = arith.constant 0 : i32
      %dma_start3A_24 = tpu.memref_slice %arg8[%dma_start3A_22, %dma_start3A_23] : memref<32x64xi32, #tpu.memory_space<vmem>> -> memref<1x64xi32, #tpu.memory_space<vmem>>
      %dma_start3A_25 = tpu.memref_squeeze %dma_start3A_24 : memref<1x64xi32, #tpu.memory_space<vmem>> -> memref<64xi32, #tpu.memory_space<vmem>>
      %dma_start3A_26 = arith.constant 0 : i32
      %dma_start3A_27 = arith.constant 0 : i32
      %dma_start3A_28 = tpu.memref_slice %arg2[%dma_start3A_26, %dma_start3A_27] : memref<10112x128xf32, #tpu.memory_space<hbm>> -> memref<10112x128xf32, #tpu.memory_space<hbm>>
      tpu.enqueue_indirect_dma source(%dma_start3A_28 : memref<10112x128xf32, #tpu.memory_space<hbm>>) target(%arg10 : memref<64x128xf32, #tpu.memory_space<vmem>>) offsets(%dma_start3A_25 : memref<64xi32, #tpu.memory_space<vmem>>) semaphore(%arg15 : memref<!tpu.dma_semaphore, #tpu.memory_space<semaphore_mem>>)
      %scan3A_29 = arith.constant 0 : i32
      %scan3A_30 = arith.constant 0 : i32
      %scan3A_31 = arith.constant 16 : i32
      %scan3A_32 = arith.addi %scan3A_30, %scan3A_31 : i32
      %scan3A_33 = arith.constant 1 : i32
      scf.for %scan3A_35 = %scan3A_30 to %scan3A_32 step %scan3A_33  : i32 {
        %mul3A_36 = arith.constant 2 : i32
        %mul3A_37 = arith.muli %mul3A_36, %scan3A_35 : i32
        %mul3A_38 = arith.constant 2 : i32
        %mul3A_39 = arith.muli %mul3A_38, %scan3A_35 : i32
        %add3A_40 = arith.constant 1 : i32
        %add3A_41 = arith.addi %mul3A_39, %add3A_40 : i32
        %add3A_42 = arith.addi %add3A_14, %add3A_41 : i32
        %mul3A_43 = arith.constant 64 : i32
        %mul3A_44 = arith.muli %add3A_42, %mul3A_43 : i32
        %dma_start3A_45 = arith.constant 0 : i32
        %dma_start3A_46 = tpu.memref_slice %arg3[%mul3A_44, %dma_start3A_45] : memref<327680x128xf32, #tpu.memory_space<hbm>> -> memref<64x128xf32, #tpu.memory_space<hbm>>
        %dma_start3A_47 = arith.constant 0 : i32
        %dma_start3A_48 = tpu.memref_slice %arg3[%mul3A_44, %dma_start3A_47] : memref<327680x128xf32, #tpu.memory_space<hbm>> -> memref<64x128xf32, #tpu.memory_space<hbm>>
        tpu.enqueue_dma source(%dma_start3A_48 : memref<64x128xf32, #tpu.memory_space<hbm>>) target(%arg13 : memref<64x128xf32, #tpu.memory_space<vmem>>) target_semaphore(%arg16 : memref<!tpu.dma_semaphore, #tpu.memory_space<semaphore_mem>>)
        %dma_start3A_49 = arith.constant 0 : i32
        %dma_start3A_50 = tpu.memref_slice %arg8[%add3A_41, %dma_start3A_49] : memref<32x64xi32, #tpu.memory_space<vmem>> -> memref<1x64xi32, #tpu.memory_space<vmem>>
        %dma_start3A_51 = tpu.memref_squeeze %dma_start3A_50 : memref<1x64xi32, #tpu.memory_space<vmem>> -> memref<64xi32, #tpu.memory_space<vmem>>
        %dma_start3A_52 = arith.constant 0 : i32
        %dma_start3A_53 = arith.constant 0 : i32
        %dma_start3A_54 = tpu.memref_slice %arg2[%dma_start3A_52, %dma_start3A_53] : memref<10112x128xf32, #tpu.memory_space<hbm>> -> memref<10112x128xf32, #tpu.memory_space<hbm>>
        tpu.enqueue_indirect_dma source(%dma_start3A_54 : memref<10112x128xf32, #tpu.memory_space<hbm>>) target(%arg12 : memref<64x128xf32, #tpu.memory_space<vmem>>) offsets(%dma_start3A_51 : memref<64xi32, #tpu.memory_space<vmem>>) semaphore(%arg16 : memref<!tpu.dma_semaphore, #tpu.memory_space<semaphore_mem>>)
        %add3A_55 = arith.addi %add3A_14, %mul3A_37 : i32
        %mul3A_56 = arith.constant 64 : i32
        %mul3A_57 = arith.muli %add3A_55, %mul3A_56 : i32
        %dma_wait3A = arith.constant 0 : i32
        %dma_wait3A_58 = tpu.memref_slice %arg3[%mul3A_57, %dma_wait3A] : memref<327680x128xf32, #tpu.memory_space<hbm>> -> memref<64x128xf32, #tpu.memory_space<hbm>>
        %dma_wait3A_59 = arith.constant 0 : i32
        %dma_wait3A_60 = tpu.memref_slice %arg3[%mul3A_57, %dma_wait3A_59] : memref<327680x128xf32, #tpu.memory_space<hbm>> -> memref<64x128xf32, #tpu.memory_space<hbm>>
        tpu.wait_dma2 semaphore(%arg15 : memref<!tpu.dma_semaphore, #tpu.memory_space<semaphore_mem>>) src(%dma_wait3A_60 : memref<64x128xf32, #tpu.memory_space<hbm>>) dst(%arg11 : memref<64x128xf32, #tpu.memory_space<vmem>>)
        %dma_wait3A_61 = arith.constant 0 : i32
        %dma_wait3A_62 = tpu.memref_slice %arg8[%mul3A_37, %dma_wait3A_61] : memref<32x64xi32, #tpu.memory_space<vmem>> -> memref<1x64xi32, #tpu.memory_space<vmem>>
        %dma_wait3A_63 = tpu.memref_squeeze %dma_wait3A_62 : memref<1x64xi32, #tpu.memory_space<vmem>> -> memref<64xi32, #tpu.memory_space<vmem>>
        %dma_wait3A_64 = arith.constant 0 : i32
        %dma_wait3A_65 = arith.constant 0 : i32
        %dma_wait3A_66 = tpu.memref_slice %arg2[%dma_wait3A_64, %dma_wait3A_65] : memref<10112x128xf32, #tpu.memory_space<hbm>> -> memref<10112x128xf32, #tpu.memory_space<hbm>>
        tpu.wait_indirect_dma semaphore(%arg15 : memref<!tpu.dma_semaphore, #tpu.memory_space<semaphore_mem>>) src(%dma_wait3A_66 : memref<10112x128xf32, #tpu.memory_space<hbm>>) dst(%arg10 : memref<64x128xf32, #tpu.memory_space<vmem>>)
        %scan3A_67 = arith.constant 0 : i32
        %scan3A_68 = arith.constant 0 : i32
        %scan3A_69 = arith.constant 32 : i32
        %scan3A_70 = arith.addi %scan3A_68, %scan3A_69 : i32
        %scan3A_71 = arith.constant 1 : i32
        scf.for %scan3A_96 = %scan3A_68 to %scan3A_70 step %scan3A_71  : i32 {
          %mul3A_97 = arith.constant 2 : i32
          %mul3A_98 = arith.muli %mul3A_97, %scan3A_96 : i32
          %add3A_99 = arith.constant 0 : i32
          %add3A_100 = arith.addi %mul3A_98, %add3A_99 : i32
          %get3A = arith.index_cast %add3A_100 : i32 to index
          %get3A_101 = arith.constant 0 : index
          %get3A_102 = tpu.vector_load %arg10[%get3A, %get3A_101] {strides = array<i32>} : memref<64x128xf32, #tpu.memory_space<vmem>>, vector<1x16xf32>,
          %get3A_103 = vector.shape_cast %get3A_102 : vector<1x16xf32> to vector<16xf32>
          %mul3A_104 = arith.constant 2 : i32
          %mul3A_105 = arith.muli %mul3A_104, %scan3A_96 : i32
          %add3A_106 = arith.constant 0 : i32
          %add3A_107 = arith.addi %mul3A_105, %add3A_106 : i32
          %get3A_108 = arith.index_cast %add3A_107 : i32 to index
          %get3A_109 = arith.constant 0 : index
          %get3A_110 = tpu.vector_load %arg11[%get3A_108, %get3A_109] {strides = array<i32>} : memref<64x128xf32, #tpu.memory_space<vmem>>, vector<1x16xf32>,
          %get3A_111 = vector.shape_cast %get3A_110 : vector<1x16xf32> to vector<16xf32>
          %add3A_112 = arith.addf %get3A_103, %get3A_111 : vector<16xf32>
          %max3A = arith.constant 0.000000e+00 : f32
          %max3A_113 = vector.broadcast %max3A : f32 to vector<16xf32>
          %max3A_114 = arith.maximumf %add3A_112, %max3A_113 : vector<16xf32>
          %mul3A_115 = arith.constant 2 : i32
          %mul3A_116 = arith.muli %mul3A_115, %scan3A_96 : i32
          %add3A_117 = arith.constant 0 : i32
          %add3A_118 = arith.addi %mul3A_116, %add3A_117 : i32
          %swap3A = arith.index_cast %add3A_118 : i32 to index
          %swap3A_119 = arith.constant 0 : index
          %swap3A_120 = tpu.vector_load %arg10[%swap3A, %swap3A_119] {strides = array<i32>} : memref<64x128xf32, #tpu.memory_space<vmem>>, vector<1x16xf32>,
          %swap3A_121 = vector.shape_cast %swap3A_120 : vector<1x16xf32> to vector<16xf32>
          %swap3A_122 = vector.shape_cast %max3A_114 : vector<16xf32> to vector<1x16xf32>
          tpu.vector_store %arg10[%swap3A, %swap3A_119], %swap3A_122 {strides = array<i32>} : memref<64x128xf32, #tpu.memory_space<vmem>>, vector<1x16xf32>,
          %mul3A_123 = arith.constant 2 : i32
          %mul3A_124 = arith.muli %mul3A_123, %scan3A_96 : i32
          %add3A_125 = arith.constant 0 : i32
          %add3A_126 = arith.addi %mul3A_124, %add3A_125 : i32
          %get3A_127 = arith.index_cast %add3A_126 : i32 to index
          %get3A_128 = arith.constant 16 : index
          %get3A_129 = tpu.vector_load %arg10[%get3A_127, %get3A_128] {strides = array<i32>} : memref<64x128xf32, #tpu.memory_space<vmem>>, vector<1x16xf32>,
          %get3A_130 = vector.shape_cast %get3A_129 : vector<1x16xf32> to vector<16xf32>
          %mul3A_131 = arith.constant 2 : i32
          %mul3A_132 = arith.muli %mul3A_131, %scan3A_96 : i32
          %add3A_133 = arith.constant 0 : i32
          %add3A_134 = arith.addi %mul3A_132, %add3A_133 : i32
          %get3A_135 = arith.index_cast %add3A_134 : i32 to index
          %get3A_136 = arith.constant 16 : index
          %get3A_137 = tpu.vector_load %arg11[%get3A_135, %get3A_136] {strides = array<i32>} : memref<64x128xf32, #tpu.memory_space<vmem>>, vector<1x16xf32>,
          %get3A_138 = vector.shape_cast %get3A_137 : vector<1x16xf32> to vector<16xf32>
          %add3A_139 = arith.addf %get3A_130, %get3A_138 : vector<16xf32>
          %max3A_140 = arith.constant 0.000000e+00 : f32
          %max3A_141 = vector.broadcast %max3A_140 : f32 to vector<16xf32>
          %max3A_142 = arith.maximumf %add3A_139, %max3A_141 : vector<16xf32>
          %mul3A_143 = arith.constant 2 : i32
          %mul3A_144 = arith.muli %mul3A_143, %scan3A_96 : i32
          %add3A_145 = arith.constant 0 : i32
          %add3A_146 = arith.addi %mul3A_144, %add3A_145 : i32
          %swap3A_147 = arith.index_cast %add3A_146 : i32 to index
          %swap3A_148 = arith.constant 16 : index
          %swap3A_149 = tpu.vector_load %arg10[%swap3A_147, %swap3A_148] {strides = array<i32>} : memref<64x128xf32, #tpu.memory_space<vmem>>, vector<1x16xf32>,
          %swap3A_150 = vector.shape_cast %swap3A_149 : vector<1x16xf32> to vector<16xf32>
          %swap3A_151 = vector.shape_cast %max3A_142 : vector<16xf32> to vector<1x16xf32>
          tpu.vector_store %arg10[%swap3A_147, %swap3A_148], %swap3A_151 {strides = array<i32>} : memref<64x128xf32, #tpu.memory_space<vmem>>, vector<1x16xf32>,
          %mul3A_152 = arith.constant 2 : i32
          %mul3A_153 = arith.muli %mul3A_152, %scan3A_96 : i32
          %add3A_154 = arith.constant 0 : i32
          %add3A_155 = arith.addi %mul3A_153, %add3A_154 : i32
          %get3A_156 = arith.index_cast %add3A_155 : i32 to index
          %get3A_157 = arith.constant 32 : index
          %get3A_158 = tpu.vector_load %arg10[%get3A_156, %get3A_157] {strides = array<i32>} : memref<64x128xf32, #tpu.memory_space<vmem>>, vector<1x16xf32>,
          %get3A_159 = vector.shape_cast %get3A_158 : vector<1x16xf32> to vector<16xf32>
          %mul3A_160 = arith.constant 2 : i32
          %mul3A_161 = arith.muli %mul3A_160, %scan3A_96 : i32
          %add3A_162 = arith.constant 0 : i32
          %add3A_163 = arith.addi %mul3A_161, %add3A_162 : i32
          %get3A_164 = arith.index_cast %add3A_163 : i32 to index
          %get3A_165 = arith.constant 32 : index
          %get3A_166 = tpu.vector_load %arg11[%get3A_164, %get3A_165] {strides = array<i32>} : memref<64x128xf32, #tpu.memory_space<vmem>>, vector<1x16xf32>,
          %get3A_167 = vector.shape_cast %get3A_166 : vector<1x16xf32> to vector<16xf32>
          %add3A_168 = arith.addf %get3A_159, %get3A_167 : vector<16xf32>
          %max3A_169 = arith.constant 0.000000e+00 : f32
          %max3A_170 = vector.broadcast %max3A_169 : f32 to vector<16xf32>
          %max3A_171 = arith.maximumf %add3A_168, %max3A_170 : vector<16xf32>
          %mul3A_172 = arith.constant 2 : i32
          %mul3A_173 = arith.muli %mul3A_172, %scan3A_96 : i32
          %add3A_174 = arith.constant 0 : i32
          %add3A_175 = arith.addi %mul3A_173, %add3A_174 : i32
          %swap3A_176 = arith.index_cast %add3A_175 : i32 to index
          %swap3A_177 = arith.constant 32 : index
          %swap3A_178 = tpu.vector_load %arg10[%swap3A_176, %swap3A_177] {strides = array<i32>} : memref<64x128xf32, #tpu.memory_space<vmem>>, vector<1x16xf32>,
          %swap3A_179 = vector.shape_cast %swap3A_178 : vector<1x16xf32> to vector<16xf32>
          %swap3A_180 = vector.shape_cast %max3A_171 : vector<16xf32> to vector<1x16xf32>
          tpu.vector_store %arg10[%swap3A_176, %swap3A_177], %swap3A_180 {strides = array<i32>} : memref<64x128xf32, #tpu.memory_space<vmem>>, vector<1x16xf32>,
          %mul3A_181 = arith.constant 2 : i32
          %mul3A_182 = arith.muli %mul3A_181, %scan3A_96 : i32
          %add3A_183 = arith.constant 0 : i32
          %add3A_184 = arith.addi %mul3A_182, %add3A_183 : i32
          %get3A_185 = arith.index_cast %add3A_184 : i32 to index
          %get3A_186 = arith.constant 48 : index
          %get3A_187 = tpu.vector_load %arg10[%get3A_185, %get3A_186] {strides = array<i32>} : memref<64x128xf32, #tpu.memory_space<vmem>>, vector<1x16xf32>,
          %get3A_188 = vector.shape_cast %get3A_187 : vector<1x16xf32> to vector<16xf32>
          %mul3A_189 = arith.constant 2 : i32
          %mul3A_190 = arith.muli %mul3A_189, %scan3A_96 : i32
          %add3A_191 = arith.constant 0 : i32
          %add3A_192 = arith.addi %mul3A_190, %add3A_191 : i32
          %get3A_193 = arith.index_cast %add3A_192 : i32 to index
          %get3A_194 = arith.constant 48 : index
          %get3A_195 = tpu.vector_load %arg11[%get3A_193, %get3A_194] {strides = array<i32>} : memref<64x128xf32, #tpu.memory_space<vmem>>, vector<1x16xf32>,
          %get3A_196 = vector.shape_cast %get3A_195 : vector<1x16xf32> to vector<16xf32>
          %add3A_197 = arith.addf %get3A_188, %get3A_196 : vector<16xf32>
          %max3A_198 = arith.constant 0.000000e+00 : f32
          %max3A_199 = vector.broadcast %max3A_198 : f32 to vector<16xf32>
          %max3A_200 = arith.maximumf %add3A_197, %max3A_199 : vector<16xf32>
          %mul3A_201 = arith.constant 2 : i32
          %mul3A_202 = arith.muli %mul3A_201, %scan3A_96 : i32
          %add3A_203 = arith.constant 0 : i32
          %add3A_204 = arith.addi %mul3A_202, %add3A_203 : i32
          %swap3A_205 = arith.index_cast %add3A_204 : i32 to index
          %swap3A_206 = arith.constant 48 : index
          %swap3A_207 = tpu.vector_load %arg10[%swap3A_205, %swap3A_206] {strides = array<i32>} : memref<64x128xf32, #tpu.memory_space<vmem>>, vector<1x16xf32>,
          %swap3A_208 = vector.shape_cast %swap3A_207 : vector<1x16xf32> to vector<16xf32>
          %swap3A_209 = vector.shape_cast %max3A_200 : vector<16xf32> to vector<1x16xf32>
          tpu.vector_store %arg10[%swap3A_205, %swap3A_206], %swap3A_209 {strides = array<i32>} : memref<64x128xf32, #tpu.memory_space<vmem>>, vector<1x16xf32>,
          %mul3A_210 = arith.constant 2 : i32
          %mul3A_211 = arith.muli %mul3A_210, %scan3A_96 : i32
          %add3A_212 = arith.constant 0 : i32
          %add3A_213 = arith.addi %mul3A_211, %add3A_212 : i32
          %get3A_214 = arith.index_cast %add3A_213 : i32 to index
          %get3A_215 = arith.constant 64 : index
          %get3A_216 = tpu.vector_load %arg10[%get3A_214, %get3A_215] {strides = array<i32>} : memref<64x128xf32, #tpu.memory_space<vmem>>, vector<1x16xf32>,
          %get3A_217 = vector.shape_cast %get3A_216 : vector<1x16xf32> to vector<16xf32>
          %mul3A_218 = arith.constant 2 : i32
          %mul3A_219 = arith.muli %mul3A_218, %scan3A_96 : i32
          %add3A_220 = arith.constant 0 : i32
          %add3A_221 = arith.addi %mul3A_219, %add3A_220 : i32
          %get3A_222 = arith.index_cast %add3A_221 : i32 to index
          %get3A_223 = arith.constant 64 : index
          %get3A_224 = tpu.vector_load %arg11[%get3A_222, %get3A_223] {strides = array<i32>} : memref<64x128xf32, #tpu.memory_space<vmem>>, vector<1x16xf32>,
          %get3A_225 = vector.shape_cast %get3A_224 : vector<1x16xf32> to vector<16xf32>
          %add3A_226 = arith.addf %get3A_217, %get3A_225 : vector<16xf32>
          %max3A_227 = arith.constant 0.000000e+00 : f32
          %max3A_228 = vector.broadcast %max3A_227 : f32 to vector<16xf32>
          %max3A_229 = arith.maximumf %add3A_226, %max3A_228 : vector<16xf32>
          %mul3A_230 = arith.constant 2 : i32
          %mul3A_231 = arith.muli %mul3A_230, %scan3A_96 : i32
          %add3A_232 = arith.constant 0 : i32
          %add3A_233 = arith.addi %mul3A_231, %add3A_232 : i32
          %swap3A_234 = arith.index_cast %add3A_233 : i32 to index
          %swap3A_235 = arith.constant 64 : index
          %swap3A_236 = tpu.vector_load %arg10[%swap3A_234, %swap3A_235] {strides = array<i32>} : memref<64x128xf32, #tpu.memory_space<vmem>>, vector<1x16xf32>,
          %swap3A_237 = vector.shape_cast %swap3A_236 : vector<1x16xf32> to vector<16xf32>
          %swap3A_238 = vector.shape_cast %max3A_229 : vector<16xf32> to vector<1x16xf32>
          tpu.vector_store %arg10[%swap3A_234, %swap3A_235], %swap3A_238 {strides = array<i32>} : memref<64x128xf32, #tpu.memory_space<vmem>>, vector<1x16xf32>,
          %mul3A_239 = arith.constant 2 : i32
          %mul3A_240 = arith.muli %mul3A_239, %scan3A_96 : i32
          %add3A_241 = arith.constant 0 : i32
          %add3A_242 = arith.addi %mul3A_240, %add3A_241 : i32
          %get3A_243 = arith.index_cast %add3A_242 : i32 to index
          %get3A_244 = arith.constant 80 : index
          %get3A_245 = tpu.vector_load %arg10[%get3A_243, %get3A_244] {strides = array<i32>} : memref<64x128xf32, #tpu.memory_space<vmem>>, vector<1x16xf32>,
          %get3A_246 = vector.shape_cast %get3A_245 : vector<1x16xf32> to vector<16xf32>
          %mul3A_247 = arith.constant 2 : i32
          %mul3A_248 = arith.muli %mul3A_247, %scan3A_96 : i32
          %add3A_249 = arith.constant 0 : i32
          %add3A_250 = arith.addi %mul3A_248, %add3A_249 : i32
          %get3A_251 = arith.index_cast %add3A_250 : i32 to index
          %get3A_252 = arith.constant 80 : index
          %get3A_253 = tpu.vector_load %arg11[%get3A_251, %get3A_252] {strides = array<i32>} : memref<64x128xf32, #tpu.memory_space<vmem>>, vector<1x16xf32>,
          %get3A_254 = vector.shape_cast %get3A_253 : vector<1x16xf32> to vector<16xf32>
          %add3A_255 = arith.addf %get3A_246, %get3A_254 : vector<16xf32>
          %max3A_256 = arith.constant 0.000000e+00 : f32
          %max3A_257 = vector.broadcast %max3A_256 : f32 to vector<16xf32>
          %max3A_258 = arith.maximumf %add3A_255, %max3A_257 : vector<16xf32>
          %mul3A_259 = arith.constant 2 : i32
          %mul3A_260 = arith.muli %mul3A_259, %scan3A_96 : i32
          %add3A_261 = arith.constant 0 : i32
          %add3A_262 = arith.addi %mul3A_260, %add3A_261 : i32
          %swap3A_263 = arith.index_cast %add3A_262 : i32 to index
          %swap3A_264 = arith.constant 80 : index
          %swap3A_265 = tpu.vector_load %arg10[%swap3A_263, %swap3A_264] {strides = array<i32>} : memref<64x128xf32, #tpu.memory_space<vmem>>, vector<1x16xf32>,
          %swap3A_266 = vector.shape_cast %swap3A_265 : vector<1x16xf32> to vector<16xf32>
          %swap3A_267 = vector.shape_cast %max3A_258 : vector<16xf32> to vector<1x16xf32>
          tpu.vector_store %arg10[%swap3A_263, %swap3A_264], %swap3A_267 {strides = array<i32>} : memref<64x128xf32, #tpu.memory_space<vmem>>, vector<1x16xf32>,
          %mul3A_268 = arith.constant 2 : i32
          %mul3A_269 = arith.muli %mul3A_268, %scan3A_96 : i32
          %add3A_270 = arith.constant 0 : i32
          %add3A_271 = arith.addi %mul3A_269, %add3A_270 : i32
          %get3A_272 = arith.index_cast %add3A_271 : i32 to index
          %get3A_273 = arith.constant 96 : index
          %get3A_274 = tpu.vector_load %arg10[%get3A_272, %get3A_273] {strides = array<i32>} : memref<64x128xf32, #tpu.memory_space<vmem>>, vector<1x16xf32>,
          %get3A_275 = vector.shape_cast %get3A_274 : vector<1x16xf32> to vector<16xf32>
          %mul3A_276 = arith.constant 2 : i32
          %mul3A_277 = arith.muli %mul3A_276, %scan3A_96 : i32
          %add3A_278 = arith.constant 0 : i32
          %add3A_279 = arith.addi %mul3A_277, %add3A_278 : i32
          %get3A_280 = arith.index_cast %add3A_279 : i32 to index
          %get3A_281 = arith.constant 96 : index
          %get3A_282 = tpu.vector_load %arg11[%get3A_280, %get3A_281] {strides = array<i32>} : memref<64x128xf32, #tpu.memory_space<vmem>>, vector<1x16xf32>,
          %get3A_283 = vector.shape_cast %get3A_282 : vector<1x16xf32> to vector<16xf32>
          %add3A_284 = arith.addf %get3A_275, %get3A_283 : vector<16xf32>
          %max3A_285 = arith.constant 0.000000e+00 : f32
          %max3A_286 = vector.broadcast %max3A_285 : f32 to vector<16xf32>
          %max3A_287 = arith.maximumf %add3A_284, %max3A_286 : vector<16xf32>
          %mul3A_288 = arith.constant 2 : i32
          %mul3A_289 = arith.muli %mul3A_288, %scan3A_96 : i32
          %add3A_290 = arith.constant 0 : i32
          %add3A_291 = arith.addi %mul3A_289, %add3A_290 : i32
          %swap3A_292 = arith.index_cast %add3A_291 : i32 to index
          %swap3A_293 = arith.constant 96 : index
          %swap3A_294 = tpu.vector_load %arg10[%swap3A_292, %swap3A_293] {strides = array<i32>} : memref<64x128xf32, #tpu.memory_space<vmem>>, vector<1x16xf32>,
          %swap3A_295 = vector.shape_cast %swap3A_294 : vector<1x16xf32> to vector<16xf32>
          %swap3A_296 = vector.shape_cast %max3A_287 : vector<16xf32> to vector<1x16xf32>
          tpu.vector_store %arg10[%swap3A_292, %swap3A_293], %swap3A_296 {strides = array<i32>} : memref<64x128xf32, #tpu.memory_space<vmem>>, vector<1x16xf32>,
          %mul3A_297 = arith.constant 2 : i32
          %mul3A_298 = arith.muli %mul3A_297, %scan3A_96 : i32
          %add3A_299 = arith.constant 0 : i32
          %add3A_300 = arith.addi %mul3A_298, %add3A_299 : i32
          %get3A_301 = arith.index_cast %add3A_300 : i32 to index
          %get3A_302 = arith.constant 112 : index
          %get3A_303 = tpu.vector_load %arg10[%get3A_301, %get3A_302] {strides = array<i32>} : memref<64x128xf32, #tpu.memory_space<vmem>>, vector<1x16xf32>,
          %get3A_304 = vector.shape_cast %get3A_303 : vector<1x16xf32> to vector<16xf32>
          %mul3A_305 = arith.constant 2 : i32
          %mul3A_306 = arith.muli %mul3A_305, %scan3A_96 : i32
          %add3A_307 = arith.constant 0 : i32
          %add3A_308 = arith.addi %mul3A_306, %add3A_307 : i32
          %get3A_309 = arith.index_cast %add3A_308 : i32 to index
          %get3A_310 = arith.constant 112 : index
          %get3A_311 = tpu.vector_load %arg11[%get3A_309, %get3A_310] {strides = array<i32>} : memref<64x128xf32, #tpu.memory_space<vmem>>, vector<1x16xf32>,
          %get3A_312 = vector.shape_cast %get3A_311 : vector<1x16xf32> to vector<16xf32>
          %add3A_313 = arith.addf %get3A_304, %get3A_312 : vector<16xf32>
          %max3A_314 = arith.constant 0.000000e+00 : f32
          %max3A_315 = vector.broadcast %max3A_314 : f32 to vector<16xf32>
          %max3A_316 = arith.maximumf %add3A_313, %max3A_315 : vector<16xf32>
          %mul3A_317 = arith.constant 2 : i32
          %mul3A_318 = arith.muli %mul3A_317, %scan3A_96 : i32
          %add3A_319 = arith.constant 0 : i32
          %add3A_320 = arith.addi %mul3A_318, %add3A_319 : i32
          %swap3A_321 = arith.index_cast %add3A_320 : i32 to index
          %swap3A_322 = arith.constant 112 : index
          %swap3A_323 = tpu.vector_load %arg10[%swap3A_321, %swap3A_322] {strides = array<i32>} : memref<64x128xf32, #tpu.memory_space<vmem>>, vector<1x16xf32>,
          %swap3A_324 = vector.shape_cast %swap3A_323 : vector<1x16xf32> to vector<16xf32>
          %swap3A_325 = vector.shape_cast %max3A_316 : vector<16xf32> to vector<1x16xf32>
          tpu.vector_store %arg10[%swap3A_321, %swap3A_322], %swap3A_325 {strides = array<i32>} : memref<64x128xf32, #tpu.memory_space<vmem>>, vector<1x16xf32>,
          %mul3A_326 = arith.constant 2 : i32
          %mul3A_327 = arith.muli %mul3A_326, %scan3A_96 : i32
          %add3A_328 = arith.constant 1 : i32
          %add3A_329 = arith.addi %mul3A_327, %add3A_328 : i32
          %get3A_330 = arith.index_cast %add3A_329 : i32 to index
          %get3A_331 = arith.constant 0 : index
          %get3A_332 = tpu.vector_load %arg10[%get3A_330, %get3A_331] {strides = array<i32>} : memref<64x128xf32, #tpu.memory_space<vmem>>, vector<1x16xf32>,
          %get3A_333 = vector.shape_cast %get3A_332 : vector<1x16xf32> to vector<16xf32>
          %mul3A_334 = arith.constant 2 : i32
          %mul3A_335 = arith.muli %mul3A_334, %scan3A_96 : i32
          %add3A_336 = arith.constant 1 : i32
          %add3A_337 = arith.addi %mul3A_335, %add3A_336 : i32
          %get3A_338 = arith.index_cast %add3A_337 : i32 to index
          %get3A_339 = arith.constant 0 : index
          %get3A_340 = tpu.vector_load %arg11[%get3A_338, %get3A_339] {strides = array<i32>} : memref<64x128xf32, #tpu.memory_space<vmem>>, vector<1x16xf32>,
          %get3A_341 = vector.shape_cast %get3A_340 : vector<1x16xf32> to vector<16xf32>
          %add3A_342 = arith.addf %get3A_333, %get3A_341 : vector<16xf32>
          %max3A_343 = arith.constant 0.000000e+00 : f32
          %max3A_344 = vector.broadcast %max3A_343 : f32 to vector<16xf32>
          %max3A_345 = arith.maximumf %add3A_342, %max3A_344 : vector<16xf32>
          %mul3A_346 = arith.constant 2 : i32
          %mul3A_347 = arith.muli %mul3A_346, %scan3A_96 : i32
          %add3A_348 = arith.constant 1 : i32
          %add3A_349 = arith.addi %mul3A_347, %add3A_348 : i32
          %swap3A_350 = arith.index_cast %add3A_349 : i32 to index
          %swap3A_351 = arith.constant 0 : index
          %swap3A_352 = tpu.vector_load %arg10[%swap3A_350, %swap3A_351] {strides = array<i32>} : memref<64x128xf32, #tpu.memory_space<vmem>>, vector<1x16xf32>,
          %swap3A_353 = vector.shape_cast %swap3A_352 : vector<1x16xf32> to vector<16xf32>
          %swap3A_354 = vector.shape_cast %max3A_345 : vector<16xf32> to vector<1x16xf32>
          tpu.vector_store %arg10[%swap3A_350, %swap3A_351], %swap3A_354 {strides = array<i32>} : memref<64x128xf32, #tpu.memory_space<vmem>>, vector<1x16xf32>,
          %mul3A_355 = arith.constant 2 : i32
          %mul3A_356 = arith.muli %mul3A_355, %scan3A_96 : i32
          %add3A_357 = arith.constant 1 : i32
          %add3A_358 = arith.addi %mul3A_356, %add3A_357 : i32
          %get3A_359 = arith.index_cast %add3A_358 : i32 to index
          %get3A_360 = arith.constant 16 : index
          %get3A_361 = tpu.vector_load %arg10[%get3A_359, %get3A_360] {strides = array<i32>} : memref<64x128xf32, #tpu.memory_space<vmem>>, vector<1x16xf32>,
          %get3A_362 = vector.shape_cast %get3A_361 : vector<1x16xf32> to vector<16xf32>
          %mul3A_363 = arith.constant 2 : i32
          %mul3A_364 = arith.muli %mul3A_363, %scan3A_96 : i32
          %add3A_365 = arith.constant 1 : i32
          %add3A_366 = arith.addi %mul3A_364, %add3A_365 : i32
          %get3A_367 = arith.index_cast %add3A_366 : i32 to index
          %get3A_368 = arith.constant 16 : index
          %get3A_369 = tpu.vector_load %arg11[%get3A_367, %get3A_368] {strides = array<i32>} : memref<64x128xf32, #tpu.memory_space<vmem>>, vector<1x16xf32>,
          %get3A_370 = vector.shape_cast %get3A_369 : vector<1x16xf32> to vector<16xf32>
          %add3A_371 = arith.addf %get3A_362, %get3A_370 : vector<16xf32>
          %max3A_372 = arith.constant 0.000000e+00 : f32
          %max3A_373 = vector.broadcast %max3A_372 : f32 to vector<16xf32>
          %max3A_374 = arith.maximumf %add3A_371, %max3A_373 : vector<16xf32>
          %mul3A_375 = arith.constant 2 : i32
          %mul3A_376 = arith.muli %mul3A_375, %scan3A_96 : i32
          %add3A_377 = arith.constant 1 : i32
          %add3A_378 = arith.addi %mul3A_376, %add3A_377 : i32
          %swap3A_379 = arith.index_cast %add3A_378 : i32 to index
          %swap3A_380 = arith.constant 16 : index
          %swap3A_381 = tpu.vector_load %arg10[%swap3A_379, %swap3A_380] {strides = array<i32>} : memref<64x128xf32, #tpu.memory_space<vmem>>, vector<1x16xf32>,
          %swap3A_382 = vector.shape_cast %swap3A_381 : vector<1x16xf32> to vector<16xf32>
          %swap3A_383 = vector.shape_cast %max3A_374 : vector<16xf32> to vector<1x16xf32>
          tpu.vector_store %arg10[%swap3A_379, %swap3A_380], %swap3A_383 {strides = array<i32>} : memref<64x128xf32, #tpu.memory_space<vmem>>, vector<1x16xf32>,
          %mul3A_384 = arith.constant 2 : i32
          %mul3A_385 = arith.muli %mul3A_384, %scan3A_96 : i32
          %add3A_386 = arith.constant 1 : i32
          %add3A_387 = arith.addi %mul3A_385, %add3A_386 : i32
          %get3A_388 = arith.index_cast %add3A_387 : i32 to index
          %get3A_389 = arith.constant 32 : index
          %get3A_390 = tpu.vector_load %arg10[%get3A_388, %get3A_389] {strides = array<i32>} : memref<64x128xf32, #tpu.memory_space<vmem>>, vector<1x16xf32>,
          %get3A_391 = vector.shape_cast %get3A_390 : vector<1x16xf32> to vector<16xf32>
          %mul3A_392 = arith.constant 2 : i32
          %mul3A_393 = arith.muli %mul3A_392, %scan3A_96 : i32
          %add3A_394 = arith.constant 1 : i32
          %add3A_395 = arith.addi %mul3A_393, %add3A_394 : i32
          %get3A_396 = arith.index_cast %add3A_395 : i32 to index
          %get3A_397 = arith.constant 32 : index
          %get3A_398 = tpu.vector_load %arg11[%get3A_396, %get3A_397] {strides = array<i32>} : memref<64x128xf32, #tpu.memory_space<vmem>>, vector<1x16xf32>,
          %get3A_399 = vector.shape_cast %get3A_398 : vector<1x16xf32> to vector<16xf32>
          %add3A_400 = arith.addf %get3A_391, %get3A_399 : vector<16xf32>
          %max3A_401 = arith.constant 0.000000e+00 : f32
          %max3A_402 = vector.broadcast %max3A_401 : f32 to vector<16xf32>
          %max3A_403 = arith.maximumf %add3A_400, %max3A_402 : vector<16xf32>
          %mul3A_404 = arith.constant 2 : i32
          %mul3A_405 = arith.muli %mul3A_404, %scan3A_96 : i32
          %add3A_406 = arith.constant 1 : i32
          %add3A_407 = arith.addi %mul3A_405, %add3A_406 : i32
          %swap3A_408 = arith.index_cast %add3A_407 : i32 to index
          %swap3A_409 = arith.constant 32 : index
          %swap3A_410 = tpu.vector_load %arg10[%swap3A_408, %swap3A_409] {strides = array<i32>} : memref<64x128xf32, #tpu.memory_space<vmem>>, vector<1x16xf32>,
          %swap3A_411 = vector.shape_cast %swap3A_410 : vector<1x16xf32> to vector<16xf32>
          %swap3A_412 = vector.shape_cast %max3A_403 : vector<16xf32> to vector<1x16xf32>
          tpu.vector_store %arg10[%swap3A_408, %swap3A_409], %swap3A_412 {strides = array<i32>} : memref<64x128xf32, #tpu.memory_space<vmem>>, vector<1x16xf32>,
          %mul3A_413 = arith.constant 2 : i32
          %mul3A_414 = arith.muli %mul3A_413, %scan3A_96 : i32
          %add3A_415 = arith.constant 1 : i32
          %add3A_416 = arith.addi %mul3A_414, %add3A_415 : i32
          %get3A_417 = arith.index_cast %add3A_416 : i32 to index
          %get3A_418 = arith.constant 48 : index
          %get3A_419 = tpu.vector_load %arg10[%get3A_417, %get3A_418] {strides = array<i32>} : memref<64x128xf32, #tpu.memory_space<vmem>>, vector<1x16xf32>,
          %get3A_420 = vector.shape_cast %get3A_419 : vector<1x16xf32> to vector<16xf32>
          %mul3A_421 = arith.constant 2 : i32
          %mul3A_422 = arith.muli %mul3A_421, %scan3A_96 : i32
          %add3A_423 = arith.constant 1 : i32
          %add3A_424 = arith.addi %mul3A_422, %add3A_423 : i32
          %get3A_425 = arith.index_cast %add3A_424 : i32 to index
          %get3A_426 = arith.constant 48 : index
          %get3A_427 = tpu.vector_load %arg11[%get3A_425, %get3A_426] {strides = array<i32>} : memref<64x128xf32, #tpu.memory_space<vmem>>, vector<1x16xf32>,
          %get3A_428 = vector.shape_cast %get3A_427 : vector<1x16xf32> to vector<16xf32>
          %add3A_429 = arith.addf %get3A_420, %get3A_428 : vector<16xf32>
          %max3A_430 = arith.constant 0.000000e+00 : f32
          %max3A_431 = vector.broadcast %max3A_430 : f32 to vector<16xf32>
          %max3A_432 = arith.maximumf %add3A_429, %max3A_431 : vector<16xf32>
          %mul3A_433 = arith.constant 2 : i32
          %mul3A_434 = arith.muli %mul3A_433, %scan3A_96 : i32
          %add3A_435 = arith.constant 1 : i32
          %add3A_436 = arith.addi %mul3A_434, %add3A_435 : i32
          %swap3A_437 = arith.index_cast %add3A_436 : i32 to index
          %swap3A_438 = arith.constant 48 : index
          %swap3A_439 = tpu.vector_load %arg10[%swap3A_437, %swap3A_438] {strides = array<i32>} : memref<64x128xf32, #tpu.memory_space<vmem>>, vector<1x16xf32>,
          %swap3A_440 = vector.shape_cast %swap3A_439 : vector<1x16xf32> to vector<16xf32>
          %swap3A_441 = vector.shape_cast %max3A_432 : vector<16xf32> to vector<1x16xf32>
          tpu.vector_store %arg10[%swap3A_437, %swap3A_438], %swap3A_441 {strides = array<i32>} : memref<64x128xf32, #tpu.memory_space<vmem>>, vector<1x16xf32>,
          %mul3A_442 = arith.constant 2 : i32
          %mul3A_443 = arith.muli %mul3A_442, %scan3A_96 : i32
          %add3A_444 = arith.constant 1 : i32
          %add3A_445 = arith.addi %mul3A_443, %add3A_444 : i32
          %get3A_446 = arith.index_cast %add3A_445 : i32 to index
          %get3A_447 = arith.constant 64 : index
          %get3A_448 = tpu.vector_load %arg10[%get3A_446, %get3A_447] {strides = array<i32>} : memref<64x128xf32, #tpu.memory_space<vmem>>, vector<1x16xf32>,
          %get3A_449 = vector.shape_cast %get3A_448 : vector<1x16xf32> to vector<16xf32>
          %mul3A_450 = arith.constant 2 : i32
          %mul3A_451 = arith.muli %mul3A_450, %scan3A_96 : i32
          %add3A_452 = arith.constant 1 : i32
          %add3A_453 = arith.addi %mul3A_451, %add3A_452 : i32
          %get3A_454 = arith.index_cast %add3A_453 : i32 to index
          %get3A_455 = arith.constant 64 : index
          %get3A_456 = tpu.vector_load %arg11[%get3A_454, %get3A_455] {strides = array<i32>} : memref<64x128xf32, #tpu.memory_space<vmem>>, vector<1x16xf32>,
          %get3A_457 = vector.shape_cast %get3A_456 : vector<1x16xf32> to vector<16xf32>
          %add3A_458 = arith.addf %get3A_449, %get3A_457 : vector<16xf32>
          %max3A_459 = arith.constant 0.000000e+00 : f32
          %max3A_460 = vector.broadcast %max3A_459 : f32 to vector<16xf32>
          %max3A_461 = arith.maximumf %add3A_458, %max3A_460 : vector<16xf32>
          %mul3A_462 = arith.constant 2 : i32
          %mul3A_463 = arith.muli %mul3A_462, %scan3A_96 : i32
          %add3A_464 = arith.constant 1 : i32
          %add3A_465 = arith.addi %mul3A_463, %add3A_464 : i32
          %swap3A_466 = arith.index_cast %add3A_465 : i32 to index
          %swap3A_467 = arith.constant 64 : index
          %swap3A_468 = tpu.vector_load %arg10[%swap3A_466, %swap3A_467] {strides = array<i32>} : memref<64x128xf32, #tpu.memory_space<vmem>>, vector<1x16xf32>,
          %swap3A_469 = vector.shape_cast %swap3A_468 : vector<1x16xf32> to vector<16xf32>
          %swap3A_470 = vector.shape_cast %max3A_461 : vector<16xf32> to vector<1x16xf32>
          tpu.vector_store %arg10[%swap3A_466, %swap3A_467], %swap3A_470 {strides = array<i32>} : memref<64x128xf32, #tpu.memory_space<vmem>>, vector<1x16xf32>,
          %mul3A_471 = arith.constant 2 : i32
          %mul3A_472 = arith.muli %mul3A_471, %scan3A_96 : i32
          %add3A_473 = arith.constant 1 : i32
          %add3A_474 = arith.addi %mul3A_472, %add3A_473 : i32
          %get3A_475 = arith.index_cast %add3A_474 : i32 to index
          %get3A_476 = arith.constant 80 : index
          %get3A_477 = tpu.vector_load %arg10[%get3A_475, %get3A_476] {strides = array<i32>} : memref<64x128xf32, #tpu.memory_space<vmem>>, vector<1x16xf32>,
          %get3A_478 = vector.shape_cast %get3A_477 : vector<1x16xf32> to vector<16xf32>
          %mul3A_479 = arith.constant 2 : i32
          %mul3A_480 = arith.muli %mul3A_479, %scan3A_96 : i32
          %add3A_481 = arith.constant 1 : i32
          %add3A_482 = arith.addi %mul3A_480, %add3A_481 : i32
          %get3A_483 = arith.index_cast %add3A_482 : i32 to index
          %get3A_484 = arith.constant 80 : index
          %get3A_485 = tpu.vector_load %arg11[%get3A_483, %get3A_484] {strides = array<i32>} : memref<64x128xf32, #tpu.memory_space<vmem>>, vector<1x16xf32>,
          %get3A_486 = vector.shape_cast %get3A_485 : vector<1x16xf32> to vector<16xf32>
          %add3A_487 = arith.addf %get3A_478, %get3A_486 : vector<16xf32>
          %max3A_488 = arith.constant 0.000000e+00 : f32
          %max3A_489 = vector.broadcast %max3A_488 : f32 to vector<16xf32>
          %max3A_490 = arith.maximumf %add3A_487, %max3A_489 : vector<16xf32>
          %mul3A_491 = arith.constant 2 : i32
          %mul3A_492 = arith.muli %mul3A_491, %scan3A_96 : i32
          %add3A_493 = arith.constant 1 : i32
          %add3A_494 = arith.addi %mul3A_492, %add3A_493 : i32
          %swap3A_495 = arith.index_cast %add3A_494 : i32 to index
          %swap3A_496 = arith.constant 80 : index
          %swap3A_497 = tpu.vector_load %arg10[%swap3A_495, %swap3A_496] {strides = array<i32>} : memref<64x128xf32, #tpu.memory_space<vmem>>, vector<1x16xf32>,
          %swap3A_498 = vector.shape_cast %swap3A_497 : vector<1x16xf32> to vector<16xf32>
          %swap3A_499 = vector.shape_cast %max3A_490 : vector<16xf32> to vector<1x16xf32>
          tpu.vector_store %arg10[%swap3A_495, %swap3A_496], %swap3A_499 {strides = array<i32>} : memref<64x128xf32, #tpu.memory_space<vmem>>, vector<1x16xf32>,
          %mul3A_500 = arith.constant 2 : i32
          %mul3A_501 = arith.muli %mul3A_500, %scan3A_96 : i32
          %add3A_502 = arith.constant 1 : i32
          %add3A_503 = arith.addi %mul3A_501, %add3A_502 : i32
          %get3A_504 = arith.index_cast %add3A_503 : i32 to index
          %get3A_505 = arith.constant 96 : index
          %get3A_506 = tpu.vector_load %arg10[%get3A_504, %get3A_505] {strides = array<i32>} : memref<64x128xf32, #tpu.memory_space<vmem>>, vector<1x16xf32>,
          %get3A_507 = vector.shape_cast %get3A_506 : vector<1x16xf32> to vector<16xf32>
          %mul3A_508 = arith.constant 2 : i32
          %mul3A_509 = arith.muli %mul3A_508, %scan3A_96 : i32
          %add3A_510 = arith.constant 1 : i32
          %add3A_511 = arith.addi %mul3A_509, %add3A_510 : i32
          %get3A_512 = arith.index_cast %add3A_511 : i32 to index
          %get3A_513 = arith.constant 96 : index
          %get3A_514 = tpu.vector_load %arg11[%get3A_512, %get3A_513] {strides = array<i32>} : memref<64x128xf32, #tpu.memory_space<vmem>>, vector<1x16xf32>,
          %get3A_515 = vector.shape_cast %get3A_514 : vector<1x16xf32> to vector<16xf32>
          %add3A_516 = arith.addf %get3A_507, %get3A_515 : vector<16xf32>
          %max3A_517 = arith.constant 0.000000e+00 : f32
          %max3A_518 = vector.broadcast %max3A_517 : f32 to vector<16xf32>
          %max3A_519 = arith.maximumf %add3A_516, %max3A_518 : vector<16xf32>
          %mul3A_520 = arith.constant 2 : i32
          %mul3A_521 = arith.muli %mul3A_520, %scan3A_96 : i32
          %add3A_522 = arith.constant 1 : i32
          %add3A_523 = arith.addi %mul3A_521, %add3A_522 : i32
          %swap3A_524 = arith.index_cast %add3A_523 : i32 to index
          %swap3A_525 = arith.constant 96 : index
          %swap3A_526 = tpu.vector_load %arg10[%swap3A_524, %swap3A_525] {strides = array<i32>} : memref<64x128xf32, #tpu.memory_space<vmem>>, vector<1x16xf32>,
          %swap3A_527 = vector.shape_cast %swap3A_526 : vector<1x16xf32> to vector<16xf32>
          %swap3A_528 = vector.shape_cast %max3A_519 : vector<16xf32> to vector<1x16xf32>
          tpu.vector_store %arg10[%swap3A_524, %swap3A_525], %swap3A_528 {strides = array<i32>} : memref<64x128xf32, #tpu.memory_space<vmem>>, vector<1x16xf32>,
          %mul3A_529 = arith.constant 2 : i32
          %mul3A_530 = arith.muli %mul3A_529, %scan3A_96 : i32
          %add3A_531 = arith.constant 1 : i32
          %add3A_532 = arith.addi %mul3A_530, %add3A_531 : i32
          %get3A_533 = arith.index_cast %add3A_532 : i32 to index
          %get3A_534 = arith.constant 112 : index
          %get3A_535 = tpu.vector_load %arg10[%get3A_533, %get3A_534] {strides = array<i32>} : memref<64x128xf32, #tpu.memory_space<vmem>>, vector<1x16xf32>,
          %get3A_536 = vector.shape_cast %get3A_535 : vector<1x16xf32> to vector<16xf32>
          %mul3A_537 = arith.constant 2 : i32
          %mul3A_538 = arith.muli %mul3A_537, %scan3A_96 : i32
          %add3A_539 = arith.constant 1 : i32
          %add3A_540 = arith.addi %mul3A_538, %add3A_539 : i32
          %get3A_541 = arith.index_cast %add3A_540 : i32 to index
          %get3A_542 = arith.constant 112 : index
          %get3A_543 = tpu.vector_load %arg11[%get3A_541, %get3A_542] {strides = array<i32>} : memref<64x128xf32, #tpu.memory_space<vmem>>, vector<1x16xf32>,
          %get3A_544 = vector.shape_cast %get3A_543 : vector<1x16xf32> to vector<16xf32>
          %add3A_545 = arith.addf %get3A_536, %get3A_544 : vector<16xf32>
          %max3A_546 = arith.constant 0.000000e+00 : f32
          %max3A_547 = vector.broadcast %max3A_546 : f32 to vector<16xf32>
          %max3A_548 = arith.maximumf %add3A_545, %max3A_547 : vector<16xf32>
          %mul3A_549 = arith.constant 2 : i32
          %mul3A_550 = arith.muli %mul3A_549, %scan3A_96 : i32
          %add3A_551 = arith.constant 1 : i32
          %add3A_552 = arith.addi %mul3A_550, %add3A_551 : i32
          %swap3A_553 = arith.index_cast %add3A_552 : i32 to index
          %swap3A_554 = arith.constant 112 : index
          %swap3A_555 = tpu.vector_load %arg10[%swap3A_553, %swap3A_554] {strides = array<i32>} : memref<64x128xf32, #tpu.memory_space<vmem>>, vector<1x16xf32>,
          %swap3A_556 = vector.shape_cast %swap3A_555 : vector<1x16xf32> to vector<16xf32>
          %swap3A_557 = vector.shape_cast %max3A_548 : vector<16xf32> to vector<1x16xf32>
          tpu.vector_store %arg10[%swap3A_553, %swap3A_554], %swap3A_557 {strides = array<i32>} : memref<64x128xf32, #tpu.memory_space<vmem>>, vector<1x16xf32>,
        }
        %scan3A_72 = arith.constant 32 : i32
        "tpu.region"() ({
          %run_scoped3A = tpu.sem_alloc : memref<!tpu.dma_semaphore, #tpu.memory_space<semaphore_mem>>
          %dma_start3A_96 = arith.constant 0 : i32
          %dma_start3A_97 = tpu.memref_slice %arg9[%mul3A_37, %dma_start3A_96] : memref<32x64xi32, #tpu.memory_space<vmem>> -> memref<1x64xi32, #tpu.memory_space<vmem>>
          %dma_start3A_98 = tpu.memref_squeeze %dma_start3A_97 : memref<1x64xi32, #tpu.memory_space<vmem>> -> memref<64xi32, #tpu.memory_space<vmem>>
          %dma_start3A_99 = arith.constant 0 : i32
          %dma_start3A_100 = arith.constant 0 : i32
          %dma_start3A_101 = tpu.memref_slice %arg14[%dma_start3A_99, %dma_start3A_100] : memref<10112x128xf32, #tpu.memory_space<vmem_shared>> -> memref<10112x128xf32, #tpu.memory_space<vmem_shared>>
          tpu.enqueue_indirect_dma source(%arg10 : memref<64x128xf32, #tpu.memory_space<vmem>>) target(%dma_start3A_101 : memref<10112x128xf32, #tpu.memory_space<vmem_shared>>) offsets(%dma_start3A_98 : memref<64xi32, #tpu.memory_space<vmem>>) semaphore(%run_scoped3A : memref<!tpu.dma_semaphore, #tpu.memory_space<semaphore_mem>>) {add = true}
          %dma_wait3A_102 = arith.constant 0 : i32
          %dma_wait3A_103 = tpu.memref_slice %arg9[%mul3A_37, %dma_wait3A_102] : memref<32x64xi32, #tpu.memory_space<vmem>> -> memref<1x64xi32, #tpu.memory_space<vmem>>
          %dma_wait3A_104 = tpu.memref_squeeze %dma_wait3A_103 : memref<1x64xi32, #tpu.memory_space<vmem>> -> memref<64xi32, #tpu.memory_space<vmem>>
          %dma_wait3A_105 = arith.constant 0 : i32
          %dma_wait3A_106 = arith.constant 0 : i32
          %dma_wait3A_107 = tpu.memref_slice %arg14[%dma_wait3A_105, %dma_wait3A_106] : memref<10112x128xf32, #tpu.memory_space<vmem_shared>> -> memref<10112x128xf32, #tpu.memory_space<vmem_shared>>
          tpu.wait_indirect_dma semaphore(%run_scoped3A : memref<!tpu.dma_semaphore, #tpu.memory_space<semaphore_mem>>) src(%arg10 : memref<64x128xf32, #tpu.memory_space<vmem>>) dst(%dma_wait3A_107 : memref<10112x128xf32, #tpu.memory_space<vmem_shared>>)
          tpu.yield
        }) : () -> ()
        %add3A_73 = arith.constant 1 : i32
        %add3A_74 = arith.addi %add3A_41, %add3A_73 : i32
        %lt3A = arith.constant 32 : i32
        %lt3A_75 = arith.cmpi slt, %add3A_74, %lt3A : i32
        %convert_element_type3A = arith.extui %lt3A_75 : i1 to i32
        %cond3A = arith.constant 0 : i32
        %cond3A_76 = arith.cmpi ne, %convert_element_type3A, %cond3A : i32
        scf.if %cond3A_76 {
          %add3A_96 = arith.constant 1 : i32
          %add3A_97 = arith.addi %add3A_41, %add3A_96 : i32
          %add3A_98 = arith.addi %add3A_14, %add3A_97 : i32
          %mul3A_99 = arith.constant 64 : i32
          %mul3A_100 = arith.muli %add3A_98, %mul3A_99 : i32
          %dma_start3A_101 = arith.constant 0 : i32
          %dma_start3A_102 = tpu.memref_slice %arg3[%mul3A_100, %dma_start3A_101] : memref<327680x128xf32, #tpu.memory_space<hbm>> -> memref<64x128xf32, #tpu.memory_space<hbm>>
          %dma_start3A_103 = arith.constant 0 : i32
          %dma_start3A_104 = tpu.memref_slice %arg3[%mul3A_100, %dma_start3A_103] : memref<327680x128xf32, #tpu.memory_space<hbm>> -> memref<64x128xf32, #tpu.memory_space<hbm>>
          tpu.enqueue_dma source(%dma_start3A_104 : memref<64x128xf32, #tpu.memory_space<hbm>>) target(%arg11 : memref<64x128xf32, #tpu.memory_space<vmem>>) target_semaphore(%arg15 : memref<!tpu.dma_semaphore, #tpu.memory_space<semaphore_mem>>)
          %dma_start3A_105 = arith.constant 0 : i32
          %dma_start3A_106 = tpu.memref_slice %arg8[%add3A_97, %dma_start3A_105] : memref<32x64xi32, #tpu.memory_space<vmem>> -> memref<1x64xi32, #tpu.memory_space<vmem>>
          %dma_start3A_107 = tpu.memref_squeeze %dma_start3A_106 : memref<1x64xi32, #tpu.memory_space<vmem>> -> memref<64xi32, #tpu.memory_space<vmem>>
          %dma_start3A_108 = arith.constant 0 : i32
          %dma_start3A_109 = arith.constant 0 : i32
          %dma_start3A_110 = tpu.memref_slice %arg2[%dma_start3A_108, %dma_start3A_109] : memref<10112x128xf32, #tpu.memory_space<hbm>> -> memref<10112x128xf32, #tpu.memory_space<hbm>>
          tpu.enqueue_indirect_dma source(%dma_start3A_110 : memref<10112x128xf32, #tpu.memory_space<hbm>>) target(%arg10 : memref<64x128xf32, #tpu.memory_space<vmem>>) offsets(%dma_start3A_107 : memref<64xi32, #tpu.memory_space<vmem>>) semaphore(%arg15 : memref<!tpu.dma_semaphore, #tpu.memory_space<semaphore_mem>>)
        } else {
        }
        %add3A_77 = arith.addi %add3A_14, %add3A_41 : i32
        %mul3A_78 = arith.constant 64 : i32
        %mul3A_79 = arith.muli %add3A_77, %mul3A_78 : i32
        %dma_wait3A_80 = arith.constant 0 : i32
        %dma_wait3A_81 = tpu.memref_slice %arg3[%mul3A_79, %dma_wait3A_80] : memref<327680x128xf32, #tpu.memory_space<hbm>> -> memref<64x128xf32, #tpu.memory_space<hbm>>
        %dma_wait3A_82 = arith.constant 0 : i32
        %dma_wait3A_83 = tpu.memref_slice %arg3[%mul3A_79, %dma_wait3A_82] : memref<327680x128xf32, #tpu.memory_space<hbm>> -> memref<64x128xf32, #tpu.memory_space<hbm>>
        tpu.wait_dma2 semaphore(%arg16 : memref<!tpu.dma_semaphore, #tpu.memory_space<semaphore_mem>>) src(%dma_wait3A_83 : memref<64x128xf32, #tpu.memory_space<hbm>>) dst(%arg13 : memref<64x128xf32, #tpu.memory_space<vmem>>)
        %dma_wait3A_84 = arith.constant 0 : i32
        %dma_wait3A_85 = tpu.memref_slice %arg8[%add3A_41, %dma_wait3A_84] : memref<32x64xi32, #tpu.memory_space<vmem>> -> memref<1x64xi32, #tpu.memory_space<vmem>>
        %dma_wait3A_86 = tpu.memref_squeeze %dma_wait3A_85 : memref<1x64xi32, #tpu.memory_space<vmem>> -> memref<64xi32, #tpu.memory_space<vmem>>
        %dma_wait3A_87 = arith.constant 0 : i32
        %dma_wait3A_88 = arith.constant 0 : i32
        %dma_wait3A_89 = tpu.memref_slice %arg2[%dma_wait3A_87, %dma_wait3A_88] : memref<10112x128xf32, #tpu.memory_space<hbm>> -> memref<10112x128xf32, #tpu.memory_space<hbm>>
        tpu.wait_indirect_dma semaphore(%arg16 : memref<!tpu.dma_semaphore, #tpu.memory_space<semaphore_mem>>) src(%dma_wait3A_89 : memref<10112x128xf32, #tpu.memory_space<hbm>>) dst(%arg12 : memref<64x128xf32, #tpu.memory_space<vmem>>)
        %scan3A_90 = arith.constant 0 : i32
        %scan3A_91 = arith.constant 0 : i32
        %scan3A_92 = arith.constant 32 : i32
        %scan3A_93 = arith.addi %scan3A_91, %scan3A_92 : i32
        %scan3A_94 = arith.constant 1 : i32
        scf.for %scan3A_96 = %scan3A_91 to %scan3A_93 step %scan3A_94  : i32 {
          %mul3A_97 = arith.constant 2 : i32
          %mul3A_98 = arith.muli %mul3A_97, %scan3A_96 : i32
          %add3A_99 = arith.constant 0 : i32
          %add3A_100 = arith.addi %mul3A_98, %add3A_99 : i32
          %get3A = arith.index_cast %add3A_100 : i32 to index
          %get3A_101 = arith.constant 0 : index
          %get3A_102 = tpu.vector_load %arg12[%get3A, %get3A_101] {strides = array<i32>} : memref<64x128xf32, #tpu.memory_space<vmem>>, vector<1x16xf32>,
          %get3A_103 = vector.shape_cast %get3A_102 : vector<1x16xf32> to vector<16xf32>
          %mul3A_104 = arith.constant 2 : i32
          %mul3A_105 = arith.muli %mul3A_104, %scan3A_96 : i32
          %add3A_106 = arith.constant 0 : i32
          %add3A_107 = arith.addi %mul3A_105, %add3A_106 : i32
          %get3A_108 = arith.index_cast %add3A_107 : i32 to index
          %get3A_109 = arith.constant 0 : index
          %get3A_110 = tpu.vector_load %arg13[%get3A_108, %get3A_109] {strides = array<i32>} : memref<64x128xf32, #tpu.memory_space<vmem>>, vector<1x16xf32>,
          %get3A_111 = vector.shape_cast %get3A_110 : vector<1x16xf32> to vector<16xf32>
          %add3A_112 = arith.addf %get3A_103, %get3A_111 : vector<16xf32>
          %max3A = arith.constant 0.000000e+00 : f32
          %max3A_113 = vector.broadcast %max3A : f32 to vector<16xf32>
          %max3A_114 = arith.maximumf %add3A_112, %max3A_113 : vector<16xf32>
          %mul3A_115 = arith.constant 2 : i32
          %mul3A_116 = arith.muli %mul3A_115, %scan3A_96 : i32
          %add3A_117 = arith.constant 0 : i32
          %add3A_118 = arith.addi %mul3A_116, %add3A_117 : i32
          %swap3A = arith.index_cast %add3A_118 : i32 to index
          %swap3A_119 = arith.constant 0 : index
          %swap3A_120 = tpu.vector_load %arg12[%swap3A, %swap3A_119] {strides = array<i32>} : memref<64x128xf32, #tpu.memory_space<vmem>>, vector<1x16xf32>,
          %swap3A_121 = vector.shape_cast %swap3A_120 : vector<1x16xf32> to vector<16xf32>
          %swap3A_122 = vector.shape_cast %max3A_114 : vector<16xf32> to vector<1x16xf32>
          tpu.vector_store %arg12[%swap3A, %swap3A_119], %swap3A_122 {strides = array<i32>} : memref<64x128xf32, #tpu.memory_space<vmem>>, vector<1x16xf32>,
          %mul3A_123 = arith.constant 2 : i32
          %mul3A_124 = arith.muli %mul3A_123, %scan3A_96 : i32
          %add3A_125 = arith.constant 0 : i32
          %add3A_126 = arith.addi %mul3A_124, %add3A_125 : i32
          %get3A_127 = arith.index_cast %add3A_126 : i32 to index
          %get3A_128 = arith.constant 16 : index
          %get3A_129 = tpu.vector_load %arg12[%get3A_127, %get3A_128] {strides = array<i32>} : memref<64x128xf32, #tpu.memory_space<vmem>>, vector<1x16xf32>,
          %get3A_130 = vector.shape_cast %get3A_129 : vector<1x16xf32> to vector<16xf32>
          %mul3A_131 = arith.constant 2 : i32
          %mul3A_132 = arith.muli %mul3A_131, %scan3A_96 : i32
          %add3A_133 = arith.constant 0 : i32
          %add3A_134 = arith.addi %mul3A_132, %add3A_133 : i32
          %get3A_135 = arith.index_cast %add3A_134 : i32 to index
          %get3A_136 = arith.constant 16 : index
          %get3A_137 = tpu.vector_load %arg13[%get3A_135, %get3A_136] {strides = array<i32>} : memref<64x128xf32, #tpu.memory_space<vmem>>, vector<1x16xf32>,
          %get3A_138 = vector.shape_cast %get3A_137 : vector<1x16xf32> to vector<16xf32>
          %add3A_139 = arith.addf %get3A_130, %get3A_138 : vector<16xf32>
          %max3A_140 = arith.constant 0.000000e+00 : f32
          %max3A_141 = vector.broadcast %max3A_140 : f32 to vector<16xf32>
          %max3A_142 = arith.maximumf %add3A_139, %max3A_141 : vector<16xf32>
          %mul3A_143 = arith.constant 2 : i32
          %mul3A_144 = arith.muli %mul3A_143, %scan3A_96 : i32
          %add3A_145 = arith.constant 0 : i32
          %add3A_146 = arith.addi %mul3A_144, %add3A_145 : i32
          %swap3A_147 = arith.index_cast %add3A_146 : i32 to index
          %swap3A_148 = arith.constant 16 : index
          %swap3A_149 = tpu.vector_load %arg12[%swap3A_147, %swap3A_148] {strides = array<i32>} : memref<64x128xf32, #tpu.memory_space<vmem>>, vector<1x16xf32>,
          %swap3A_150 = vector.shape_cast %swap3A_149 : vector<1x16xf32> to vector<16xf32>
          %swap3A_151 = vector.shape_cast %max3A_142 : vector<16xf32> to vector<1x16xf32>
          tpu.vector_store %arg12[%swap3A_147, %swap3A_148], %swap3A_151 {strides = array<i32>} : memref<64x128xf32, #tpu.memory_space<vmem>>, vector<1x16xf32>,
          %mul3A_152 = arith.constant 2 : i32
          %mul3A_153 = arith.muli %mul3A_152, %scan3A_96 : i32
          %add3A_154 = arith.constant 0 : i32
          %add3A_155 = arith.addi %mul3A_153, %add3A_154 : i32
          %get3A_156 = arith.index_cast %add3A_155 : i32 to index
          %get3A_157 = arith.constant 32 : index
          %get3A_158 = tpu.vector_load %arg12[%get3A_156, %get3A_157] {strides = array<i32>} : memref<64x128xf32, #tpu.memory_space<vmem>>, vector<1x16xf32>,
          %get3A_159 = vector.shape_cast %get3A_158 : vector<1x16xf32> to vector<16xf32>
          %mul3A_160 = arith.constant 2 : i32
          %mul3A_161 = arith.muli %mul3A_160, %scan3A_96 : i32
          %add3A_162 = arith.constant 0 : i32
          %add3A_163 = arith.addi %mul3A_161, %add3A_162 : i32
          %get3A_164 = arith.index_cast %add3A_163 : i32 to index
          %get3A_165 = arith.constant 32 : index
          %get3A_166 = tpu.vector_load %arg13[%get3A_164, %get3A_165] {strides = array<i32>} : memref<64x128xf32, #tpu.memory_space<vmem>>, vector<1x16xf32>,
          %get3A_167 = vector.shape_cast %get3A_166 : vector<1x16xf32> to vector<16xf32>
          %add3A_168 = arith.addf %get3A_159, %get3A_167 : vector<16xf32>
          %max3A_169 = arith.constant 0.000000e+00 : f32
          %max3A_170 = vector.broadcast %max3A_169 : f32 to vector<16xf32>
          %max3A_171 = arith.maximumf %add3A_168, %max3A_170 : vector<16xf32>
          %mul3A_172 = arith.constant 2 : i32
          %mul3A_173 = arith.muli %mul3A_172, %scan3A_96 : i32
          %add3A_174 = arith.constant 0 : i32
          %add3A_175 = arith.addi %mul3A_173, %add3A_174 : i32
          %swap3A_176 = arith.index_cast %add3A_175 : i32 to index
          %swap3A_177 = arith.constant 32 : index
          %swap3A_178 = tpu.vector_load %arg12[%swap3A_176, %swap3A_177] {strides = array<i32>} : memref<64x128xf32, #tpu.memory_space<vmem>>, vector<1x16xf32>,
          %swap3A_179 = vector.shape_cast %swap3A_178 : vector<1x16xf32> to vector<16xf32>
          %swap3A_180 = vector.shape_cast %max3A_171 : vector<16xf32> to vector<1x16xf32>
          tpu.vector_store %arg12[%swap3A_176, %swap3A_177], %swap3A_180 {strides = array<i32>} : memref<64x128xf32, #tpu.memory_space<vmem>>, vector<1x16xf32>,
          %mul3A_181 = arith.constant 2 : i32
          %mul3A_182 = arith.muli %mul3A_181, %scan3A_96 : i32
          %add3A_183 = arith.constant 0 : i32
          %add3A_184 = arith.addi %mul3A_182, %add3A_183 : i32
          %get3A_185 = arith.index_cast %add3A_184 : i32 to index
          %get3A_186 = arith.constant 48 : index
          %get3A_187 = tpu.vector_load %arg12[%get3A_185, %get3A_186] {strides = array<i32>} : memref<64x128xf32, #tpu.memory_space<vmem>>, vector<1x16xf32>,
          %get3A_188 = vector.shape_cast %get3A_187 : vector<1x16xf32> to vector<16xf32>
          %mul3A_189 = arith.constant 2 : i32
          %mul3A_190 = arith.muli %mul3A_189, %scan3A_96 : i32
          %add3A_191 = arith.constant 0 : i32
          %add3A_192 = arith.addi %mul3A_190, %add3A_191 : i32
          %get3A_193 = arith.index_cast %add3A_192 : i32 to index
          %get3A_194 = arith.constant 48 : index
          %get3A_195 = tpu.vector_load %arg13[%get3A_193, %get3A_194] {strides = array<i32>} : memref<64x128xf32, #tpu.memory_space<vmem>>, vector<1x16xf32>,
          %get3A_196 = vector.shape_cast %get3A_195 : vector<1x16xf32> to vector<16xf32>
          %add3A_197 = arith.addf %get3A_188, %get3A_196 : vector<16xf32>
          %max3A_198 = arith.constant 0.000000e+00 : f32
          %max3A_199 = vector.broadcast %max3A_198 : f32 to vector<16xf32>
          %max3A_200 = arith.maximumf %add3A_197, %max3A_199 : vector<16xf32>
          %mul3A_201 = arith.constant 2 : i32
          %mul3A_202 = arith.muli %mul3A_201, %scan3A_96 : i32
          %add3A_203 = arith.constant 0 : i32
          %add3A_204 = arith.addi %mul3A_202, %add3A_203 : i32
          %swap3A_205 = arith.index_cast %add3A_204 : i32 to index
          %swap3A_206 = arith.constant 48 : index
          %swap3A_207 = tpu.vector_load %arg12[%swap3A_205, %swap3A_206] {strides = array<i32>} : memref<64x128xf32, #tpu.memory_space<vmem>>, vector<1x16xf32>,
          %swap3A_208 = vector.shape_cast %swap3A_207 : vector<1x16xf32> to vector<16xf32>
          %swap3A_209 = vector.shape_cast %max3A_200 : vector<16xf32> to vector<1x16xf32>
          tpu.vector_store %arg12[%swap3A_205, %swap3A_206], %swap3A_209 {strides = array<i32>} : memref<64x128xf32, #tpu.memory_space<vmem>>, vector<1x16xf32>,
          %mul3A_210 = arith.constant 2 : i32
          %mul3A_211 = arith.muli %mul3A_210, %scan3A_96 : i32
          %add3A_212 = arith.constant 0 : i32
          %add3A_213 = arith.addi %mul3A_211, %add3A_212 : i32
          %get3A_214 = arith.index_cast %add3A_213 : i32 to index
          %get3A_215 = arith.constant 64 : index
          %get3A_216 = tpu.vector_load %arg12[%get3A_214, %get3A_215] {strides = array<i32>} : memref<64x128xf32, #tpu.memory_space<vmem>>, vector<1x16xf32>,
          %get3A_217 = vector.shape_cast %get3A_216 : vector<1x16xf32> to vector<16xf32>
          %mul3A_218 = arith.constant 2 : i32
          %mul3A_219 = arith.muli %mul3A_218, %scan3A_96 : i32
          %add3A_220 = arith.constant 0 : i32
          %add3A_221 = arith.addi %mul3A_219, %add3A_220 : i32
          %get3A_222 = arith.index_cast %add3A_221 : i32 to index
          %get3A_223 = arith.constant 64 : index
          %get3A_224 = tpu.vector_load %arg13[%get3A_222, %get3A_223] {strides = array<i32>} : memref<64x128xf32, #tpu.memory_space<vmem>>, vector<1x16xf32>,
          %get3A_225 = vector.shape_cast %get3A_224 : vector<1x16xf32> to vector<16xf32>
          %add3A_226 = arith.addf %get3A_217, %get3A_225 : vector<16xf32>
          %max3A_227 = arith.constant 0.000000e+00 : f32
          %max3A_228 = vector.broadcast %max3A_227 : f32 to vector<16xf32>
          %max3A_229 = arith.maximumf %add3A_226, %max3A_228 : vector<16xf32>
          %mul3A_230 = arith.constant 2 : i32
          %mul3A_231 = arith.muli %mul3A_230, %scan3A_96 : i32
          %add3A_232 = arith.constant 0 : i32
          %add3A_233 = arith.addi %mul3A_231, %add3A_232 : i32
          %swap3A_234 = arith.index_cast %add3A_233 : i32 to index
          %swap3A_235 = arith.constant 64 : index
          %swap3A_236 = tpu.vector_load %arg12[%swap3A_234, %swap3A_235] {strides = array<i32>} : memref<64x128xf32, #tpu.memory_space<vmem>>, vector<1x16xf32>,
          %swap3A_237 = vector.shape_cast %swap3A_236 : vector<1x16xf32> to vector<16xf32>
          %swap3A_238 = vector.shape_cast %max3A_229 : vector<16xf32> to vector<1x16xf32>
          tpu.vector_store %arg12[%swap3A_234, %swap3A_235], %swap3A_238 {strides = array<i32>} : memref<64x128xf32, #tpu.memory_space<vmem>>, vector<1x16xf32>,
          %mul3A_239 = arith.constant 2 : i32
          %mul3A_240 = arith.muli %mul3A_239, %scan3A_96 : i32
          %add3A_241 = arith.constant 0 : i32
          %add3A_242 = arith.addi %mul3A_240, %add3A_241 : i32
          %get3A_243 = arith.index_cast %add3A_242 : i32 to index
          %get3A_244 = arith.constant 80 : index
          %get3A_245 = tpu.vector_load %arg12[%get3A_243, %get3A_244] {strides = array<i32>} : memref<64x128xf32, #tpu.memory_space<vmem>>, vector<1x16xf32>,
          %get3A_246 = vector.shape_cast %get3A_245 : vector<1x16xf32> to vector<16xf32>
          %mul3A_247 = arith.constant 2 : i32
          %mul3A_248 = arith.muli %mul3A_247, %scan3A_96 : i32
          %add3A_249 = arith.constant 0 : i32
          %add3A_250 = arith.addi %mul3A_248, %add3A_249 : i32
          %get3A_251 = arith.index_cast %add3A_250 : i32 to index
          %get3A_252 = arith.constant 80 : index
          %get3A_253 = tpu.vector_load %arg13[%get3A_251, %get3A_252] {strides = array<i32>} : memref<64x128xf32, #tpu.memory_space<vmem>>, vector<1x16xf32>,
          %get3A_254 = vector.shape_cast %get3A_253 : vector<1x16xf32> to vector<16xf32>
          %add3A_255 = arith.addf %get3A_246, %get3A_254 : vector<16xf32>
          %max3A_256 = arith.constant 0.000000e+00 : f32
          %max3A_257 = vector.broadcast %max3A_256 : f32 to vector<16xf32>
          %max3A_258 = arith.maximumf %add3A_255, %max3A_257 : vector<16xf32>
          %mul3A_259 = arith.constant 2 : i32
          %mul3A_260 = arith.muli %mul3A_259, %scan3A_96 : i32
          %add3A_261 = arith.constant 0 : i32
          %add3A_262 = arith.addi %mul3A_260, %add3A_261 : i32
          %swap3A_263 = arith.index_cast %add3A_262 : i32 to index
          %swap3A_264 = arith.constant 80 : index
          %swap3A_265 = tpu.vector_load %arg12[%swap3A_263, %swap3A_264] {strides = array<i32>} : memref<64x128xf32, #tpu.memory_space<vmem>>, vector<1x16xf32>,
          %swap3A_266 = vector.shape_cast %swap3A_265 : vector<1x16xf32> to vector<16xf32>
          %swap3A_267 = vector.shape_cast %max3A_258 : vector<16xf32> to vector<1x16xf32>
          tpu.vector_store %arg12[%swap3A_263, %swap3A_264], %swap3A_267 {strides = array<i32>} : memref<64x128xf32, #tpu.memory_space<vmem>>, vector<1x16xf32>,
          %mul3A_268 = arith.constant 2 : i32
          %mul3A_269 = arith.muli %mul3A_268, %scan3A_96 : i32
          %add3A_270 = arith.constant 0 : i32
          %add3A_271 = arith.addi %mul3A_269, %add3A_270 : i32
          %get3A_272 = arith.index_cast %add3A_271 : i32 to index
          %get3A_273 = arith.constant 96 : index
          %get3A_274 = tpu.vector_load %arg12[%get3A_272, %get3A_273] {strides = array<i32>} : memref<64x128xf32, #tpu.memory_space<vmem>>, vector<1x16xf32>,
          %get3A_275 = vector.shape_cast %get3A_274 : vector<1x16xf32> to vector<16xf32>
          %mul3A_276 = arith.constant 2 : i32
          %mul3A_277 = arith.muli %mul3A_276, %scan3A_96 : i32
          %add3A_278 = arith.constant 0 : i32
          %add3A_279 = arith.addi %mul3A_277, %add3A_278 : i32
          %get3A_280 = arith.index_cast %add3A_279 : i32 to index
          %get3A_281 = arith.constant 96 : index
          %get3A_282 = tpu.vector_load %arg13[%get3A_280, %get3A_281] {strides = array<i32>} : memref<64x128xf32, #tpu.memory_space<vmem>>, vector<1x16xf32>,
          %get3A_283 = vector.shape_cast %get3A_282 : vector<1x16xf32> to vector<16xf32>
          %add3A_284 = arith.addf %get3A_275, %get3A_283 : vector<16xf32>
          %max3A_285 = arith.constant 0.000000e+00 : f32
          %max3A_286 = vector.broadcast %max3A_285 : f32 to vector<16xf32>
          %max3A_287 = arith.maximumf %add3A_284, %max3A_286 : vector<16xf32>
          %mul3A_288 = arith.constant 2 : i32
          %mul3A_289 = arith.muli %mul3A_288, %scan3A_96 : i32
          %add3A_290 = arith.constant 0 : i32
          %add3A_291 = arith.addi %mul3A_289, %add3A_290 : i32
          %swap3A_292 = arith.index_cast %add3A_291 : i32 to index
          %swap3A_293 = arith.constant 96 : index
          %swap3A_294 = tpu.vector_load %arg12[%swap3A_292, %swap3A_293] {strides = array<i32>} : memref<64x128xf32, #tpu.memory_space<vmem>>, vector<1x16xf32>,
          %swap3A_295 = vector.shape_cast %swap3A_294 : vector<1x16xf32> to vector<16xf32>
          %swap3A_296 = vector.shape_cast %max3A_287 : vector<16xf32> to vector<1x16xf32>
          tpu.vector_store %arg12[%swap3A_292, %swap3A_293], %swap3A_296 {strides = array<i32>} : memref<64x128xf32, #tpu.memory_space<vmem>>, vector<1x16xf32>,
          %mul3A_297 = arith.constant 2 : i32
          %mul3A_298 = arith.muli %mul3A_297, %scan3A_96 : i32
          %add3A_299 = arith.constant 0 : i32
          %add3A_300 = arith.addi %mul3A_298, %add3A_299 : i32
          %get3A_301 = arith.index_cast %add3A_300 : i32 to index
          %get3A_302 = arith.constant 112 : index
          %get3A_303 = tpu.vector_load %arg12[%get3A_301, %get3A_302] {strides = array<i32>} : memref<64x128xf32, #tpu.memory_space<vmem>>, vector<1x16xf32>,
          %get3A_304 = vector.shape_cast %get3A_303 : vector<1x16xf32> to vector<16xf32>
          %mul3A_305 = arith.constant 2 : i32
          %mul3A_306 = arith.muli %mul3A_305, %scan3A_96 : i32
          %add3A_307 = arith.constant 0 : i32
          %add3A_308 = arith.addi %mul3A_306, %add3A_307 : i32
          %get3A_309 = arith.index_cast %add3A_308 : i32 to index
          %get3A_310 = arith.constant 112 : index
          %get3A_311 = tpu.vector_load %arg13[%get3A_309, %get3A_310] {strides = array<i32>} : memref<64x128xf32, #tpu.memory_space<vmem>>, vector<1x16xf32>,
          %get3A_312 = vector.shape_cast %get3A_311 : vector<1x16xf32> to vector<16xf32>
          %add3A_313 = arith.addf %get3A_304, %get3A_312 : vector<16xf32>
          %max3A_314 = arith.constant 0.000000e+00 : f32
          %max3A_315 = vector.broadcast %max3A_314 : f32 to vector<16xf32>
          %max3A_316 = arith.maximumf %add3A_313, %max3A_315 : vector<16xf32>
          %mul3A_317 = arith.constant 2 : i32
          %mul3A_318 = arith.muli %mul3A_317, %scan3A_96 : i32
          %add3A_319 = arith.constant 0 : i32
          %add3A_320 = arith.addi %mul3A_318, %add3A_319 : i32
          %swap3A_321 = arith.index_cast %add3A_320 : i32 to index
          %swap3A_322 = arith.constant 112 : index
          %swap3A_323 = tpu.vector_load %arg12[%swap3A_321, %swap3A_322] {strides = array<i32>} : memref<64x128xf32, #tpu.memory_space<vmem>>, vector<1x16xf32>,
          %swap3A_324 = vector.shape_cast %swap3A_323 : vector<1x16xf32> to vector<16xf32>
          %swap3A_325 = vector.shape_cast %max3A_316 : vector<16xf32> to vector<1x16xf32>
          tpu.vector_store %arg12[%swap3A_321, %swap3A_322], %swap3A_325 {strides = array<i32>} : memref<64x128xf32, #tpu.memory_space<vmem>>, vector<1x16xf32>,
          %mul3A_326 = arith.constant 2 : i32
          %mul3A_327 = arith.muli %mul3A_326, %scan3A_96 : i32
          %add3A_328 = arith.constant 1 : i32
          %add3A_329 = arith.addi %mul3A_327, %add3A_328 : i32
          %get3A_330 = arith.index_cast %add3A_329 : i32 to index
          %get3A_331 = arith.constant 0 : index
          %get3A_332 = tpu.vector_load %arg12[%get3A_330, %get3A_331] {strides = array<i32>} : memref<64x128xf32, #tpu.memory_space<vmem>>, vector<1x16xf32>,
          %get3A_333 = vector.shape_cast %get3A_332 : vector<1x16xf32> to vector<16xf32>
          %mul3A_334 = arith.constant 2 : i32
          %mul3A_335 = arith.muli %mul3A_334, %scan3A_96 : i32
          %add3A_336 = arith.constant 1 : i32
          %add3A_337 = arith.addi %mul3A_335, %add3A_336 : i32
          %get3A_338 = arith.index_cast %add3A_337 : i32 to index
          %get3A_339 = arith.constant 0 : index
          %get3A_340 = tpu.vector_load %arg13[%get3A_338, %get3A_339] {strides = array<i32>} : memref<64x128xf32, #tpu.memory_space<vmem>>, vector<1x16xf32>,
          %get3A_341 = vector.shape_cast %get3A_340 : vector<1x16xf32> to vector<16xf32>
          %add3A_342 = arith.addf %get3A_333, %get3A_341 : vector<16xf32>
          %max3A_343 = arith.constant 0.000000e+00 : f32
          %max3A_344 = vector.broadcast %max3A_343 : f32 to vector<16xf32>
          %max3A_345 = arith.maximumf %add3A_342, %max3A_344 : vector<16xf32>
          %mul3A_346 = arith.constant 2 : i32
          %mul3A_347 = arith.muli %mul3A_346, %scan3A_96 : i32
          %add3A_348 = arith.constant 1 : i32
          %add3A_349 = arith.addi %mul3A_347, %add3A_348 : i32
          %swap3A_350 = arith.index_cast %add3A_349 : i32 to index
          %swap3A_351 = arith.constant 0 : index
          %swap3A_352 = tpu.vector_load %arg12[%swap3A_350, %swap3A_351] {strides = array<i32>} : memref<64x128xf32, #tpu.memory_space<vmem>>, vector<1x16xf32>,
          %swap3A_353 = vector.shape_cast %swap3A_352 : vector<1x16xf32> to vector<16xf32>
          %swap3A_354 = vector.shape_cast %max3A_345 : vector<16xf32> to vector<1x16xf32>
          tpu.vector_store %arg12[%swap3A_350, %swap3A_351], %swap3A_354 {strides = array<i32>} : memref<64x128xf32, #tpu.memory_space<vmem>>, vector<1x16xf32>,
          %mul3A_355 = arith.constant 2 : i32
          %mul3A_356 = arith.muli %mul3A_355, %scan3A_96 : i32
          %add3A_357 = arith.constant 1 : i32
          %add3A_358 = arith.addi %mul3A_356, %add3A_357 : i32
          %get3A_359 = arith.index_cast %add3A_358 : i32 to index
          %get3A_360 = arith.constant 16 : index
          %get3A_361 = tpu.vector_load %arg12[%get3A_359, %get3A_360] {strides = array<i32>} : memref<64x128xf32, #tpu.memory_space<vmem>>, vector<1x16xf32>,
          %get3A_362 = vector.shape_cast %get3A_361 : vector<1x16xf32> to vector<16xf32>
          %mul3A_363 = arith.constant 2 : i32
          %mul3A_364 = arith.muli %mul3A_363, %scan3A_96 : i32
          %add3A_365 = arith.constant 1 : i32
          %add3A_366 = arith.addi %mul3A_364, %add3A_365 : i32
          %get3A_367 = arith.index_cast %add3A_366 : i32 to index
          %get3A_368 = arith.constant 16 : index
          %get3A_369 = tpu.vector_load %arg13[%get3A_367, %get3A_368] {strides = array<i32>} : memref<64x128xf32, #tpu.memory_space<vmem>>, vector<1x16xf32>,
          %get3A_370 = vector.shape_cast %get3A_369 : vector<1x16xf32> to vector<16xf32>
          %add3A_371 = arith.addf %get3A_362, %get3A_370 : vector<16xf32>
          %max3A_372 = arith.constant 0.000000e+00 : f32
          %max3A_373 = vector.broadcast %max3A_372 : f32 to vector<16xf32>
          %max3A_374 = arith.maximumf %add3A_371, %max3A_373 : vector<16xf32>
          %mul3A_375 = arith.constant 2 : i32
          %mul3A_376 = arith.muli %mul3A_375, %scan3A_96 : i32
          %add3A_377 = arith.constant 1 : i32
          %add3A_378 = arith.addi %mul3A_376, %add3A_377 : i32
          %swap3A_379 = arith.index_cast %add3A_378 : i32 to index
          %swap3A_380 = arith.constant 16 : index
          %swap3A_381 = tpu.vector_load %arg12[%swap3A_379, %swap3A_380] {strides = array<i32>} : memref<64x128xf32, #tpu.memory_space<vmem>>, vector<1x16xf32>,
          %swap3A_382 = vector.shape_cast %swap3A_381 : vector<1x16xf32> to vector<16xf32>
          %swap3A_383 = vector.shape_cast %max3A_374 : vector<16xf32> to vector<1x16xf32>
          tpu.vector_store %arg12[%swap3A_379, %swap3A_380], %swap3A_383 {strides = array<i32>} : memref<64x128xf32, #tpu.memory_space<vmem>>, vector<1x16xf32>,
          %mul3A_384 = arith.constant 2 : i32
          %mul3A_385 = arith.muli %mul3A_384, %scan3A_96 : i32
          %add3A_386 = arith.constant 1 : i32
          %add3A_387 = arith.addi %mul3A_385, %add3A_386 : i32
          %get3A_388 = arith.index_cast %add3A_387 : i32 to index
          %get3A_389 = arith.constant 32 : index
          %get3A_390 = tpu.vector_load %arg12[%get3A_388, %get3A_389] {strides = array<i32>} : memref<64x128xf32, #tpu.memory_space<vmem>>, vector<1x16xf32>,
          %get3A_391 = vector.shape_cast %get3A_390 : vector<1x16xf32> to vector<16xf32>
          %mul3A_392 = arith.constant 2 : i32
          %mul3A_393 = arith.muli %mul3A_392, %scan3A_96 : i32
          %add3A_394 = arith.constant 1 : i32
          %add3A_395 = arith.addi %mul3A_393, %add3A_394 : i32
          %get3A_396 = arith.index_cast %add3A_395 : i32 to index
          %get3A_397 = arith.constant 32 : index
          %get3A_398 = tpu.vector_load %arg13[%get3A_396, %get3A_397] {strides = array<i32>} : memref<64x128xf32, #tpu.memory_space<vmem>>, vector<1x16xf32>,
          %get3A_399 = vector.shape_cast %get3A_398 : vector<1x16xf32> to vector<16xf32>
          %add3A_400 = arith.addf %get3A_391, %get3A_399 : vector<16xf32>
          %max3A_401 = arith.constant 0.000000e+00 : f32
          %max3A_402 = vector.broadcast %max3A_401 : f32 to vector<16xf32>
          %max3A_403 = arith.maximumf %add3A_400, %max3A_402 : vector<16xf32>
          %mul3A_404 = arith.constant 2 : i32
          %mul3A_405 = arith.muli %mul3A_404, %scan3A_96 : i32
          %add3A_406 = arith.constant 1 : i32
          %add3A_407 = arith.addi %mul3A_405, %add3A_406 : i32
          %swap3A_408 = arith.index_cast %add3A_407 : i32 to index
          %swap3A_409 = arith.constant 32 : index
          %swap3A_410 = tpu.vector_load %arg12[%swap3A_408, %swap3A_409] {strides = array<i32>} : memref<64x128xf32, #tpu.memory_space<vmem>>, vector<1x16xf32>,
          %swap3A_411 = vector.shape_cast %swap3A_410 : vector<1x16xf32> to vector<16xf32>
          %swap3A_412 = vector.shape_cast %max3A_403 : vector<16xf32> to vector<1x16xf32>
          tpu.vector_store %arg12[%swap3A_408, %swap3A_409], %swap3A_412 {strides = array<i32>} : memref<64x128xf32, #tpu.memory_space<vmem>>, vector<1x16xf32>,
          %mul3A_413 = arith.constant 2 : i32
          %mul3A_414 = arith.muli %mul3A_413, %scan3A_96 : i32
          %add3A_415 = arith.constant 1 : i32
          %add3A_416 = arith.addi %mul3A_414, %add3A_415 : i32
          %get3A_417 = arith.index_cast %add3A_416 : i32 to index
          %get3A_418 = arith.constant 48 : index
          %get3A_419 = tpu.vector_load %arg12[%get3A_417, %get3A_418] {strides = array<i32>} : memref<64x128xf32, #tpu.memory_space<vmem>>, vector<1x16xf32>,
          %get3A_420 = vector.shape_cast %get3A_419 : vector<1x16xf32> to vector<16xf32>
          %mul3A_421 = arith.constant 2 : i32
          %mul3A_422 = arith.muli %mul3A_421, %scan3A_96 : i32
          %add3A_423 = arith.constant 1 : i32
          %add3A_424 = arith.addi %mul3A_422, %add3A_423 : i32
          %get3A_425 = arith.index_cast %add3A_424 : i32 to index
          %get3A_426 = arith.constant 48 : index
          %get3A_427 = tpu.vector_load %arg13[%get3A_425, %get3A_426] {strides = array<i32>} : memref<64x128xf32, #tpu.memory_space<vmem>>, vector<1x16xf32>,
          %get3A_428 = vector.shape_cast %get3A_427 : vector<1x16xf32> to vector<16xf32>
          %add3A_429 = arith.addf %get3A_420, %get3A_428 : vector<16xf32>
          %max3A_430 = arith.constant 0.000000e+00 : f32
          %max3A_431 = vector.broadcast %max3A_430 : f32 to vector<16xf32>
          %max3A_432 = arith.maximumf %add3A_429, %max3A_431 : vector<16xf32>
          %mul3A_433 = arith.constant 2 : i32
          %mul3A_434 = arith.muli %mul3A_433, %scan3A_96 : i32
          %add3A_435 = arith.constant 1 : i32
          %add3A_436 = arith.addi %mul3A_434, %add3A_435 : i32
          %swap3A_437 = arith.index_cast %add3A_436 : i32 to index
          %swap3A_438 = arith.constant 48 : index
          %swap3A_439 = tpu.vector_load %arg12[%swap3A_437, %swap3A_438] {strides = array<i32>} : memref<64x128xf32, #tpu.memory_space<vmem>>, vector<1x16xf32>,
          %swap3A_440 = vector.shape_cast %swap3A_439 : vector<1x16xf32> to vector<16xf32>
          %swap3A_441 = vector.shape_cast %max3A_432 : vector<16xf32> to vector<1x16xf32>
          tpu.vector_store %arg12[%swap3A_437, %swap3A_438], %swap3A_441 {strides = array<i32>} : memref<64x128xf32, #tpu.memory_space<vmem>>, vector<1x16xf32>,
          %mul3A_442 = arith.constant 2 : i32
          %mul3A_443 = arith.muli %mul3A_442, %scan3A_96 : i32
          %add3A_444 = arith.constant 1 : i32
          %add3A_445 = arith.addi %mul3A_443, %add3A_444 : i32
          %get3A_446 = arith.index_cast %add3A_445 : i32 to index
          %get3A_447 = arith.constant 64 : index
          %get3A_448 = tpu.vector_load %arg12[%get3A_446, %get3A_447] {strides = array<i32>} : memref<64x128xf32, #tpu.memory_space<vmem>>, vector<1x16xf32>,
          %get3A_449 = vector.shape_cast %get3A_448 : vector<1x16xf32> to vector<16xf32>
          %mul3A_450 = arith.constant 2 : i32
          %mul3A_451 = arith.muli %mul3A_450, %scan3A_96 : i32
          %add3A_452 = arith.constant 1 : i32
          %add3A_453 = arith.addi %mul3A_451, %add3A_452 : i32
          %get3A_454 = arith.index_cast %add3A_453 : i32 to index
          %get3A_455 = arith.constant 64 : index
          %get3A_456 = tpu.vector_load %arg13[%get3A_454, %get3A_455] {strides = array<i32>} : memref<64x128xf32, #tpu.memory_space<vmem>>, vector<1x16xf32>,
          %get3A_457 = vector.shape_cast %get3A_456 : vector<1x16xf32> to vector<16xf32>
          %add3A_458 = arith.addf %get3A_449, %get3A_457 : vector<16xf32>
          %max3A_459 = arith.constant 0.000000e+00 : f32
          %max3A_460 = vector.broadcast %max3A_459 : f32 to vector<16xf32>
          %max3A_461 = arith.maximumf %add3A_458, %max3A_460 : vector<16xf32>
          %mul3A_462 = arith.constant 2 : i32
          %mul3A_463 = arith.muli %mul3A_462, %scan3A_96 : i32
          %add3A_464 = arith.constant 1 : i32
          %add3A_465 = arith.addi %mul3A_463, %add3A_464 : i32
          %swap3A_466 = arith.index_cast %add3A_465 : i32 to index
          %swap3A_467 = arith.constant 64 : index
          %swap3A_468 = tpu.vector_load %arg12[%swap3A_466, %swap3A_467] {strides = array<i32>} : memref<64x128xf32, #tpu.memory_space<vmem>>, vector<1x16xf32>,
          %swap3A_469 = vector.shape_cast %swap3A_468 : vector<1x16xf32> to vector<16xf32>
          %swap3A_470 = vector.shape_cast %max3A_461 : vector<16xf32> to vector<1x16xf32>
          tpu.vector_store %arg12[%swap3A_466, %swap3A_467], %swap3A_470 {strides = array<i32>} : memref<64x128xf32, #tpu.memory_space<vmem>>, vector<1x16xf32>,
          %mul3A_471 = arith.constant 2 : i32
          %mul3A_472 = arith.muli %mul3A_471, %scan3A_96 : i32
          %add3A_473 = arith.constant 1 : i32
          %add3A_474 = arith.addi %mul3A_472, %add3A_473 : i32
          %get3A_475 = arith.index_cast %add3A_474 : i32 to index
          %get3A_476 = arith.constant 80 : index
          %get3A_477 = tpu.vector_load %arg12[%get3A_475, %get3A_476] {strides = array<i32>} : memref<64x128xf32, #tpu.memory_space<vmem>>, vector<1x16xf32>,
          %get3A_478 = vector.shape_cast %get3A_477 : vector<1x16xf32> to vector<16xf32>
          %mul3A_479 = arith.constant 2 : i32
          %mul3A_480 = arith.muli %mul3A_479, %scan3A_96 : i32
          %add3A_481 = arith.constant 1 : i32
          %add3A_482 = arith.addi %mul3A_480, %add3A_481 : i32
          %get3A_483 = arith.index_cast %add3A_482 : i32 to index
          %get3A_484 = arith.constant 80 : index
          %get3A_485 = tpu.vector_load %arg13[%get3A_483, %get3A_484] {strides = array<i32>} : memref<64x128xf32, #tpu.memory_space<vmem>>, vector<1x16xf32>,
          %get3A_486 = vector.shape_cast %get3A_485 : vector<1x16xf32> to vector<16xf32>
          %add3A_487 = arith.addf %get3A_478, %get3A_486 : vector<16xf32>
          %max3A_488 = arith.constant 0.000000e+00 : f32
          %max3A_489 = vector.broadcast %max3A_488 : f32 to vector<16xf32>
          %max3A_490 = arith.maximumf %add3A_487, %max3A_489 : vector<16xf32>
          %mul3A_491 = arith.constant 2 : i32
          %mul3A_492 = arith.muli %mul3A_491, %scan3A_96 : i32
          %add3A_493 = arith.constant 1 : i32
          %add3A_494 = arith.addi %mul3A_492, %add3A_493 : i32
          %swap3A_495 = arith.index_cast %add3A_494 : i32 to index
          %swap3A_496 = arith.constant 80 : index
          %swap3A_497 = tpu.vector_load %arg12[%swap3A_495, %swap3A_496] {strides = array<i32>} : memref<64x128xf32, #tpu.memory_space<vmem>>, vector<1x16xf32>,
          %swap3A_498 = vector.shape_cast %swap3A_497 : vector<1x16xf32> to vector<16xf32>
          %swap3A_499 = vector.shape_cast %max3A_490 : vector<16xf32> to vector<1x16xf32>
          tpu.vector_store %arg12[%swap3A_495, %swap3A_496], %swap3A_499 {strides = array<i32>} : memref<64x128xf32, #tpu.memory_space<vmem>>, vector<1x16xf32>,
          %mul3A_500 = arith.constant 2 : i32
          %mul3A_501 = arith.muli %mul3A_500, %scan3A_96 : i32
          %add3A_502 = arith.constant 1 : i32
          %add3A_503 = arith.addi %mul3A_501, %add3A_502 : i32
          %get3A_504 = arith.index_cast %add3A_503 : i32 to index
          %get3A_505 = arith.constant 96 : index
          %get3A_506 = tpu.vector_load %arg12[%get3A_504, %get3A_505] {strides = array<i32>} : memref<64x128xf32, #tpu.memory_space<vmem>>, vector<1x16xf32>,
          %get3A_507 = vector.shape_cast %get3A_506 : vector<1x16xf32> to vector<16xf32>
          %mul3A_508 = arith.constant 2 : i32
          %mul3A_509 = arith.muli %mul3A_508, %scan3A_96 : i32
          %add3A_510 = arith.constant 1 : i32
          %add3A_511 = arith.addi %mul3A_509, %add3A_510 : i32
          %get3A_512 = arith.index_cast %add3A_511 : i32 to index
          %get3A_513 = arith.constant 96 : index
          %get3A_514 = tpu.vector_load %arg13[%get3A_512, %get3A_513] {strides = array<i32>} : memref<64x128xf32, #tpu.memory_space<vmem>>, vector<1x16xf32>,
          %get3A_515 = vector.shape_cast %get3A_514 : vector<1x16xf32> to vector<16xf32>
          %add3A_516 = arith.addf %get3A_507, %get3A_515 : vector<16xf32>
          %max3A_517 = arith.constant 0.000000e+00 : f32
          %max3A_518 = vector.broadcast %max3A_517 : f32 to vector<16xf32>
          %max3A_519 = arith.maximumf %add3A_516, %max3A_518 : vector<16xf32>
          %mul3A_520 = arith.constant 2 : i32
          %mul3A_521 = arith.muli %mul3A_520, %scan3A_96 : i32
          %add3A_522 = arith.constant 1 : i32
          %add3A_523 = arith.addi %mul3A_521, %add3A_522 : i32
          %swap3A_524 = arith.index_cast %add3A_523 : i32 to index
          %swap3A_525 = arith.constant 96 : index
          %swap3A_526 = tpu.vector_load %arg12[%swap3A_524, %swap3A_525] {strides = array<i32>} : memref<64x128xf32, #tpu.memory_space<vmem>>, vector<1x16xf32>,
          %swap3A_527 = vector.shape_cast %swap3A_526 : vector<1x16xf32> to vector<16xf32>
          %swap3A_528 = vector.shape_cast %max3A_519 : vector<16xf32> to vector<1x16xf32>
          tpu.vector_store %arg12[%swap3A_524, %swap3A_525], %swap3A_528 {strides = array<i32>} : memref<64x128xf32, #tpu.memory_space<vmem>>, vector<1x16xf32>,
          %mul3A_529 = arith.constant 2 : i32
          %mul3A_530 = arith.muli %mul3A_529, %scan3A_96 : i32
          %add3A_531 = arith.constant 1 : i32
          %add3A_532 = arith.addi %mul3A_530, %add3A_531 : i32
          %get3A_533 = arith.index_cast %add3A_532 : i32 to index
          %get3A_534 = arith.constant 112 : index
          %get3A_535 = tpu.vector_load %arg12[%get3A_533, %get3A_534] {strides = array<i32>} : memref<64x128xf32, #tpu.memory_space<vmem>>, vector<1x16xf32>,
          %get3A_536 = vector.shape_cast %get3A_535 : vector<1x16xf32> to vector<16xf32>
          %mul3A_537 = arith.constant 2 : i32
          %mul3A_538 = arith.muli %mul3A_537, %scan3A_96 : i32
          %add3A_539 = arith.constant 1 : i32
          %add3A_540 = arith.addi %mul3A_538, %add3A_539 : i32
          %get3A_541 = arith.index_cast %add3A_540 : i32 to index
          %get3A_542 = arith.constant 112 : index
          %get3A_543 = tpu.vector_load %arg13[%get3A_541, %get3A_542] {strides = array<i32>} : memref<64x128xf32, #tpu.memory_space<vmem>>, vector<1x16xf32>,
          %get3A_544 = vector.shape_cast %get3A_543 : vector<1x16xf32> to vector<16xf32>
          %add3A_545 = arith.addf %get3A_536, %get3A_544 : vector<16xf32>
          %max3A_546 = arith.constant 0.000000e+00 : f32
          %max3A_547 = vector.broadcast %max3A_546 : f32 to vector<16xf32>
          %max3A_548 = arith.maximumf %add3A_545, %max3A_547 : vector<16xf32>
          %mul3A_549 = arith.constant 2 : i32
          %mul3A_550 = arith.muli %mul3A_549, %scan3A_96 : i32
          %add3A_551 = arith.constant 1 : i32
          %add3A_552 = arith.addi %mul3A_550, %add3A_551 : i32
          %swap3A_553 = arith.index_cast %add3A_552 : i32 to index
          %swap3A_554 = arith.constant 112 : index
          %swap3A_555 = tpu.vector_load %arg12[%swap3A_553, %swap3A_554] {strides = array<i32>} : memref<64x128xf32, #tpu.memory_space<vmem>>, vector<1x16xf32>,
          %swap3A_556 = vector.shape_cast %swap3A_555 : vector<1x16xf32> to vector<16xf32>
          %swap3A_557 = vector.shape_cast %max3A_548 : vector<16xf32> to vector<1x16xf32>
          tpu.vector_store %arg12[%swap3A_553, %swap3A_554], %swap3A_557 {strides = array<i32>} : memref<64x128xf32, #tpu.memory_space<vmem>>, vector<1x16xf32>,
        }
        %scan3A_95 = arith.constant 32 : i32
        "tpu.region"() ({
          %run_scoped3A = tpu.sem_alloc : memref<!tpu.dma_semaphore, #tpu.memory_space<semaphore_mem>>
          %dma_start3A_96 = arith.constant 0 : i32
          %dma_start3A_97 = tpu.memref_slice %arg9[%add3A_41, %dma_start3A_96] : memref<32x64xi32, #tpu.memory_space<vmem>> -> memref<1x64xi32, #tpu.memory_space<vmem>>
          %dma_start3A_98 = tpu.memref_squeeze %dma_start3A_97 : memref<1x64xi32, #tpu.memory_space<vmem>> -> memref<64xi32, #tpu.memory_space<vmem>>
          %dma_start3A_99 = arith.constant 0 : i32
          %dma_start3A_100 = arith.constant 0 : i32
          %dma_start3A_101 = tpu.memref_slice %arg14[%dma_start3A_99, %dma_start3A_100] : memref<10112x128xf32, #tpu.memory_space<vmem_shared>> -> memref<10112x128xf32, #tpu.memory_space<vmem_shared>>
          tpu.enqueue_indirect_dma source(%arg12 : memref<64x128xf32, #tpu.memory_space<vmem>>) target(%dma_start3A_101 : memref<10112x128xf32, #tpu.memory_space<vmem_shared>>) offsets(%dma_start3A_98 : memref<64xi32, #tpu.memory_space<vmem>>) semaphore(%run_scoped3A : memref<!tpu.dma_semaphore, #tpu.memory_space<semaphore_mem>>) {add = true}
          %dma_wait3A_102 = arith.constant 0 : i32
          %dma_wait3A_103 = tpu.memref_slice %arg9[%add3A_41, %dma_wait3A_102] : memref<32x64xi32, #tpu.memory_space<vmem>> -> memref<1x64xi32, #tpu.memory_space<vmem>>
          %dma_wait3A_104 = tpu.memref_squeeze %dma_wait3A_103 : memref<1x64xi32, #tpu.memory_space<vmem>> -> memref<64xi32, #tpu.memory_space<vmem>>
          %dma_wait3A_105 = arith.constant 0 : i32
          %dma_wait3A_106 = arith.constant 0 : i32
          %dma_wait3A_107 = tpu.memref_slice %arg14[%dma_wait3A_105, %dma_wait3A_106] : memref<10112x128xf32, #tpu.memory_space<vmem_shared>> -> memref<10112x128xf32, #tpu.memory_space<vmem_shared>>
          tpu.wait_indirect_dma semaphore(%run_scoped3A : memref<!tpu.dma_semaphore, #tpu.memory_space<semaphore_mem>>) src(%arg12 : memref<64x128xf32, #tpu.memory_space<vmem>>) dst(%dma_wait3A_107 : memref<10112x128xf32, #tpu.memory_space<vmem_shared>>)
          tpu.yield
        }) : () -> ()
      }
      %scan3A_34 = arith.constant 16 : i32
    }
    %scan3A_7 = arith.constant 5 : i32
    %barrier3A_8 = arith.constant 0 : index
    tpu.barrier barrier_id(%barrier3A_8)
    "tpu.region"() ({
      %run_scoped3A = tpu.sem_alloc : memref<!tpu.dma_semaphore, #tpu.memory_space<semaphore_mem>>
      %dma_start3A = arith.constant 0 : i32
      %dma_start3A_9 = tpu.memref_slice %arg7[%arg0, %mul3A_2, %dma_start3A] : memref<2x10112x128xf32, #tpu.memory_space<hbm>> -> memref<1x632x128xf32, #tpu.memory_space<hbm>>
      %dma_start3A_10 = tpu.memref_squeeze %dma_start3A_9 : memref<1x632x128xf32, #tpu.memory_space<hbm>> -> memref<632x128xf32, #tpu.memory_space<hbm>>
      %dma_start3A_11 = arith.constant 0 : i32
      %dma_start3A_12 = tpu.memref_slice %arg14[%mul3A_2, %dma_start3A_11] : memref<10112x128xf32, #tpu.memory_space<vmem_shared>> -> memref<632x128xf32, #tpu.memory_space<vmem_shared>>
      tpu.enqueue_dma source(%dma_start3A_12 : memref<632x128xf32, #tpu.memory_space<vmem_shared>>) target(%dma_start3A_10 : memref<632x128xf32, #tpu.memory_space<hbm>>) target_semaphore(%run_scoped3A : memref<!tpu.dma_semaphore, #tpu.memory_space<semaphore_mem>>)
      %dma_wait3A = arith.constant 0 : i32
      %dma_wait3A_13 = tpu.memref_slice %arg7[%arg0, %mul3A_2, %dma_wait3A] : memref<2x10112x128xf32, #tpu.memory_space<hbm>> -> memref<1x632x128xf32, #tpu.memory_space<hbm>>
      %dma_wait3A_14 = tpu.memref_squeeze %dma_wait3A_13 : memref<1x632x128xf32, #tpu.memory_space<hbm>> -> memref<632x128xf32, #tpu.memory_space<hbm>>
      %dma_wait3A_15 = arith.constant 0 : i32
      %dma_wait3A_16 = tpu.memref_slice %arg14[%mul3A_2, %dma_wait3A_15] : memref<10112x128xf32, #tpu.memory_space<vmem_shared>> -> memref<632x128xf32, #tpu.memory_space<vmem_shared>>
      tpu.wait_dma2 semaphore(%run_scoped3A : memref<!tpu.dma_semaphore, #tpu.memory_space<semaphore_mem>>) src(%dma_wait3A_16 : memref<632x128xf32, #tpu.memory_space<vmem_shared>>) dst(%dma_wait3A_14 : memref<632x128xf32, #tpu.memory_space<hbm>>)
      tpu.yield
    }) : () -> ()
    return
  }
}

#map = affine_map<(d0, d1) -> (0, 0)>
#map1 = affine_map<(d0, d1) -> (0, 0, 0)>
module attributes {stable_mosaic.version = 14 : i64} {
  func.func @_sage_sc_body(%arg0: i32, %arg1: i32, %arg2: memref<10112x128xf32, #tpu.memory_space<hbm>>, %arg3: memref<327680x128xf32, #tpu.memory_space<hbm>>, %arg4: memref<5120x64xi32, #tpu.memory_space<hbm>>, %arg5: memref<5120x64xi32, #tpu.memory_space<hbm>>, %arg6: memref<10112x128xf32, #tpu.memory_space<hbm>>, %arg7: memref<2x10112x128xf32, #tpu.memory_space<hbm>>, %arg8: memref<32x64xi32, #tpu.memory_space<vmem>>, %arg9: memref<32x64xi32, #tpu.memory_space<vmem>>, %arg10: memref<64x128xf32, #tpu.memory_space<vmem>>, %arg11: memref<64x128xf32, #tpu.memory_space<vmem>>, %arg12: memref<64x128xf32, #tpu.memory_space<vmem>>, %arg13: memref<64x128xf32, #tpu.memory_space<vmem>>, %arg14: memref<10112x128xf32, #tpu.memory_space<vmem_shared>>, %arg15: memref<!tpu.dma_semaphore, #tpu.memory_space<semaphore_mem>>, %arg16: memref<!tpu.dma_semaphore, #tpu.memory_space<semaphore_mem>>) attributes {dimension_semantics = [#tpu.dimension_semantics<core_parallel>, #tpu.dimension_semantics<subcore_parallel>], iteration_bounds = array<i64: 2, 16>, scalar_prefetch = 0 : i64, scratch_operands = 9 : i64, tpu.core_type = #tpu.core_type<sc_vector_subcore>, window_params = [{transform_indices = #map}, {transform_indices = #map}, {transform_indices = #map}, {transform_indices = #map}, {transform_indices = #map}, {transform_indices = #map1}]} {
    %mul3A = arith.constant 2 : i32
    %mul3A_0 = arith.muli %arg1, %mul3A : i32
    %add3A = arith.addi %mul3A_0, %arg0 : i32
    %mul3A_1 = arith.constant 632 : i32
    %mul3A_2 = arith.muli %arg1, %mul3A_1 : i32
    "tpu.region"() ({
      %run_scoped3A = tpu.sem_alloc : memref<!tpu.dma_semaphore, #tpu.memory_space<semaphore_mem>>
      %dma_start3A = arith.constant 0 : i32
      %dma_start3A_9 = tpu.memref_slice %arg14[%mul3A_2, %dma_start3A] : memref<10112x128xf32, #tpu.memory_space<vmem_shared>> -> memref<632x128xf32, #tpu.memory_space<vmem_shared>>
      %dma_start3A_10 = arith.constant 0 : i32
      %dma_start3A_11 = tpu.memref_slice %arg6[%mul3A_2, %dma_start3A_10] : memref<10112x128xf32, #tpu.memory_space<hbm>> -> memref<632x128xf32, #tpu.memory_space<hbm>>
      tpu.enqueue_dma source(%dma_start3A_11 : memref<632x128xf32, #tpu.memory_space<hbm>>) target(%dma_start3A_9 : memref<632x128xf32, #tpu.memory_space<vmem_shared>>) target_semaphore(%run_scoped3A : memref<!tpu.dma_semaphore, #tpu.memory_space<semaphore_mem>>)
      %dma_wait3A = arith.constant 0 : i32
      %dma_wait3A_12 = tpu.memref_slice %arg14[%mul3A_2, %dma_wait3A] : memref<10112x128xf32, #tpu.memory_space<vmem_shared>> -> memref<632x128xf32, #tpu.memory_space<vmem_shared>>
      %dma_wait3A_13 = arith.constant 0 : i32
      %dma_wait3A_14 = tpu.memref_slice %arg6[%mul3A_2, %dma_wait3A_13] : memref<10112x128xf32, #tpu.memory_space<hbm>> -> memref<632x128xf32, #tpu.memory_space<hbm>>
      tpu.wait_dma2 semaphore(%run_scoped3A : memref<!tpu.dma_semaphore, #tpu.memory_space<semaphore_mem>>) src(%dma_wait3A_14 : memref<632x128xf32, #tpu.memory_space<hbm>>) dst(%dma_wait3A_12 : memref<632x128xf32, #tpu.memory_space<vmem_shared>>)
      tpu.yield
    }) : () -> ()
    %barrier3A = arith.constant 0 : index
    tpu.barrier barrier_id(%barrier3A)
    %scan3A = arith.constant 0 : i32
    %scan3A_3 = arith.constant 0 : i32
    %scan3A_4 = arith.constant 5 : i32
    %scan3A_5 = arith.addi %scan3A_3, %scan3A_4 : i32
    %scan3A_6 = arith.constant 1 : i32
    scf.for %scan3A_9 = %scan3A_3 to %scan3A_5 step %scan3A_6  : i32 {
      %mul3A_10 = arith.constant 160 : i32
      %mul3A_11 = arith.muli %add3A, %mul3A_10 : i32
      %mul3A_12 = arith.constant 32 : i32
      %mul3A_13 = arith.muli %scan3A_9, %mul3A_12 : i32
      %add3A_14 = arith.addi %mul3A_11, %mul3A_13 : i32
      "tpu.region"() ({
        %run_scoped3A = tpu.sem_alloc : memref<!tpu.dma_semaphore, #tpu.memory_space<semaphore_mem>>
        %dma_start3A_35 = arith.constant 0 : i32
        %dma_start3A_36 = tpu.memref_slice %arg4[%add3A_14, %dma_start3A_35] : memref<5120x64xi32, #tpu.memory_space<hbm>> -> memref<32x64xi32, #tpu.memory_space<hbm>>
        %dma_start3A_37 = arith.constant 0 : i32
        %dma_start3A_38 = tpu.memref_slice %arg4[%add3A_14, %dma_start3A_37] : memref<5120x64xi32, #tpu.memory_space<hbm>> -> memref<32x64xi32, #tpu.memory_space<hbm>>
        tpu.enqueue_dma source(%dma_start3A_38 : memref<32x64xi32, #tpu.memory_space<hbm>>) target(%arg8 : memref<32x64xi32, #tpu.memory_space<vmem>>) target_semaphore(%run_scoped3A : memref<!tpu.dma_semaphore, #tpu.memory_space<semaphore_mem>>)
        %dma_wait3A = arith.constant 0 : i32
        %dma_wait3A_39 = tpu.memref_slice %arg4[%add3A_14, %dma_wait3A] : memref<5120x64xi32, #tpu.memory_space<hbm>> -> memref<32x64xi32, #tpu.memory_space<hbm>>
        %dma_wait3A_40 = arith.constant 0 : i32
        %dma_wait3A_41 = tpu.memref_slice %arg4[%add3A_14, %dma_wait3A_40] : memref<5120x64xi32, #tpu.memory_space<hbm>> -> memref<32x64xi32, #tpu.memory_space<hbm>>
        tpu.wait_dma2 semaphore(%run_scoped3A : memref<!tpu.dma_semaphore, #tpu.memory_space<semaphore_mem>>) src(%dma_wait3A_41 : memref<32x64xi32, #tpu.memory_space<hbm>>) dst(%arg8 : memref<32x64xi32, #tpu.memory_space<vmem>>)
        tpu.yield
      }) : () -> ()
      "tpu.region"() ({
        %run_scoped3A = tpu.sem_alloc : memref<!tpu.dma_semaphore, #tpu.memory_space<semaphore_mem>>
        %dma_start3A_35 = arith.constant 0 : i32
        %dma_start3A_36 = tpu.memref_slice %arg5[%add3A_14, %dma_start3A_35] : memref<5120x64xi32, #tpu.memory_space<hbm>> -> memref<32x64xi32, #tpu.memory_space<hbm>>
        %dma_start3A_37 = arith.constant 0 : i32
        %dma_start3A_38 = tpu.memref_slice %arg5[%add3A_14, %dma_start3A_37] : memref<5120x64xi32, #tpu.memory_space<hbm>> -> memref<32x64xi32, #tpu.memory_space<hbm>>
        tpu.enqueue_dma source(%dma_start3A_38 : memref<32x64xi32, #tpu.memory_space<hbm>>) target(%arg9 : memref<32x64xi32, #tpu.memory_space<vmem>>) target_semaphore(%run_scoped3A : memref<!tpu.dma_semaphore, #tpu.memory_space<semaphore_mem>>)
        %dma_wait3A = arith.constant 0 : i32
        %dma_wait3A_39 = tpu.memref_slice %arg5[%add3A_14, %dma_wait3A] : memref<5120x64xi32, #tpu.memory_space<hbm>> -> memref<32x64xi32, #tpu.memory_space<hbm>>
        %dma_wait3A_40 = arith.constant 0 : i32
        %dma_wait3A_41 = tpu.memref_slice %arg5[%add3A_14, %dma_wait3A_40] : memref<5120x64xi32, #tpu.memory_space<hbm>> -> memref<32x64xi32, #tpu.memory_space<hbm>>
        tpu.wait_dma2 semaphore(%run_scoped3A : memref<!tpu.dma_semaphore, #tpu.memory_space<semaphore_mem>>) src(%dma_wait3A_41 : memref<32x64xi32, #tpu.memory_space<hbm>>) dst(%arg9 : memref<32x64xi32, #tpu.memory_space<vmem>>)
        tpu.yield
      }) : () -> ()
      %add3A_15 = arith.constant 0 : i32
      %add3A_16 = arith.addi %add3A_14, %add3A_15 : i32
      %mul3A_17 = arith.constant 64 : i32
      %mul3A_18 = arith.muli %add3A_16, %mul3A_17 : i32
      %dma_start3A = arith.constant 0 : i32
      %dma_start3A_19 = tpu.memref_slice %arg3[%mul3A_18, %dma_start3A] : memref<327680x128xf32, #tpu.memory_space<hbm>> -> memref<64x128xf32, #tpu.memory_space<hbm>>
      %dma_start3A_20 = arith.constant 0 : i32
      %dma_start3A_21 = tpu.memref_slice %arg3[%mul3A_18, %dma_start3A_20] : memref<327680x128xf32, #tpu.memory_space<hbm>> -> memref<64x128xf32, #tpu.memory_space<hbm>>
      tpu.enqueue_dma source(%dma_start3A_21 : memref<64x128xf32, #tpu.memory_space<hbm>>) target(%arg11 : memref<64x128xf32, #tpu.memory_space<vmem>>) target_semaphore(%arg15 : memref<!tpu.dma_semaphore, #tpu.memory_space<semaphore_mem>>)
      %dma_start3A_22 = arith.constant 0 : i32
      %dma_start3A_23 = arith.constant 0 : i32
      %dma_start3A_24 = tpu.memref_slice %arg8[%dma_start3A_22, %dma_start3A_23] : memref<32x64xi32, #tpu.memory_space<vmem>> -> memref<1x64xi32, #tpu.memory_space<vmem>>
      %dma_start3A_25 = tpu.memref_squeeze %dma_start3A_24 : memref<1x64xi32, #tpu.memory_space<vmem>> -> memref<64xi32, #tpu.memory_space<vmem>>
      %dma_start3A_26 = arith.constant 0 : i32
      %dma_start3A_27 = arith.constant 0 : i32
      %dma_start3A_28 = tpu.memref_slice %arg2[%dma_start3A_26, %dma_start3A_27] : memref<10112x128xf32, #tpu.memory_space<hbm>> -> memref<10112x128xf32, #tpu.memory_space<hbm>>
      tpu.enqueue_indirect_dma source(%dma_start3A_28 : memref<10112x128xf32, #tpu.memory_space<hbm>>) target(%arg10 : memref<64x128xf32, #tpu.memory_space<vmem>>) offsets(%dma_start3A_25 : memref<64xi32, #tpu.memory_space<vmem>>) semaphore(%arg15 : memref<!tpu.dma_semaphore, #tpu.memory_space<semaphore_mem>>)
      %scan3A_29 = arith.constant 0 : i32
      %scan3A_30 = arith.constant 0 : i32
      %scan3A_31 = arith.constant 16 : i32
      %scan3A_32 = arith.addi %scan3A_30, %scan3A_31 : i32
      %scan3A_33 = arith.constant 1 : i32
      scf.for %scan3A_35 = %scan3A_30 to %scan3A_32 step %scan3A_33  : i32 {
        %mul3A_36 = arith.constant 2 : i32
        %mul3A_37 = arith.muli %mul3A_36, %scan3A_35 : i32
        %mul3A_38 = arith.constant 2 : i32
        %mul3A_39 = arith.muli %mul3A_38, %scan3A_35 : i32
        %add3A_40 = arith.constant 1 : i32
        %add3A_41 = arith.addi %mul3A_39, %add3A_40 : i32
        %add3A_42 = arith.addi %add3A_14, %add3A_41 : i32
        %mul3A_43 = arith.constant 64 : i32
        %mul3A_44 = arith.muli %add3A_42, %mul3A_43 : i32
        %dma_start3A_45 = arith.constant 0 : i32
        %dma_start3A_46 = tpu.memref_slice %arg3[%mul3A_44, %dma_start3A_45] : memref<327680x128xf32, #tpu.memory_space<hbm>> -> memref<64x128xf32, #tpu.memory_space<hbm>>
        %dma_start3A_47 = arith.constant 0 : i32
        %dma_start3A_48 = tpu.memref_slice %arg3[%mul3A_44, %dma_start3A_47] : memref<327680x128xf32, #tpu.memory_space<hbm>> -> memref<64x128xf32, #tpu.memory_space<hbm>>
        tpu.enqueue_dma source(%dma_start3A_48 : memref<64x128xf32, #tpu.memory_space<hbm>>) target(%arg13 : memref<64x128xf32, #tpu.memory_space<vmem>>) target_semaphore(%arg16 : memref<!tpu.dma_semaphore, #tpu.memory_space<semaphore_mem>>)
        %dma_start3A_49 = arith.constant 0 : i32
        %dma_start3A_50 = tpu.memref_slice %arg8[%add3A_41, %dma_start3A_49] : memref<32x64xi32, #tpu.memory_space<vmem>> -> memref<1x64xi32, #tpu.memory_space<vmem>>
        %dma_start3A_51 = tpu.memref_squeeze %dma_start3A_50 : memref<1x64xi32, #tpu.memory_space<vmem>> -> memref<64xi32, #tpu.memory_space<vmem>>
        %dma_start3A_52 = arith.constant 0 : i32
        %dma_start3A_53 = arith.constant 0 : i32
        %dma_start3A_54 = tpu.memref_slice %arg2[%dma_start3A_52, %dma_start3A_53] : memref<10112x128xf32, #tpu.memory_space<hbm>> -> memref<10112x128xf32, #tpu.memory_space<hbm>>
        tpu.enqueue_indirect_dma source(%dma_start3A_54 : memref<10112x128xf32, #tpu.memory_space<hbm>>) target(%arg12 : memref<64x128xf32, #tpu.memory_space<vmem>>) offsets(%dma_start3A_51 : memref<64xi32, #tpu.memory_space<vmem>>) semaphore(%arg16 : memref<!tpu.dma_semaphore, #tpu.memory_space<semaphore_mem>>)
        %add3A_55 = arith.addi %add3A_14, %mul3A_37 : i32
        %mul3A_56 = arith.constant 64 : i32
        %mul3A_57 = arith.muli %add3A_55, %mul3A_56 : i32
        %dma_wait3A = arith.constant 0 : i32
        %dma_wait3A_58 = tpu.memref_slice %arg3[%mul3A_57, %dma_wait3A] : memref<327680x128xf32, #tpu.memory_space<hbm>> -> memref<64x128xf32, #tpu.memory_space<hbm>>
        %dma_wait3A_59 = arith.constant 0 : i32
        %dma_wait3A_60 = tpu.memref_slice %arg3[%mul3A_57, %dma_wait3A_59] : memref<327680x128xf32, #tpu.memory_space<hbm>> -> memref<64x128xf32, #tpu.memory_space<hbm>>
        tpu.wait_dma2 semaphore(%arg15 : memref<!tpu.dma_semaphore, #tpu.memory_space<semaphore_mem>>) src(%dma_wait3A_60 : memref<64x128xf32, #tpu.memory_space<hbm>>) dst(%arg11 : memref<64x128xf32, #tpu.memory_space<vmem>>)
        %dma_wait3A_61 = arith.constant 0 : i32
        %dma_wait3A_62 = tpu.memref_slice %arg8[%mul3A_37, %dma_wait3A_61] : memref<32x64xi32, #tpu.memory_space<vmem>> -> memref<1x64xi32, #tpu.memory_space<vmem>>
        %dma_wait3A_63 = tpu.memref_squeeze %dma_wait3A_62 : memref<1x64xi32, #tpu.memory_space<vmem>> -> memref<64xi32, #tpu.memory_space<vmem>>
        %dma_wait3A_64 = arith.constant 0 : i32
        %dma_wait3A_65 = arith.constant 0 : i32
        %dma_wait3A_66 = tpu.memref_slice %arg2[%dma_wait3A_64, %dma_wait3A_65] : memref<10112x128xf32, #tpu.memory_space<hbm>> -> memref<10112x128xf32, #tpu.memory_space<hbm>>
        tpu.wait_indirect_dma semaphore(%arg15 : memref<!tpu.dma_semaphore, #tpu.memory_space<semaphore_mem>>) src(%dma_wait3A_66 : memref<10112x128xf32, #tpu.memory_space<hbm>>) dst(%arg10 : memref<64x128xf32, #tpu.memory_space<vmem>>)
        %scan3A_67 = arith.constant 0 : i32
        %scan3A_68 = arith.constant 0 : i32
        %scan3A_69 = arith.constant 32 : i32
        %scan3A_70 = arith.addi %scan3A_68, %scan3A_69 : i32
        %scan3A_71 = arith.constant 1 : i32
        scf.for %scan3A_96 = %scan3A_68 to %scan3A_70 step %scan3A_71  : i32 {
          %mul3A_97 = arith.constant 2 : i32
          %mul3A_98 = arith.muli %mul3A_97, %scan3A_96 : i32
          %add3A_99 = arith.constant 0 : i32
          %add3A_100 = arith.addi %mul3A_98, %add3A_99 : i32
          %get3A = arith.index_cast %add3A_100 : i32 to index
          %get3A_101 = arith.constant 0 : index
          %get3A_102 = tpu.vector_load %arg10[%get3A, %get3A_101] {strides = array<i32>} : memref<64x128xf32, #tpu.memory_space<vmem>>, vector<1x16xf32>,
          %get3A_103 = vector.shape_cast %get3A_102 : vector<1x16xf32> to vector<16xf32>
          %mul3A_104 = arith.constant 2 : i32
          %mul3A_105 = arith.muli %mul3A_104, %scan3A_96 : i32
          %add3A_106 = arith.constant 0 : i32
          %add3A_107 = arith.addi %mul3A_105, %add3A_106 : i32
          %get3A_108 = arith.index_cast %add3A_107 : i32 to index
          %get3A_109 = arith.constant 0 : index
          %get3A_110 = tpu.vector_load %arg11[%get3A_108, %get3A_109] {strides = array<i32>} : memref<64x128xf32, #tpu.memory_space<vmem>>, vector<1x16xf32>,
          %get3A_111 = vector.shape_cast %get3A_110 : vector<1x16xf32> to vector<16xf32>
          %add3A_112 = arith.addf %get3A_103, %get3A_111 : vector<16xf32>
          %max3A = arith.constant 0.000000e+00 : f32
          %max3A_113 = vector.broadcast %max3A : f32 to vector<16xf32>
          %max3A_114 = arith.maximumf %add3A_112, %max3A_113 : vector<16xf32>
          %mul3A_115 = arith.constant 2 : i32
          %mul3A_116 = arith.muli %mul3A_115, %scan3A_96 : i32
          %add3A_117 = arith.constant 0 : i32
          %add3A_118 = arith.addi %mul3A_116, %add3A_117 : i32
          %swap3A = arith.index_cast %add3A_118 : i32 to index
          %swap3A_119 = arith.constant 0 : index
          %swap3A_120 = tpu.vector_load %arg10[%swap3A, %swap3A_119] {strides = array<i32>} : memref<64x128xf32, #tpu.memory_space<vmem>>, vector<1x16xf32>,
          %swap3A_121 = vector.shape_cast %swap3A_120 : vector<1x16xf32> to vector<16xf32>
          %swap3A_122 = vector.shape_cast %max3A_114 : vector<16xf32> to vector<1x16xf32>
          tpu.vector_store %arg10[%swap3A, %swap3A_119], %swap3A_122 {strides = array<i32>} : memref<64x128xf32, #tpu.memory_space<vmem>>, vector<1x16xf32>,
          %mul3A_123 = arith.constant 2 : i32
          %mul3A_124 = arith.muli %mul3A_123, %scan3A_96 : i32
          %add3A_125 = arith.constant 0 : i32
          %add3A_126 = arith.addi %mul3A_124, %add3A_125 : i32
          %get3A_127 = arith.index_cast %add3A_126 : i32 to index
          %get3A_128 = arith.constant 16 : index
          %get3A_129 = tpu.vector_load %arg10[%get3A_127, %get3A_128] {strides = array<i32>} : memref<64x128xf32, #tpu.memory_space<vmem>>, vector<1x16xf32>,
          %get3A_130 = vector.shape_cast %get3A_129 : vector<1x16xf32> to vector<16xf32>
          %mul3A_131 = arith.constant 2 : i32
          %mul3A_132 = arith.muli %mul3A_131, %scan3A_96 : i32
          %add3A_133 = arith.constant 0 : i32
          %add3A_134 = arith.addi %mul3A_132, %add3A_133 : i32
          %get3A_135 = arith.index_cast %add3A_134 : i32 to index
          %get3A_136 = arith.constant 16 : index
          %get3A_137 = tpu.vector_load %arg11[%get3A_135, %get3A_136] {strides = array<i32>} : memref<64x128xf32, #tpu.memory_space<vmem>>, vector<1x16xf32>,
          %get3A_138 = vector.shape_cast %get3A_137 : vector<1x16xf32> to vector<16xf32>
          %add3A_139 = arith.addf %get3A_130, %get3A_138 : vector<16xf32>
          %max3A_140 = arith.constant 0.000000e+00 : f32
          %max3A_141 = vector.broadcast %max3A_140 : f32 to vector<16xf32>
          %max3A_142 = arith.maximumf %add3A_139, %max3A_141 : vector<16xf32>
          %mul3A_143 = arith.constant 2 : i32
          %mul3A_144 = arith.muli %mul3A_143, %scan3A_96 : i32
          %add3A_145 = arith.constant 0 : i32
          %add3A_146 = arith.addi %mul3A_144, %add3A_145 : i32
          %swap3A_147 = arith.index_cast %add3A_146 : i32 to index
          %swap3A_148 = arith.constant 16 : index
          %swap3A_149 = tpu.vector_load %arg10[%swap3A_147, %swap3A_148] {strides = array<i32>} : memref<64x128xf32, #tpu.memory_space<vmem>>, vector<1x16xf32>,
          %swap3A_150 = vector.shape_cast %swap3A_149 : vector<1x16xf32> to vector<16xf32>
          %swap3A_151 = vector.shape_cast %max3A_142 : vector<16xf32> to vector<1x16xf32>
          tpu.vector_store %arg10[%swap3A_147, %swap3A_148], %swap3A_151 {strides = array<i32>} : memref<64x128xf32, #tpu.memory_space<vmem>>, vector<1x16xf32>,
          %mul3A_152 = arith.constant 2 : i32
          %mul3A_153 = arith.muli %mul3A_152, %scan3A_96 : i32
          %add3A_154 = arith.constant 0 : i32
          %add3A_155 = arith.addi %mul3A_153, %add3A_154 : i32
          %get3A_156 = arith.index_cast %add3A_155 : i32 to index
          %get3A_157 = arith.constant 32 : index
          %get3A_158 = tpu.vector_load %arg10[%get3A_156, %get3A_157] {strides = array<i32>} : memref<64x128xf32, #tpu.memory_space<vmem>>, vector<1x16xf32>,
          %get3A_159 = vector.shape_cast %get3A_158 : vector<1x16xf32> to vector<16xf32>
          %mul3A_160 = arith.constant 2 : i32
          %mul3A_161 = arith.muli %mul3A_160, %scan3A_96 : i32
          %add3A_162 = arith.constant 0 : i32
          %add3A_163 = arith.addi %mul3A_161, %add3A_162 : i32
          %get3A_164 = arith.index_cast %add3A_163 : i32 to index
          %get3A_165 = arith.constant 32 : index
          %get3A_166 = tpu.vector_load %arg11[%get3A_164, %get3A_165] {strides = array<i32>} : memref<64x128xf32, #tpu.memory_space<vmem>>, vector<1x16xf32>,
          %get3A_167 = vector.shape_cast %get3A_166 : vector<1x16xf32> to vector<16xf32>
          %add3A_168 = arith.addf %get3A_159, %get3A_167 : vector<16xf32>
          %max3A_169 = arith.constant 0.000000e+00 : f32
          %max3A_170 = vector.broadcast %max3A_169 : f32 to vector<16xf32>
          %max3A_171 = arith.maximumf %add3A_168, %max3A_170 : vector<16xf32>
          %mul3A_172 = arith.constant 2 : i32
          %mul3A_173 = arith.muli %mul3A_172, %scan3A_96 : i32
          %add3A_174 = arith.constant 0 : i32
          %add3A_175 = arith.addi %mul3A_173, %add3A_174 : i32
          %swap3A_176 = arith.index_cast %add3A_175 : i32 to index
          %swap3A_177 = arith.constant 32 : index
          %swap3A_178 = tpu.vector_load %arg10[%swap3A_176, %swap3A_177] {strides = array<i32>} : memref<64x128xf32, #tpu.memory_space<vmem>>, vector<1x16xf32>,
          %swap3A_179 = vector.shape_cast %swap3A_178 : vector<1x16xf32> to vector<16xf32>
          %swap3A_180 = vector.shape_cast %max3A_171 : vector<16xf32> to vector<1x16xf32>
          tpu.vector_store %arg10[%swap3A_176, %swap3A_177], %swap3A_180 {strides = array<i32>} : memref<64x128xf32, #tpu.memory_space<vmem>>, vector<1x16xf32>,
          %mul3A_181 = arith.constant 2 : i32
          %mul3A_182 = arith.muli %mul3A_181, %scan3A_96 : i32
          %add3A_183 = arith.constant 0 : i32
          %add3A_184 = arith.addi %mul3A_182, %add3A_183 : i32
          %get3A_185 = arith.index_cast %add3A_184 : i32 to index
          %get3A_186 = arith.constant 48 : index
          %get3A_187 = tpu.vector_load %arg10[%get3A_185, %get3A_186] {strides = array<i32>} : memref<64x128xf32, #tpu.memory_space<vmem>>, vector<1x16xf32>,
          %get3A_188 = vector.shape_cast %get3A_187 : vector<1x16xf32> to vector<16xf32>
          %mul3A_189 = arith.constant 2 : i32
          %mul3A_190 = arith.muli %mul3A_189, %scan3A_96 : i32
          %add3A_191 = arith.constant 0 : i32
          %add3A_192 = arith.addi %mul3A_190, %add3A_191 : i32
          %get3A_193 = arith.index_cast %add3A_192 : i32 to index
          %get3A_194 = arith.constant 48 : index
          %get3A_195 = tpu.vector_load %arg11[%get3A_193, %get3A_194] {strides = array<i32>} : memref<64x128xf32, #tpu.memory_space<vmem>>, vector<1x16xf32>,
          %get3A_196 = vector.shape_cast %get3A_195 : vector<1x16xf32> to vector<16xf32>
          %add3A_197 = arith.addf %get3A_188, %get3A_196 : vector<16xf32>
          %max3A_198 = arith.constant 0.000000e+00 : f32
          %max3A_199 = vector.broadcast %max3A_198 : f32 to vector<16xf32>
          %max3A_200 = arith.maximumf %add3A_197, %max3A_199 : vector<16xf32>
          %mul3A_201 = arith.constant 2 : i32
          %mul3A_202 = arith.muli %mul3A_201, %scan3A_96 : i32
          %add3A_203 = arith.constant 0 : i32
          %add3A_204 = arith.addi %mul3A_202, %add3A_203 : i32
          %swap3A_205 = arith.index_cast %add3A_204 : i32 to index
          %swap3A_206 = arith.constant 48 : index
          %swap3A_207 = tpu.vector_load %arg10[%swap3A_205, %swap3A_206] {strides = array<i32>} : memref<64x128xf32, #tpu.memory_space<vmem>>, vector<1x16xf32>,
          %swap3A_208 = vector.shape_cast %swap3A_207 : vector<1x16xf32> to vector<16xf32>
          %swap3A_209 = vector.shape_cast %max3A_200 : vector<16xf32> to vector<1x16xf32>
          tpu.vector_store %arg10[%swap3A_205, %swap3A_206], %swap3A_209 {strides = array<i32>} : memref<64x128xf32, #tpu.memory_space<vmem>>, vector<1x16xf32>,
          %mul3A_210 = arith.constant 2 : i32
          %mul3A_211 = arith.muli %mul3A_210, %scan3A_96 : i32
          %add3A_212 = arith.constant 0 : i32
          %add3A_213 = arith.addi %mul3A_211, %add3A_212 : i32
          %get3A_214 = arith.index_cast %add3A_213 : i32 to index
          %get3A_215 = arith.constant 64 : index
          %get3A_216 = tpu.vector_load %arg10[%get3A_214, %get3A_215] {strides = array<i32>} : memref<64x128xf32, #tpu.memory_space<vmem>>, vector<1x16xf32>,
          %get3A_217 = vector.shape_cast %get3A_216 : vector<1x16xf32> to vector<16xf32>
          %mul3A_218 = arith.constant 2 : i32
          %mul3A_219 = arith.muli %mul3A_218, %scan3A_96 : i32
          %add3A_220 = arith.constant 0 : i32
          %add3A_221 = arith.addi %mul3A_219, %add3A_220 : i32
          %get3A_222 = arith.index_cast %add3A_221 : i32 to index
          %get3A_223 = arith.constant 64 : index
          %get3A_224 = tpu.vector_load %arg11[%get3A_222, %get3A_223] {strides = array<i32>} : memref<64x128xf32, #tpu.memory_space<vmem>>, vector<1x16xf32>,
          %get3A_225 = vector.shape_cast %get3A_224 : vector<1x16xf32> to vector<16xf32>
          %add3A_226 = arith.addf %get3A_217, %get3A_225 : vector<16xf32>
          %max3A_227 = arith.constant 0.000000e+00 : f32
          %max3A_228 = vector.broadcast %max3A_227 : f32 to vector<16xf32>
          %max3A_229 = arith.maximumf %add3A_226, %max3A_228 : vector<16xf32>
          %mul3A_230 = arith.constant 2 : i32
          %mul3A_231 = arith.muli %mul3A_230, %scan3A_96 : i32
          %add3A_232 = arith.constant 0 : i32
          %add3A_233 = arith.addi %mul3A_231, %add3A_232 : i32
          %swap3A_234 = arith.index_cast %add3A_233 : i32 to index
          %swap3A_235 = arith.constant 64 : index
          %swap3A_236 = tpu.vector_load %arg10[%swap3A_234, %swap3A_235] {strides = array<i32>} : memref<64x128xf32, #tpu.memory_space<vmem>>, vector<1x16xf32>,
          %swap3A_237 = vector.shape_cast %swap3A_236 : vector<1x16xf32> to vector<16xf32>
          %swap3A_238 = vector.shape_cast %max3A_229 : vector<16xf32> to vector<1x16xf32>
          tpu.vector_store %arg10[%swap3A_234, %swap3A_235], %swap3A_238 {strides = array<i32>} : memref<64x128xf32, #tpu.memory_space<vmem>>, vector<1x16xf32>,
          %mul3A_239 = arith.constant 2 : i32
          %mul3A_240 = arith.muli %mul3A_239, %scan3A_96 : i32
          %add3A_241 = arith.constant 0 : i32
          %add3A_242 = arith.addi %mul3A_240, %add3A_241 : i32
          %get3A_243 = arith.index_cast %add3A_242 : i32 to index
          %get3A_244 = arith.constant 80 : index
          %get3A_245 = tpu.vector_load %arg10[%get3A_243, %get3A_244] {strides = array<i32>} : memref<64x128xf32, #tpu.memory_space<vmem>>, vector<1x16xf32>,
          %get3A_246 = vector.shape_cast %get3A_245 : vector<1x16xf32> to vector<16xf32>
          %mul3A_247 = arith.constant 2 : i32
          %mul3A_248 = arith.muli %mul3A_247, %scan3A_96 : i32
          %add3A_249 = arith.constant 0 : i32
          %add3A_250 = arith.addi %mul3A_248, %add3A_249 : i32
          %get3A_251 = arith.index_cast %add3A_250 : i32 to index
          %get3A_252 = arith.constant 80 : index
          %get3A_253 = tpu.vector_load %arg11[%get3A_251, %get3A_252] {strides = array<i32>} : memref<64x128xf32, #tpu.memory_space<vmem>>, vector<1x16xf32>,
          %get3A_254 = vector.shape_cast %get3A_253 : vector<1x16xf32> to vector<16xf32>
          %add3A_255 = arith.addf %get3A_246, %get3A_254 : vector<16xf32>
          %max3A_256 = arith.constant 0.000000e+00 : f32
          %max3A_257 = vector.broadcast %max3A_256 : f32 to vector<16xf32>
          %max3A_258 = arith.maximumf %add3A_255, %max3A_257 : vector<16xf32>
          %mul3A_259 = arith.constant 2 : i32
          %mul3A_260 = arith.muli %mul3A_259, %scan3A_96 : i32
          %add3A_261 = arith.constant 0 : i32
          %add3A_262 = arith.addi %mul3A_260, %add3A_261 : i32
          %swap3A_263 = arith.index_cast %add3A_262 : i32 to index
          %swap3A_264 = arith.constant 80 : index
          %swap3A_265 = tpu.vector_load %arg10[%swap3A_263, %swap3A_264] {strides = array<i32>} : memref<64x128xf32, #tpu.memory_space<vmem>>, vector<1x16xf32>,
          %swap3A_266 = vector.shape_cast %swap3A_265 : vector<1x16xf32> to vector<16xf32>
          %swap3A_267 = vector.shape_cast %max3A_258 : vector<16xf32> to vector<1x16xf32>
          tpu.vector_store %arg10[%swap3A_263, %swap3A_264], %swap3A_267 {strides = array<i32>} : memref<64x128xf32, #tpu.memory_space<vmem>>, vector<1x16xf32>,
          %mul3A_268 = arith.constant 2 : i32
          %mul3A_269 = arith.muli %mul3A_268, %scan3A_96 : i32
          %add3A_270 = arith.constant 0 : i32
          %add3A_271 = arith.addi %mul3A_269, %add3A_270 : i32
          %get3A_272 = arith.index_cast %add3A_271 : i32 to index
          %get3A_273 = arith.constant 96 : index
          %get3A_274 = tpu.vector_load %arg10[%get3A_272, %get3A_273] {strides = array<i32>} : memref<64x128xf32, #tpu.memory_space<vmem>>, vector<1x16xf32>,
          %get3A_275 = vector.shape_cast %get3A_274 : vector<1x16xf32> to vector<16xf32>
          %mul3A_276 = arith.constant 2 : i32
          %mul3A_277 = arith.muli %mul3A_276, %scan3A_96 : i32
          %add3A_278 = arith.constant 0 : i32
          %add3A_279 = arith.addi %mul3A_277, %add3A_278 : i32
          %get3A_280 = arith.index_cast %add3A_279 : i32 to index
          %get3A_281 = arith.constant 96 : index
          %get3A_282 = tpu.vector_load %arg11[%get3A_280, %get3A_281] {strides = array<i32>} : memref<64x128xf32, #tpu.memory_space<vmem>>, vector<1x16xf32>,
          %get3A_283 = vector.shape_cast %get3A_282 : vector<1x16xf32> to vector<16xf32>
          %add3A_284 = arith.addf %get3A_275, %get3A_283 : vector<16xf32>
          %max3A_285 = arith.constant 0.000000e+00 : f32
          %max3A_286 = vector.broadcast %max3A_285 : f32 to vector<16xf32>
          %max3A_287 = arith.maximumf %add3A_284, %max3A_286 : vector<16xf32>
          %mul3A_288 = arith.constant 2 : i32
          %mul3A_289 = arith.muli %mul3A_288, %scan3A_96 : i32
          %add3A_290 = arith.constant 0 : i32
          %add3A_291 = arith.addi %mul3A_289, %add3A_290 : i32
          %swap3A_292 = arith.index_cast %add3A_291 : i32 to index
          %swap3A_293 = arith.constant 96 : index
          %swap3A_294 = tpu.vector_load %arg10[%swap3A_292, %swap3A_293] {strides = array<i32>} : memref<64x128xf32, #tpu.memory_space<vmem>>, vector<1x16xf32>,
          %swap3A_295 = vector.shape_cast %swap3A_294 : vector<1x16xf32> to vector<16xf32>
          %swap3A_296 = vector.shape_cast %max3A_287 : vector<16xf32> to vector<1x16xf32>
          tpu.vector_store %arg10[%swap3A_292, %swap3A_293], %swap3A_296 {strides = array<i32>} : memref<64x128xf32, #tpu.memory_space<vmem>>, vector<1x16xf32>,
          %mul3A_297 = arith.constant 2 : i32
          %mul3A_298 = arith.muli %mul3A_297, %scan3A_96 : i32
          %add3A_299 = arith.constant 0 : i32
          %add3A_300 = arith.addi %mul3A_298, %add3A_299 : i32
          %get3A_301 = arith.index_cast %add3A_300 : i32 to index
          %get3A_302 = arith.constant 112 : index
          %get3A_303 = tpu.vector_load %arg10[%get3A_301, %get3A_302] {strides = array<i32>} : memref<64x128xf32, #tpu.memory_space<vmem>>, vector<1x16xf32>,
          %get3A_304 = vector.shape_cast %get3A_303 : vector<1x16xf32> to vector<16xf32>
          %mul3A_305 = arith.constant 2 : i32
          %mul3A_306 = arith.muli %mul3A_305, %scan3A_96 : i32
          %add3A_307 = arith.constant 0 : i32
          %add3A_308 = arith.addi %mul3A_306, %add3A_307 : i32
          %get3A_309 = arith.index_cast %add3A_308 : i32 to index
          %get3A_310 = arith.constant 112 : index
          %get3A_311 = tpu.vector_load %arg11[%get3A_309, %get3A_310] {strides = array<i32>} : memref<64x128xf32, #tpu.memory_space<vmem>>, vector<1x16xf32>,
          %get3A_312 = vector.shape_cast %get3A_311 : vector<1x16xf32> to vector<16xf32>
          %add3A_313 = arith.addf %get3A_304, %get3A_312 : vector<16xf32>
          %max3A_314 = arith.constant 0.000000e+00 : f32
          %max3A_315 = vector.broadcast %max3A_314 : f32 to vector<16xf32>
          %max3A_316 = arith.maximumf %add3A_313, %max3A_315 : vector<16xf32>
          %mul3A_317 = arith.constant 2 : i32
          %mul3A_318 = arith.muli %mul3A_317, %scan3A_96 : i32
          %add3A_319 = arith.constant 0 : i32
          %add3A_320 = arith.addi %mul3A_318, %add3A_319 : i32
          %swap3A_321 = arith.index_cast %add3A_320 : i32 to index
          %swap3A_322 = arith.constant 112 : index
          %swap3A_323 = tpu.vector_load %arg10[%swap3A_321, %swap3A_322] {strides = array<i32>} : memref<64x128xf32, #tpu.memory_space<vmem>>, vector<1x16xf32>,
          %swap3A_324 = vector.shape_cast %swap3A_323 : vector<1x16xf32> to vector<16xf32>
          %swap3A_325 = vector.shape_cast %max3A_316 : vector<16xf32> to vector<1x16xf32>
          tpu.vector_store %arg10[%swap3A_321, %swap3A_322], %swap3A_325 {strides = array<i32>} : memref<64x128xf32, #tpu.memory_space<vmem>>, vector<1x16xf32>,
          %mul3A_326 = arith.constant 2 : i32
          %mul3A_327 = arith.muli %mul3A_326, %scan3A_96 : i32
          %add3A_328 = arith.constant 1 : i32
          %add3A_329 = arith.addi %mul3A_327, %add3A_328 : i32
          %get3A_330 = arith.index_cast %add3A_329 : i32 to index
          %get3A_331 = arith.constant 0 : index
          %get3A_332 = tpu.vector_load %arg10[%get3A_330, %get3A_331] {strides = array<i32>} : memref<64x128xf32, #tpu.memory_space<vmem>>, vector<1x16xf32>,
          %get3A_333 = vector.shape_cast %get3A_332 : vector<1x16xf32> to vector<16xf32>
          %mul3A_334 = arith.constant 2 : i32
          %mul3A_335 = arith.muli %mul3A_334, %scan3A_96 : i32
          %add3A_336 = arith.constant 1 : i32
          %add3A_337 = arith.addi %mul3A_335, %add3A_336 : i32
          %get3A_338 = arith.index_cast %add3A_337 : i32 to index
          %get3A_339 = arith.constant 0 : index
          %get3A_340 = tpu.vector_load %arg11[%get3A_338, %get3A_339] {strides = array<i32>} : memref<64x128xf32, #tpu.memory_space<vmem>>, vector<1x16xf32>,
          %get3A_341 = vector.shape_cast %get3A_340 : vector<1x16xf32> to vector<16xf32>
          %add3A_342 = arith.addf %get3A_333, %get3A_341 : vector<16xf32>
          %max3A_343 = arith.constant 0.000000e+00 : f32
          %max3A_344 = vector.broadcast %max3A_343 : f32 to vector<16xf32>
          %max3A_345 = arith.maximumf %add3A_342, %max3A_344 : vector<16xf32>
          %mul3A_346 = arith.constant 2 : i32
          %mul3A_347 = arith.muli %mul3A_346, %scan3A_96 : i32
          %add3A_348 = arith.constant 1 : i32
          %add3A_349 = arith.addi %mul3A_347, %add3A_348 : i32
          %swap3A_350 = arith.index_cast %add3A_349 : i32 to index
          %swap3A_351 = arith.constant 0 : index
          %swap3A_352 = tpu.vector_load %arg10[%swap3A_350, %swap3A_351] {strides = array<i32>} : memref<64x128xf32, #tpu.memory_space<vmem>>, vector<1x16xf32>,
          %swap3A_353 = vector.shape_cast %swap3A_352 : vector<1x16xf32> to vector<16xf32>
          %swap3A_354 = vector.shape_cast %max3A_345 : vector<16xf32> to vector<1x16xf32>
          tpu.vector_store %arg10[%swap3A_350, %swap3A_351], %swap3A_354 {strides = array<i32>} : memref<64x128xf32, #tpu.memory_space<vmem>>, vector<1x16xf32>,
          %mul3A_355 = arith.constant 2 : i32
          %mul3A_356 = arith.muli %mul3A_355, %scan3A_96 : i32
          %add3A_357 = arith.constant 1 : i32
          %add3A_358 = arith.addi %mul3A_356, %add3A_357 : i32
          %get3A_359 = arith.index_cast %add3A_358 : i32 to index
          %get3A_360 = arith.constant 16 : index
          %get3A_361 = tpu.vector_load %arg10[%get3A_359, %get3A_360] {strides = array<i32>} : memref<64x128xf32, #tpu.memory_space<vmem>>, vector<1x16xf32>,
          %get3A_362 = vector.shape_cast %get3A_361 : vector<1x16xf32> to vector<16xf32>
          %mul3A_363 = arith.constant 2 : i32
          %mul3A_364 = arith.muli %mul3A_363, %scan3A_96 : i32
          %add3A_365 = arith.constant 1 : i32
          %add3A_366 = arith.addi %mul3A_364, %add3A_365 : i32
          %get3A_367 = arith.index_cast %add3A_366 : i32 to index
          %get3A_368 = arith.constant 16 : index
          %get3A_369 = tpu.vector_load %arg11[%get3A_367, %get3A_368] {strides = array<i32>} : memref<64x128xf32, #tpu.memory_space<vmem>>, vector<1x16xf32>,
          %get3A_370 = vector.shape_cast %get3A_369 : vector<1x16xf32> to vector<16xf32>
          %add3A_371 = arith.addf %get3A_362, %get3A_370 : vector<16xf32>
          %max3A_372 = arith.constant 0.000000e+00 : f32
          %max3A_373 = vector.broadcast %max3A_372 : f32 to vector<16xf32>
          %max3A_374 = arith.maximumf %add3A_371, %max3A_373 : vector<16xf32>
          %mul3A_375 = arith.constant 2 : i32
          %mul3A_376 = arith.muli %mul3A_375, %scan3A_96 : i32
          %add3A_377 = arith.constant 1 : i32
          %add3A_378 = arith.addi %mul3A_376, %add3A_377 : i32
          %swap3A_379 = arith.index_cast %add3A_378 : i32 to index
          %swap3A_380 = arith.constant 16 : index
          %swap3A_381 = tpu.vector_load %arg10[%swap3A_379, %swap3A_380] {strides = array<i32>} : memref<64x128xf32, #tpu.memory_space<vmem>>, vector<1x16xf32>,
          %swap3A_382 = vector.shape_cast %swap3A_381 : vector<1x16xf32> to vector<16xf32>
          %swap3A_383 = vector.shape_cast %max3A_374 : vector<16xf32> to vector<1x16xf32>
          tpu.vector_store %arg10[%swap3A_379, %swap3A_380], %swap3A_383 {strides = array<i32>} : memref<64x128xf32, #tpu.memory_space<vmem>>, vector<1x16xf32>,
          %mul3A_384 = arith.constant 2 : i32
          %mul3A_385 = arith.muli %mul3A_384, %scan3A_96 : i32
          %add3A_386 = arith.constant 1 : i32
          %add3A_387 = arith.addi %mul3A_385, %add3A_386 : i32
          %get3A_388 = arith.index_cast %add3A_387 : i32 to index
          %get3A_389 = arith.constant 32 : index
          %get3A_390 = tpu.vector_load %arg10[%get3A_388, %get3A_389] {strides = array<i32>} : memref<64x128xf32, #tpu.memory_space<vmem>>, vector<1x16xf32>,
          %get3A_391 = vector.shape_cast %get3A_390 : vector<1x16xf32> to vector<16xf32>
          %mul3A_392 = arith.constant 2 : i32
          %mul3A_393 = arith.muli %mul3A_392, %scan3A_96 : i32
          %add3A_394 = arith.constant 1 : i32
          %add3A_395 = arith.addi %mul3A_393, %add3A_394 : i32
          %get3A_396 = arith.index_cast %add3A_395 : i32 to index
          %get3A_397 = arith.constant 32 : index
          %get3A_398 = tpu.vector_load %arg11[%get3A_396, %get3A_397] {strides = array<i32>} : memref<64x128xf32, #tpu.memory_space<vmem>>, vector<1x16xf32>,
          %get3A_399 = vector.shape_cast %get3A_398 : vector<1x16xf32> to vector<16xf32>
          %add3A_400 = arith.addf %get3A_391, %get3A_399 : vector<16xf32>
          %max3A_401 = arith.constant 0.000000e+00 : f32
          %max3A_402 = vector.broadcast %max3A_401 : f32 to vector<16xf32>
          %max3A_403 = arith.maximumf %add3A_400, %max3A_402 : vector<16xf32>
          %mul3A_404 = arith.constant 2 : i32
          %mul3A_405 = arith.muli %mul3A_404, %scan3A_96 : i32
          %add3A_406 = arith.constant 1 : i32
          %add3A_407 = arith.addi %mul3A_405, %add3A_406 : i32
          %swap3A_408 = arith.index_cast %add3A_407 : i32 to index
          %swap3A_409 = arith.constant 32 : index
          %swap3A_410 = tpu.vector_load %arg10[%swap3A_408, %swap3A_409] {strides = array<i32>} : memref<64x128xf32, #tpu.memory_space<vmem>>, vector<1x16xf32>,
          %swap3A_411 = vector.shape_cast %swap3A_410 : vector<1x16xf32> to vector<16xf32>
          %swap3A_412 = vector.shape_cast %max3A_403 : vector<16xf32> to vector<1x16xf32>
          tpu.vector_store %arg10[%swap3A_408, %swap3A_409], %swap3A_412 {strides = array<i32>} : memref<64x128xf32, #tpu.memory_space<vmem>>, vector<1x16xf32>,
          %mul3A_413 = arith.constant 2 : i32
          %mul3A_414 = arith.muli %mul3A_413, %scan3A_96 : i32
          %add3A_415 = arith.constant 1 : i32
          %add3A_416 = arith.addi %mul3A_414, %add3A_415 : i32
          %get3A_417 = arith.index_cast %add3A_416 : i32 to index
          %get3A_418 = arith.constant 48 : index
          %get3A_419 = tpu.vector_load %arg10[%get3A_417, %get3A_418] {strides = array<i32>} : memref<64x128xf32, #tpu.memory_space<vmem>>, vector<1x16xf32>,
          %get3A_420 = vector.shape_cast %get3A_419 : vector<1x16xf32> to vector<16xf32>
          %mul3A_421 = arith.constant 2 : i32
          %mul3A_422 = arith.muli %mul3A_421, %scan3A_96 : i32
          %add3A_423 = arith.constant 1 : i32
          %add3A_424 = arith.addi %mul3A_422, %add3A_423 : i32
          %get3A_425 = arith.index_cast %add3A_424 : i32 to index
          %get3A_426 = arith.constant 48 : index
          %get3A_427 = tpu.vector_load %arg11[%get3A_425, %get3A_426] {strides = array<i32>} : memref<64x128xf32, #tpu.memory_space<vmem>>, vector<1x16xf32>,
          %get3A_428 = vector.shape_cast %get3A_427 : vector<1x16xf32> to vector<16xf32>
          %add3A_429 = arith.addf %get3A_420, %get3A_428 : vector<16xf32>
          %max3A_430 = arith.constant 0.000000e+00 : f32
          %max3A_431 = vector.broadcast %max3A_430 : f32 to vector<16xf32>
          %max3A_432 = arith.maximumf %add3A_429, %max3A_431 : vector<16xf32>
          %mul3A_433 = arith.constant 2 : i32
          %mul3A_434 = arith.muli %mul3A_433, %scan3A_96 : i32
          %add3A_435 = arith.constant 1 : i32
          %add3A_436 = arith.addi %mul3A_434, %add3A_435 : i32
          %swap3A_437 = arith.index_cast %add3A_436 : i32 to index
          %swap3A_438 = arith.constant 48 : index
          %swap3A_439 = tpu.vector_load %arg10[%swap3A_437, %swap3A_438] {strides = array<i32>} : memref<64x128xf32, #tpu.memory_space<vmem>>, vector<1x16xf32>,
          %swap3A_440 = vector.shape_cast %swap3A_439 : vector<1x16xf32> to vector<16xf32>
          %swap3A_441 = vector.shape_cast %max3A_432 : vector<16xf32> to vector<1x16xf32>
          tpu.vector_store %arg10[%swap3A_437, %swap3A_438], %swap3A_441 {strides = array<i32>} : memref<64x128xf32, #tpu.memory_space<vmem>>, vector<1x16xf32>,
          %mul3A_442 = arith.constant 2 : i32
          %mul3A_443 = arith.muli %mul3A_442, %scan3A_96 : i32
          %add3A_444 = arith.constant 1 : i32
          %add3A_445 = arith.addi %mul3A_443, %add3A_444 : i32
          %get3A_446 = arith.index_cast %add3A_445 : i32 to index
          %get3A_447 = arith.constant 64 : index
          %get3A_448 = tpu.vector_load %arg10[%get3A_446, %get3A_447] {strides = array<i32>} : memref<64x128xf32, #tpu.memory_space<vmem>>, vector<1x16xf32>,
          %get3A_449 = vector.shape_cast %get3A_448 : vector<1x16xf32> to vector<16xf32>
          %mul3A_450 = arith.constant 2 : i32
          %mul3A_451 = arith.muli %mul3A_450, %scan3A_96 : i32
          %add3A_452 = arith.constant 1 : i32
          %add3A_453 = arith.addi %mul3A_451, %add3A_452 : i32
          %get3A_454 = arith.index_cast %add3A_453 : i32 to index
          %get3A_455 = arith.constant 64 : index
          %get3A_456 = tpu.vector_load %arg11[%get3A_454, %get3A_455] {strides = array<i32>} : memref<64x128xf32, #tpu.memory_space<vmem>>, vector<1x16xf32>,
          %get3A_457 = vector.shape_cast %get3A_456 : vector<1x16xf32> to vector<16xf32>
          %add3A_458 = arith.addf %get3A_449, %get3A_457 : vector<16xf32>
          %max3A_459 = arith.constant 0.000000e+00 : f32
          %max3A_460 = vector.broadcast %max3A_459 : f32 to vector<16xf32>
          %max3A_461 = arith.maximumf %add3A_458, %max3A_460 : vector<16xf32>
          %mul3A_462 = arith.constant 2 : i32
          %mul3A_463 = arith.muli %mul3A_462, %scan3A_96 : i32
          %add3A_464 = arith.constant 1 : i32
          %add3A_465 = arith.addi %mul3A_463, %add3A_464 : i32
          %swap3A_466 = arith.index_cast %add3A_465 : i32 to index
          %swap3A_467 = arith.constant 64 : index
          %swap3A_468 = tpu.vector_load %arg10[%swap3A_466, %swap3A_467] {strides = array<i32>} : memref<64x128xf32, #tpu.memory_space<vmem>>, vector<1x16xf32>,
          %swap3A_469 = vector.shape_cast %swap3A_468 : vector<1x16xf32> to vector<16xf32>
          %swap3A_470 = vector.shape_cast %max3A_461 : vector<16xf32> to vector<1x16xf32>
          tpu.vector_store %arg10[%swap3A_466, %swap3A_467], %swap3A_470 {strides = array<i32>} : memref<64x128xf32, #tpu.memory_space<vmem>>, vector<1x16xf32>,
          %mul3A_471 = arith.constant 2 : i32
          %mul3A_472 = arith.muli %mul3A_471, %scan3A_96 : i32
          %add3A_473 = arith.constant 1 : i32
          %add3A_474 = arith.addi %mul3A_472, %add3A_473 : i32
          %get3A_475 = arith.index_cast %add3A_474 : i32 to index
          %get3A_476 = arith.constant 80 : index
          %get3A_477 = tpu.vector_load %arg10[%get3A_475, %get3A_476] {strides = array<i32>} : memref<64x128xf32, #tpu.memory_space<vmem>>, vector<1x16xf32>,
          %get3A_478 = vector.shape_cast %get3A_477 : vector<1x16xf32> to vector<16xf32>
          %mul3A_479 = arith.constant 2 : i32
          %mul3A_480 = arith.muli %mul3A_479, %scan3A_96 : i32
          %add3A_481 = arith.constant 1 : i32
          %add3A_482 = arith.addi %mul3A_480, %add3A_481 : i32
          %get3A_483 = arith.index_cast %add3A_482 : i32 to index
          %get3A_484 = arith.constant 80 : index
          %get3A_485 = tpu.vector_load %arg11[%get3A_483, %get3A_484] {strides = array<i32>} : memref<64x128xf32, #tpu.memory_space<vmem>>, vector<1x16xf32>,
          %get3A_486 = vector.shape_cast %get3A_485 : vector<1x16xf32> to vector<16xf32>
          %add3A_487 = arith.addf %get3A_478, %get3A_486 : vector<16xf32>
          %max3A_488 = arith.constant 0.000000e+00 : f32
          %max3A_489 = vector.broadcast %max3A_488 : f32 to vector<16xf32>
          %max3A_490 = arith.maximumf %add3A_487, %max3A_489 : vector<16xf32>
          %mul3A_491 = arith.constant 2 : i32
          %mul3A_492 = arith.muli %mul3A_491, %scan3A_96 : i32
          %add3A_493 = arith.constant 1 : i32
          %add3A_494 = arith.addi %mul3A_492, %add3A_493 : i32
          %swap3A_495 = arith.index_cast %add3A_494 : i32 to index
          %swap3A_496 = arith.constant 80 : index
          %swap3A_497 = tpu.vector_load %arg10[%swap3A_495, %swap3A_496] {strides = array<i32>} : memref<64x128xf32, #tpu.memory_space<vmem>>, vector<1x16xf32>,
          %swap3A_498 = vector.shape_cast %swap3A_497 : vector<1x16xf32> to vector<16xf32>
          %swap3A_499 = vector.shape_cast %max3A_490 : vector<16xf32> to vector<1x16xf32>
          tpu.vector_store %arg10[%swap3A_495, %swap3A_496], %swap3A_499 {strides = array<i32>} : memref<64x128xf32, #tpu.memory_space<vmem>>, vector<1x16xf32>,
          %mul3A_500 = arith.constant 2 : i32
          %mul3A_501 = arith.muli %mul3A_500, %scan3A_96 : i32
          %add3A_502 = arith.constant 1 : i32
          %add3A_503 = arith.addi %mul3A_501, %add3A_502 : i32
          %get3A_504 = arith.index_cast %add3A_503 : i32 to index
          %get3A_505 = arith.constant 96 : index
          %get3A_506 = tpu.vector_load %arg10[%get3A_504, %get3A_505] {strides = array<i32>} : memref<64x128xf32, #tpu.memory_space<vmem>>, vector<1x16xf32>,
          %get3A_507 = vector.shape_cast %get3A_506 : vector<1x16xf32> to vector<16xf32>
          %mul3A_508 = arith.constant 2 : i32
          %mul3A_509 = arith.muli %mul3A_508, %scan3A_96 : i32
          %add3A_510 = arith.constant 1 : i32
          %add3A_511 = arith.addi %mul3A_509, %add3A_510 : i32
          %get3A_512 = arith.index_cast %add3A_511 : i32 to index
          %get3A_513 = arith.constant 96 : index
          %get3A_514 = tpu.vector_load %arg11[%get3A_512, %get3A_513] {strides = array<i32>} : memref<64x128xf32, #tpu.memory_space<vmem>>, vector<1x16xf32>,
          %get3A_515 = vector.shape_cast %get3A_514 : vector<1x16xf32> to vector<16xf32>
          %add3A_516 = arith.addf %get3A_507, %get3A_515 : vector<16xf32>
          %max3A_517 = arith.constant 0.000000e+00 : f32
          %max3A_518 = vector.broadcast %max3A_517 : f32 to vector<16xf32>
          %max3A_519 = arith.maximumf %add3A_516, %max3A_518 : vector<16xf32>
          %mul3A_520 = arith.constant 2 : i32
          %mul3A_521 = arith.muli %mul3A_520, %scan3A_96 : i32
          %add3A_522 = arith.constant 1 : i32
          %add3A_523 = arith.addi %mul3A_521, %add3A_522 : i32
          %swap3A_524 = arith.index_cast %add3A_523 : i32 to index
          %swap3A_525 = arith.constant 96 : index
          %swap3A_526 = tpu.vector_load %arg10[%swap3A_524, %swap3A_525] {strides = array<i32>} : memref<64x128xf32, #tpu.memory_space<vmem>>, vector<1x16xf32>,
          %swap3A_527 = vector.shape_cast %swap3A_526 : vector<1x16xf32> to vector<16xf32>
          %swap3A_528 = vector.shape_cast %max3A_519 : vector<16xf32> to vector<1x16xf32>
          tpu.vector_store %arg10[%swap3A_524, %swap3A_525], %swap3A_528 {strides = array<i32>} : memref<64x128xf32, #tpu.memory_space<vmem>>, vector<1x16xf32>,
          %mul3A_529 = arith.constant 2 : i32
          %mul3A_530 = arith.muli %mul3A_529, %scan3A_96 : i32
          %add3A_531 = arith.constant 1 : i32
          %add3A_532 = arith.addi %mul3A_530, %add3A_531 : i32
          %get3A_533 = arith.index_cast %add3A_532 : i32 to index
          %get3A_534 = arith.constant 112 : index
          %get3A_535 = tpu.vector_load %arg10[%get3A_533, %get3A_534] {strides = array<i32>} : memref<64x128xf32, #tpu.memory_space<vmem>>, vector<1x16xf32>,
          %get3A_536 = vector.shape_cast %get3A_535 : vector<1x16xf32> to vector<16xf32>
          %mul3A_537 = arith.constant 2 : i32
          %mul3A_538 = arith.muli %mul3A_537, %scan3A_96 : i32
          %add3A_539 = arith.constant 1 : i32
          %add3A_540 = arith.addi %mul3A_538, %add3A_539 : i32
          %get3A_541 = arith.index_cast %add3A_540 : i32 to index
          %get3A_542 = arith.constant 112 : index
          %get3A_543 = tpu.vector_load %arg11[%get3A_541, %get3A_542] {strides = array<i32>} : memref<64x128xf32, #tpu.memory_space<vmem>>, vector<1x16xf32>,
          %get3A_544 = vector.shape_cast %get3A_543 : vector<1x16xf32> to vector<16xf32>
          %add3A_545 = arith.addf %get3A_536, %get3A_544 : vector<16xf32>
          %max3A_546 = arith.constant 0.000000e+00 : f32
          %max3A_547 = vector.broadcast %max3A_546 : f32 to vector<16xf32>
          %max3A_548 = arith.maximumf %add3A_545, %max3A_547 : vector<16xf32>
          %mul3A_549 = arith.constant 2 : i32
          %mul3A_550 = arith.muli %mul3A_549, %scan3A_96 : i32
          %add3A_551 = arith.constant 1 : i32
          %add3A_552 = arith.addi %mul3A_550, %add3A_551 : i32
          %swap3A_553 = arith.index_cast %add3A_552 : i32 to index
          %swap3A_554 = arith.constant 112 : index
          %swap3A_555 = tpu.vector_load %arg10[%swap3A_553, %swap3A_554] {strides = array<i32>} : memref<64x128xf32, #tpu.memory_space<vmem>>, vector<1x16xf32>,
          %swap3A_556 = vector.shape_cast %swap3A_555 : vector<1x16xf32> to vector<16xf32>
          %swap3A_557 = vector.shape_cast %max3A_548 : vector<16xf32> to vector<1x16xf32>
          tpu.vector_store %arg10[%swap3A_553, %swap3A_554], %swap3A_557 {strides = array<i32>} : memref<64x128xf32, #tpu.memory_space<vmem>>, vector<1x16xf32>,
        }
        %scan3A_72 = arith.constant 32 : i32
        "tpu.region"() ({
          %run_scoped3A = tpu.sem_alloc : memref<!tpu.dma_semaphore, #tpu.memory_space<semaphore_mem>>
          %dma_start3A_96 = arith.constant 0 : i32
          %dma_start3A_97 = tpu.memref_slice %arg9[%mul3A_37, %dma_start3A_96] : memref<32x64xi32, #tpu.memory_space<vmem>> -> memref<1x64xi32, #tpu.memory_space<vmem>>
          %dma_start3A_98 = tpu.memref_squeeze %dma_start3A_97 : memref<1x64xi32, #tpu.memory_space<vmem>> -> memref<64xi32, #tpu.memory_space<vmem>>
          %dma_start3A_99 = arith.constant 0 : i32
          %dma_start3A_100 = arith.constant 0 : i32
          %dma_start3A_101 = tpu.memref_slice %arg14[%dma_start3A_99, %dma_start3A_100] : memref<10112x128xf32, #tpu.memory_space<vmem_shared>> -> memref<10112x128xf32, #tpu.memory_space<vmem_shared>>
          tpu.enqueue_indirect_dma source(%arg10 : memref<64x128xf32, #tpu.memory_space<vmem>>) target(%dma_start3A_101 : memref<10112x128xf32, #tpu.memory_space<vmem_shared>>) offsets(%dma_start3A_98 : memref<64xi32, #tpu.memory_space<vmem>>) semaphore(%run_scoped3A : memref<!tpu.dma_semaphore, #tpu.memory_space<semaphore_mem>>) {add = true}
          %dma_wait3A_102 = arith.constant 0 : i32
          %dma_wait3A_103 = tpu.memref_slice %arg9[%mul3A_37, %dma_wait3A_102] : memref<32x64xi32, #tpu.memory_space<vmem>> -> memref<1x64xi32, #tpu.memory_space<vmem>>
          %dma_wait3A_104 = tpu.memref_squeeze %dma_wait3A_103 : memref<1x64xi32, #tpu.memory_space<vmem>> -> memref<64xi32, #tpu.memory_space<vmem>>
          %dma_wait3A_105 = arith.constant 0 : i32
          %dma_wait3A_106 = arith.constant 0 : i32
          %dma_wait3A_107 = tpu.memref_slice %arg14[%dma_wait3A_105, %dma_wait3A_106] : memref<10112x128xf32, #tpu.memory_space<vmem_shared>> -> memref<10112x128xf32, #tpu.memory_space<vmem_shared>>
          tpu.wait_indirect_dma semaphore(%run_scoped3A : memref<!tpu.dma_semaphore, #tpu.memory_space<semaphore_mem>>) src(%arg10 : memref<64x128xf32, #tpu.memory_space<vmem>>) dst(%dma_wait3A_107 : memref<10112x128xf32, #tpu.memory_space<vmem_shared>>)
          tpu.yield
        }) : () -> ()
        %add3A_73 = arith.constant 1 : i32
        %add3A_74 = arith.addi %add3A_41, %add3A_73 : i32
        %lt3A = arith.constant 32 : i32
        %lt3A_75 = arith.cmpi slt, %add3A_74, %lt3A : i32
        %convert_element_type3A = arith.extui %lt3A_75 : i1 to i32
        %cond3A = arith.constant 0 : i32
        %cond3A_76 = arith.cmpi ne, %convert_element_type3A, %cond3A : i32
        scf.if %cond3A_76 {
          %add3A_96 = arith.constant 1 : i32
          %add3A_97 = arith.addi %add3A_41, %add3A_96 : i32
          %add3A_98 = arith.addi %add3A_14, %add3A_97 : i32
          %mul3A_99 = arith.constant 64 : i32
          %mul3A_100 = arith.muli %add3A_98, %mul3A_99 : i32
          %dma_start3A_101 = arith.constant 0 : i32
          %dma_start3A_102 = tpu.memref_slice %arg3[%mul3A_100, %dma_start3A_101] : memref<327680x128xf32, #tpu.memory_space<hbm>> -> memref<64x128xf32, #tpu.memory_space<hbm>>
          %dma_start3A_103 = arith.constant 0 : i32
          %dma_start3A_104 = tpu.memref_slice %arg3[%mul3A_100, %dma_start3A_103] : memref<327680x128xf32, #tpu.memory_space<hbm>> -> memref<64x128xf32, #tpu.memory_space<hbm>>
          tpu.enqueue_dma source(%dma_start3A_104 : memref<64x128xf32, #tpu.memory_space<hbm>>) target(%arg11 : memref<64x128xf32, #tpu.memory_space<vmem>>) target_semaphore(%arg15 : memref<!tpu.dma_semaphore, #tpu.memory_space<semaphore_mem>>)
          %dma_start3A_105 = arith.constant 0 : i32
          %dma_start3A_106 = tpu.memref_slice %arg8[%add3A_97, %dma_start3A_105] : memref<32x64xi32, #tpu.memory_space<vmem>> -> memref<1x64xi32, #tpu.memory_space<vmem>>
          %dma_start3A_107 = tpu.memref_squeeze %dma_start3A_106 : memref<1x64xi32, #tpu.memory_space<vmem>> -> memref<64xi32, #tpu.memory_space<vmem>>
          %dma_start3A_108 = arith.constant 0 : i32
          %dma_start3A_109 = arith.constant 0 : i32
          %dma_start3A_110 = tpu.memref_slice %arg2[%dma_start3A_108, %dma_start3A_109] : memref<10112x128xf32, #tpu.memory_space<hbm>> -> memref<10112x128xf32, #tpu.memory_space<hbm>>
          tpu.enqueue_indirect_dma source(%dma_start3A_110 : memref<10112x128xf32, #tpu.memory_space<hbm>>) target(%arg10 : memref<64x128xf32, #tpu.memory_space<vmem>>) offsets(%dma_start3A_107 : memref<64xi32, #tpu.memory_space<vmem>>) semaphore(%arg15 : memref<!tpu.dma_semaphore, #tpu.memory_space<semaphore_mem>>)
        } else {
        }
        %add3A_77 = arith.addi %add3A_14, %add3A_41 : i32
        %mul3A_78 = arith.constant 64 : i32
        %mul3A_79 = arith.muli %add3A_77, %mul3A_78 : i32
        %dma_wait3A_80 = arith.constant 0 : i32
        %dma_wait3A_81 = tpu.memref_slice %arg3[%mul3A_79, %dma_wait3A_80] : memref<327680x128xf32, #tpu.memory_space<hbm>> -> memref<64x128xf32, #tpu.memory_space<hbm>>
        %dma_wait3A_82 = arith.constant 0 : i32
        %dma_wait3A_83 = tpu.memref_slice %arg3[%mul3A_79, %dma_wait3A_82] : memref<327680x128xf32, #tpu.memory_space<hbm>> -> memref<64x128xf32, #tpu.memory_space<hbm>>
        tpu.wait_dma2 semaphore(%arg16 : memref<!tpu.dma_semaphore, #tpu.memory_space<semaphore_mem>>) src(%dma_wait3A_83 : memref<64x128xf32, #tpu.memory_space<hbm>>) dst(%arg13 : memref<64x128xf32, #tpu.memory_space<vmem>>)
        %dma_wait3A_84 = arith.constant 0 : i32
        %dma_wait3A_85 = tpu.memref_slice %arg8[%add3A_41, %dma_wait3A_84] : memref<32x64xi32, #tpu.memory_space<vmem>> -> memref<1x64xi32, #tpu.memory_space<vmem>>
        %dma_wait3A_86 = tpu.memref_squeeze %dma_wait3A_85 : memref<1x64xi32, #tpu.memory_space<vmem>> -> memref<64xi32, #tpu.memory_space<vmem>>
        %dma_wait3A_87 = arith.constant 0 : i32
        %dma_wait3A_88 = arith.constant 0 : i32
        %dma_wait3A_89 = tpu.memref_slice %arg2[%dma_wait3A_87, %dma_wait3A_88] : memref<10112x128xf32, #tpu.memory_space<hbm>> -> memref<10112x128xf32, #tpu.memory_space<hbm>>
        tpu.wait_indirect_dma semaphore(%arg16 : memref<!tpu.dma_semaphore, #tpu.memory_space<semaphore_mem>>) src(%dma_wait3A_89 : memref<10112x128xf32, #tpu.memory_space<hbm>>) dst(%arg12 : memref<64x128xf32, #tpu.memory_space<vmem>>)
        %scan3A_90 = arith.constant 0 : i32
        %scan3A_91 = arith.constant 0 : i32
        %scan3A_92 = arith.constant 32 : i32
        %scan3A_93 = arith.addi %scan3A_91, %scan3A_92 : i32
        %scan3A_94 = arith.constant 1 : i32
        scf.for %scan3A_96 = %scan3A_91 to %scan3A_93 step %scan3A_94  : i32 {
          %mul3A_97 = arith.constant 2 : i32
          %mul3A_98 = arith.muli %mul3A_97, %scan3A_96 : i32
          %add3A_99 = arith.constant 0 : i32
          %add3A_100 = arith.addi %mul3A_98, %add3A_99 : i32
          %get3A = arith.index_cast %add3A_100 : i32 to index
          %get3A_101 = arith.constant 0 : index
          %get3A_102 = tpu.vector_load %arg12[%get3A, %get3A_101] {strides = array<i32>} : memref<64x128xf32, #tpu.memory_space<vmem>>, vector<1x16xf32>,
          %get3A_103 = vector.shape_cast %get3A_102 : vector<1x16xf32> to vector<16xf32>
          %mul3A_104 = arith.constant 2 : i32
          %mul3A_105 = arith.muli %mul3A_104, %scan3A_96 : i32
          %add3A_106 = arith.constant 0 : i32
          %add3A_107 = arith.addi %mul3A_105, %add3A_106 : i32
          %get3A_108 = arith.index_cast %add3A_107 : i32 to index
          %get3A_109 = arith.constant 0 : index
          %get3A_110 = tpu.vector_load %arg13[%get3A_108, %get3A_109] {strides = array<i32>} : memref<64x128xf32, #tpu.memory_space<vmem>>, vector<1x16xf32>,
          %get3A_111 = vector.shape_cast %get3A_110 : vector<1x16xf32> to vector<16xf32>
          %add3A_112 = arith.addf %get3A_103, %get3A_111 : vector<16xf32>
          %max3A = arith.constant 0.000000e+00 : f32
          %max3A_113 = vector.broadcast %max3A : f32 to vector<16xf32>
          %max3A_114 = arith.maximumf %add3A_112, %max3A_113 : vector<16xf32>
          %mul3A_115 = arith.constant 2 : i32
          %mul3A_116 = arith.muli %mul3A_115, %scan3A_96 : i32
          %add3A_117 = arith.constant 0 : i32
          %add3A_118 = arith.addi %mul3A_116, %add3A_117 : i32
          %swap3A = arith.index_cast %add3A_118 : i32 to index
          %swap3A_119 = arith.constant 0 : index
          %swap3A_120 = tpu.vector_load %arg12[%swap3A, %swap3A_119] {strides = array<i32>} : memref<64x128xf32, #tpu.memory_space<vmem>>, vector<1x16xf32>,
          %swap3A_121 = vector.shape_cast %swap3A_120 : vector<1x16xf32> to vector<16xf32>
          %swap3A_122 = vector.shape_cast %max3A_114 : vector<16xf32> to vector<1x16xf32>
          tpu.vector_store %arg12[%swap3A, %swap3A_119], %swap3A_122 {strides = array<i32>} : memref<64x128xf32, #tpu.memory_space<vmem>>, vector<1x16xf32>,
          %mul3A_123 = arith.constant 2 : i32
          %mul3A_124 = arith.muli %mul3A_123, %scan3A_96 : i32
          %add3A_125 = arith.constant 0 : i32
          %add3A_126 = arith.addi %mul3A_124, %add3A_125 : i32
          %get3A_127 = arith.index_cast %add3A_126 : i32 to index
          %get3A_128 = arith.constant 16 : index
          %get3A_129 = tpu.vector_load %arg12[%get3A_127, %get3A_128] {strides = array<i32>} : memref<64x128xf32, #tpu.memory_space<vmem>>, vector<1x16xf32>,
          %get3A_130 = vector.shape_cast %get3A_129 : vector<1x16xf32> to vector<16xf32>
          %mul3A_131 = arith.constant 2 : i32
          %mul3A_132 = arith.muli %mul3A_131, %scan3A_96 : i32
          %add3A_133 = arith.constant 0 : i32
          %add3A_134 = arith.addi %mul3A_132, %add3A_133 : i32
          %get3A_135 = arith.index_cast %add3A_134 : i32 to index
          %get3A_136 = arith.constant 16 : index
          %get3A_137 = tpu.vector_load %arg13[%get3A_135, %get3A_136] {strides = array<i32>} : memref<64x128xf32, #tpu.memory_space<vmem>>, vector<1x16xf32>,
          %get3A_138 = vector.shape_cast %get3A_137 : vector<1x16xf32> to vector<16xf32>
          %add3A_139 = arith.addf %get3A_130, %get3A_138 : vector<16xf32>
          %max3A_140 = arith.constant 0.000000e+00 : f32
          %max3A_141 = vector.broadcast %max3A_140 : f32 to vector<16xf32>
          %max3A_142 = arith.maximumf %add3A_139, %max3A_141 : vector<16xf32>
          %mul3A_143 = arith.constant 2 : i32
          %mul3A_144 = arith.muli %mul3A_143, %scan3A_96 : i32
          %add3A_145 = arith.constant 0 : i32
          %add3A_146 = arith.addi %mul3A_144, %add3A_145 : i32
          %swap3A_147 = arith.index_cast %add3A_146 : i32 to index
          %swap3A_148 = arith.constant 16 : index
          %swap3A_149 = tpu.vector_load %arg12[%swap3A_147, %swap3A_148] {strides = array<i32>} : memref<64x128xf32, #tpu.memory_space<vmem>>, vector<1x16xf32>,
          %swap3A_150 = vector.shape_cast %swap3A_149 : vector<1x16xf32> to vector<16xf32>
          %swap3A_151 = vector.shape_cast %max3A_142 : vector<16xf32> to vector<1x16xf32>
          tpu.vector_store %arg12[%swap3A_147, %swap3A_148], %swap3A_151 {strides = array<i32>} : memref<64x128xf32, #tpu.memory_space<vmem>>, vector<1x16xf32>,
          %mul3A_152 = arith.constant 2 : i32
          %mul3A_153 = arith.muli %mul3A_152, %scan3A_96 : i32
          %add3A_154 = arith.constant 0 : i32
          %add3A_155 = arith.addi %mul3A_153, %add3A_154 : i32
          %get3A_156 = arith.index_cast %add3A_155 : i32 to index
          %get3A_157 = arith.constant 32 : index
          %get3A_158 = tpu.vector_load %arg12[%get3A_156, %get3A_157] {strides = array<i32>} : memref<64x128xf32, #tpu.memory_space<vmem>>, vector<1x16xf32>,
          %get3A_159 = vector.shape_cast %get3A_158 : vector<1x16xf32> to vector<16xf32>
          %mul3A_160 = arith.constant 2 : i32
          %mul3A_161 = arith.muli %mul3A_160, %scan3A_96 : i32
          %add3A_162 = arith.constant 0 : i32
          %add3A_163 = arith.addi %mul3A_161, %add3A_162 : i32
          %get3A_164 = arith.index_cast %add3A_163 : i32 to index
          %get3A_165 = arith.constant 32 : index
          %get3A_166 = tpu.vector_load %arg13[%get3A_164, %get3A_165] {strides = array<i32>} : memref<64x128xf32, #tpu.memory_space<vmem>>, vector<1x16xf32>,
          %get3A_167 = vector.shape_cast %get3A_166 : vector<1x16xf32> to vector<16xf32>
          %add3A_168 = arith.addf %get3A_159, %get3A_167 : vector<16xf32>
          %max3A_169 = arith.constant 0.000000e+00 : f32
          %max3A_170 = vector.broadcast %max3A_169 : f32 to vector<16xf32>
          %max3A_171 = arith.maximumf %add3A_168, %max3A_170 : vector<16xf32>
          %mul3A_172 = arith.constant 2 : i32
          %mul3A_173 = arith.muli %mul3A_172, %scan3A_96 : i32
          %add3A_174 = arith.constant 0 : i32
          %add3A_175 = arith.addi %mul3A_173, %add3A_174 : i32
          %swap3A_176 = arith.index_cast %add3A_175 : i32 to index
          %swap3A_177 = arith.constant 32 : index
          %swap3A_178 = tpu.vector_load %arg12[%swap3A_176, %swap3A_177] {strides = array<i32>} : memref<64x128xf32, #tpu.memory_space<vmem>>, vector<1x16xf32>,
          %swap3A_179 = vector.shape_cast %swap3A_178 : vector<1x16xf32> to vector<16xf32>
          %swap3A_180 = vector.shape_cast %max3A_171 : vector<16xf32> to vector<1x16xf32>
          tpu.vector_store %arg12[%swap3A_176, %swap3A_177], %swap3A_180 {strides = array<i32>} : memref<64x128xf32, #tpu.memory_space<vmem>>, vector<1x16xf32>,
          %mul3A_181 = arith.constant 2 : i32
          %mul3A_182 = arith.muli %mul3A_181, %scan3A_96 : i32
          %add3A_183 = arith.constant 0 : i32
          %add3A_184 = arith.addi %mul3A_182, %add3A_183 : i32
          %get3A_185 = arith.index_cast %add3A_184 : i32 to index
          %get3A_186 = arith.constant 48 : index
          %get3A_187 = tpu.vector_load %arg12[%get3A_185, %get3A_186] {strides = array<i32>} : memref<64x128xf32, #tpu.memory_space<vmem>>, vector<1x16xf32>,
          %get3A_188 = vector.shape_cast %get3A_187 : vector<1x16xf32> to vector<16xf32>
          %mul3A_189 = arith.constant 2 : i32
          %mul3A_190 = arith.muli %mul3A_189, %scan3A_96 : i32
          %add3A_191 = arith.constant 0 : i32
          %add3A_192 = arith.addi %mul3A_190, %add3A_191 : i32
          %get3A_193 = arith.index_cast %add3A_192 : i32 to index
          %get3A_194 = arith.constant 48 : index
          %get3A_195 = tpu.vector_load %arg13[%get3A_193, %get3A_194] {strides = array<i32>} : memref<64x128xf32, #tpu.memory_space<vmem>>, vector<1x16xf32>,
          %get3A_196 = vector.shape_cast %get3A_195 : vector<1x16xf32> to vector<16xf32>
          %add3A_197 = arith.addf %get3A_188, %get3A_196 : vector<16xf32>
          %max3A_198 = arith.constant 0.000000e+00 : f32
          %max3A_199 = vector.broadcast %max3A_198 : f32 to vector<16xf32>
          %max3A_200 = arith.maximumf %add3A_197, %max3A_199 : vector<16xf32>
          %mul3A_201 = arith.constant 2 : i32
          %mul3A_202 = arith.muli %mul3A_201, %scan3A_96 : i32
          %add3A_203 = arith.constant 0 : i32
          %add3A_204 = arith.addi %mul3A_202, %add3A_203 : i32
          %swap3A_205 = arith.index_cast %add3A_204 : i32 to index
          %swap3A_206 = arith.constant 48 : index
          %swap3A_207 = tpu.vector_load %arg12[%swap3A_205, %swap3A_206] {strides = array<i32>} : memref<64x128xf32, #tpu.memory_space<vmem>>, vector<1x16xf32>,
          %swap3A_208 = vector.shape_cast %swap3A_207 : vector<1x16xf32> to vector<16xf32>
          %swap3A_209 = vector.shape_cast %max3A_200 : vector<16xf32> to vector<1x16xf32>
          tpu.vector_store %arg12[%swap3A_205, %swap3A_206], %swap3A_209 {strides = array<i32>} : memref<64x128xf32, #tpu.memory_space<vmem>>, vector<1x16xf32>,
          %mul3A_210 = arith.constant 2 : i32
          %mul3A_211 = arith.muli %mul3A_210, %scan3A_96 : i32
          %add3A_212 = arith.constant 0 : i32
          %add3A_213 = arith.addi %mul3A_211, %add3A_212 : i32
          %get3A_214 = arith.index_cast %add3A_213 : i32 to index
          %get3A_215 = arith.constant 64 : index
          %get3A_216 = tpu.vector_load %arg12[%get3A_214, %get3A_215] {strides = array<i32>} : memref<64x128xf32, #tpu.memory_space<vmem>>, vector<1x16xf32>,
          %get3A_217 = vector.shape_cast %get3A_216 : vector<1x16xf32> to vector<16xf32>
          %mul3A_218 = arith.constant 2 : i32
          %mul3A_219 = arith.muli %mul3A_218, %scan3A_96 : i32
          %add3A_220 = arith.constant 0 : i32
          %add3A_221 = arith.addi %mul3A_219, %add3A_220 : i32
          %get3A_222 = arith.index_cast %add3A_221 : i32 to index
          %get3A_223 = arith.constant 64 : index
          %get3A_224 = tpu.vector_load %arg13[%get3A_222, %get3A_223] {strides = array<i32>} : memref<64x128xf32, #tpu.memory_space<vmem>>, vector<1x16xf32>,
          %get3A_225 = vector.shape_cast %get3A_224 : vector<1x16xf32> to vector<16xf32>
          %add3A_226 = arith.addf %get3A_217, %get3A_225 : vector<16xf32>
          %max3A_227 = arith.constant 0.000000e+00 : f32
          %max3A_228 = vector.broadcast %max3A_227 : f32 to vector<16xf32>
          %max3A_229 = arith.maximumf %add3A_226, %max3A_228 : vector<16xf32>
          %mul3A_230 = arith.constant 2 : i32
          %mul3A_231 = arith.muli %mul3A_230, %scan3A_96 : i32
          %add3A_232 = arith.constant 0 : i32
          %add3A_233 = arith.addi %mul3A_231, %add3A_232 : i32
          %swap3A_234 = arith.index_cast %add3A_233 : i32 to index
          %swap3A_235 = arith.constant 64 : index
          %swap3A_236 = tpu.vector_load %arg12[%swap3A_234, %swap3A_235] {strides = array<i32>} : memref<64x128xf32, #tpu.memory_space<vmem>>, vector<1x16xf32>,
          %swap3A_237 = vector.shape_cast %swap3A_236 : vector<1x16xf32> to vector<16xf32>
          %swap3A_238 = vector.shape_cast %max3A_229 : vector<16xf32> to vector<1x16xf32>
          tpu.vector_store %arg12[%swap3A_234, %swap3A_235], %swap3A_238 {strides = array<i32>} : memref<64x128xf32, #tpu.memory_space<vmem>>, vector<1x16xf32>,
          %mul3A_239 = arith.constant 2 : i32
          %mul3A_240 = arith.muli %mul3A_239, %scan3A_96 : i32
          %add3A_241 = arith.constant 0 : i32
          %add3A_242 = arith.addi %mul3A_240, %add3A_241 : i32
          %get3A_243 = arith.index_cast %add3A_242 : i32 to index
          %get3A_244 = arith.constant 80 : index
          %get3A_245 = tpu.vector_load %arg12[%get3A_243, %get3A_244] {strides = array<i32>} : memref<64x128xf32, #tpu.memory_space<vmem>>, vector<1x16xf32>,
          %get3A_246 = vector.shape_cast %get3A_245 : vector<1x16xf32> to vector<16xf32>
          %mul3A_247 = arith.constant 2 : i32
          %mul3A_248 = arith.muli %mul3A_247, %scan3A_96 : i32
          %add3A_249 = arith.constant 0 : i32
          %add3A_250 = arith.addi %mul3A_248, %add3A_249 : i32
          %get3A_251 = arith.index_cast %add3A_250 : i32 to index
          %get3A_252 = arith.constant 80 : index
          %get3A_253 = tpu.vector_load %arg13[%get3A_251, %get3A_252] {strides = array<i32>} : memref<64x128xf32, #tpu.memory_space<vmem>>, vector<1x16xf32>,
          %get3A_254 = vector.shape_cast %get3A_253 : vector<1x16xf32> to vector<16xf32>
          %add3A_255 = arith.addf %get3A_246, %get3A_254 : vector<16xf32>
          %max3A_256 = arith.constant 0.000000e+00 : f32
          %max3A_257 = vector.broadcast %max3A_256 : f32 to vector<16xf32>
          %max3A_258 = arith.maximumf %add3A_255, %max3A_257 : vector<16xf32>
          %mul3A_259 = arith.constant 2 : i32
          %mul3A_260 = arith.muli %mul3A_259, %scan3A_96 : i32
          %add3A_261 = arith.constant 0 : i32
          %add3A_262 = arith.addi %mul3A_260, %add3A_261 : i32
          %swap3A_263 = arith.index_cast %add3A_262 : i32 to index
          %swap3A_264 = arith.constant 80 : index
          %swap3A_265 = tpu.vector_load %arg12[%swap3A_263, %swap3A_264] {strides = array<i32>} : memref<64x128xf32, #tpu.memory_space<vmem>>, vector<1x16xf32>,
          %swap3A_266 = vector.shape_cast %swap3A_265 : vector<1x16xf32> to vector<16xf32>
          %swap3A_267 = vector.shape_cast %max3A_258 : vector<16xf32> to vector<1x16xf32>
          tpu.vector_store %arg12[%swap3A_263, %swap3A_264], %swap3A_267 {strides = array<i32>} : memref<64x128xf32, #tpu.memory_space<vmem>>, vector<1x16xf32>,
          %mul3A_268 = arith.constant 2 : i32
          %mul3A_269 = arith.muli %mul3A_268, %scan3A_96 : i32
          %add3A_270 = arith.constant 0 : i32
          %add3A_271 = arith.addi %mul3A_269, %add3A_270 : i32
          %get3A_272 = arith.index_cast %add3A_271 : i32 to index
          %get3A_273 = arith.constant 96 : index
          %get3A_274 = tpu.vector_load %arg12[%get3A_272, %get3A_273] {strides = array<i32>} : memref<64x128xf32, #tpu.memory_space<vmem>>, vector<1x16xf32>,
          %get3A_275 = vector.shape_cast %get3A_274 : vector<1x16xf32> to vector<16xf32>
          %mul3A_276 = arith.constant 2 : i32
          %mul3A_277 = arith.muli %mul3A_276, %scan3A_96 : i32
          %add3A_278 = arith.constant 0 : i32
          %add3A_279 = arith.addi %mul3A_277, %add3A_278 : i32
          %get3A_280 = arith.index_cast %add3A_279 : i32 to index
          %get3A_281 = arith.constant 96 : index
          %get3A_282 = tpu.vector_load %arg13[%get3A_280, %get3A_281] {strides = array<i32>} : memref<64x128xf32, #tpu.memory_space<vmem>>, vector<1x16xf32>,
          %get3A_283 = vector.shape_cast %get3A_282 : vector<1x16xf32> to vector<16xf32>
          %add3A_284 = arith.addf %get3A_275, %get3A_283 : vector<16xf32>
          %max3A_285 = arith.constant 0.000000e+00 : f32
          %max3A_286 = vector.broadcast %max3A_285 : f32 to vector<16xf32>
          %max3A_287 = arith.maximumf %add3A_284, %max3A_286 : vector<16xf32>
          %mul3A_288 = arith.constant 2 : i32
          %mul3A_289 = arith.muli %mul3A_288, %scan3A_96 : i32
          %add3A_290 = arith.constant 0 : i32
          %add3A_291 = arith.addi %mul3A_289, %add3A_290 : i32
          %swap3A_292 = arith.index_cast %add3A_291 : i32 to index
          %swap3A_293 = arith.constant 96 : index
          %swap3A_294 = tpu.vector_load %arg12[%swap3A_292, %swap3A_293] {strides = array<i32>} : memref<64x128xf32, #tpu.memory_space<vmem>>, vector<1x16xf32>,
          %swap3A_295 = vector.shape_cast %swap3A_294 : vector<1x16xf32> to vector<16xf32>
          %swap3A_296 = vector.shape_cast %max3A_287 : vector<16xf32> to vector<1x16xf32>
          tpu.vector_store %arg12[%swap3A_292, %swap3A_293], %swap3A_296 {strides = array<i32>} : memref<64x128xf32, #tpu.memory_space<vmem>>, vector<1x16xf32>,
          %mul3A_297 = arith.constant 2 : i32
          %mul3A_298 = arith.muli %mul3A_297, %scan3A_96 : i32
          %add3A_299 = arith.constant 0 : i32
          %add3A_300 = arith.addi %mul3A_298, %add3A_299 : i32
          %get3A_301 = arith.index_cast %add3A_300 : i32 to index
          %get3A_302 = arith.constant 112 : index
          %get3A_303 = tpu.vector_load %arg12[%get3A_301, %get3A_302] {strides = array<i32>} : memref<64x128xf32, #tpu.memory_space<vmem>>, vector<1x16xf32>,
          %get3A_304 = vector.shape_cast %get3A_303 : vector<1x16xf32> to vector<16xf32>
          %mul3A_305 = arith.constant 2 : i32
          %mul3A_306 = arith.muli %mul3A_305, %scan3A_96 : i32
          %add3A_307 = arith.constant 0 : i32
          %add3A_308 = arith.addi %mul3A_306, %add3A_307 : i32
          %get3A_309 = arith.index_cast %add3A_308 : i32 to index
          %get3A_310 = arith.constant 112 : index
          %get3A_311 = tpu.vector_load %arg13[%get3A_309, %get3A_310] {strides = array<i32>} : memref<64x128xf32, #tpu.memory_space<vmem>>, vector<1x16xf32>,
          %get3A_312 = vector.shape_cast %get3A_311 : vector<1x16xf32> to vector<16xf32>
          %add3A_313 = arith.addf %get3A_304, %get3A_312 : vector<16xf32>
          %max3A_314 = arith.constant 0.000000e+00 : f32
          %max3A_315 = vector.broadcast %max3A_314 : f32 to vector<16xf32>
          %max3A_316 = arith.maximumf %add3A_313, %max3A_315 : vector<16xf32>
          %mul3A_317 = arith.constant 2 : i32
          %mul3A_318 = arith.muli %mul3A_317, %scan3A_96 : i32
          %add3A_319 = arith.constant 0 : i32
          %add3A_320 = arith.addi %mul3A_318, %add3A_319 : i32
          %swap3A_321 = arith.index_cast %add3A_320 : i32 to index
          %swap3A_322 = arith.constant 112 : index
          %swap3A_323 = tpu.vector_load %arg12[%swap3A_321, %swap3A_322] {strides = array<i32>} : memref<64x128xf32, #tpu.memory_space<vmem>>, vector<1x16xf32>,
          %swap3A_324 = vector.shape_cast %swap3A_323 : vector<1x16xf32> to vector<16xf32>
          %swap3A_325 = vector.shape_cast %max3A_316 : vector<16xf32> to vector<1x16xf32>
          tpu.vector_store %arg12[%swap3A_321, %swap3A_322], %swap3A_325 {strides = array<i32>} : memref<64x128xf32, #tpu.memory_space<vmem>>, vector<1x16xf32>,
          %mul3A_326 = arith.constant 2 : i32
          %mul3A_327 = arith.muli %mul3A_326, %scan3A_96 : i32
          %add3A_328 = arith.constant 1 : i32
          %add3A_329 = arith.addi %mul3A_327, %add3A_328 : i32
          %get3A_330 = arith.index_cast %add3A_329 : i32 to index
          %get3A_331 = arith.constant 0 : index
          %get3A_332 = tpu.vector_load %arg12[%get3A_330, %get3A_331] {strides = array<i32>} : memref<64x128xf32, #tpu.memory_space<vmem>>, vector<1x16xf32>,
          %get3A_333 = vector.shape_cast %get3A_332 : vector<1x16xf32> to vector<16xf32>
          %mul3A_334 = arith.constant 2 : i32
          %mul3A_335 = arith.muli %mul3A_334, %scan3A_96 : i32
          %add3A_336 = arith.constant 1 : i32
          %add3A_337 = arith.addi %mul3A_335, %add3A_336 : i32
          %get3A_338 = arith.index_cast %add3A_337 : i32 to index
          %get3A_339 = arith.constant 0 : index
          %get3A_340 = tpu.vector_load %arg13[%get3A_338, %get3A_339] {strides = array<i32>} : memref<64x128xf32, #tpu.memory_space<vmem>>, vector<1x16xf32>,
          %get3A_341 = vector.shape_cast %get3A_340 : vector<1x16xf32> to vector<16xf32>
          %add3A_342 = arith.addf %get3A_333, %get3A_341 : vector<16xf32>
          %max3A_343 = arith.constant 0.000000e+00 : f32
          %max3A_344 = vector.broadcast %max3A_343 : f32 to vector<16xf32>
          %max3A_345 = arith.maximumf %add3A_342, %max3A_344 : vector<16xf32>
          %mul3A_346 = arith.constant 2 : i32
          %mul3A_347 = arith.muli %mul3A_346, %scan3A_96 : i32
          %add3A_348 = arith.constant 1 : i32
          %add3A_349 = arith.addi %mul3A_347, %add3A_348 : i32
          %swap3A_350 = arith.index_cast %add3A_349 : i32 to index
          %swap3A_351 = arith.constant 0 : index
          %swap3A_352 = tpu.vector_load %arg12[%swap3A_350, %swap3A_351] {strides = array<i32>} : memref<64x128xf32, #tpu.memory_space<vmem>>, vector<1x16xf32>,
          %swap3A_353 = vector.shape_cast %swap3A_352 : vector<1x16xf32> to vector<16xf32>
          %swap3A_354 = vector.shape_cast %max3A_345 : vector<16xf32> to vector<1x16xf32>
          tpu.vector_store %arg12[%swap3A_350, %swap3A_351], %swap3A_354 {strides = array<i32>} : memref<64x128xf32, #tpu.memory_space<vmem>>, vector<1x16xf32>,
          %mul3A_355 = arith.constant 2 : i32
          %mul3A_356 = arith.muli %mul3A_355, %scan3A_96 : i32
          %add3A_357 = arith.constant 1 : i32
          %add3A_358 = arith.addi %mul3A_356, %add3A_357 : i32
          %get3A_359 = arith.index_cast %add3A_358 : i32 to index
          %get3A_360 = arith.constant 16 : index
          %get3A_361 = tpu.vector_load %arg12[%get3A_359, %get3A_360] {strides = array<i32>} : memref<64x128xf32, #tpu.memory_space<vmem>>, vector<1x16xf32>,
          %get3A_362 = vector.shape_cast %get3A_361 : vector<1x16xf32> to vector<16xf32>
          %mul3A_363 = arith.constant 2 : i32
          %mul3A_364 = arith.muli %mul3A_363, %scan3A_96 : i32
          %add3A_365 = arith.constant 1 : i32
          %add3A_366 = arith.addi %mul3A_364, %add3A_365 : i32
          %get3A_367 = arith.index_cast %add3A_366 : i32 to index
          %get3A_368 = arith.constant 16 : index
          %get3A_369 = tpu.vector_load %arg13[%get3A_367, %get3A_368] {strides = array<i32>} : memref<64x128xf32, #tpu.memory_space<vmem>>, vector<1x16xf32>,
          %get3A_370 = vector.shape_cast %get3A_369 : vector<1x16xf32> to vector<16xf32>
          %add3A_371 = arith.addf %get3A_362, %get3A_370 : vector<16xf32>
          %max3A_372 = arith.constant 0.000000e+00 : f32
          %max3A_373 = vector.broadcast %max3A_372 : f32 to vector<16xf32>
          %max3A_374 = arith.maximumf %add3A_371, %max3A_373 : vector<16xf32>
          %mul3A_375 = arith.constant 2 : i32
          %mul3A_376 = arith.muli %mul3A_375, %scan3A_96 : i32
          %add3A_377 = arith.constant 1 : i32
          %add3A_378 = arith.addi %mul3A_376, %add3A_377 : i32
          %swap3A_379 = arith.index_cast %add3A_378 : i32 to index
          %swap3A_380 = arith.constant 16 : index
          %swap3A_381 = tpu.vector_load %arg12[%swap3A_379, %swap3A_380] {strides = array<i32>} : memref<64x128xf32, #tpu.memory_space<vmem>>, vector<1x16xf32>,
          %swap3A_382 = vector.shape_cast %swap3A_381 : vector<1x16xf32> to vector<16xf32>
          %swap3A_383 = vector.shape_cast %max3A_374 : vector<16xf32> to vector<1x16xf32>
          tpu.vector_store %arg12[%swap3A_379, %swap3A_380], %swap3A_383 {strides = array<i32>} : memref<64x128xf32, #tpu.memory_space<vmem>>, vector<1x16xf32>,
          %mul3A_384 = arith.constant 2 : i32
          %mul3A_385 = arith.muli %mul3A_384, %scan3A_96 : i32
          %add3A_386 = arith.constant 1 : i32
          %add3A_387 = arith.addi %mul3A_385, %add3A_386 : i32
          %get3A_388 = arith.index_cast %add3A_387 : i32 to index
          %get3A_389 = arith.constant 32 : index
          %get3A_390 = tpu.vector_load %arg12[%get3A_388, %get3A_389] {strides = array<i32>} : memref<64x128xf32, #tpu.memory_space<vmem>>, vector<1x16xf32>,
          %get3A_391 = vector.shape_cast %get3A_390 : vector<1x16xf32> to vector<16xf32>
          %mul3A_392 = arith.constant 2 : i32
          %mul3A_393 = arith.muli %mul3A_392, %scan3A_96 : i32
          %add3A_394 = arith.constant 1 : i32
          %add3A_395 = arith.addi %mul3A_393, %add3A_394 : i32
          %get3A_396 = arith.index_cast %add3A_395 : i32 to index
          %get3A_397 = arith.constant 32 : index
          %get3A_398 = tpu.vector_load %arg13[%get3A_396, %get3A_397] {strides = array<i32>} : memref<64x128xf32, #tpu.memory_space<vmem>>, vector<1x16xf32>,
          %get3A_399 = vector.shape_cast %get3A_398 : vector<1x16xf32> to vector<16xf32>
          %add3A_400 = arith.addf %get3A_391, %get3A_399 : vector<16xf32>
          %max3A_401 = arith.constant 0.000000e+00 : f32
          %max3A_402 = vector.broadcast %max3A_401 : f32 to vector<16xf32>
          %max3A_403 = arith.maximumf %add3A_400, %max3A_402 : vector<16xf32>
          %mul3A_404 = arith.constant 2 : i32
          %mul3A_405 = arith.muli %mul3A_404, %scan3A_96 : i32
          %add3A_406 = arith.constant 1 : i32
          %add3A_407 = arith.addi %mul3A_405, %add3A_406 : i32
          %swap3A_408 = arith.index_cast %add3A_407 : i32 to index
          %swap3A_409 = arith.constant 32 : index
          %swap3A_410 = tpu.vector_load %arg12[%swap3A_408, %swap3A_409] {strides = array<i32>} : memref<64x128xf32, #tpu.memory_space<vmem>>, vector<1x16xf32>,
          %swap3A_411 = vector.shape_cast %swap3A_410 : vector<1x16xf32> to vector<16xf32>
          %swap3A_412 = vector.shape_cast %max3A_403 : vector<16xf32> to vector<1x16xf32>
          tpu.vector_store %arg12[%swap3A_408, %swap3A_409], %swap3A_412 {strides = array<i32>} : memref<64x128xf32, #tpu.memory_space<vmem>>, vector<1x16xf32>,
          %mul3A_413 = arith.constant 2 : i32
          %mul3A_414 = arith.muli %mul3A_413, %scan3A_96 : i32
          %add3A_415 = arith.constant 1 : i32
          %add3A_416 = arith.addi %mul3A_414, %add3A_415 : i32
          %get3A_417 = arith.index_cast %add3A_416 : i32 to index
          %get3A_418 = arith.constant 48 : index
          %get3A_419 = tpu.vector_load %arg12[%get3A_417, %get3A_418] {strides = array<i32>} : memref<64x128xf32, #tpu.memory_space<vmem>>, vector<1x16xf32>,
          %get3A_420 = vector.shape_cast %get3A_419 : vector<1x16xf32> to vector<16xf32>
          %mul3A_421 = arith.constant 2 : i32
          %mul3A_422 = arith.muli %mul3A_421, %scan3A_96 : i32
          %add3A_423 = arith.constant 1 : i32
          %add3A_424 = arith.addi %mul3A_422, %add3A_423 : i32
          %get3A_425 = arith.index_cast %add3A_424 : i32 to index
          %get3A_426 = arith.constant 48 : index
          %get3A_427 = tpu.vector_load %arg13[%get3A_425, %get3A_426] {strides = array<i32>} : memref<64x128xf32, #tpu.memory_space<vmem>>, vector<1x16xf32>,
          %get3A_428 = vector.shape_cast %get3A_427 : vector<1x16xf32> to vector<16xf32>
          %add3A_429 = arith.addf %get3A_420, %get3A_428 : vector<16xf32>
          %max3A_430 = arith.constant 0.000000e+00 : f32
          %max3A_431 = vector.broadcast %max3A_430 : f32 to vector<16xf32>
          %max3A_432 = arith.maximumf %add3A_429, %max3A_431 : vector<16xf32>
          %mul3A_433 = arith.constant 2 : i32
          %mul3A_434 = arith.muli %mul3A_433, %scan3A_96 : i32
          %add3A_435 = arith.constant 1 : i32
          %add3A_436 = arith.addi %mul3A_434, %add3A_435 : i32
          %swap3A_437 = arith.index_cast %add3A_436 : i32 to index
          %swap3A_438 = arith.constant 48 : index
          %swap3A_439 = tpu.vector_load %arg12[%swap3A_437, %swap3A_438] {strides = array<i32>} : memref<64x128xf32, #tpu.memory_space<vmem>>, vector<1x16xf32>,
          %swap3A_440 = vector.shape_cast %swap3A_439 : vector<1x16xf32> to vector<16xf32>
          %swap3A_441 = vector.shape_cast %max3A_432 : vector<16xf32> to vector<1x16xf32>
          tpu.vector_store %arg12[%swap3A_437, %swap3A_438], %swap3A_441 {strides = array<i32>} : memref<64x128xf32, #tpu.memory_space<vmem>>, vector<1x16xf32>,
          %mul3A_442 = arith.constant 2 : i32
          %mul3A_443 = arith.muli %mul3A_442, %scan3A_96 : i32
          %add3A_444 = arith.constant 1 : i32
          %add3A_445 = arith.addi %mul3A_443, %add3A_444 : i32
          %get3A_446 = arith.index_cast %add3A_445 : i32 to index
          %get3A_447 = arith.constant 64 : index
          %get3A_448 = tpu.vector_load %arg12[%get3A_446, %get3A_447] {strides = array<i32>} : memref<64x128xf32, #tpu.memory_space<vmem>>, vector<1x16xf32>,
          %get3A_449 = vector.shape_cast %get3A_448 : vector<1x16xf32> to vector<16xf32>
          %mul3A_450 = arith.constant 2 : i32
          %mul3A_451 = arith.muli %mul3A_450, %scan3A_96 : i32
          %add3A_452 = arith.constant 1 : i32
          %add3A_453 = arith.addi %mul3A_451, %add3A_452 : i32
          %get3A_454 = arith.index_cast %add3A_453 : i32 to index
          %get3A_455 = arith.constant 64 : index
          %get3A_456 = tpu.vector_load %arg13[%get3A_454, %get3A_455] {strides = array<i32>} : memref<64x128xf32, #tpu.memory_space<vmem>>, vector<1x16xf32>,
          %get3A_457 = vector.shape_cast %get3A_456 : vector<1x16xf32> to vector<16xf32>
          %add3A_458 = arith.addf %get3A_449, %get3A_457 : vector<16xf32>
          %max3A_459 = arith.constant 0.000000e+00 : f32
          %max3A_460 = vector.broadcast %max3A_459 : f32 to vector<16xf32>
          %max3A_461 = arith.maximumf %add3A_458, %max3A_460 : vector<16xf32>
          %mul3A_462 = arith.constant 2 : i32
          %mul3A_463 = arith.muli %mul3A_462, %scan3A_96 : i32
          %add3A_464 = arith.constant 1 : i32
          %add3A_465 = arith.addi %mul3A_463, %add3A_464 : i32
          %swap3A_466 = arith.index_cast %add3A_465 : i32 to index
          %swap3A_467 = arith.constant 64 : index
          %swap3A_468 = tpu.vector_load %arg12[%swap3A_466, %swap3A_467] {strides = array<i32>} : memref<64x128xf32, #tpu.memory_space<vmem>>, vector<1x16xf32>,
          %swap3A_469 = vector.shape_cast %swap3A_468 : vector<1x16xf32> to vector<16xf32>
          %swap3A_470 = vector.shape_cast %max3A_461 : vector<16xf32> to vector<1x16xf32>
          tpu.vector_store %arg12[%swap3A_466, %swap3A_467], %swap3A_470 {strides = array<i32>} : memref<64x128xf32, #tpu.memory_space<vmem>>, vector<1x16xf32>,
          %mul3A_471 = arith.constant 2 : i32
          %mul3A_472 = arith.muli %mul3A_471, %scan3A_96 : i32
          %add3A_473 = arith.constant 1 : i32
          %add3A_474 = arith.addi %mul3A_472, %add3A_473 : i32
          %get3A_475 = arith.index_cast %add3A_474 : i32 to index
          %get3A_476 = arith.constant 80 : index
          %get3A_477 = tpu.vector_load %arg12[%get3A_475, %get3A_476] {strides = array<i32>} : memref<64x128xf32, #tpu.memory_space<vmem>>, vector<1x16xf32>,
          %get3A_478 = vector.shape_cast %get3A_477 : vector<1x16xf32> to vector<16xf32>
          %mul3A_479 = arith.constant 2 : i32
          %mul3A_480 = arith.muli %mul3A_479, %scan3A_96 : i32
          %add3A_481 = arith.constant 1 : i32
          %add3A_482 = arith.addi %mul3A_480, %add3A_481 : i32
          %get3A_483 = arith.index_cast %add3A_482 : i32 to index
          %get3A_484 = arith.constant 80 : index
          %get3A_485 = tpu.vector_load %arg13[%get3A_483, %get3A_484] {strides = array<i32>} : memref<64x128xf32, #tpu.memory_space<vmem>>, vector<1x16xf32>,
          %get3A_486 = vector.shape_cast %get3A_485 : vector<1x16xf32> to vector<16xf32>
          %add3A_487 = arith.addf %get3A_478, %get3A_486 : vector<16xf32>
          %max3A_488 = arith.constant 0.000000e+00 : f32
          %max3A_489 = vector.broadcast %max3A_488 : f32 to vector<16xf32>
          %max3A_490 = arith.maximumf %add3A_487, %max3A_489 : vector<16xf32>
          %mul3A_491 = arith.constant 2 : i32
          %mul3A_492 = arith.muli %mul3A_491, %scan3A_96 : i32
          %add3A_493 = arith.constant 1 : i32
          %add3A_494 = arith.addi %mul3A_492, %add3A_493 : i32
          %swap3A_495 = arith.index_cast %add3A_494 : i32 to index
          %swap3A_496 = arith.constant 80 : index
          %swap3A_497 = tpu.vector_load %arg12[%swap3A_495, %swap3A_496] {strides = array<i32>} : memref<64x128xf32, #tpu.memory_space<vmem>>, vector<1x16xf32>,
          %swap3A_498 = vector.shape_cast %swap3A_497 : vector<1x16xf32> to vector<16xf32>
          %swap3A_499 = vector.shape_cast %max3A_490 : vector<16xf32> to vector<1x16xf32>
          tpu.vector_store %arg12[%swap3A_495, %swap3A_496], %swap3A_499 {strides = array<i32>} : memref<64x128xf32, #tpu.memory_space<vmem>>, vector<1x16xf32>,
          %mul3A_500 = arith.constant 2 : i32
          %mul3A_501 = arith.muli %mul3A_500, %scan3A_96 : i32
          %add3A_502 = arith.constant 1 : i32
          %add3A_503 = arith.addi %mul3A_501, %add3A_502 : i32
          %get3A_504 = arith.index_cast %add3A_503 : i32 to index
          %get3A_505 = arith.constant 96 : index
          %get3A_506 = tpu.vector_load %arg12[%get3A_504, %get3A_505] {strides = array<i32>} : memref<64x128xf32, #tpu.memory_space<vmem>>, vector<1x16xf32>,
          %get3A_507 = vector.shape_cast %get3A_506 : vector<1x16xf32> to vector<16xf32>
          %mul3A_508 = arith.constant 2 : i32
          %mul3A_509 = arith.muli %mul3A_508, %scan3A_96 : i32
          %add3A_510 = arith.constant 1 : i32
          %add3A_511 = arith.addi %mul3A_509, %add3A_510 : i32
          %get3A_512 = arith.index_cast %add3A_511 : i32 to index
          %get3A_513 = arith.constant 96 : index
          %get3A_514 = tpu.vector_load %arg13[%get3A_512, %get3A_513] {strides = array<i32>} : memref<64x128xf32, #tpu.memory_space<vmem>>, vector<1x16xf32>,
          %get3A_515 = vector.shape_cast %get3A_514 : vector<1x16xf32> to vector<16xf32>
          %add3A_516 = arith.addf %get3A_507, %get3A_515 : vector<16xf32>
          %max3A_517 = arith.constant 0.000000e+00 : f32
          %max3A_518 = vector.broadcast %max3A_517 : f32 to vector<16xf32>
          %max3A_519 = arith.maximumf %add3A_516, %max3A_518 : vector<16xf32>
          %mul3A_520 = arith.constant 2 : i32
          %mul3A_521 = arith.muli %mul3A_520, %scan3A_96 : i32
          %add3A_522 = arith.constant 1 : i32
          %add3A_523 = arith.addi %mul3A_521, %add3A_522 : i32
          %swap3A_524 = arith.index_cast %add3A_523 : i32 to index
          %swap3A_525 = arith.constant 96 : index
          %swap3A_526 = tpu.vector_load %arg12[%swap3A_524, %swap3A_525] {strides = array<i32>} : memref<64x128xf32, #tpu.memory_space<vmem>>, vector<1x16xf32>,
          %swap3A_527 = vector.shape_cast %swap3A_526 : vector<1x16xf32> to vector<16xf32>
          %swap3A_528 = vector.shape_cast %max3A_519 : vector<16xf32> to vector<1x16xf32>
          tpu.vector_store %arg12[%swap3A_524, %swap3A_525], %swap3A_528 {strides = array<i32>} : memref<64x128xf32, #tpu.memory_space<vmem>>, vector<1x16xf32>,
          %mul3A_529 = arith.constant 2 : i32
          %mul3A_530 = arith.muli %mul3A_529, %scan3A_96 : i32
          %add3A_531 = arith.constant 1 : i32
          %add3A_532 = arith.addi %mul3A_530, %add3A_531 : i32
          %get3A_533 = arith.index_cast %add3A_532 : i32 to index
          %get3A_534 = arith.constant 112 : index
          %get3A_535 = tpu.vector_load %arg12[%get3A_533, %get3A_534] {strides = array<i32>} : memref<64x128xf32, #tpu.memory_space<vmem>>, vector<1x16xf32>,
          %get3A_536 = vector.shape_cast %get3A_535 : vector<1x16xf32> to vector<16xf32>
          %mul3A_537 = arith.constant 2 : i32
          %mul3A_538 = arith.muli %mul3A_537, %scan3A_96 : i32
          %add3A_539 = arith.constant 1 : i32
          %add3A_540 = arith.addi %mul3A_538, %add3A_539 : i32
          %get3A_541 = arith.index_cast %add3A_540 : i32 to index
          %get3A_542 = arith.constant 112 : index
          %get3A_543 = tpu.vector_load %arg13[%get3A_541, %get3A_542] {strides = array<i32>} : memref<64x128xf32, #tpu.memory_space<vmem>>, vector<1x16xf32>,
          %get3A_544 = vector.shape_cast %get3A_543 : vector<1x16xf32> to vector<16xf32>
          %add3A_545 = arith.addf %get3A_536, %get3A_544 : vector<16xf32>
          %max3A_546 = arith.constant 0.000000e+00 : f32
          %max3A_547 = vector.broadcast %max3A_546 : f32 to vector<16xf32>
          %max3A_548 = arith.maximumf %add3A_545, %max3A_547 : vector<16xf32>
          %mul3A_549 = arith.constant 2 : i32
          %mul3A_550 = arith.muli %mul3A_549, %scan3A_96 : i32
          %add3A_551 = arith.constant 1 : i32
          %add3A_552 = arith.addi %mul3A_550, %add3A_551 : i32
          %swap3A_553 = arith.index_cast %add3A_552 : i32 to index
          %swap3A_554 = arith.constant 112 : index
          %swap3A_555 = tpu.vector_load %arg12[%swap3A_553, %swap3A_554] {strides = array<i32>} : memref<64x128xf32, #tpu.memory_space<vmem>>, vector<1x16xf32>,
          %swap3A_556 = vector.shape_cast %swap3A_555 : vector<1x16xf32> to vector<16xf32>
          %swap3A_557 = vector.shape_cast %max3A_548 : vector<16xf32> to vector<1x16xf32>
          tpu.vector_store %arg12[%swap3A_553, %swap3A_554], %swap3A_557 {strides = array<i32>} : memref<64x128xf32, #tpu.memory_space<vmem>>, vector<1x16xf32>,
        }
        %scan3A_95 = arith.constant 32 : i32
        "tpu.region"() ({
          %run_scoped3A = tpu.sem_alloc : memref<!tpu.dma_semaphore, #tpu.memory_space<semaphore_mem>>
          %dma_start3A_96 = arith.constant 0 : i32
          %dma_start3A_97 = tpu.memref_slice %arg9[%add3A_41, %dma_start3A_96] : memref<32x64xi32, #tpu.memory_space<vmem>> -> memref<1x64xi32, #tpu.memory_space<vmem>>
          %dma_start3A_98 = tpu.memref_squeeze %dma_start3A_97 : memref<1x64xi32, #tpu.memory_space<vmem>> -> memref<64xi32, #tpu.memory_space<vmem>>
          %dma_start3A_99 = arith.constant 0 : i32
          %dma_start3A_100 = arith.constant 0 : i32
          %dma_start3A_101 = tpu.memref_slice %arg14[%dma_start3A_99, %dma_start3A_100] : memref<10112x128xf32, #tpu.memory_space<vmem_shared>> -> memref<10112x128xf32, #tpu.memory_space<vmem_shared>>
          tpu.enqueue_indirect_dma source(%arg12 : memref<64x128xf32, #tpu.memory_space<vmem>>) target(%dma_start3A_101 : memref<10112x128xf32, #tpu.memory_space<vmem_shared>>) offsets(%dma_start3A_98 : memref<64xi32, #tpu.memory_space<vmem>>) semaphore(%run_scoped3A : memref<!tpu.dma_semaphore, #tpu.memory_space<semaphore_mem>>) {add = true}
          %dma_wait3A_102 = arith.constant 0 : i32
          %dma_wait3A_103 = tpu.memref_slice %arg9[%add3A_41, %dma_wait3A_102] : memref<32x64xi32, #tpu.memory_space<vmem>> -> memref<1x64xi32, #tpu.memory_space<vmem>>
          %dma_wait3A_104 = tpu.memref_squeeze %dma_wait3A_103 : memref<1x64xi32, #tpu.memory_space<vmem>> -> memref<64xi32, #tpu.memory_space<vmem>>
          %dma_wait3A_105 = arith.constant 0 : i32
          %dma_wait3A_106 = arith.constant 0 : i32
          %dma_wait3A_107 = tpu.memref_slice %arg14[%dma_wait3A_105, %dma_wait3A_106] : memref<10112x128xf32, #tpu.memory_space<vmem_shared>> -> memref<10112x128xf32, #tpu.memory_space<vmem_shared>>
          tpu.wait_indirect_dma semaphore(%run_scoped3A : memref<!tpu.dma_semaphore, #tpu.memory_space<semaphore_mem>>) src(%arg12 : memref<64x128xf32, #tpu.memory_space<vmem>>) dst(%dma_wait3A_107 : memref<10112x128xf32, #tpu.memory_space<vmem_shared>>)
          tpu.yield
        }) : () -> ()
      }
      %scan3A_34 = arith.constant 16 : i32
    }
    %scan3A_7 = arith.constant 5 : i32
    %barrier3A_8 = arith.constant 0 : index
    tpu.barrier barrier_id(%barrier3A_8)
    "tpu.region"() ({
      %run_scoped3A = tpu.sem_alloc : memref<!tpu.dma_semaphore, #tpu.memory_space<semaphore_mem>>
      %dma_start3A = arith.constant 0 : i32
      %dma_start3A_9 = tpu.memref_slice %arg7[%arg0, %mul3A_2, %dma_start3A] : memref<2x10112x128xf32, #tpu.memory_space<hbm>> -> memref<1x632x128xf32, #tpu.memory_space<hbm>>
      %dma_start3A_10 = tpu.memref_squeeze %dma_start3A_9 : memref<1x632x128xf32, #tpu.memory_space<hbm>> -> memref<632x128xf32, #tpu.memory_space<hbm>>
      %dma_start3A_11 = arith.constant 0 : i32
      %dma_start3A_12 = tpu.memref_slice %arg14[%mul3A_2, %dma_start3A_11] : memref<10112x128xf32, #tpu.memory_space<vmem_shared>> -> memref<632x128xf32, #tpu.memory_space<vmem_shared>>
      tpu.enqueue_dma source(%dma_start3A_12 : memref<632x128xf32, #tpu.memory_space<vmem_shared>>) target(%dma_start3A_10 : memref<632x128xf32, #tpu.memory_space<hbm>>) target_semaphore(%run_scoped3A : memref<!tpu.dma_semaphore, #tpu.memory_space<semaphore_mem>>)
      %dma_wait3A = arith.constant 0 : i32
      %dma_wait3A_13 = tpu.memref_slice %arg7[%arg0, %mul3A_2, %dma_wait3A] : memref<2x10112x128xf32, #tpu.memory_space<hbm>> -> memref<1x632x128xf32, #tpu.memory_space<hbm>>
      %dma_wait3A_14 = tpu.memref_squeeze %dma_wait3A_13 : memref<1x632x128xf32, #tpu.memory_space<hbm>> -> memref<632x128xf32, #tpu.memory_space<hbm>>
      %dma_wait3A_15 = arith.constant 0 : i32
      %dma_wait3A_16 = tpu.memref_slice %arg14[%mul3A_2, %dma_wait3A_15] : memref<10112x128xf32, #tpu.memory_space<vmem_shared>> -> memref<632x128xf32, #tpu.memory_space<vmem_shared>>
      tpu.wait_dma2 semaphore(%run_scoped3A : memref<!tpu.dma_semaphore, #tpu.memory_space<semaphore_mem>>) src(%dma_wait3A_16 : memref<632x128xf32, #tpu.memory_space<vmem_shared>>) dst(%dma_wait3A_14 : memref<632x128xf32, #tpu.memory_space<hbm>>)
      tpu.yield
    }) : () -> ()
    return
  }
}

#map = affine_map<(d0, d1) -> (0, 0)>
module attributes {stable_mosaic.version = 14 : i64} {
  func.func @_pred_sc_body(%arg0: i32, %arg1: i32, %arg2: memref<10112x16xf32, #tpu.memory_space<hbm>>, %arg3: memref<10112x16xf32, #tpu.memory_space<hbm>>, %arg4: memref<2560x128xi32, #tpu.memory_space<hbm>>, %arg5: memref<2560x128xi32, #tpu.memory_space<hbm>>, %arg6: memref<327680x16xf32, #tpu.memory_space<hbm>>, %arg7: memref<80x128xi32, #tpu.memory_space<vmem>>, %arg8: memref<80x128xi32, #tpu.memory_space<vmem>>, %arg9: memref<128x16xf32, #tpu.memory_space<vmem>>, %arg10: memref<128x16xf32, #tpu.memory_space<vmem>>, %arg11: memref<128x16xf32, #tpu.memory_space<vmem>>, %arg12: memref<128x16xf32, #tpu.memory_space<vmem>>, %arg13: memref<!tpu.dma_semaphore, #tpu.memory_space<semaphore_mem>>, %arg14: memref<!tpu.dma_semaphore, #tpu.memory_space<semaphore_mem>>, %arg15: memref<!tpu.dma_semaphore, #tpu.memory_space<semaphore_mem>>, %arg16: memref<!tpu.dma_semaphore, #tpu.memory_space<semaphore_mem>>) attributes {dimension_semantics = [#tpu.dimension_semantics<core_parallel>, #tpu.dimension_semantics<subcore_parallel>], iteration_bounds = array<i64: 2, 16>, scalar_prefetch = 0 : i64, scratch_operands = 10 : i64, tpu.core_type = #tpu.core_type<sc_vector_subcore>, window_params = [{transform_indices = #map}, {transform_indices = #map}, {transform_indices = #map}, {transform_indices = #map}, {transform_indices = #map}]} {
    %mul3A = arith.constant 2 : i32
    %mul3A_0 = arith.muli %arg1, %mul3A : i32
    %add3A = arith.addi %mul3A_0, %arg0 : i32
    %mul3A_1 = arith.constant 80 : i32
    %mul3A_2 = arith.muli %add3A, %mul3A_1 : i32
    "tpu.region"() ({
      %run_scoped3A = tpu.sem_alloc : memref<!tpu.dma_semaphore, #tpu.memory_space<semaphore_mem>>
      %dma_start3A_37 = arith.constant 0 : i32
      %dma_start3A_38 = tpu.memref_slice %arg4[%mul3A_2, %dma_start3A_37] : memref<2560x128xi32, #tpu.memory_space<hbm>> -> memref<80x128xi32, #tpu.memory_space<hbm>>
      %dma_start3A_39 = arith.constant 0 : i32
      %dma_start3A_40 = tpu.memref_slice %arg4[%mul3A_2, %dma_start3A_39] : memref<2560x128xi32, #tpu.memory_space<hbm>> -> memref<80x128xi32, #tpu.memory_space<hbm>>
      tpu.enqueue_dma source(%dma_start3A_40 : memref<80x128xi32, #tpu.memory_space<hbm>>) target(%arg7 : memref<80x128xi32, #tpu.memory_space<vmem>>) target_semaphore(%run_scoped3A : memref<!tpu.dma_semaphore, #tpu.memory_space<semaphore_mem>>)
      %dma_wait3A = arith.constant 0 : i32
      %dma_wait3A_41 = tpu.memref_slice %arg4[%mul3A_2, %dma_wait3A] : memref<2560x128xi32, #tpu.memory_space<hbm>> -> memref<80x128xi32, #tpu.memory_space<hbm>>
      %dma_wait3A_42 = arith.constant 0 : i32
      %dma_wait3A_43 = tpu.memref_slice %arg4[%mul3A_2, %dma_wait3A_42] : memref<2560x128xi32, #tpu.memory_space<hbm>> -> memref<80x128xi32, #tpu.memory_space<hbm>>
      tpu.wait_dma2 semaphore(%run_scoped3A : memref<!tpu.dma_semaphore, #tpu.memory_space<semaphore_mem>>) src(%dma_wait3A_43 : memref<80x128xi32, #tpu.memory_space<hbm>>) dst(%arg7 : memref<80x128xi32, #tpu.memory_space<vmem>>)
      tpu.yield
    }) : () -> ()
    %mul3A_3 = arith.constant 80 : i32
    %mul3A_4 = arith.muli %add3A, %mul3A_3 : i32
    "tpu.region"() ({
      %run_scoped3A = tpu.sem_alloc : memref<!tpu.dma_semaphore, #tpu.memory_space<semaphore_mem>>
      %dma_start3A_37 = arith.constant 0 : i32
      %dma_start3A_38 = tpu.memref_slice %arg5[%mul3A_4, %dma_start3A_37] : memref<2560x128xi32, #tpu.memory_space<hbm>> -> memref<80x128xi32, #tpu.memory_space<hbm>>
      %dma_start3A_39 = arith.constant 0 : i32
      %dma_start3A_40 = tpu.memref_slice %arg5[%mul3A_4, %dma_start3A_39] : memref<2560x128xi32, #tpu.memory_space<hbm>> -> memref<80x128xi32, #tpu.memory_space<hbm>>
      tpu.enqueue_dma source(%dma_start3A_40 : memref<80x128xi32, #tpu.memory_space<hbm>>) target(%arg8 : memref<80x128xi32, #tpu.memory_space<vmem>>) target_semaphore(%run_scoped3A : memref<!tpu.dma_semaphore, #tpu.memory_space<semaphore_mem>>)
      %dma_wait3A = arith.constant 0 : i32
      %dma_wait3A_41 = tpu.memref_slice %arg5[%mul3A_4, %dma_wait3A] : memref<2560x128xi32, #tpu.memory_space<hbm>> -> memref<80x128xi32, #tpu.memory_space<hbm>>
      %dma_wait3A_42 = arith.constant 0 : i32
      %dma_wait3A_43 = tpu.memref_slice %arg5[%mul3A_4, %dma_wait3A_42] : memref<2560x128xi32, #tpu.memory_space<hbm>> -> memref<80x128xi32, #tpu.memory_space<hbm>>
      tpu.wait_dma2 semaphore(%run_scoped3A : memref<!tpu.dma_semaphore, #tpu.memory_space<semaphore_mem>>) src(%dma_wait3A_43 : memref<80x128xi32, #tpu.memory_space<hbm>>) dst(%arg8 : memref<80x128xi32, #tpu.memory_space<vmem>>)
      tpu.yield
    }) : () -> ()
    %dma_start3A = arith.constant 0 : i32
    %dma_start3A_5 = arith.constant 0 : i32
    %dma_start3A_6 = tpu.memref_slice %arg7[%dma_start3A, %dma_start3A_5] : memref<80x128xi32, #tpu.memory_space<vmem>> -> memref<1x128xi32, #tpu.memory_space<vmem>>
    %dma_start3A_7 = tpu.memref_squeeze %dma_start3A_6 : memref<1x128xi32, #tpu.memory_space<vmem>> -> memref<128xi32, #tpu.memory_space<vmem>>
    %dma_start3A_8 = arith.constant 0 : i32
    %dma_start3A_9 = arith.constant 0 : i32
    %dma_start3A_10 = tpu.memref_slice %arg2[%dma_start3A_8, %dma_start3A_9] : memref<10112x16xf32, #tpu.memory_space<hbm>> -> memref<10112x16xf32, #tpu.memory_space<hbm>>
    tpu.enqueue_indirect_dma source(%dma_start3A_10 : memref<10112x16xf32, #tpu.memory_space<hbm>>) target(%arg9 : memref<128x16xf32, #tpu.memory_space<vmem>>) offsets(%dma_start3A_7 : memref<128xi32, #tpu.memory_space<vmem>>) semaphore(%arg13 : memref<!tpu.dma_semaphore, #tpu.memory_space<semaphore_mem>>)
    %dma_start3A_11 = arith.constant 0 : i32
    %dma_start3A_12 = arith.constant 0 : i32
    %dma_start3A_13 = tpu.memref_slice %arg8[%dma_start3A_11, %dma_start3A_12] : memref<80x128xi32, #tpu.memory_space<vmem>> -> memref<1x128xi32, #tpu.memory_space<vmem>>
    %dma_start3A_14 = tpu.memref_squeeze %dma_start3A_13 : memref<1x128xi32, #tpu.memory_space<vmem>> -> memref<128xi32, #tpu.memory_space<vmem>>
    %dma_start3A_15 = arith.constant 0 : i32
    %dma_start3A_16 = arith.constant 0 : i32
    %dma_start3A_17 = tpu.memref_slice %arg3[%dma_start3A_15, %dma_start3A_16] : memref<10112x16xf32, #tpu.memory_space<hbm>> -> memref<10112x16xf32, #tpu.memory_space<hbm>>
    tpu.enqueue_indirect_dma source(%dma_start3A_17 : memref<10112x16xf32, #tpu.memory_space<hbm>>) target(%arg10 : memref<128x16xf32, #tpu.memory_space<vmem>>) offsets(%dma_start3A_14 : memref<128xi32, #tpu.memory_space<vmem>>) semaphore(%arg13 : memref<!tpu.dma_semaphore, #tpu.memory_space<semaphore_mem>>)
    %dma_start3A_18 = arith.constant 1 : i32
    %dma_start3A_19 = arith.constant 0 : i32
    %dma_start3A_20 = tpu.memref_slice %arg7[%dma_start3A_18, %dma_start3A_19] : memref<80x128xi32, #tpu.memory_space<vmem>> -> memref<1x128xi32, #tpu.memory_space<vmem>>
    %dma_start3A_21 = tpu.memref_squeeze %dma_start3A_20 : memref<1x128xi32, #tpu.memory_space<vmem>> -> memref<128xi32, #tpu.memory_space<vmem>>
    %dma_start3A_22 = arith.constant 0 : i32
    %dma_start3A_23 = arith.constant 0 : i32
    %dma_start3A_24 = tpu.memref_slice %arg2[%dma_start3A_22, %dma_start3A_23] : memref<10112x16xf32, #tpu.memory_space<hbm>> -> memref<10112x16xf32, #tpu.memory_space<hbm>>
    tpu.enqueue_indirect_dma source(%dma_start3A_24 : memref<10112x16xf32, #tpu.memory_space<hbm>>) target(%arg11 : memref<128x16xf32, #tpu.memory_space<vmem>>) offsets(%dma_start3A_21 : memref<128xi32, #tpu.memory_space<vmem>>) semaphore(%arg14 : memref<!tpu.dma_semaphore, #tpu.memory_space<semaphore_mem>>)
    %dma_start3A_25 = arith.constant 1 : i32
    %dma_start3A_26 = arith.constant 0 : i32
    %dma_start3A_27 = tpu.memref_slice %arg8[%dma_start3A_25, %dma_start3A_26] : memref<80x128xi32, #tpu.memory_space<vmem>> -> memref<1x128xi32, #tpu.memory_space<vmem>>
    %dma_start3A_28 = tpu.memref_squeeze %dma_start3A_27 : memref<1x128xi32, #tpu.memory_space<vmem>> -> memref<128xi32, #tpu.memory_space<vmem>>
    %dma_start3A_29 = arith.constant 0 : i32
    %dma_start3A_30 = arith.constant 0 : i32
    %dma_start3A_31 = tpu.memref_slice %arg3[%dma_start3A_29, %dma_start3A_30] : memref<10112x16xf32, #tpu.memory_space<hbm>> -> memref<10112x16xf32, #tpu.memory_space<hbm>>
    tpu.enqueue_indirect_dma source(%dma_start3A_31 : memref<10112x16xf32, #tpu.memory_space<hbm>>) target(%arg12 : memref<128x16xf32, #tpu.memory_space<vmem>>) offsets(%dma_start3A_28 : memref<128xi32, #tpu.memory_space<vmem>>) semaphore(%arg14 : memref<!tpu.dma_semaphore, #tpu.memory_space<semaphore_mem>>)
    %scan3A = arith.constant 0 : i32
    %scan3A_32 = arith.constant 0 : i32
    %scan3A_33 = arith.constant 40 : i32
    %scan3A_34 = arith.addi %scan3A_32, %scan3A_33 : i32
    %scan3A_35 = arith.constant 1 : i32
    scf.for %scan3A_37 = %scan3A_32 to %scan3A_34 step %scan3A_35  : i32 {
      %mul3A_38 = arith.constant 2 : i32
      %mul3A_39 = arith.muli %mul3A_38, %scan3A_37 : i32
      %mul3A_40 = arith.constant 2 : i32
      %mul3A_41 = arith.muli %mul3A_40, %scan3A_37 : i32
      %add3A_42 = arith.constant 1 : i32
      %add3A_43 = arith.addi %mul3A_41, %add3A_42 : i32
      %dma_wait3A = arith.constant 0 : i32
      %dma_wait3A_44 = tpu.memref_slice %arg7[%mul3A_39, %dma_wait3A] : memref<80x128xi32, #tpu.memory_space<vmem>> -> memref<1x128xi32, #tpu.memory_space<vmem>>
      %dma_wait3A_45 = tpu.memref_squeeze %dma_wait3A_44 : memref<1x128xi32, #tpu.memory_space<vmem>> -> memref<128xi32, #tpu.memory_space<vmem>>
      %dma_wait3A_46 = arith.constant 0 : i32
      %dma_wait3A_47 = arith.constant 0 : i32
      %dma_wait3A_48 = tpu.memref_slice %arg2[%dma_wait3A_46, %dma_wait3A_47] : memref<10112x16xf32, #tpu.memory_space<hbm>> -> memref<10112x16xf32, #tpu.memory_space<hbm>>
      tpu.wait_indirect_dma semaphore(%arg13 : memref<!tpu.dma_semaphore, #tpu.memory_space<semaphore_mem>>) src(%dma_wait3A_48 : memref<10112x16xf32, #tpu.memory_space<hbm>>) dst(%arg9 : memref<128x16xf32, #tpu.memory_space<vmem>>)
      %dma_wait3A_49 = arith.constant 0 : i32
      %dma_wait3A_50 = tpu.memref_slice %arg8[%mul3A_39, %dma_wait3A_49] : memref<80x128xi32, #tpu.memory_space<vmem>> -> memref<1x128xi32, #tpu.memory_space<vmem>>
      %dma_wait3A_51 = tpu.memref_squeeze %dma_wait3A_50 : memref<1x128xi32, #tpu.memory_space<vmem>> -> memref<128xi32, #tpu.memory_space<vmem>>
      %dma_wait3A_52 = arith.constant 0 : i32
      %dma_wait3A_53 = arith.constant 0 : i32
      %dma_wait3A_54 = tpu.memref_slice %arg3[%dma_wait3A_52, %dma_wait3A_53] : memref<10112x16xf32, #tpu.memory_space<hbm>> -> memref<10112x16xf32, #tpu.memory_space<hbm>>
      tpu.wait_indirect_dma semaphore(%arg13 : memref<!tpu.dma_semaphore, #tpu.memory_space<semaphore_mem>>) src(%dma_wait3A_54 : memref<10112x16xf32, #tpu.memory_space<hbm>>) dst(%arg10 : memref<128x16xf32, #tpu.memory_space<vmem>>)
      %scan3A_55 = arith.constant 0 : i32
      %scan3A_56 = arith.constant 0 : i32
      %scan3A_57 = arith.constant 64 : i32
      %scan3A_58 = arith.addi %scan3A_56, %scan3A_57 : i32
      %scan3A_59 = arith.constant 1 : i32
      scf.for %scan3A_126 = %scan3A_56 to %scan3A_58 step %scan3A_59  : i32 {
        %mul3A_127 = arith.constant 2 : i32
        %mul3A_128 = arith.muli %mul3A_127, %scan3A_126 : i32
        %add3A_129 = arith.constant 0 : i32
        %add3A_130 = arith.addi %mul3A_128, %add3A_129 : i32
        %get3A = arith.index_cast %add3A_130 : i32 to index
        %get3A_131 = arith.constant 0 : index
        %get3A_132 = tpu.vector_load %arg9[%get3A, %get3A_131] {strides = array<i32>} : memref<128x16xf32, #tpu.memory_space<vmem>>, vector<1x16xf32>,
        %get3A_133 = vector.shape_cast %get3A_132 : vector<1x16xf32> to vector<16xf32>
        %mul3A_134 = arith.constant 2 : i32
        %mul3A_135 = arith.muli %mul3A_134, %scan3A_126 : i32
        %add3A_136 = arith.constant 0 : i32
        %add3A_137 = arith.addi %mul3A_135, %add3A_136 : i32
        %get3A_138 = arith.index_cast %add3A_137 : i32 to index
        %get3A_139 = arith.constant 0 : index
        %get3A_140 = tpu.vector_load %arg10[%get3A_138, %get3A_139] {strides = array<i32>} : memref<128x16xf32, #tpu.memory_space<vmem>>, vector<1x16xf32>,
        %get3A_141 = vector.shape_cast %get3A_140 : vector<1x16xf32> to vector<16xf32>
        %add3A_142 = arith.addf %get3A_133, %get3A_141 : vector<16xf32>
        %mul3A_143 = arith.constant 2 : i32
        %mul3A_144 = arith.muli %mul3A_143, %scan3A_126 : i32
        %add3A_145 = arith.constant 0 : i32
        %add3A_146 = arith.addi %mul3A_144, %add3A_145 : i32
        %swap3A = arith.index_cast %add3A_146 : i32 to index
        %swap3A_147 = arith.constant 0 : index
        %swap3A_148 = tpu.vector_load %arg9[%swap3A, %swap3A_147] {strides = array<i32>} : memref<128x16xf32, #tpu.memory_space<vmem>>, vector<1x16xf32>,
        %swap3A_149 = vector.shape_cast %swap3A_148 : vector<1x16xf32> to vector<16xf32>
        %swap3A_150 = vector.shape_cast %add3A_142 : vector<16xf32> to vector<1x16xf32>
        tpu.vector_store %arg9[%swap3A, %swap3A_147], %swap3A_150 {strides = array<i32>} : memref<128x16xf32, #tpu.memory_space<vmem>>, vector<1x16xf32>,
        %mul3A_151 = arith.constant 2 : i32
        %mul3A_152 = arith.muli %mul3A_151, %scan3A_126 : i32
        %add3A_153 = arith.constant 1 : i32
        %add3A_154 = arith.addi %mul3A_152, %add3A_153 : i32
        %get3A_155 = arith.index_cast %add3A_154 : i32 to index
        %get3A_156 = arith.constant 0 : index
        %get3A_157 = tpu.vector_load %arg9[%get3A_155, %get3A_156] {strides = array<i32>} : memref<128x16xf32, #tpu.memory_space<vmem>>, vector<1x16xf32>,
        %get3A_158 = vector.shape_cast %get3A_157 : vector<1x16xf32> to vector<16xf32>
        %mul3A_159 = arith.constant 2 : i32
        %mul3A_160 = arith.muli %mul3A_159, %scan3A_126 : i32
        %add3A_161 = arith.constant 1 : i32
        %add3A_162 = arith.addi %mul3A_160, %add3A_161 : i32
        %get3A_163 = arith.index_cast %add3A_162 : i32 to index
        %get3A_164 = arith.constant 0 : index
        %get3A_165 = tpu.vector_load %arg10[%get3A_163, %get3A_164] {strides = array<i32>} : memref<128x16xf32, #tpu.memory_space<vmem>>, vector<1x16xf32>,
        %get3A_166 = vector.shape_cast %get3A_165 : vector<1x16xf32> to vector<16xf32>
        %add3A_167 = arith.addf %get3A_158, %get3A_166 : vector<16xf32>
        %mul3A_168 = arith.constant 2 : i32
        %mul3A_169 = arith.muli %mul3A_168, %scan3A_126 : i32
        %add3A_170 = arith.constant 1 : i32
        %add3A_171 = arith.addi %mul3A_169, %add3A_170 : i32
        %swap3A_172 = arith.index_cast %add3A_171 : i32 to index
        %swap3A_173 = arith.constant 0 : index
        %swap3A_174 = tpu.vector_load %arg9[%swap3A_172, %swap3A_173] {strides = array<i32>} : memref<128x16xf32, #tpu.memory_space<vmem>>, vector<1x16xf32>,
        %swap3A_175 = vector.shape_cast %swap3A_174 : vector<1x16xf32> to vector<16xf32>
        %swap3A_176 = vector.shape_cast %add3A_167 : vector<16xf32> to vector<1x16xf32>
        tpu.vector_store %arg9[%swap3A_172, %swap3A_173], %swap3A_176 {strides = array<i32>} : memref<128x16xf32, #tpu.memory_space<vmem>>, vector<1x16xf32>,
      }
      %scan3A_60 = arith.constant 64 : i32
      %mul3A_61 = arith.constant 80 : i32
      %mul3A_62 = arith.muli %add3A, %mul3A_61 : i32
      %add3A_63 = arith.addi %mul3A_62, %mul3A_39 : i32
      %mul3A_64 = arith.constant 128 : i32
      %mul3A_65 = arith.muli %add3A_63, %mul3A_64 : i32
      %dma_start3A_66 = arith.constant 0 : i32
      %dma_start3A_67 = tpu.memref_slice %arg6[%mul3A_65, %dma_start3A_66] : memref<327680x16xf32, #tpu.memory_space<hbm>> -> memref<128x16xf32, #tpu.memory_space<hbm>>
      %dma_start3A_68 = arith.constant 0 : i32
      %dma_start3A_69 = tpu.memref_slice %arg6[%mul3A_65, %dma_start3A_68] : memref<327680x16xf32, #tpu.memory_space<hbm>> -> memref<128x16xf32, #tpu.memory_space<hbm>>
      tpu.enqueue_dma source(%arg9 : memref<128x16xf32, #tpu.memory_space<vmem>>) target(%dma_start3A_69 : memref<128x16xf32, #tpu.memory_space<hbm>>) target_semaphore(%arg15 : memref<!tpu.dma_semaphore, #tpu.memory_space<semaphore_mem>>)
      %dma_wait3A_70 = arith.constant 0 : i32
      %dma_wait3A_71 = tpu.memref_slice %arg7[%add3A_43, %dma_wait3A_70] : memref<80x128xi32, #tpu.memory_space<vmem>> -> memref<1x128xi32, #tpu.memory_space<vmem>>
      %dma_wait3A_72 = tpu.memref_squeeze %dma_wait3A_71 : memref<1x128xi32, #tpu.memory_space<vmem>> -> memref<128xi32, #tpu.memory_space<vmem>>
      %dma_wait3A_73 = arith.constant 0 : i32
      %dma_wait3A_74 = arith.constant 0 : i32
      %dma_wait3A_75 = tpu.memref_slice %arg2[%dma_wait3A_73, %dma_wait3A_74] : memref<10112x16xf32, #tpu.memory_space<hbm>> -> memref<10112x16xf32, #tpu.memory_space<hbm>>
      tpu.wait_indirect_dma semaphore(%arg14 : memref<!tpu.dma_semaphore, #tpu.memory_space<semaphore_mem>>) src(%dma_wait3A_75 : memref<10112x16xf32, #tpu.memory_space<hbm>>) dst(%arg11 : memref<128x16xf32, #tpu.memory_space<vmem>>)
      %dma_wait3A_76 = arith.constant 0 : i32
      %dma_wait3A_77 = tpu.memref_slice %arg8[%add3A_43, %dma_wait3A_76] : memref<80x128xi32, #tpu.memory_space<vmem>> -> memref<1x128xi32, #tpu.memory_space<vmem>>
      %dma_wait3A_78 = tpu.memref_squeeze %dma_wait3A_77 : memref<1x128xi32, #tpu.memory_space<vmem>> -> memref<128xi32, #tpu.memory_space<vmem>>
      %dma_wait3A_79 = arith.constant 0 : i32
      %dma_wait3A_80 = arith.constant 0 : i32
      %dma_wait3A_81 = tpu.memref_slice %arg3[%dma_wait3A_79, %dma_wait3A_80] : memref<10112x16xf32, #tpu.memory_space<hbm>> -> memref<10112x16xf32, #tpu.memory_space<hbm>>
      tpu.wait_indirect_dma semaphore(%arg14 : memref<!tpu.dma_semaphore, #tpu.memory_space<semaphore_mem>>) src(%dma_wait3A_81 : memref<10112x16xf32, #tpu.memory_space<hbm>>) dst(%arg12 : memref<128x16xf32, #tpu.memory_space<vmem>>)
      %scan3A_82 = arith.constant 0 : i32
      %scan3A_83 = arith.constant 0 : i32
      %scan3A_84 = arith.constant 64 : i32
      %scan3A_85 = arith.addi %scan3A_83, %scan3A_84 : i32
      %scan3A_86 = arith.constant 1 : i32
      scf.for %scan3A_126 = %scan3A_83 to %scan3A_85 step %scan3A_86  : i32 {
        %mul3A_127 = arith.constant 2 : i32
        %mul3A_128 = arith.muli %mul3A_127, %scan3A_126 : i32
        %add3A_129 = arith.constant 0 : i32
        %add3A_130 = arith.addi %mul3A_128, %add3A_129 : i32
        %get3A = arith.index_cast %add3A_130 : i32 to index
        %get3A_131 = arith.constant 0 : index
        %get3A_132 = tpu.vector_load %arg11[%get3A, %get3A_131] {strides = array<i32>} : memref<128x16xf32, #tpu.memory_space<vmem>>, vector<1x16xf32>,
        %get3A_133 = vector.shape_cast %get3A_132 : vector<1x16xf32> to vector<16xf32>
        %mul3A_134 = arith.constant 2 : i32
        %mul3A_135 = arith.muli %mul3A_134, %scan3A_126 : i32
        %add3A_136 = arith.constant 0 : i32
        %add3A_137 = arith.addi %mul3A_135, %add3A_136 : i32
        %get3A_138 = arith.index_cast %add3A_137 : i32 to index
        %get3A_139 = arith.constant 0 : index
        %get3A_140 = tpu.vector_load %arg12[%get3A_138, %get3A_139] {strides = array<i32>} : memref<128x16xf32, #tpu.memory_space<vmem>>, vector<1x16xf32>,
        %get3A_141 = vector.shape_cast %get3A_140 : vector<1x16xf32> to vector<16xf32>
        %add3A_142 = arith.addf %get3A_133, %get3A_141 : vector<16xf32>
        %mul3A_143 = arith.constant 2 : i32
        %mul3A_144 = arith.muli %mul3A_143, %scan3A_126 : i32
        %add3A_145 = arith.constant 0 : i32
        %add3A_146 = arith.addi %mul3A_144, %add3A_145 : i32
        %swap3A = arith.index_cast %add3A_146 : i32 to index
        %swap3A_147 = arith.constant 0 : index
        %swap3A_148 = tpu.vector_load %arg11[%swap3A, %swap3A_147] {strides = array<i32>} : memref<128x16xf32, #tpu.memory_space<vmem>>, vector<1x16xf32>,
        %swap3A_149 = vector.shape_cast %swap3A_148 : vector<1x16xf32> to vector<16xf32>
        %swap3A_150 = vector.shape_cast %add3A_142 : vector<16xf32> to vector<1x16xf32>
        tpu.vector_store %arg11[%swap3A, %swap3A_147], %swap3A_150 {strides = array<i32>} : memref<128x16xf32, #tpu.memory_space<vmem>>, vector<1x16xf32>,
        %mul3A_151 = arith.constant 2 : i32
        %mul3A_152 = arith.muli %mul3A_151, %scan3A_126 : i32
        %add3A_153 = arith.constant 1 : i32
        %add3A_154 = arith.addi %mul3A_152, %add3A_153 : i32
        %get3A_155 = arith.index_cast %add3A_154 : i32 to index
        %get3A_156 = arith.constant 0 : index
        %get3A_157 = tpu.vector_load %arg11[%get3A_155, %get3A_156] {strides = array<i32>} : memref<128x16xf32, #tpu.memory_space<vmem>>, vector<1x16xf32>,
        %get3A_158 = vector.shape_cast %get3A_157 : vector<1x16xf32> to vector<16xf32>
        %mul3A_159 = arith.constant 2 : i32
        %mul3A_160 = arith.muli %mul3A_159, %scan3A_126 : i32
        %add3A_161 = arith.constant 1 : i32
        %add3A_162 = arith.addi %mul3A_160, %add3A_161 : i32
        %get3A_163 = arith.index_cast %add3A_162 : i32 to index
        %get3A_164 = arith.constant 0 : index
        %get3A_165 = tpu.vector_load %arg12[%get3A_163, %get3A_164] {strides = array<i32>} : memref<128x16xf32, #tpu.memory_space<vmem>>, vector<1x16xf32>,
        %get3A_166 = vector.shape_cast %get3A_165 : vector<1x16xf32> to vector<16xf32>
        %add3A_167 = arith.addf %get3A_158, %get3A_166 : vector<16xf32>
        %mul3A_168 = arith.constant 2 : i32
        %mul3A_169 = arith.muli %mul3A_168, %scan3A_126 : i32
        %add3A_170 = arith.constant 1 : i32
        %add3A_171 = arith.addi %mul3A_169, %add3A_170 : i32
        %swap3A_172 = arith.index_cast %add3A_171 : i32 to index
        %swap3A_173 = arith.constant 0 : index
        %swap3A_174 = tpu.vector_load %arg11[%swap3A_172, %swap3A_173] {strides = array<i32>} : memref<128x16xf32, #tpu.memory_space<vmem>>, vector<1x16xf32>,
        %swap3A_175 = vector.shape_cast %swap3A_174 : vector<1x16xf32> to vector<16xf32>
        %swap3A_176 = vector.shape_cast %add3A_167 : vector<16xf32> to vector<1x16xf32>
        tpu.vector_store %arg11[%swap3A_172, %swap3A_173], %swap3A_176 {strides = array<i32>} : memref<128x16xf32, #tpu.memory_space<vmem>>, vector<1x16xf32>,
      }
      %scan3A_87 = arith.constant 64 : i32
      %mul3A_88 = arith.constant 80 : i32
      %mul3A_89 = arith.muli %add3A, %mul3A_88 : i32
      %add3A_90 = arith.addi %mul3A_89, %add3A_43 : i32
      %mul3A_91 = arith.constant 128 : i32
      %mul3A_92 = arith.muli %add3A_90, %mul3A_91 : i32
      %dma_start3A_93 = arith.constant 0 : i32
      %dma_start3A_94 = tpu.memref_slice %arg6[%mul3A_92, %dma_start3A_93] : memref<327680x16xf32, #tpu.memory_space<hbm>> -> memref<128x16xf32, #tpu.memory_space<hbm>>
      %dma_start3A_95 = arith.constant 0 : i32
      %dma_start3A_96 = tpu.memref_slice %arg6[%mul3A_92, %dma_start3A_95] : memref<327680x16xf32, #tpu.memory_space<hbm>> -> memref<128x16xf32, #tpu.memory_space<hbm>>
      tpu.enqueue_dma source(%arg11 : memref<128x16xf32, #tpu.memory_space<vmem>>) target(%dma_start3A_96 : memref<128x16xf32, #tpu.memory_space<hbm>>) target_semaphore(%arg16 : memref<!tpu.dma_semaphore, #tpu.memory_space<semaphore_mem>>)
      %mul3A_97 = arith.constant 80 : i32
      %mul3A_98 = arith.muli %add3A, %mul3A_97 : i32
      %add3A_99 = arith.addi %mul3A_98, %mul3A_39 : i32
      %mul3A_100 = arith.constant 128 : i32
      %mul3A_101 = arith.muli %add3A_99, %mul3A_100 : i32
      %dma_wait3A_102 = arith.constant 0 : i32
      %dma_wait3A_103 = tpu.memref_slice %arg6[%mul3A_101, %dma_wait3A_102] : memref<327680x16xf32, #tpu.memory_space<hbm>> -> memref<128x16xf32, #tpu.memory_space<hbm>>
      %dma_wait3A_104 = arith.constant 0 : i32
      %dma_wait3A_105 = tpu.memref_slice %arg6[%mul3A_101, %dma_wait3A_104] : memref<327680x16xf32, #tpu.memory_space<hbm>> -> memref<128x16xf32, #tpu.memory_space<hbm>>
      tpu.wait_dma2 semaphore(%arg15 : memref<!tpu.dma_semaphore, #tpu.memory_space<semaphore_mem>>) src(%arg9 : memref<128x16xf32, #tpu.memory_space<vmem>>) dst(%dma_wait3A_105 : memref<128x16xf32, #tpu.memory_space<hbm>>)
      %add3A_106 = arith.constant 1 : i32
      %add3A_107 = arith.addi %add3A_43, %add3A_106 : i32
      %lt3A = arith.constant 80 : i32
      %lt3A_108 = arith.cmpi slt, %add3A_107, %lt3A : i32
      %convert_element_type3A = arith.extui %lt3A_108 : i1 to i32
      %cond3A = arith.constant 0 : i32
      %cond3A_109 = arith.cmpi ne, %convert_element_type3A, %cond3A : i32
      scf.if %cond3A_109 {
        %add3A_126 = arith.constant 1 : i32
        %add3A_127 = arith.addi %add3A_43, %add3A_126 : i32
        %dma_start3A_128 = arith.constant 0 : i32
        %dma_start3A_129 = tpu.memref_slice %arg7[%add3A_127, %dma_start3A_128] : memref<80x128xi32, #tpu.memory_space<vmem>> -> memref<1x128xi32, #tpu.memory_space<vmem>>
        %dma_start3A_130 = tpu.memref_squeeze %dma_start3A_129 : memref<1x128xi32, #tpu.memory_space<vmem>> -> memref<128xi32, #tpu.memory_space<vmem>>
        %dma_start3A_131 = arith.constant 0 : i32
        %dma_start3A_132 = arith.constant 0 : i32
        %dma_start3A_133 = tpu.memref_slice %arg2[%dma_start3A_131, %dma_start3A_132] : memref<10112x16xf32, #tpu.memory_space<hbm>> -> memref<10112x16xf32, #tpu.memory_space<hbm>>
        tpu.enqueue_indirect_dma source(%dma_start3A_133 : memref<10112x16xf32, #tpu.memory_space<hbm>>) target(%arg9 : memref<128x16xf32, #tpu.memory_space<vmem>>) offsets(%dma_start3A_130 : memref<128xi32, #tpu.memory_space<vmem>>) semaphore(%arg13 : memref<!tpu.dma_semaphore, #tpu.memory_space<semaphore_mem>>)
        %dma_start3A_134 = arith.constant 0 : i32
        %dma_start3A_135 = tpu.memref_slice %arg8[%add3A_127, %dma_start3A_134] : memref<80x128xi32, #tpu.memory_space<vmem>> -> memref<1x128xi32, #tpu.memory_space<vmem>>
        %dma_start3A_136 = tpu.memref_squeeze %dma_start3A_135 : memref<1x128xi32, #tpu.memory_space<vmem>> -> memref<128xi32, #tpu.memory_space<vmem>>
        %dma_start3A_137 = arith.constant 0 : i32
        %dma_start3A_138 = arith.constant 0 : i32
        %dma_start3A_139 = tpu.memref_slice %arg3[%dma_start3A_137, %dma_start3A_138] : memref<10112x16xf32, #tpu.memory_space<hbm>> -> memref<10112x16xf32, #tpu.memory_space<hbm>>
        tpu.enqueue_indirect_dma source(%dma_start3A_139 : memref<10112x16xf32, #tpu.memory_space<hbm>>) target(%arg10 : memref<128x16xf32, #tpu.memory_space<vmem>>) offsets(%dma_start3A_136 : memref<128xi32, #tpu.memory_space<vmem>>) semaphore(%arg13 : memref<!tpu.dma_semaphore, #tpu.memory_space<semaphore_mem>>)
      } else {
      }
      %mul3A_110 = arith.constant 80 : i32
      %mul3A_111 = arith.muli %add3A, %mul3A_110 : i32
      %add3A_112 = arith.addi %mul3A_111, %add3A_43 : i32
      %mul3A_113 = arith.constant 128 : i32
      %mul3A_114 = arith.muli %add3A_112, %mul3A_113 : i32
      %dma_wait3A_115 = arith.constant 0 : i32
      %dma_wait3A_116 = tpu.memref_slice %arg6[%mul3A_114, %dma_wait3A_115] : memref<327680x16xf32, #tpu.memory_space<hbm>> -> memref<128x16xf32, #tpu.memory_space<hbm>>
      %dma_wait3A_117 = arith.constant 0 : i32
      %dma_wait3A_118 = tpu.memref_slice %arg6[%mul3A_114, %dma_wait3A_117] : memref<327680x16xf32, #tpu.memory_space<hbm>> -> memref<128x16xf32, #tpu.memory_space<hbm>>
      tpu.wait_dma2 semaphore(%arg16 : memref<!tpu.dma_semaphore, #tpu.memory_space<semaphore_mem>>) src(%arg11 : memref<128x16xf32, #tpu.memory_space<vmem>>) dst(%dma_wait3A_118 : memref<128x16xf32, #tpu.memory_space<hbm>>)
      %add3A_119 = arith.constant 2 : i32
      %add3A_120 = arith.addi %add3A_43, %add3A_119 : i32
      %lt3A_121 = arith.constant 80 : i32
      %lt3A_122 = arith.cmpi slt, %add3A_120, %lt3A_121 : i32
      %convert_element_type3A_123 = arith.extui %lt3A_122 : i1 to i32
      %cond3A_124 = arith.constant 0 : i32
      %cond3A_125 = arith.cmpi ne, %convert_element_type3A_123, %cond3A_124 : i32
      scf.if %cond3A_125 {
        %add3A_126 = arith.constant 2 : i32
        %add3A_127 = arith.addi %add3A_43, %add3A_126 : i32
        %dma_start3A_128 = arith.constant 0 : i32
        %dma_start3A_129 = tpu.memref_slice %arg7[%add3A_127, %dma_start3A_128] : memref<80x128xi32, #tpu.memory_space<vmem>> -> memref<1x128xi32, #tpu.memory_space<vmem>>
        %dma_start3A_130 = tpu.memref_squeeze %dma_start3A_129 : memref<1x128xi32, #tpu.memory_space<vmem>> -> memref<128xi32, #tpu.memory_space<vmem>>
        %dma_start3A_131 = arith.constant 0 : i32
        %dma_start3A_132 = arith.constant 0 : i32
        %dma_start3A_133 = tpu.memref_slice %arg2[%dma_start3A_131, %dma_start3A_132] : memref<10112x16xf32, #tpu.memory_space<hbm>> -> memref<10112x16xf32, #tpu.memory_space<hbm>>
        tpu.enqueue_indirect_dma source(%dma_start3A_133 : memref<10112x16xf32, #tpu.memory_space<hbm>>) target(%arg11 : memref<128x16xf32, #tpu.memory_space<vmem>>) offsets(%dma_start3A_130 : memref<128xi32, #tpu.memory_space<vmem>>) semaphore(%arg14 : memref<!tpu.dma_semaphore, #tpu.memory_space<semaphore_mem>>)
        %dma_start3A_134 = arith.constant 0 : i32
        %dma_start3A_135 = tpu.memref_slice %arg8[%add3A_127, %dma_start3A_134] : memref<80x128xi32, #tpu.memory_space<vmem>> -> memref<1x128xi32, #tpu.memory_space<vmem>>
        %dma_start3A_136 = tpu.memref_squeeze %dma_start3A_135 : memref<1x128xi32, #tpu.memory_space<vmem>> -> memref<128xi32, #tpu.memory_space<vmem>>
        %dma_start3A_137 = arith.constant 0 : i32
        %dma_start3A_138 = arith.constant 0 : i32
        %dma_start3A_139 = tpu.memref_slice %arg3[%dma_start3A_137, %dma_start3A_138] : memref<10112x16xf32, #tpu.memory_space<hbm>> -> memref<10112x16xf32, #tpu.memory_space<hbm>>
        tpu.enqueue_indirect_dma source(%dma_start3A_139 : memref<10112x16xf32, #tpu.memory_space<hbm>>) target(%arg12 : memref<128x16xf32, #tpu.memory_space<vmem>>) offsets(%dma_start3A_136 : memref<128xi32, #tpu.memory_space<vmem>>) semaphore(%arg14 : memref<!tpu.dma_semaphore, #tpu.memory_space<semaphore_mem>>)
      } else {
      }
    }
    %scan3A_36 = arith.constant 40 : i32
    return
  }
}

module attributes {stable_mosaic.version = 14 : i64} {
  func.func @_nfw_tc(%arg0: i32, %arg1: memref<1264x128xf32, #tpu.memory_space<vmem>>, %arg2: memref<128x128xf32, #tpu.memory_space<vmem>>, %arg3: memref<1264x128xf32, #tpu.memory_space<vmem>>) attributes {dimension_semantics = [#tpu.dimension_semantics<arbitrary>], iteration_bounds = array<i64: 8>, scalar_prefetch = 0 : i64, scratch_operands = 0 : i64, tpu.core_type = #tpu.core_type<tc>, window_params = [{transform_indices = @transform_0, window_bounds = array<i64: 1264, 128>}, {pipeline_mode = #tpu.pipeline_mode<synchronous>, transform_indices = @transform_1, window_bounds = array<i64: 128, 128>}, {transform_indices = @transform_2, window_bounds = array<i64: 1264, 128>}]} {
    %get3A = arith.constant 0 : index
    %get3A_0 = arith.constant 0 : index
    %get3A_1 = vector.load %arg1[%get3A, %get3A_0] : memref<1264x128xf32, #tpu.memory_space<vmem>>, vector<1264x128xf32>
    %get3A_2 = arith.constant 0 : index
    %get3A_3 = arith.constant 0 : index
    %get3A_4 = vector.load %arg2[%get3A_2, %get3A_3] : memref<128x128xf32, #tpu.memory_space<vmem>>, vector<128x128xf32>
    %dot_general3A = arith.constant dense<0.000000e+00> : vector<1264x128xf32>
    %dot_general3A_5 = tpu.matmul %get3A_1, %get3A_4, %dot_general3A {dimension_numbers = #tpu.dot_dimension_numbers<[1], [0], [0], [1], [0, 0, 1, 1], [], []>, transpose_lhs_hint = false} : vector<1264x128xf32>, vector<128x128xf32>, vector<1264x128xf32> -> vector<1264x128xf32>
    %swap3A = arith.constant 0 : index
    %swap3A_6 = arith.constant 0 : index
    %swap3A_7 = vector.load %arg3[%swap3A, %swap3A_6] : memref<1264x128xf32, #tpu.memory_space<vmem>>, vector<1264x128xf32>
    tpu.vector_store %arg3[%swap3A, %swap3A_6], %dot_general3A_5 {strides = array<i32>} : memref<1264x128xf32, #tpu.memory_space<vmem>>, vector<1264x128xf32>,
    return
  }
  func.func @transform_0(%arg0: i32) -> (i32, i32) {
    %c0_i32 = arith.constant 0 : i32
    %c0_i32_0 = arith.constant 0 : i32
    return %arg0, %c0_i32 : i32, i32
  }
  func.func @transform_1(%arg0: i32) -> (i32, i32) {
    %c0_i32 = arith.constant 0 : i32
    %c0_i32_0 = arith.constant 0 : i32
    %c0_i32_1 = arith.constant 0 : i32
    return %c0_i32, %c0_i32_0 : i32, i32
  }
  func.func @transform_2(%arg0: i32) -> (i32, i32) {
    %c0_i32 = arith.constant 0 : i32
    %c0_i32_0 = arith.constant 0 : i32
    return %arg0, %c0_i32 : i32, i32
  }
}

module attributes {stable_mosaic.version = 14 : i64} {
  func.func @_efw_tc(%arg0: i32, %arg1: memref<2000x16xf32, #tpu.memory_space<vmem>>, %arg2: memref<16x128xf32, #tpu.memory_space<vmem>>, %arg3: memref<1x128xf32, #tpu.memory_space<vmem>>, %arg4: memref<16x128xf32, #tpu.memory_space<vmem>>, %arg5: memref<1x128xf32, #tpu.memory_space<vmem>>, %arg6: memref<2000x128xf32, #tpu.memory_space<vmem>>, %arg7: memref<2000x128xf32, #tpu.memory_space<vmem>>) attributes {dimension_semantics = [#tpu.dimension_semantics<arbitrary>], iteration_bounds = array<i64: 160>, scalar_prefetch = 0 : i64, scratch_operands = 0 : i64, tpu.core_type = #tpu.core_type<tc>, window_params = [{transform_indices = @transform_0, window_bounds = array<i64: 2000, 16>}, {pipeline_mode = #tpu.pipeline_mode<synchronous>, transform_indices = @transform_1, window_bounds = array<i64: 16, 128>}, {pipeline_mode = #tpu.pipeline_mode<synchronous>, transform_indices = @transform_2, window_bounds = array<i64: 1, 128>}, {pipeline_mode = #tpu.pipeline_mode<synchronous>, transform_indices = @transform_3, window_bounds = array<i64: 16, 128>}, {pipeline_mode = #tpu.pipeline_mode<synchronous>, transform_indices = @transform_4, window_bounds = array<i64: 1, 128>}, {transform_indices = @transform_5, window_bounds = array<i64: 2000, 128>}, {transform_indices = @transform_6, window_bounds = array<i64: 2000, 128>}]} {
    %get3A = arith.constant 0 : index
    %get3A_0 = arith.constant 0 : index
    %get3A_1 = vector.load %arg1[%get3A, %get3A_0] : memref<2000x16xf32, #tpu.memory_space<vmem>>, vector<2000x16xf32>
    %get3A_2 = arith.constant 0 : index
    %get3A_3 = arith.constant 0 : index
    %get3A_4 = vector.load %arg2[%get3A_2, %get3A_3] : memref<16x128xf32, #tpu.memory_space<vmem>>, vector<16x128xf32>
    %dot_general3A = arith.constant dense<0.000000e+00> : vector<2000x128xf32>
    %dot_general3A_5 = tpu.matmul %get3A_1, %get3A_4, %dot_general3A {dimension_numbers = #tpu.dot_dimension_numbers<[1], [0], [0], [1], [0, 0, 1, 1], [], []>, transpose_lhs_hint = false} : vector<2000x16xf32>, vector<16x128xf32>, vector<2000x128xf32> -> vector<2000x128xf32>
    %get3A_6 = arith.constant 0 : index
    %get3A_7 = arith.constant 0 : index
    %get3A_8 = vector.load %arg3[%get3A_6, %get3A_7] : memref<1x128xf32, #tpu.memory_space<vmem>>, vector<1x128xf32>
    %add3A = vector.broadcast %get3A_8 : vector<1x128xf32> to vector<2000x128xf32>
    %add3A_9 = arith.addf %dot_general3A_5, %add3A : vector<2000x128xf32>
    %swap3A = arith.constant 0 : index
    %swap3A_10 = arith.constant 0 : index
    %swap3A_11 = vector.load %arg6[%swap3A, %swap3A_10] : memref<2000x128xf32, #tpu.memory_space<vmem>>, vector<2000x128xf32>
    tpu.vector_store %arg6[%swap3A, %swap3A_10], %add3A_9 {strides = array<i32>} : memref<2000x128xf32, #tpu.memory_space<vmem>>, vector<2000x128xf32>,
    %get3A_12 = arith.constant 0 : index
    %get3A_13 = arith.constant 0 : index
    %get3A_14 = vector.load %arg4[%get3A_12, %get3A_13] : memref<16x128xf32, #tpu.memory_space<vmem>>, vector<16x128xf32>
    %dot_general3A_15 = arith.constant dense<0.000000e+00> : vector<2000x128xf32>
    %dot_general3A_16 = tpu.matmul %get3A_1, %get3A_14, %dot_general3A_15 {dimension_numbers = #tpu.dot_dimension_numbers<[1], [0], [0], [1], [0, 0, 1, 1], [], []>, transpose_lhs_hint = false} : vector<2000x16xf32>, vector<16x128xf32>, vector<2000x128xf32> -> vector<2000x128xf32>
    %get3A_17 = arith.constant 0 : index
    %get3A_18 = arith.constant 0 : index
    %get3A_19 = vector.load %arg5[%get3A_17, %get3A_18] : memref<1x128xf32, #tpu.memory_space<vmem>>, vector<1x128xf32>
    %add3A_20 = vector.broadcast %get3A_19 : vector<1x128xf32> to vector<2000x128xf32>
    %add3A_21 = arith.addf %dot_general3A_16, %add3A_20 : vector<2000x128xf32>
    %swap3A_22 = arith.constant 0 : index
    %swap3A_23 = arith.constant 0 : index
    %swap3A_24 = vector.load %arg7[%swap3A_22, %swap3A_23] : memref<2000x128xf32, #tpu.memory_space<vmem>>, vector<2000x128xf32>
    tpu.vector_store %arg7[%swap3A_22, %swap3A_23], %add3A_21 {strides = array<i32>} : memref<2000x128xf32, #tpu.memory_space<vmem>>, vector<2000x128xf32>,
    return
  }
  func.func @transform_0(%arg0: i32) -> (i32, i32) {
    %c0_i32 = arith.constant 0 : i32
    %c0_i32_0 = arith.constant 0 : i32
    return %arg0, %c0_i32 : i32, i32
  }
  func.func @transform_1(%arg0: i32) -> (i32, i32) {
    %c0_i32 = arith.constant 0 : i32
    %c0_i32_0 = arith.constant 0 : i32
    %c0_i32_1 = arith.constant 0 : i32
    return %c0_i32, %c0_i32_0 : i32, i32
  }
  func.func @transform_2(%arg0: i32) -> (i32, i32) {
    %c0_i32 = arith.constant 0 : i32
    %c0_i32_0 = arith.constant 0 : i32
    %c0_i32_1 = arith.constant 0 : i32
    return %c0_i32, %c0_i32_0 : i32, i32
  }
  func.func @transform_3(%arg0: i32) -> (i32, i32) {
    %c0_i32 = arith.constant 0 : i32
    %c0_i32_0 = arith.constant 0 : i32
    %c0_i32_1 = arith.constant 0 : i32
    return %c0_i32, %c0_i32_0 : i32, i32
  }
  func.func @transform_4(%arg0: i32) -> (i32, i32) {
    %c0_i32 = arith.constant 0 : i32
    %c0_i32_0 = arith.constant 0 : i32
    %c0_i32_1 = arith.constant 0 : i32
    return %c0_i32, %c0_i32_0 : i32, i32
  }
  func.func @transform_5(%arg0: i32) -> (i32, i32) {
    %c0_i32 = arith.constant 0 : i32
    %c0_i32_0 = arith.constant 0 : i32
    return %arg0, %c0_i32 : i32, i32
  }
  func.func @transform_6(%arg0: i32) -> (i32, i32) {
    %c0_i32 = arith.constant 0 : i32
    %c0_i32_0 = arith.constant 0 : i32
    return %arg0, %c0_i32 : i32, i32
  }
}

module attributes {stable_mosaic.version = 14 : i64} {
  func.func @_mid_tc(%arg0: i32, %arg1: memref<1264x128xf32, #tpu.memory_space<vmem>>, %arg2: memref<2x1264x128xf32, #tpu.memory_space<vmem>>, %arg3: memref<2x1264x16xf32, #tpu.memory_space<vmem>>, %arg4: memref<128x128xf32, #tpu.memory_space<vmem>>, %arg5: memref<128x128xf32, #tpu.memory_space<vmem>>, %arg6: memref<1x128xf32, #tpu.memory_space<vmem>>, %arg7: memref<128x128xf32, #tpu.memory_space<vmem>>, %arg8: memref<1264x128xf32, #tpu.memory_space<vmem>>, %arg9: memref<1264x128xf32, #tpu.memory_space<vmem>>, %arg10: memref<1264x16xf32, #tpu.memory_space<vmem>>) attributes {dimension_semantics = [#tpu.dimension_semantics<arbitrary>], iteration_bounds = array<i64: 8>, scalar_prefetch = 0 : i64, scratch_operands = 0 : i64, tpu.core_type = #tpu.core_type<tc>, window_params = [{transform_indices = @transform_0, window_bounds = array<i64: 1264, 128>}, {transform_indices = @transform_1, window_bounds = array<i64: 2, 1264, 128>}, {transform_indices = @transform_2, window_bounds = array<i64: 2, 1264, 16>}, {pipeline_mode = #tpu.pipeline_mode<synchronous>, transform_indices = @transform_3, window_bounds = array<i64: 128, 128>}, {pipeline_mode = #tpu.pipeline_mode<synchronous>, transform_indices = @transform_4, window_bounds = array<i64: 128, 128>}, {pipeline_mode = #tpu.pipeline_mode<synchronous>, transform_indices = @transform_5, window_bounds = array<i64: 1, 128>}, {pipeline_mode = #tpu.pipeline_mode<synchronous>, transform_indices = @transform_6, window_bounds = array<i64: 128, 128>}, {transform_indices = @transform_7, window_bounds = array<i64: 1264, 128>}, {transform_indices = @transform_8, window_bounds = array<i64: 1264, 128>}, {transform_indices = @transform_9, window_bounds = array<i64: 1264, 16>}]} {
    %get3A = arith.constant 0 : index
    %get3A_0 = arith.constant 0 : index
    %get3A_1 = arith.constant 0 : index
    %get3A_2 = vector.load %arg3[%get3A, %get3A_0, %get3A_1] : memref<2x1264x16xf32, #tpu.memory_space<vmem>>, vector<1x1264x16xf32>
    %get3A_3 = vector.shape_cast %get3A_2 : vector<1x1264x16xf32> to vector<1264x16xf32>
    %slice3A = vector.extract_strided_slice %get3A_3 {offsets = [0, 0], sizes = [1264, 1], strides = [1, 1]} : vector<1264x16xf32> to vector<1264x1xf32>
    %get3A_4 = arith.constant 1 : index
    %get3A_5 = arith.constant 0 : index
    %get3A_6 = arith.constant 0 : index
    %get3A_7 = vector.load %arg3[%get3A_4, %get3A_5, %get3A_6] : memref<2x1264x16xf32, #tpu.memory_space<vmem>>, vector<1x1264x16xf32>
    %get3A_8 = vector.shape_cast %get3A_7 : vector<1x1264x16xf32> to vector<1264x16xf32>
    %slice3A_9 = vector.extract_strided_slice %get3A_8 {offsets = [0, 0], sizes = [1264, 1], strides = [1, 1]} : vector<1264x16xf32> to vector<1264x1xf32>
    %add3A = arith.addf %slice3A, %slice3A_9 : vector<1264x1xf32>
    %max3A = arith.constant 1.000000e+00 : f32
    %max3A_10 = vector.broadcast %max3A : f32 to vector<1264x1xf32>
    %max3A_11 = arith.maximumf %add3A, %max3A_10 : vector<1264x1xf32>
    %div3A = arith.constant 1.000000e+00 : f32
    %div3A_12 = vector.broadcast %div3A : f32 to vector<1264x1xf32>
    %div3A_13 = arith.divf %div3A_12, %max3A_11 : vector<1264x1xf32>
    %get3A_14 = arith.constant 0 : index
    %get3A_15 = arith.constant 0 : index
    %get3A_16 = arith.constant 0 : index
    %get3A_17 = vector.load %arg2[%get3A_14, %get3A_15, %get3A_16] : memref<2x1264x128xf32, #tpu.memory_space<vmem>>, vector<1x1264x128xf32>
    %get3A_18 = vector.shape_cast %get3A_17 : vector<1x1264x128xf32> to vector<1264x128xf32>
    %get3A_19 = arith.constant 1 : index
    %get3A_20 = arith.constant 0 : index
    %get3A_21 = arith.constant 0 : index
    %get3A_22 = vector.load %arg2[%get3A_19, %get3A_20, %get3A_21] : memref<2x1264x128xf32, #tpu.memory_space<vmem>>, vector<1x1264x128xf32>
    %get3A_23 = vector.shape_cast %get3A_22 : vector<1x1264x128xf32> to vector<1264x128xf32>
    %add3A_24 = arith.addf %get3A_18, %get3A_23 : vector<1264x128xf32>
    %mul3A = vector.broadcast %div3A_13 : vector<1264x1xf32> to vector<1264x128xf32>
    %mul3A_25 = arith.mulf %add3A_24, %mul3A : vector<1264x128xf32>
    %get3A_26 = arith.constant 0 : index
    %get3A_27 = arith.constant 0 : index
    %get3A_28 = vector.load %arg1[%get3A_26, %get3A_27] : memref<1264x128xf32, #tpu.memory_space<vmem>>, vector<1264x128xf32>
    %get3A_29 = arith.constant 0 : index
    %get3A_30 = arith.constant 0 : index
    %get3A_31 = vector.load %arg4[%get3A_29, %get3A_30] : memref<128x128xf32, #tpu.memory_space<vmem>>, vector<128x128xf32>
    %dot_general3A = arith.constant dense<0.000000e+00> : vector<1264x128xf32>
    %dot_general3A_32 = tpu.matmul %get3A_28, %get3A_31, %dot_general3A {dimension_numbers = #tpu.dot_dimension_numbers<[1], [0], [0], [1], [0, 0, 1, 1], [], []>, transpose_lhs_hint = false} : vector<1264x128xf32>, vector<128x128xf32>, vector<1264x128xf32> -> vector<1264x128xf32>
    %get3A_33 = arith.constant 0 : index
    %get3A_34 = arith.constant 0 : index
    %get3A_35 = vector.load %arg5[%get3A_33, %get3A_34] : memref<128x128xf32, #tpu.memory_space<vmem>>, vector<128x128xf32>
    %dot_general3A_36 = arith.constant dense<0.000000e+00> : vector<1264x128xf32>
    %dot_general3A_37 = tpu.matmul %mul3A_25, %get3A_35, %dot_general3A_36 {dimension_numbers = #tpu.dot_dimension_numbers<[1], [0], [0], [1], [0, 0, 1, 1], [], []>, transpose_lhs_hint = false} : vector<1264x128xf32>, vector<128x128xf32>, vector<1264x128xf32> -> vector<1264x128xf32>
    %add3A_38 = arith.addf %dot_general3A_32, %dot_general3A_37 : vector<1264x128xf32>
    %get3A_39 = arith.constant 0 : index
    %get3A_40 = arith.constant 0 : index
    %get3A_41 = vector.load %arg6[%get3A_39, %get3A_40] : memref<1x128xf32, #tpu.memory_space<vmem>>, vector<1x128xf32>
    %add3A_42 = vector.broadcast %get3A_41 : vector<1x128xf32> to vector<1264x128xf32>
    %add3A_43 = arith.addf %add3A_38, %add3A_42 : vector<1264x128xf32>
    %max3A_44 = arith.constant 0.000000e+00 : f32
    %max3A_45 = vector.broadcast %max3A_44 : f32 to vector<1264x128xf32>
    %max3A_46 = arith.maximumf %add3A_43, %max3A_45 : vector<1264x128xf32>
    %swap3A = arith.constant 0 : index
    %swap3A_47 = arith.constant 0 : index
    %swap3A_48 = vector.load %arg8[%swap3A, %swap3A_47] : memref<1264x128xf32, #tpu.memory_space<vmem>>, vector<1264x128xf32>
    tpu.vector_store %arg8[%swap3A, %swap3A_47], %max3A_46 {strides = array<i32>} : memref<1264x128xf32, #tpu.memory_space<vmem>>, vector<1264x128xf32>,
    %get3A_49 = arith.constant 0 : index
    %get3A_50 = arith.constant 0 : index
    %get3A_51 = vector.load %arg7[%get3A_49, %get3A_50] : memref<128x128xf32, #tpu.memory_space<vmem>>, vector<128x128xf32>
    %dot_general3A_52 = arith.constant dense<0.000000e+00> : vector<1264x128xf32>
    %dot_general3A_53 = tpu.matmul %max3A_46, %get3A_51, %dot_general3A_52 {dimension_numbers = #tpu.dot_dimension_numbers<[1], [0], [0], [1], [0, 0, 1, 1], [], []>, transpose_lhs_hint = false} : vector<1264x128xf32>, vector<128x128xf32>, vector<1264x128xf32> -> vector<1264x128xf32>
    %swap3A_54 = arith.constant 0 : index
    %swap3A_55 = arith.constant 0 : index
    %swap3A_56 = vector.load %arg9[%swap3A_54, %swap3A_55] : memref<1264x128xf32, #tpu.memory_space<vmem>>, vector<1264x128xf32>
    tpu.vector_store %arg9[%swap3A_54, %swap3A_55], %dot_general3A_53 {strides = array<i32>} : memref<1264x128xf32, #tpu.memory_space<vmem>>, vector<1264x128xf32>,
    %broadcast_in_dim3A = vector.shape_cast %div3A_13 : vector<1264x1xf32> to vector<1264x1xf32>
    %broadcast_in_dim3A_57 = vector.broadcast %broadcast_in_dim3A : vector<1264x1xf32> to vector<1264x16xf32>
    %swap3A_58 = arith.constant 0 : index
    %swap3A_59 = arith.constant 0 : index
    %swap3A_60 = vector.load %arg10[%swap3A_58, %swap3A_59] : memref<1264x16xf32, #tpu.memory_space<vmem>>, vector<1264x16xf32>
    tpu.vector_store %arg10[%swap3A_58, %swap3A_59], %broadcast_in_dim3A_57 {strides = array<i32>} : memref<1264x16xf32, #tpu.memory_space<vmem>>, vector<1264x16xf32>,
    return
  }
  func.func @transform_0(%arg0: i32) -> (i32, i32) {
    %c0_i32 = arith.constant 0 : i32
    %c0_i32_0 = arith.constant 0 : i32
    return %arg0, %c0_i32 : i32, i32
  }
  func.func @transform_1(%arg0: i32) -> (i32, i32, i32) {
    %c0_i32 = arith.constant 0 : i32
    %c0_i32_0 = arith.constant 0 : i32
    %c0_i32_1 = arith.constant 0 : i32
    return %c0_i32, %arg0, %c0_i32_0 : i32, i32, i32
  }
  func.func @transform_2(%arg0: i32) -> (i32, i32, i32) {
    %c0_i32 = arith.constant 0 : i32
    %c0_i32_0 = arith.constant 0 : i32
    %c0_i32_1 = arith.constant 0 : i32
    return %c0_i32, %arg0, %c0_i32_0 : i32, i32, i32
  }
  func.func @transform_3(%arg0: i32) -> (i32, i32) {
    %c0_i32 = arith.constant 0 : i32
    %c0_i32_0 = arith.constant 0 : i32
    %c0_i32_1 = arith.constant 0 : i32
    return %c0_i32, %c0_i32_0 : i32, i32
  }
  func.func @transform_4(%arg0: i32) -> (i32, i32) {
    %c0_i32 = arith.constant 0 : i32
    %c0_i32_0 = arith.constant 0 : i32
    %c0_i32_1 = arith.constant 0 : i32
    return %c0_i32, %c0_i32_0 : i32, i32
  }
  func.func @transform_5(%arg0: i32) -> (i32, i32) {
    %c0_i32 = arith.constant 0 : i32
    %c0_i32_0 = arith.constant 0 : i32
    %c0_i32_1 = arith.constant 0 : i32
    return %c0_i32, %c0_i32_0 : i32, i32
  }
  func.func @transform_6(%arg0: i32) -> (i32, i32) {
    %c0_i32 = arith.constant 0 : i32
    %c0_i32_0 = arith.constant 0 : i32
    %c0_i32_1 = arith.constant 0 : i32
    return %c0_i32, %c0_i32_0 : i32, i32
  }
  func.func @transform_7(%arg0: i32) -> (i32, i32) {
    %c0_i32 = arith.constant 0 : i32
    %c0_i32_0 = arith.constant 0 : i32
    return %arg0, %c0_i32 : i32, i32
  }
  func.func @transform_8(%arg0: i32) -> (i32, i32) {
    %c0_i32 = arith.constant 0 : i32
    %c0_i32_0 = arith.constant 0 : i32
    return %arg0, %c0_i32 : i32, i32
  }
  func.func @transform_9(%arg0: i32) -> (i32, i32) {
    %c0_i32 = arith.constant 0 : i32
    %c0_i32_0 = arith.constant 0 : i32
    return %arg0, %c0_i32 : i32, i32
  }
}

module attributes {stable_mosaic.version = 14 : i64} {
  func.func @_fin_tc(%arg0: i32, %arg1: memref<1264x128xf32, #tpu.memory_space<vmem>>, %arg2: memref<2x1264x128xf32, #tpu.memory_space<vmem>>, %arg3: memref<1264x16xf32, #tpu.memory_space<vmem>>, %arg4: memref<128x128xf32, #tpu.memory_space<vmem>>, %arg5: memref<128x128xf32, #tpu.memory_space<vmem>>, %arg6: memref<1x128xf32, #tpu.memory_space<vmem>>, %arg7: memref<128x16xf32, #tpu.memory_space<vmem>>, %arg8: memref<128x16xf32, #tpu.memory_space<vmem>>, %arg9: memref<1x16xf32, #tpu.memory_space<vmem>>, %arg10: memref<1264x16xf32, #tpu.memory_space<vmem>>, %arg11: memref<1264x16xf32, #tpu.memory_space<vmem>>) attributes {dimension_semantics = [#tpu.dimension_semantics<arbitrary>], iteration_bounds = array<i64: 8>, scalar_prefetch = 0 : i64, scratch_operands = 0 : i64, tpu.core_type = #tpu.core_type<tc>, window_params = [{transform_indices = @transform_0, window_bounds = array<i64: 1264, 128>}, {transform_indices = @transform_1, window_bounds = array<i64: 2, 1264, 128>}, {transform_indices = @transform_2, window_bounds = array<i64: 1264, 16>}, {pipeline_mode = #tpu.pipeline_mode<synchronous>, transform_indices = @transform_3, window_bounds = array<i64: 128, 128>}, {pipeline_mode = #tpu.pipeline_mode<synchronous>, transform_indices = @transform_4, window_bounds = array<i64: 128, 128>}, {pipeline_mode = #tpu.pipeline_mode<synchronous>, transform_indices = @transform_5, window_bounds = array<i64: 1, 128>}, {pipeline_mode = #tpu.pipeline_mode<synchronous>, transform_indices = @transform_6, window_bounds = array<i64: 128, 16>}, {pipeline_mode = #tpu.pipeline_mode<synchronous>, transform_indices = @transform_7, window_bounds = array<i64: 128, 16>}, {pipeline_mode = #tpu.pipeline_mode<synchronous>, transform_indices = @transform_8, window_bounds = array<i64: 1, 16>}, {transform_indices = @transform_9, window_bounds = array<i64: 1264, 16>}, {transform_indices = @transform_10, window_bounds = array<i64: 1264, 16>}]} {
    %get3A = arith.constant 0 : index
    %get3A_0 = arith.constant 0 : index
    %get3A_1 = arith.constant 0 : index
    %get3A_2 = vector.load %arg2[%get3A, %get3A_0, %get3A_1] : memref<2x1264x128xf32, #tpu.memory_space<vmem>>, vector<1x1264x128xf32>
    %get3A_3 = vector.shape_cast %get3A_2 : vector<1x1264x128xf32> to vector<1264x128xf32>
    %get3A_4 = arith.constant 1 : index
    %get3A_5 = arith.constant 0 : index
    %get3A_6 = arith.constant 0 : index
    %get3A_7 = vector.load %arg2[%get3A_4, %get3A_5, %get3A_6] : memref<2x1264x128xf32, #tpu.memory_space<vmem>>, vector<1x1264x128xf32>
    %get3A_8 = vector.shape_cast %get3A_7 : vector<1x1264x128xf32> to vector<1264x128xf32>
    %add3A = arith.addf %get3A_3, %get3A_8 : vector<1264x128xf32>
    %get3A_9 = arith.constant 0 : index
    %get3A_10 = arith.constant 0 : index
    %get3A_11 = vector.load %arg3[%get3A_9, %get3A_10] : memref<1264x16xf32, #tpu.memory_space<vmem>>, vector<1264x16xf32>
    %slice3A = vector.extract_strided_slice %get3A_11 {offsets = [0, 0], sizes = [1264, 1], strides = [1, 1]} : vector<1264x16xf32> to vector<1264x1xf32>
    %mul3A = vector.broadcast %slice3A : vector<1264x1xf32> to vector<1264x128xf32>
    %mul3A_12 = arith.mulf %add3A, %mul3A : vector<1264x128xf32>
    %get3A_13 = arith.constant 0 : index
    %get3A_14 = arith.constant 0 : index
    %get3A_15 = vector.load %arg1[%get3A_13, %get3A_14] : memref<1264x128xf32, #tpu.memory_space<vmem>>, vector<1264x128xf32>
    %get3A_16 = arith.constant 0 : index
    %get3A_17 = arith.constant 0 : index
    %get3A_18 = vector.load %arg4[%get3A_16, %get3A_17] : memref<128x128xf32, #tpu.memory_space<vmem>>, vector<128x128xf32>
    %dot_general3A = arith.constant dense<0.000000e+00> : vector<1264x128xf32>
    %dot_general3A_19 = tpu.matmul %get3A_15, %get3A_18, %dot_general3A {dimension_numbers = #tpu.dot_dimension_numbers<[1], [0], [0], [1], [0, 0, 1, 1], [], []>, transpose_lhs_hint = false} : vector<1264x128xf32>, vector<128x128xf32>, vector<1264x128xf32> -> vector<1264x128xf32>
    %get3A_20 = arith.constant 0 : index
    %get3A_21 = arith.constant 0 : index
    %get3A_22 = vector.load %arg5[%get3A_20, %get3A_21] : memref<128x128xf32, #tpu.memory_space<vmem>>, vector<128x128xf32>
    %dot_general3A_23 = arith.constant dense<0.000000e+00> : vector<1264x128xf32>
    %dot_general3A_24 = tpu.matmul %mul3A_12, %get3A_22, %dot_general3A_23 {dimension_numbers = #tpu.dot_dimension_numbers<[1], [0], [0], [1], [0, 0, 1, 1], [], []>, transpose_lhs_hint = false} : vector<1264x128xf32>, vector<128x128xf32>, vector<1264x128xf32> -> vector<1264x128xf32>
    %add3A_25 = arith.addf %dot_general3A_19, %dot_general3A_24 : vector<1264x128xf32>
    %get3A_26 = arith.constant 0 : index
    %get3A_27 = arith.constant 0 : index
    %get3A_28 = vector.load %arg6[%get3A_26, %get3A_27] : memref<1x128xf32, #tpu.memory_space<vmem>>, vector<1x128xf32>
    %add3A_29 = vector.broadcast %get3A_28 : vector<1x128xf32> to vector<1264x128xf32>
    %add3A_30 = arith.addf %add3A_25, %add3A_29 : vector<1264x128xf32>
    %max3A = arith.constant 0.000000e+00 : f32
    %max3A_31 = vector.broadcast %max3A : f32 to vector<1264x128xf32>
    %max3A_32 = arith.maximumf %add3A_30, %max3A_31 : vector<1264x128xf32>
    %get3A_33 = arith.constant 0 : index
    %get3A_34 = arith.constant 0 : index
    %get3A_35 = vector.load %arg7[%get3A_33, %get3A_34] : memref<128x16xf32, #tpu.memory_space<vmem>>, vector<128x16xf32>
    %dot_general3A_36 = arith.constant dense<0.000000e+00> : vector<1264x16xf32>
    %dot_general3A_37 = tpu.matmul %max3A_32, %get3A_35, %dot_general3A_36 {dimension_numbers = #tpu.dot_dimension_numbers<[1], [0], [0], [1], [0, 0, 1, 1], [], []>, transpose_lhs_hint = false} : vector<1264x128xf32>, vector<128x16xf32>, vector<1264x16xf32> -> vector<1264x16xf32>
    %get3A_38 = arith.constant 0 : index
    %get3A_39 = arith.constant 0 : index
    %get3A_40 = vector.load %arg9[%get3A_38, %get3A_39] : memref<1x16xf32, #tpu.memory_space<vmem>>, vector<1x16xf32>
    %add3A_41 = vector.broadcast %get3A_40 : vector<1x16xf32> to vector<1264x16xf32>
    %add3A_42 = arith.addf %dot_general3A_37, %add3A_41 : vector<1264x16xf32>
    %swap3A = arith.constant 0 : index
    %swap3A_43 = arith.constant 0 : index
    %swap3A_44 = vector.load %arg10[%swap3A, %swap3A_43] : memref<1264x16xf32, #tpu.memory_space<vmem>>, vector<1264x16xf32>
    tpu.vector_store %arg10[%swap3A, %swap3A_43], %add3A_42 {strides = array<i32>} : memref<1264x16xf32, #tpu.memory_space<vmem>>, vector<1264x16xf32>,
    %get3A_45 = arith.constant 0 : index
    %get3A_46 = arith.constant 0 : index
    %get3A_47 = vector.load %arg8[%get3A_45, %get3A_46] : memref<128x16xf32, #tpu.memory_space<vmem>>, vector<128x16xf32>
    %dot_general3A_48 = arith.constant dense<0.000000e+00> : vector<1264x16xf32>
    %dot_general3A_49 = tpu.matmul %max3A_32, %get3A_47, %dot_general3A_48 {dimension_numbers = #tpu.dot_dimension_numbers<[1], [0], [0], [1], [0, 0, 1, 1], [], []>, transpose_lhs_hint = false} : vector<1264x128xf32>, vector<128x16xf32>, vector<1264x16xf32> -> vector<1264x16xf32>
    %swap3A_50 = arith.constant 0 : index
    %swap3A_51 = arith.constant 0 : index
    %swap3A_52 = vector.load %arg11[%swap3A_50, %swap3A_51] : memref<1264x16xf32, #tpu.memory_space<vmem>>, vector<1264x16xf32>
    tpu.vector_store %arg11[%swap3A_50, %swap3A_51], %dot_general3A_49 {strides = array<i32>} : memref<1264x16xf32, #tpu.memory_space<vmem>>, vector<1264x16xf32>,
    return
  }
  func.func @transform_0(%arg0: i32) -> (i32, i32) {
    %c0_i32 = arith.constant 0 : i32
    %c0_i32_0 = arith.constant 0 : i32
    return %arg0, %c0_i32 : i32, i32
  }
  func.func @transform_1(%arg0: i32) -> (i32, i32, i32) {
    %c0_i32 = arith.constant 0 : i32
    %c0_i32_0 = arith.constant 0 : i32
    %c0_i32_1 = arith.constant 0 : i32
    return %c0_i32, %arg0, %c0_i32_0 : i32, i32, i32
  }
  func.func @transform_2(%arg0: i32) -> (i32, i32) {
    %c0_i32 = arith.constant 0 : i32
    %c0_i32_0 = arith.constant 0 : i32
    return %arg0, %c0_i32 : i32, i32
  }
  func.func @transform_3(%arg0: i32) -> (i32, i32) {
    %c0_i32 = arith.constant 0 : i32
    %c0_i32_0 = arith.constant 0 : i32
    %c0_i32_1 = arith.constant 0 : i32
    return %c0_i32, %c0_i32_0 : i32, i32
  }
  func.func @transform_4(%arg0: i32) -> (i32, i32) {
    %c0_i32 = arith.constant 0 : i32
    %c0_i32_0 = arith.constant 0 : i32
    %c0_i32_1 = arith.constant 0 : i32
    return %c0_i32, %c0_i32_0 : i32, i32
  }
  func.func @transform_5(%arg0: i32) -> (i32, i32) {
    %c0_i32 = arith.constant 0 : i32
    %c0_i32_0 = arith.constant 0 : i32
    %c0_i32_1 = arith.constant 0 : i32
    return %c0_i32, %c0_i32_0 : i32, i32
  }
  func.func @transform_6(%arg0: i32) -> (i32, i32) {
    %c0_i32 = arith.constant 0 : i32
    %c0_i32_0 = arith.constant 0 : i32
    %c0_i32_1 = arith.constant 0 : i32
    return %c0_i32, %c0_i32_0 : i32, i32
  }
  func.func @transform_7(%arg0: i32) -> (i32, i32) {
    %c0_i32 = arith.constant 0 : i32
    %c0_i32_0 = arith.constant 0 : i32
    %c0_i32_1 = arith.constant 0 : i32
    return %c0_i32, %c0_i32_0 : i32, i32
  }
  func.func @transform_8(%arg0: i32) -> (i32, i32) {
    %c0_i32 = arith.constant 0 : i32
    %c0_i32_0 = arith.constant 0 : i32
    %c0_i32_1 = arith.constant 0 : i32
    return %c0_i32, %c0_i32_0 : i32, i32
  }
  func.func @transform_9(%arg0: i32) -> (i32, i32) {
    %c0_i32 = arith.constant 0 : i32
    %c0_i32_0 = arith.constant 0 : i32
    return %arg0, %c0_i32 : i32, i32
  }
  func.func @transform_10(%arg0: i32) -> (i32, i32) {
    %c0_i32 = arith.constant 0 : i32
    %c0_i32_0 = arith.constant 0 : i32
    return %arg0, %c0_i32 : i32, i32
  }
}

</mosaic_0001>

<sc_bundles>
// kernel: kernel.10.cloned.1.call-start
scs
__scs_entry_jumppad:
0x0: {  	(pc) =	sbr.rel $0x88, $3  }
0x1: {  	(tag) =	ssettag $0x0;
	lr =	simm.s32 $0x1  }
0x2: {  	[smem:$0x3F94] =	sst lr;
	_ =	strace $0xD0000000  }
0x3: {  	_ = 	snop  }
0x4: {  	_ = 	snop  }
0x5: {  	_ = 	snop  }
0x6: {  	_ = 	snop  }
0x7: {  	_ = 	snop  }
__scs_overlays_trampoline_lowered:
0x8: {  	[smem:$0x3FA3] =	sst s0  }
0x9: {  	[smem:$0x3FA4] =	sst s1  }
0xa: {  	[smem:$0x3FA5] =	sst s2  }
0xb: {  	[smem:$0x3FA6] =	sst s3  }
0xc: {  	[smem:$0x3FA7] =	sst s4  }
0xd: {  	[smem:$0x3FA8] =	sst s5  }
0xe: {  	[smem:$0x3FA9] =	sst s6  }
0xf: {  	[smem:$0x3FAA] =	sst s7  }
0x10: {  	[smem:$0x3FAB] =	sst s8  }
0x11: {  	[smem:$0x3FAC] =	sst s9;
	s0 =	simm.s32 @!p0 $0x0  }
0x12: {  	s1 =	sld [smem:$0x3F92];
	s0 =	simm.s32 @p0 $0x1  }
0x13: {  	[smem:$0x3FAD] =	sst s0;
	s0 =	simm.s32 @!p1 $0x0  }
0x14: {  	s2 =	sld [smem:$0x3F91];
	s0 =	simm.s32 @p1 $0x1  }
0x15: {  	[smem:$0x3FAE] =	sst s0;
	s0 =	simm.s32 @!p2 $0x0  }
0x16: {  	s3 =	sld [smem:$0x3FDB];
	s0 =	simm.s32 @p2 $0x1  }
0x17: {  	s4 =	simm.s32 $0x1BF5;
	[smem:$0x3FB0] =	sst s0  }
0x18: {  	s0 =	sld [smem:$0x3F93];
	_ =	swait.ge [sflag:s4], $0x0  }
0x19: {  	s7 =	sld [smem:$0x3F94]  }
0x1a: {  	s8 =	sadd.s32 $0xFFFFE003, lr  }
0x1b: {  	s9 =	sadd.s32 $0xFFFFFEF7, lr;
	s5 =	simm.s32 $0xFFFFFFFF;
	p2 =	slt.u32 s8, $0xFFFFF086  }
0x1c: {  	p1 =	slt.u32 s9, $0xF7A;
	s5 =	simm.s32 @!p2 $0x0  }
0x1d: {  	s5 =	simm.s32 @p1 $0x1;
	p0 =	seq.s32 s7, s2  }
0x1e: {  	s7 =	smul.u32 @!p0 $0xF7A, s2;
	p2 =	seq.s32 @!p0 s5, $0x0  }
0x1f: {  	s9 =	smul.u32 $0xF7A, s1;
	s8 =	simm.s32 @!p0 $0x1BF5;
	p2 =	por !p2, p0  }
0x20: {  	[sflag:s8] =	ssyncset.s32 @!p0 $0xFFFFF086;
	s6 =	sadd.s32 @!p0 s3, s7;
	s7 =	simm.s32 @!p0 $0x108  }
0x21: {  	s3 =	sadd.s32 s3, s9;
	s6 =	sadd.s32 @!p0 $0x88, s6;
	s7 =	simm.s32 @p2 $0x1082  }
0x22: {  	[simem:s7], [sflag:s8] =	dma.local @!p0 [hbm:s6], $0xF7A  }
0x23: {  	s9 =	sor.u32 $0xD0000000, s2;
	s6 =	simm.s32 $0x108;
	_ =	swait.ge @!p0 [sflag:s8], $0x0  }
0x24: {  	s3 =	sadd.s32 $0x88, s3;
	s6 =	simm.s32 @!p1 $0x1082;
	[sflag:s4] =	ssyncset.s32 $0xFFFFF086  }
0x25: {  	[simem:s6], [sflag:s4] =	dma.local [hbm:s3], $0xF7A  }
0x26: {  	[smem:$0x3F94] =	sst s1;
	(tag) =	ssettag s2;
	_ =	strace s9  }
0x27: {  	s1 =	sld [smem:$0x3FA4]  }
0x28: {  	s2 =	sld [smem:$0x3FA5]  }
0x29: {  	s4 =	sld [smem:$0x3FA7]  }
0x2a: {  	p0 =	seq.s32 s5, $0x0;
	s5 =	sld [smem:$0x3FA8]  }
0x2b: {  	s6 =	sld [smem:$0x3FA9]  }
0x2c: {  	s7 =	sld [smem:$0x3FAA]  }
0x2d: {  	s3 =	simm.s32 $0x108;
	s8 =	sld [smem:$0x3FAB]  }
0x2e: {  	s3 =	simm.s32 @!p0 $0x1082;
	s9 =	sld [smem:$0x3FAC]  }
0x2f: {  	lr =	sadd.s32 s0, s3;
	s0 =	sld [smem:$0x3FA3]  }
0x30: {  	s3 =	sld [smem:$0x3FA6]  }
0x31: {  	[smem:$0x3FAF] =	sst s10  }
0x32: {  	s10 =	sld [smem:$0x3FAD];
	_ =	sdelay $0x3  }
0x33: {  	p0 =	seq.s32 s10, $0x1;
	s10 =	sld [smem:$0x3FAF];
	_ =	sdelay $0x3  }
0x34: {  	[smem:$0x3FAF] =	sst s10  }
0x35: {  	s10 =	sld [smem:$0x3FAE];
	_ =	sdelay $0x3  }
0x36: {  	p1 =	seq.s32 s10, $0x1;
	s10 =	sld [smem:$0x3FAF];
	_ =	sdelay $0x3  }
0x37: {  	[smem:$0x3FAF] =	sst s10  }
0x38: {  	s10 =	sld [smem:$0x3FB0]  }
0x39: {  	_ = 	snop;
	(pc) =	sbr.ind lr, $3  }
0x3a: {  	_ = 	snop  }
0x3b: {  	_ = 	snop  }
0x3c: {  	p2 =	seq.s32 s10, $0x1;
	s10 =	sld [smem:$0x3FAF]  }
0x3d: {  	_ =	shalt  }
0x3e: {  	_ =	shalt  }
0x3f: {  	_ =	shalt  }
0x40: {  	_ =	shalt  }
0x41: {  	_ =	shalt  }
0x42: {  	_ =	shalt  }
0x43: {  	_ =	shalt  }
0x44: {  	_ =	shalt  }
0x45: {  	_ =	shalt  }
0x46: {  	_ =	shalt  }
0x47: {  	_ =	shalt  }
0x48: {  	_ =	shalt  }
0x49: {  	_ =	shalt  }
0x4a: {  	_ =	shalt  }
0x4b: {  	_ =	shalt  }
0x4c: {  	_ =	shalt  }
0x4d: {  	_ =	shalt  }
0x4e: {  	_ =	shalt  }
0x4f: {  	_ =	shalt  }
0x50: {  	_ =	shalt  }
0x51: {  	_ =	shalt  }
0x52: {  	_ =	shalt  }
0x53: {  	_ =	shalt  }
0x54: {  	_ =	shalt  }
0x55: {  	_ =	shalt  }
0x56: {  	_ =	shalt  }
0x57: {  	_ =	shalt  }
0x58: {  	_ =	shalt  }
0x59: {  	_ =	shalt  }
0x5a: {  	_ =	shalt  }
0x5b: {  	_ =	shalt  }
0x5c: {  	_ =	shalt  }
0x5d: {  	_ =	shalt  }
0x5e: {  	_ =	shalt  }
0x5f: {  	_ =	shalt  }
0x60: {  	_ =	shalt  }
0x61: {  	_ =	shalt  }
0x62: {  	_ =	shalt  }
0x63: {  	_ =	shalt  }
0x64: {  	_ =	shalt  }
0x65: {  	_ =	shalt  }
0x66: {  	_ =	shalt  }
0x67: {  	_ =	shalt  }
0x68: {  	_ =	shalt  }
0x69: {  	_ =	shalt  }
0x6a: {  	_ =	shalt  }
0x6b: {  	_ =	shalt  }
0x6c: {  	_ =	shalt  }
0x6d: {  	_ =	shalt  }
0x6e: {  	_ =	shalt  }
0x6f: {  	_ =	shalt  }
0x70: {  	_ =	shalt  }
0x71: {  	_ =	shalt  }
0x72: {  	_ =	shalt  }
0x73: {  	_ =	shalt  }
0x74: {  	_ =	shalt  }
0x75: {  	_ =	shalt  }
0x76: {  	_ =	shalt  }
0x77: {  	_ =	shalt  }
0x78: {  	_ =	shalt  }
0x79: {  	_ =	shalt  }
0x7a: {  	_ =	shalt  }
0x7b: {  	_ =	shalt  }
0x7c: {  	_ =	shalt  }
0x7d: {  	_ =	shalt  }
0x7e: {  	_ =	shalt  }
0x7f: {  	_ =	shalt  }
0x80: {  	_ =	shalt  }
0x81: {  	_ =	shalt  }
0x82: {  	_ =	shalt  }
0x83: {  	_ =	shalt  }
0x84: {  	_ =	shalt  }
0x85: {  	_ =	shalt  }
0x86: {  	_ =	shalt  }
0x87: {  	_ =	shalt  }
.Lfunc_end0:
.L_simem_size_0:
called_computation_lowered:
.L_overlay_start_0:
0x88: {  	s2 =	sld [smem:$0x3FD9]  }
0x89: {  	s3 =	sld [smem:$0x3FFE];
	_ =	sdelay $0x1  }
0x8a: {  	s1 =	srdreg.scid  }
0x8b: {  	s0 =	sand.u32 $0x1, s1  }
0x8c: {  	s17 =	sshll.u32 s0, $0xA;
	s2 =	sadd.s32 s3, s2  }
0x8d: {  	s2 =	sadd.s32 s2, s17  }
0x8e: {  	[smem:$0x3FBB] =	sst s2  }
0x8f: {  	_ = 	snop  }
0x90: {  	s2 =	sld [smem:$0x3FD0];
	(tm) =	ssettm $0x1  }
0x91: {  	s18 =	sld [smem:$0x3FFB];
	_ =	sdelay $0x3  }
0x92: {  	_ =	strace s18  }
0x93: {  	s3 =	sld [smem:$0x3FFC];
	_ =	sdelay $0x3  }
0x94: {  	_ =	strace s3  }
0x95: {  	s3 =	sld [smem:$0x3FFD];
	_ =	sdelay $0x3  }
0x96: {  	_ =	strace s3  }
0x97: {  	_ =	strace $0x8FFFFFFF  }
0x98: {  	s19 =	sld [smem:$0x3FDB];
	_ =	sdelay $0x1  }
0x99: {  	s4 =	simm.s32 $_scs_section_size  }
0x9a: {  	s5 =	simm.s32 $_size__tile_overlayer_lowered;
	s6 =	simm.s32 $_tile_overlayer_lowered  }
0x9b: {  	s22 =	simm.s32 $0x1BFF;
	s21 =	sshll.u32 s6, $0x1;
	s3 =	sadd.s32 s4, s19  }
0x9c: {  	s7 =	simm.s32 $0x0;
	s20 =	sshll.u32 s5, $0x1;
	s5 =	sadd.s32 s21, s3  }
0x9d: {  	[timem:s7], [sflag:s22] =	dma.local [hbm:s5], s20  }
0x9e: {  	_ =	swait.ge [sflag:s22], s20  }
0x9f: {  	s4 =	ssub.s32 $0x0, s20;
	[sflag:s22] =	ssyncset.done $0x0  }
0xa0: {  	[sflag:s22] =	ssyncadd.s32 s4;
	_ =	sdelay $0x1  }
0xa1: {  	s23 =	simm.s32 $0x1B8B  }
0xa2: {  	_ =	swait.ge [sflag:s23], $0x1  }
0xa3: {  	[sflag:s23] =	ssyncset.done $0x0  }
0xa4: {  	s25 =	simm.s32 $0x1B8E;
	s24 =	sld [smem:$0x3FFE];
	[sflag:s23] =	ssyncadd.s32 $0xFFFFFFFF  }
0xa5: {  	s26 =	simm.s32 $execute0_lowered;
	[smem:$0x3FD2] =	sst s25  }
0xa6: {  	s5 =	sshll.u32 s26, $0x1;
	_ =	strace $0x80000046;
	[dreg:$0x1] =	wrdreg $0xFFFFFFFF  }
0xa7: {  	s28 =	simm.s32 $_size_execute0_lowered;
	s3 =	sadd.s32 s3, s5;
	[dreg:$0x0] =	wrdreg $0x0  }
0xa8: {  	s5 =	sshll.u32 s28, $0x1;
	[dreg:$0x2] =	wrdreg s3  }
0xa9: {  	[dreg:$0x3] =	wrdreg s5  }
0xaa: {  	[dreg:$0x4] =	wrdreg $0xC0  }
0xab: {  	_ =	task [dreg:s7], $0x5FFFF  }
0xac: {  	[dreg:$0x1] =	wrdreg $0xFFFFFFFF  }
0xad: {  	[dreg:$0x0] =	wrdreg $0x60  }
0xae: {  	[dreg:$0x2] =	wrdreg s24  }
0xaf: {  	[dreg:$0x3] =	wrdreg s2  }
0xb0: {  	[dreg:$0x4] =	wrdreg $0x2C000  }
0xb1: {  	[dreg:$0x5] =	wrdreg $0x9  }
0xb2: {  	_ =	task.clear_ibuf [dreg:s7], $0x6FFFF;
	_ =	strace $0x90000046  }
0xb3: {  	s29 =	simm.s32 $0x9;
	_ =	strace $0x80000048  }
0xb4: {  	_ =	swait.ge [sflag:s29], $0x1  }
0xb5: {  	[sflag:s29] =	ssyncadd.s32 $0xFFFFFFFF  }
0xb6: {  	_ =	strace $0x90000048  }
0xb7: {  	_ =	sfence  }
0xb8: {  	s30 =	sld [smem:$0x0];
	_ =	sdelay $0x2  }
0xb9: {  	s31 =	sshll.u32 s1, $0xD;
	s1 =	sshrl.u32 s1, $0x2  }
0xba: {  	s3 =	sand.u32 $0x4000, s31;
	s1 =	sadd.s32 s1, s30  }
0xbb: {  	s0 =	sor.u32 s3, s0;
	s1 =	sshll.u32 s1, $0x11  }
0xbc: {  	s0 =	sor.u32 s1, s0  }
0xbd: {  	s0 =	sadd.s32 $0x8F2B, s0  }
0xbe: {  	[sflag:s0] =	ssyncadd.remote.s32 $0x1  }
0xbf: {  	_ =	sfence.sel $0xFFFF  }
0xc0: {  	[dreg:$0x0] =	wrdreg $0xFFFFFFFF;
	(pc) =	sbr.abs _section_cstart, $3  }
0xc1: {  	[dreg:$0x1] =	wrdreg $0xFFFFFFFF  }
0xc2: {  	_ =	task.clear_ibuf [dreg:s7], $0x2FFFF;
	_ =	strace $0x9FFFFFFF  }
0xc3: {  	(tm) =	ssettm $0x7FFFFFFF  }
tec
execute0_lowered:
.L_overlay_start_1:
0x0: {  	(tag) =	ssettag $0x1  }
0x1: {  	s4 =	rddreg [dreg:$0x0]  }
0x2: {  	s5 =	rddreg [dreg:$0x1]  }
0x3: {  	s2 =	rddreg [dreg:$0x2];
	s3 =	srdreg.scid  }
0x4: {  	s1 =	stileid.u32;
	s0 =	rddreg [dreg:$0x3];
	s12 =	simm.s32 $0x2800  }
0x5: {  	s6 =	sand.u32 $0x1, s3;
	s7 =	smul.u32 $0x2780, s1;
	s3 =	simm.s32 $0x0  }
0x6: {  	s8 =	sshll.u32 s1, $0x1;
	s31 =	sshll.u32 s1, $0x6;
	s9 =	smul.u32 $0x27800, s6  }
0x7: {  	[smem:$0x7FF] =	sst s3;
	s8 =	sor.u32 s6, s8;
	s6 =	ssub.s32 $0x2, s6  }
0x8: {  	s8 =	smul.u32 $0x500, s8;
	_ =	strace $0x80000047;
	s10 =	sshrl.u32 s6, $0x1  }
0x9: {  	s11 =	sadd.s32 s7, s2;
	s30 =	sshrl.u32 s7, $0x3;
	s9 =	sadd.s32 s7, s9  }
0xa: {  	s10 =	ssub.s32 s6, s10;
	s9 =	sshrl.u32 s9, $0x3;
	s8 =	sadd.s32 s8, s4  }
0xb: {  	s9 =	sadd.s32 s9, s4;
	s4 =	sadd.s32 s5, s30;
	s5 =	sor.u32 $0x1C01, s31  }
0xc: {  	s6 =	sadd.s32 $0x4200, s8;
	s8 =	smax.u32 s10, $0x1;
	s10 =	simm.s32 $0x1  }
0xd: {  	v0 =	vimm.f32 $1.000000000e+00;
	s7 =	sadd.s32 $0xE200, s9;
	s9 =	sshrl.u32 s11, $0x3;
	s11 =	simm.s32 $0x40  }
.LBB2_1:
0xe: {  	[spmem:s9], [sflag:s5] =	dma.local [hbm:s4], $0x4F0  }
0xf: {  	_ =	swait.ge [sflag:s10], $0x4F0  }
0x10: {  	[sflag:s10] =	ssyncset.done $0x0  }
0x11: {  	s13 =	simm.s32 $0x40;
	s14 =	simm.s32 $0x0;
	[sflag:s10] =	ssyncadd.s32 $0xFFFFFB10  }
.LBB2_2:
0x12: {  	p0 =	sne.s32 s13, $0xFC0;
	[tilespmem:s14+$0x2800] =	vst v0;
	s14 =	smov.u32 s13;
	s13 =	sadd.s32 $0x40, s13  }
.Ltmp0:
0x13: {  	(pc) =	sbr.rel @p0 .LBB2_2-.Ltmp0, $2  }
0x14: {  	_ =	sdelay $0x2  }
0x15: {  	s14 =	sshra.s32 s14, $0x2  }
0x16: {  	[tilespmem:s14+$0x2800] =	vst v0;
	s13 =	simm.s32 $0x0  }
0x17: {  	[tilespmem:s13], [sflag:$0x1] =	stream.linear.gather [hbm4b:s6+s13], $0x2800, $0x38;
	[tilespmem:$0x5380] =	vst v63  }
0x18: {  	_ =	swait.ge [sflag:s10], $0x2800  }
0x19: {  	[sflag:s10] =	ssyncset.done $0x0  }
0x1a: {  	[sflag:s10] =	ssyncadd.s32 $0xFFFFD800  }
0x1b: {  	s31 =	simm.s32 $0x0;
	[bflag:$0x0] =	sbarrier.arrive $0xFFFF  }
0x1c: {  	[spmem:s2] =	stream.indirect.scatter.add.f32 [tilespmem:s12], [sflag:$0x1], $0x10, s31, s11, $0xb8;
	[tilespmem:$0x5380] =	vst v63  }
0x1d: {  	_ =	swait.ge [sflag:s10], $0x400  }
0x1e: {  	s13 =	simm.s32 $0x100;
	[sflag:s10] =	ssyncset.done $0x0  }
.LBB2_4:
0x1f: {  	s14 =	sshra.s32 s13, $0x2;
	[sflag:s10] =	ssyncadd.s32 $0xFFFFFC00;
	p0 =	sne.s32 s13, $0x9F00  }
0x20: {  	[spmem:s2] =	stream.indirect.scatter.add.f32 [tilespmem:s12], [sflag:$0x1], $0x10, s14, s11, $0xb8;
	[tilespmem:$0x5380] =	vst v63  }
.Ltmp1:
0x21: {  	_ = 	snop;
	(pc) =	sbr.rel @p0 .LBB2_4-.Ltmp1, $4  }
0x22: {  	_ = 	snop  }
0x23: {  	s13 =	sadd.s32 $0x100, s13  }
0x24: {  	_ =	swait.ge [sflag:s10], $0x400  }
0x25: {  	[sflag:s10] =	ssyncset.done $0x0  }
0x26: {  	s3 =	sadd.s32 $0x1, s3  }
0x27: {  	[sflag:s10] =	ssyncadd.s32 $0xFFFFFC00;
	p0 =	sne.s32 s3, s8  }
.Ltmp2:
0x28: {  	[bflag:$0x0] =	sbarrier.arrive $0xFFFF;
	(pc) =	sbr.rel @p0 .LBB2_1-.Ltmp2, $4  }
0x29: {  	[hbm:s7], [sflag:s5] =	dma.local [spmem:s9], $0x4F0  }
0x2a: {  	_ =	swait.ge [sflag:s10], $0x4F0  }
0x2b: {  	[sflag:s10] =	ssyncset.done $0x0  }
0x2c: {  	[sflag:s10] =	ssyncadd.s32 $0xFFFFFB10  }
0x2d: {  	_ =	sfence.sel $0x180000  }
0x2e: {  	[bflag:$0x0] =	sbarrier.arrive $0xFFFF  }
0x2f: {  	p0 =	sne.s32 s1, $0x0;
	_ =	strace $0x90000047  }
0x30: {  	s0 =	sadd.s32 @!p0 $0x100000, s0;
	[bflag:$0x2] =	sbarrier.arrive $0xFFFF  }
0x31: {  	[sflag:s0] =	ssyncadd.tile.s32 @!p0 $0x1;
	_ =	shalt  }
.Lfunc_end2:
_tile_overlayer_lowered:
.L_overlay_start_2:
0x32: {  	(tag) =	ssettag $0x2  }
0x33: {  	s0 =	rddreg [dreg:$0x0];
	s2 =	stileid.u32  }
0x34: {  	s1 =	rddreg [dreg:$0x1];
	p0 =	sne.s32 s2, $0x0  }
0x35: {  	s3 =	rddreg [dreg:$0x2];
	[bflag:$0x3] =	sbarrier.arrive $0xFFFF;
	s2 =	simm.s32 @!p0 $0x1C01  }
0x36: {  	[timem:s3], [sflag:s2] =	dma.local @!p0 [hbm:s0], s1  }
0x37: {  	s0 =	simm.s32 @!p0 $0x1  }
0x38: {  	_ =	swait.ge @!p0 [sflag:s0], s1  }
0x39: {  	s1 =	ssub.s32 @!p0 $0x0, s1;
	[sflag:s0] =	ssyncset.done @!p0 $0x0  }
0x3a: {  	[sflag:s0] =	ssyncadd.s32 @!p0 s1  }
0x3b: {  	[bflag:$0x3] =	sbarrier.arrive $0xFFFF  }
0x3c: {  	_ =	shalt  }

// kernel: kernel.13.cloned.1.call-start
scs
__scs_entry_jumppad:
0x0: {  	(pc) =	sbr.rel $0x88, $3  }
0x1: {  	(tag) =	ssettag $0x0;
	lr =	simm.s32 $0x1  }
0x2: {  	[smem:$0x3F94] =	sst lr;
	_ =	strace $0xD0000000  }
0x3: {  	_ = 	snop  }
0x4: {  	_ = 	snop  }
0x5: {  	_ = 	snop  }
0x6: {  	_ = 	snop  }
0x7: {  	_ = 	snop  }
__scs_overlays_trampoline_lowered:
0x8: {  	[smem:$0x3FA3] =	sst s0  }
0x9: {  	[smem:$0x3FA4] =	sst s1  }
0xa: {  	[smem:$0x3FA5] =	sst s2  }
0xb: {  	[smem:$0x3FA6] =	sst s3  }
0xc: {  	[smem:$0x3FA7] =	sst s4  }
0xd: {  	[smem:$0x3FA8] =	sst s5  }
0xe: {  	[smem:$0x3FA9] =	sst s6  }
0xf: {  	[smem:$0x3FAA] =	sst s7  }
0x10: {  	[smem:$0x3FAB] =	sst s8  }
0x11: {  	[smem:$0x3FAC] =	sst s9;
	s0 =	simm.s32 @!p0 $0x0  }
0x12: {  	s1 =	sld [smem:$0x3F92];
	s0 =	simm.s32 @p0 $0x1  }
0x13: {  	[smem:$0x3FAD] =	sst s0;
	s0 =	simm.s32 @!p1 $0x0  }
0x14: {  	s2 =	sld [smem:$0x3F91];
	s0 =	simm.s32 @p1 $0x1  }
0x15: {  	[smem:$0x3FAE] =	sst s0;
	s0 =	simm.s32 @!p2 $0x0  }
0x16: {  	s3 =	sld [smem:$0x3FDB];
	s0 =	simm.s32 @p2 $0x1  }
0x17: {  	s4 =	simm.s32 $0x1BF5;
	[smem:$0x3FB0] =	sst s0  }
0x18: {  	s0 =	sld [smem:$0x3F93];
	_ =	swait.ge [sflag:s4], $0x0  }
0x19: {  	s7 =	sld [smem:$0x3F94]  }
0x1a: {  	s8 =	sadd.s32 $0xFFFFE003, lr  }
0x1b: {  	s9 =	sadd.s32 $0xFFFFFEF7, lr;
	s5 =	simm.s32 $0xFFFFFFFF;
	p2 =	slt.u32 s8, $0xFFFFF086  }
0x1c: {  	p1 =	slt.u32 s9, $0xF7A;
	s5 =	simm.s32 @!p2 $0x0  }
0x1d: {  	s5 =	simm.s32 @p1 $0x1;
	p0 =	seq.s32 s7, s2  }
0x1e: {  	s7 =	smul.u32 @!p0 $0xF7A, s2;
	p2 =	seq.s32 @!p0 s5, $0x0  }
0x1f: {  	s9 =	smul.u32 $0xF7A, s1;
	s8 =	simm.s32 @!p0 $0x1BF5;
	p2 =	por !p2, p0  }
0x20: {  	[sflag:s8] =	ssyncset.s32 @!p0 $0xFFFFF086;
	s6 =	sadd.s32 @!p0 s3, s7;
	s7 =	simm.s32 @!p0 $0x108  }
0x21: {  	s3 =	sadd.s32 s3, s9;
	s6 =	sadd.s32 @!p0 $0x88, s6;
	s7 =	simm.s32 @p2 $0x1082  }
0x22: {  	[simem:s7], [sflag:s8] =	dma.local @!p0 [hbm:s6], $0xF7A  }
0x23: {  	s9 =	sor.u32 $0xD0000000, s2;
	s6 =	simm.s32 $0x108;
	_ =	swait.ge @!p0 [sflag:s8], $0x0  }
0x24: {  	s3 =	sadd.s32 $0x88, s3;
	s6 =	simm.s32 @!p1 $0x1082;
	[sflag:s4] =	ssyncset.s32 $0xFFFFF086  }
0x25: {  	[simem:s6], [sflag:s4] =	dma.local [hbm:s3], $0xF7A  }
0x26: {  	[smem:$0x3F94] =	sst s1;
	(tag) =	ssettag s2;
	_ =	strace s9  }
0x27: {  	s1 =	sld [smem:$0x3FA4]  }
0x28: {  	s2 =	sld [smem:$0x3FA5]  }
0x29: {  	s4 =	sld [smem:$0x3FA7]  }
0x2a: {  	p0 =	seq.s32 s5, $0x0;
	s5 =	sld [smem:$0x3FA8]  }
0x2b: {  	s6 =	sld [smem:$0x3FA9]  }
0x2c: {  	s7 =	sld [smem:$0x3FAA]  }
0x2d: {  	s3 =	simm.s32 $0x108;
	s8 =	sld [smem:$0x3FAB]  }
0x2e: {  	s3 =	simm.s32 @!p0 $0x1082;
	s9 =	sld [smem:$0x3FAC]  }
0x2f: {  	lr =	sadd.s32 s0, s3;
	s0 =	sld [smem:$0x3FA3]  }
0x30: {  	s3 =	sld [smem:$0x3FA6]  }
0x31: {  	[smem:$0x3FAF] =	sst s10  }
0x32: {  	s10 =	sld [smem:$0x3FAD];
	_ =	sdelay $0x3  }
0x33: {  	p0 =	seq.s32 s10, $0x1;
	s10 =	sld [smem:$0x3FAF];
	_ =	sdelay $0x3  }
0x34: {  	[smem:$0x3FAF] =	sst s10  }
0x35: {  	s10 =	sld [smem:$0x3FAE];
	_ =	sdelay $0x3  }
0x36: {  	p1 =	seq.s32 s10, $0x1;
	s10 =	sld [smem:$0x3FAF];
	_ =	sdelay $0x3  }
0x37: {  	[smem:$0x3FAF] =	sst s10  }
0x38: {  	s10 =	sld [smem:$0x3FB0]  }
0x39: {  	_ = 	snop;
	(pc) =	sbr.ind lr, $3  }
0x3a: {  	_ = 	snop  }
0x3b: {  	_ = 	snop  }
0x3c: {  	p2 =	seq.s32 s10, $0x1;
	s10 =	sld [smem:$0x3FAF]  }
0x3d: {  	_ =	shalt  }
0x3e: {  	_ =	shalt  }
0x3f: {  	_ =	shalt  }
0x40: {  	_ =	shalt  }
0x41: {  	_ =	shalt  }
0x42: {  	_ =	shalt  }
0x43: {  	_ =	shalt  }
0x44: {  	_ =	shalt  }
0x45: {  	_ =	shalt  }
0x46: {  	_ =	shalt  }
0x47: {  	_ =	shalt  }
0x48: {  	_ =	shalt  }
0x49: {  	_ =	shalt  }
0x4a: {  	_ =	shalt  }
0x4b: {  	_ =	shalt  }
0x4c: {  	_ =	shalt  }
0x4d: {  	_ =	shalt  }
0x4e: {  	_ =	shalt  }
0x4f: {  	_ =	shalt  }
0x50: {  	_ =	shalt  }
0x51: {  	_ =	shalt  }
0x52: {  	_ =	shalt  }
0x53: {  	_ =	shalt  }
0x54: {  	_ =	shalt  }
0x55: {  	_ =	shalt  }
0x56: {  	_ =	shalt  }
0x57: {  	_ =	shalt  }
0x58: {  	_ =	shalt  }
0x59: {  	_ =	shalt  }
0x5a: {  	_ =	shalt  }
0x5b: {  	_ =	shalt  }
0x5c: {  	_ =	shalt  }
0x5d: {  	_ =	shalt  }
0x5e: {  	_ =	shalt  }
0x5f: {  	_ =	shalt  }
0x60: {  	_ =	shalt  }
0x61: {  	_ =	shalt  }
0x62: {  	_ =	shalt  }
0x63: {  	_ =	shalt  }
0x64: {  	_ =	shalt  }
0x65: {  	_ =	shalt  }
0x66: {  	_ =	shalt  }
0x67: {  	_ =	shalt  }
0x68: {  	_ =	shalt  }
0x69: {  	_ =	shalt  }
0x6a: {  	_ =	shalt  }
0x6b: {  	_ =	shalt  }
0x6c: {  	_ =	shalt  }
0x6d: {  	_ =	shalt  }
0x6e: {  	_ =	shalt  }
0x6f: {  	_ =	shalt  }
0x70: {  	_ =	shalt  }
0x71: {  	_ =	shalt  }
0x72: {  	_ =	shalt  }
0x73: {  	_ =	shalt  }
0x74: {  	_ =	shalt  }
0x75: {  	_ =	shalt  }
0x76: {  	_ =	shalt  }
0x77: {  	_ =	shalt  }
0x78: {  	_ =	shalt  }
0x79: {  	_ =	shalt  }
0x7a: {  	_ =	shalt  }
0x7b: {  	_ =	shalt  }
0x7c: {  	_ =	shalt  }
0x7d: {  	_ =	shalt  }
0x7e: {  	_ =	shalt  }
0x7f: {  	_ =	shalt  }
0x80: {  	_ =	shalt  }
0x81: {  	_ =	shalt  }
0x82: {  	_ =	shalt  }
0x83: {  	_ =	shalt  }
0x84: {  	_ =	shalt  }
0x85: {  	_ =	shalt  }
0x86: {  	_ =	shalt  }
0x87: {  	_ =	shalt  }
.Lfunc_end0:
.L_simem_size_0:
called_computation.1_lowered:
.L_overlay_start_0:
0x88: {  	s2 =	sld [smem:$0x3FD9]  }
0x89: {  	s3 =	sld [smem:$0x3FFE];
	_ =	sdelay $0x1  }
0x8a: {  	s1 =	srdreg.scid  }
0x8b: {  	s0 =	sand.u32 $0x1, s1  }
0x8c: {  	s17 =	sshll.u32 s0, $0xA;
	s2 =	sadd.s32 s3, s2  }
0x8d: {  	s2 =	sadd.s32 s2, s17  }
0x8e: {  	[smem:$0x3FBB] =	sst s2  }
0x8f: {  	_ = 	snop  }
0x90: {  	(tm) =	ssettm $0x1  }
0x91: {  	s18 =	sld [smem:$0x3FFB];
	_ =	sdelay $0x3  }
0x92: {  	_ =	strace s18  }
0x93: {  	s2 =	sld [smem:$0x3FFC];
	_ =	sdelay $0x3  }
0x94: {  	_ =	strace s2  }
0x95: {  	s2 =	sld [smem:$0x3FFD];
	_ =	sdelay $0x3  }
0x96: {  	_ =	strace s2  }
0x97: {  	_ =	strace $0x8FFFFFFF  }
0x98: {  	s19 =	sld [smem:$0x3FDB];
	_ =	sdelay $0x1  }
0x99: {  	s20 =	simm.s32 $_scs_section_size  }
0x9a: {  	s4 =	simm.s32 $_size__tile_overlayer_lowered;
	s5 =	simm.s32 $_tile_overlayer_lowered  }
0x9b: {  	s6 =	simm.s32 $0x1BFF;
	s21 =	sshll.u32 s5, $0x1;
	s3 =	sadd.s32 s20, s19  }
0x9c: {  	s22 =	simm.s32 $0x0;
	s4 =	sshll.u32 s4, $0x1;
	s5 =	sadd.s32 s21, s3  }
0x9d: {  	[timem:s22], [sflag:s6] =	dma.local [hbm:s5], s4  }
0x9e: {  	_ =	swait.ge [sflag:s6], s4  }
0x9f: {  	s4 =	ssub.s32 $0x0, s4;
	[sflag:s6] =	ssyncset.done $0x0  }
0xa0: {  	[sflag:s6] =	ssyncadd.s32 s4;
	_ =	sdelay $0x1  }
0xa1: {  	s23 =	simm.s32 $0x1B8B  }
0xa2: {  	_ =	swait.ge [sflag:s23], $0x1  }
0xa3: {  	[sflag:s23] =	ssyncset.done $0x0  }
0xa4: {  	[sflag:s23] =	ssyncadd.s32 $0xFFFFFFFF  }
0xa5: {  	s4 =	sld [smem:$0x0]  }
0xa6: {  	s5 =	sand.u32 $0xFFFFFFFE, s1  }
0xa7: {  	p0 =	sne.s32 s1, s5  }
0xa8: {  	s5 =	sshll.u32 @p0 s5, $0xE  }
0xa9: {  	s5 =	sadd.s32 @p0 $0x11B8D, s5;
	s6 =	sshll.u32 @p0 s4, $0x11  }
0xaa: {  	s5 =	sor.u32 @p0 s6, s5  }
0xab: {  	[sflag:s5] =	ssyncadd.remote.s32 @p0 $0x1;
	_ =	sdelay $0x1  }
0xac: {  	s5 =	simm.s32 @p0 $0x1B8D  }
0xad: {  	_ =	swait.eq @p0 [sflag:s5], $0x1  }
0xae: {  	[sflag:s5] =	ssyncadd.s32 @p0 $0xFFFFFFFF  }
0xaf: {  	s6 =	sshll.u32 @!p0 s1, $0xE  }
0xb0: {  	s6 =	sor.u32 @!p0 $0x4000, s6;
	s5 =	simm.s32 @!p0 $0x1B8D  }
0xb1: {  	s4 =	sshll.u32 @!p0 s4, $0x11;
	s6 =	sadd.s32 @!p0 $0x11B8D, s6;
	_ =	swait.eq @!p0 [sflag:s5], $0x1  }
0xb2: {  	s4 =	sor.u32 @!p0 s4, s6;
	[sflag:s5] =	ssyncadd.s32 @!p0 $0xFFFFFFFF  }
0xb3: {  	s25 =	simm.s32 $0x1B8E;
	s24 =	sld [smem:$0x3FFE];
	[sflag:s4] =	ssyncadd.remote.s32 @!p0 $0x1  }
0xb4: {  	s26 =	simm.s32 $execute0_lowered;
	[smem:$0x3FD2] =	sst s25  }
0xb5: {  	s5 =	sshll.u32 s26, $0x1;
	_ =	strace $0x80000049;
	[dreg:$0x1] =	wrdreg $0xFFFFFFFF  }
0xb6: {  	s28 =	simm.s32 $_size_execute0_lowered;
	s3 =	sadd.s32 s3, s5;
	[dreg:$0x0] =	wrdreg $0x0  }
0xb7: {  	s5 =	sshll.u32 s28, $0x1;
	[dreg:$0x2] =	wrdreg s3  }
0xb8: {  	[dreg:$0x3] =	wrdreg s5  }
0xb9: {  	[dreg:$0x4] =	wrdreg $0xC0  }
0xba: {  	_ =	task [dreg:s22], $0x5FFFF  }
0xbb: {  	[dreg:$0x1] =	wrdreg $0xFFFFFFFF  }
0xbc: {  	[dreg:$0x0] =	wrdreg $0x60  }
0xbd: {  	[dreg:$0x2] =	wrdreg s24  }
0xbe: {  	[dreg:$0x3] =	wrdreg $0x90000  }
0xbf: {  	[dreg:$0x4] =	wrdreg $0xA  }
0xc0: {  	_ =	task.clear_ibuf [dreg:s22], $0x5FFFF;
	_ =	strace $0x90000049  }
0xc1: {  	s29 =	simm.s32 $0xA;
	_ =	strace $0x8000004B  }
0xc2: {  	_ =	swait.ge [sflag:s29], $0x1  }
0xc3: {  	[sflag:s29] =	ssyncadd.s32 $0xFFFFFFFF  }
0xc4: {  	_ =	strace $0x9000004B  }
0xc5: {  	_ =	sfence  }
0xc6: {  	s30 =	sld [smem:$0x0];
	_ =	sdelay $0x2  }
0xc7: {  	s31 =	sshll.u32 s1, $0xD;
	s1 =	sshrl.u32 s1, $0x2  }
0xc8: {  	s4 =	sand.u32 $0x4000, s31;
	s1 =	sadd.s32 s1, s30  }
0xc9: {  	s0 =	sor.u32 s4, s0;
	s1 =	sshll.u32 s1, $0x11  }
0xca: {  	s0 =	sor.u32 s1, s0  }
0xcb: {  	s0 =	sadd.s32 $0x8F2B, s0  }
0xcc: {  	[sflag:s0] =	ssyncadd.remote.s32 $0x1  }
0xcd: {  	_ =	sfence.sel $0xFFFF  }
0xce: {  	[dreg:$0x0] =	wrdreg $0xFFFFFFFF;
	(pc) =	sbr.abs _section_cstart, $3  }
0xcf: {  	[dreg:$0x1] =	wrdreg $0xFFFFFFFF  }
0xd0: {  	_ =	task.clear_ibuf [dreg:s22], $0x2FFFF;
	_ =	strace $0x9FFFFFFF  }
0xd1: {  	(tm) =	ssettm $0x7FFFFFFF  }
tec
execute0_lowered:
.L_overlay_start_1:
0x0: {  	(tag) =	ssettag $0x1  }
0x1: {  	s8 =	rddreg [dreg:$0x0]  }
0x2: {  	s2 =	rddreg [dreg:$0x1];
	s3 =	simm.s32 $0x0  }
0x3: {  	s1 =	stileid.u32;
	s4 =	srdreg.scid;
	s15 =	simm.s32 $0x800  }
0x4: {  	s16 =	simm.s32 $0x3000;
	s17 =	simm.s32 $0x40;
	s18 =	simm.s32 $0x1000  }
0x5: {  	s19 =	simm.s32 $0x7000;
	s20 =	simm.s32 $0x5000;
	s21 =	simm.s32 $0x1  }
0x6: {  	s22 =	simm.s32 $0x2;
	s25 =	simm.s32 $0x0;
	[smem:$0x7FF] =	sst s3  }
0x7: {  	s9 =	smul.u32 $0x13C00, s1;
	s10 =	sand.u32 $0x1, s4;
	s4 =	sadd.s32 $0x52B800, s8  }
0x8: {  	s5 =	sadd.s32 $0x553000, s8;
	s6 =	sadd.s32 $0x521800, s8;
	s7 =	sadd.s32 $0x4200, s8  }
0x9: {  	s29 =	sshll.u32 s1, $0x1;
	s31 =	sshll.u32 s1, $0x6;
	_ =	strace $0x8000004A  }
0xa: {  	s11 =	smul.u32 $0x13C000, s10;
	s13 =	ssub.s32 $0x2, s10;
	s10 =	sor.u32 s10, s29  }
0xb: {  	s12 =	sshrl.u32 s9, $0x3;
	s14 =	sshrl.u32 s13, $0x1;
	s30 =	sadd.s32 s9, s2  }
0xc: {  	s10 =	smul.u32 $0xA0, s10;
	s11 =	sadd.s32 s9, s11;
	s12 =	sadd.s32 s12, s8  }
0xd: {  	s13 =	ssub.s32 s13, s14;
	s9 =	sor.u32 $0x1C03, s31;
	s11 =	sshrl.u32 s11, $0x3  }
0xe: {  	s14 =	simm.s32 $0x3;
	s11 =	sadd.s32 s11, s8;
	s8 =	sadd.s32 $0x18000, s12  }
0xf: {  	s12 =	smax.u32 s13, $0x1;
	s13 =	sshrl.u32 s30, $0x3;
	s11 =	sadd.s32 $0x3F800, s11  }
.LBB2_1:
0x10: {  	[spmem:s13], [sflag:s9] =	dma.local [hbm:s8], $0x2780  }
0x11: {  	_ =	swait.ge [sflag:s14], $0x2780  }
0x12: {  	[sflag:s14] =	ssyncset.done $0x0  }
0x13: {  	[sflag:s14] =	ssyncadd.s32 $0xFFFFD880  }
0x14: {  	s23 =	simm.s32 $0x0;
	[bflag:$0x0] =	sbarrier.arrive $0xFFFF  }
.LBB2_2:
0x15: {  	s24 =	sshll.u32 s23, $0x5  }
0x16: {  	s24 =	sadd.s32 s10, s24  }
0x17: {  	s26 =	sshll.u32 s24, $0x3  }
0x18: {  	s28 =	sadd.s32 s6, s26  }
0x19: {  	[tilespmem:s25], [sflag:$0x3] =	stream.linear.gather [hbm4b:s28+s25], $0x800, $0x38;
	[tilespmem:$0x1CC00] =	vst v63  }
0x1a: {  	_ =	swait.ge [sflag:s14], $0x800  }
0x1b: {  	[sflag:s14] =	ssyncset.done $0x0  }
0x1c: {  	s26 =	sadd.s32 s7, s26;
	[sflag:s14] =	ssyncadd.s32 $0xFFFFF800  }
0x1d: {  	[tilespmem:s15], [sflag:$0x3] =	stream.linear.gather [hbm4b:s26+s25], $0x800, $0x38;
	[tilespmem:$0x1CC00] =	vst v63  }
0x1e: {  	_ =	swait.ge [sflag:s14], $0x800  }
0x1f: {  	s31 =	sshll.u32 s24, $0xA;
	[sflag:s14] =	ssyncset.done $0x0  }
0x20: {  	s26 =	sadd.s32 s5, s31;
	[sflag:s14] =	ssyncadd.s32 $0xFFFFF800  }
0x21: {  	[tilespmem:s16], [sflag:$0x1] =	stream.linear.gather [hbm4b:s26+s25], $0x2000, $0x38;
	[tilespmem:$0x1CC00] =	vst v63  }
0x22: {  	s26 =	simm.s32 $0x0  }
0x23: {  	[tilespmem:s18], [sflag:$0x1] =	stream.indirect.gather [hbm4b:s4+s17], $0x80, s25, s17, $0xb8;
	[tilespmem:$0x1CC00] =	vst v63  }
.LBB2_3:
0x24: {  	s28 =	sshllo.u32 s26, $0x1  }
0x25: {  	s29 =	sadd.s32 s24, s28  }
0x26: {  	s29 =	sshll.u32 s29, $0xA  }
0x27: {  	s29 =	sand.u32 $0x1FFFFC00, s29  }
0x28: {  	s29 =	sadd.s32 s5, s29  }
0x29: {  	[tilespmem:s19], [sflag:$0x2] =	stream.linear.gather [hbm4b:s29+s25], $0x2000, $0x38;
	[tilespmem:$0x1CC00] =	vst v63  }
0x2a: {  	s28 =	sshll.u32 s28, $0x6  }
0x2b: {  	[tilespmem:s20], [sflag:$0x2] =	stream.indirect.gather [hbm4b:s4+s17], $0x80, s28, s17, $0xb8;
	[tilespmem:$0x1CC00] =	vst v63  }
0x2c: {  	_ =	swait.ge [sflag:s21], $0x2000  }
0x2d: {  	[sflag:s21] =	ssyncset.done $0x0  }
0x2e: {  	[sflag:s21] =	ssyncadd.s32 $0xFFFFE000  }
0x2f: {  	_ =	swait.ge [sflag:s21], $0x2000  }
0x30: {  	[sflag:s21] =	ssyncset.done $0x0  }
0x31: {  	s29 =	simm.s32 $0x0;
	[sflag:s21] =	ssyncadd.s32 $0xFFFFE000  }
0x32: {  	v6 =	vld [tilespmem:s29+$0x3000]  }
0x33: {  	v7 =	vld [tilespmem:s29+$0x3010]  }
0x34: {  	v8 =	vld [tilespmem:s29+$0x3020]  }
0x35: {  	v9 =	vld [tilespmem:s29+$0x3030]  }
0x36: {  	v10 =	vld [tilespmem:s29+$0x3040]  }
0x37: {  	v11 =	vld [tilespmem:s29+$0x3050]  }
0x38: {  	v12 =	vld [tilespmem:s29+$0x3060]  }
0x39: {  	v13 =	vld [tilespmem:s29+$0x3070]  }
0x3a: {  	v14 =	vld [tilespmem:s29+$0x3080]  }
0x3b: {  	v15 =	vld [tilespmem:s29+$0x3090]  }
0x3c: {  	v5 =	vld [tilespmem:s29+$0x30A0]  }
0x3d: {  	v4 =	vld [tilespmem:s29+$0x30B0]  }
0x3e: {  	v3 =	vld [tilespmem:s29+$0x30C0]  }
0x3f: {  	v16 =	vld [tilespmem:s29+$0x1000]  }
0x40: {  	v17 =	vld [tilespmem:s29+$0x1010]  }
0x41: {  	v2 =	vld [tilespmem:s29+$0x30D0]  }
0x42: {  	v18 =	vld [tilespmem:s29+$0x1020]  }
0x43: {  	v19 =	vld [tilespmem:s29+$0x1030]  }
0x44: {  	v1 =	vld [tilespmem:s29+$0x30E0];
	v6 =	vadd.f32 v6, v16  }
0x45: {  	v20 =	vld [tilespmem:s29+$0x1040];
	v7 =	vadd.f32 v7, v17  }
0x46: {  	v60 =	vld [tilespmem:s29+$0x1050];
	v6 =	vmax.f32 v6, $0.0e+00  }
0x47: {  	v0 =	vld [tilespmem:s29+$0x30F0];
	v7 =	vmax.f32 v7, $0.0e+00;
	[tilespmem:s29+$0x1000] =	vst v6;
	v6 =	vadd.f32 v8, v18  }
0x48: {  	v21 =	vld [tilespmem:s29+$0x1060];
	[tilespmem:s29+$0x1010] =	vst v7;
	v7 =	vadd.f32 v9, v19  }
0x49: {  	v61 =	vld [tilespmem:s29+$0x1070];
	v6 =	vmax.f32 v6, $0.0e+00  }
0x4a: {  	v62 =	vld [tilespmem:s29+$0x1080];
	v8 =	vmax.f32 v7, $0.0e+00;
	[tilespmem:s29+$0x1020] =	vst v6;
	v6 =	vadd.f32 v10, v20  }
0x4b: {  	v63 =	vld [tilespmem:s29+$0x1090];
	[tilespmem:s29+$0x1030] =	vst v8;
	v8 =	vadd.f32 v11, v60  }
0x4c: {  	v7 =	vld [tilespmem:s29+$0x10A0];
	v9 =	vmax.f32 v6, $0.0e+00  }
0x4d: {  	v6 =	vld [tilespmem:s29+$0x10B0];
	v10 =	vmax.f32 v8, $0.0e+00;
	[tilespmem:s29+$0x1040] =	vst v9;
	v9 =	vadd.f32 v12, v21  }
0x4e: {  	v8 =	vld [tilespmem:s29+$0x10C0];
	[tilespmem:s29+$0x1050] =	vst v10;
	v10 =	vadd.f32 v13, v61  }
0x4f: {  	v12 =	vadd.f32 v14, v62;
	v11 =	vmax.f32 v9, $0.0e+00;
	v9 =	vld [tilespmem:s29+$0x10D0]  }
0x50: {  	s30 =	sshll.u32 s26, $0x1;
	s31 =	simm.s32 $0x400;
	v13 =	vmax.f32 v10, $0.0e+00;
	v10 =	vld [tilespmem:s29+$0x10E0];
	[tilespmem:s29+$0x1060] =	vst v11;
	v11 =	vadd.f32 v15, v63  }
.LBB2_4:
0x51: {  	s0 =	sshra.s32 s31, $0x2;
	p0 =	sne.s32 s31, $0x7C00;
	[tilespmem:s29+$0x1070] =	vst v13;
	v12 =	vmax.f32 v12, $0.0e+00;
	v5 =	vadd.f32 v5, v7;
	v7 =	vld [tilespmem:s29+$0x10F0]  }
0x52: {  	v13 =	vld [tilespmem:s0+$0x3000];
	[tilespmem:s29+$0x1080] =	vst v12;
	v11 =	vmax.f32 v11, $0.0e+00;
	v4 =	vadd.f32 v4, v6  }
0x53: {  	v6 =	vld [tilespmem:s0+$0x3010];
	[tilespmem:s29+$0x1090] =	vst v11;
	v5 =	vmax.f32 v5, $0.0e+00;
	v3 =	vadd.f32 v3, v8  }
0x54: {  	v8 =	vld [tilespmem:s0+$0x3020];
	[tilespmem:s29+$0x10A0] =	vst v5;
	v4 =	vmax.f32 v4, $0.0e+00;
	v2 =	vadd.f32 v2, v9  }
0x55: {  	v9 =	vld [tilespmem:s0+$0x3030];
	[tilespmem:s29+$0x10B0] =	vst v4;
	v3 =	vmax.f32 v3, $0.0e+00;
	v1 =	vadd.f32 v1, v10  }
0x56: {  	v10 =	vld [tilespmem:s0+$0x3040];
	[tilespmem:s29+$0x10C0] =	vst v3;
	v2 =	vmax.f32 v2, $0.0e+00;
	v0 =	vadd.f32 v0, v7  }
0x57: {  	v7 =	vld [tilespmem:s0+$0x3050];
	[tilespmem:s29+$0x10D0] =	vst v2;
	v1 =	vmax.f32 v1, $0.0e+00  }
0x58: {  	v11 =	vld [tilespmem:s0+$0x3060];
	[tilespmem:s29+$0x10E0] =	vst v1;
	v0 =	vmax.f32 v0, $0.0e+00  }
0x59: {  	v12 =	vld [tilespmem:s0+$0x3070];
	[tilespmem:s29+$0x10F0] =	vst v0;
	s29 =	smov.u32 s0  }
0x5a: {  	v14 =	vld [tilespmem:s29+$0x3080]  }
0x5b: {  	v15 =	vld [tilespmem:s29+$0x3090]  }
0x5c: {  	v5 =	vld [tilespmem:s29+$0x30A0]  }
0x5d: {  	v4 =	vld [tilespmem:s29+$0x30B0]  }
0x5e: {  	v3 =	vld [tilespmem:s29+$0x30C0]  }
0x5f: {  	v2 =	vld [tilespmem:s29+$0x30D0]  }
0x60: {  	v1 =	vld [tilespmem:s29+$0x30E0]  }
0x61: {  	v0 =	vld [tilespmem:s29+$0x30F0]  }
0x62: {  	v16 =	vld [tilespmem:s29+$0x1000]  }
0x63: {  	v17 =	vld [tilespmem:s29+$0x1010]  }
0x64: {  	v18 =	vld [tilespmem:s29+$0x1020]  }
0x65: {  	v19 =	vld [tilespmem:s29+$0x1030]  }
0x66: {  	v20 =	vld [tilespmem:s29+$0x1040]  }
0x67: {  	v13 =	vadd.f32 v13, v16;
	v16 =	vld [tilespmem:s29+$0x1050]  }
0x68: {  	v6 =	vadd.f32 v6, v17;
	v17 =	vld [tilespmem:s29+$0x1060]  }
0x69: {  	v13 =	vmax.f32 v13, $0.0e+00;
	v8 =	vadd.f32 v8, v18;
	v18 =	vld [tilespmem:s29+$0x1070]  }
0x6a: {  	[tilespmem:s29+$0x1000] =	vst v13;
	v6 =	vmax.f32 v6, $0.0e+00;
	v9 =	vadd.f32 v9, v19;
	v13 =	vld [tilespmem:s29+$0x1080]  }
0x6b: {  	[tilespmem:s29+$0x1010] =	vst v6;
	v6 =	vmax.f32 v8, $0.0e+00;
	v8 =	vadd.f32 v10, v20;
	v10 =	vld [tilespmem:s29+$0x1090]  }
.Ltmp0:
0x6c: {  	[tilespmem:s29+$0x1020] =	vst v6;
	v6 =	vmax.f32 v9, $0.0e+00;
	v9 =	vadd.f32 v7, v16;
	v7 =	vld [tilespmem:s29+$0x10A0];
	(pc) =	sbr.rel @p0 .LBB2_4-.Ltmp0, $4  }
0x6d: {  	[tilespmem:s29+$0x1030] =	vst v6;
	v8 =	vmax.f32 v8, $0.0e+00;
	v11 =	vadd.f32 v11, v17;
	v6 =	vld [tilespmem:s29+$0x10B0]  }
0x6e: {  	[tilespmem:s29+$0x1040] =	vst v8;
	v9 =	vmax.f32 v9, $0.0e+00;
	v16 =	vadd.f32 v12, v18;
	v8 =	vld [tilespmem:s29+$0x10C0]  }
0x6f: {  	[tilespmem:s29+$0x1050] =	vst v9;
	v11 =	vmax.f32 v11, $0.0e+00;
	v12 =	vadd.f32 v14, v13;
	v9 =	vld [tilespmem:s29+$0x10D0]  }
0x70: {  	s31 =	sadd.s32 $0x400, s31;
	[tilespmem:s29+$0x1060] =	vst v11;
	v13 =	vmax.f32 v16, $0.0e+00;
	v11 =	vadd.f32 v15, v10;
	v10 =	vld [tilespmem:s29+$0x10E0]  }
0x71: {  	[tilespmem:s29+$0x1070] =	vst v13;
	v12 =	vmax.f32 v12, $0.0e+00;
	v5 =	vadd.f32 v5, v7;
	v7 =	vld [tilespmem:s29+$0x10F0]  }
0x72: {  	[tilespmem:s29+$0x1080] =	vst v12;
	v11 =	vmax.f32 v11, $0.0e+00;
	v4 =	vadd.f32 v4, v6  }
0x73: {  	[tilespmem:s29+$0x1090] =	vst v11;
	v5 =	vmax.f32 v5, $0.0e+00;
	v3 =	vadd.f32 v3, v8  }
0x74: {  	[tilespmem:s29+$0x10A0] =	vst v5;
	v4 =	vmax.f32 v4, $0.0e+00;
	v2 =	vadd.f32 v2, v9  }
0x75: {  	[tilespmem:s29+$0x10B0] =	vst v4;
	v3 =	vmax.f32 v3, $0.0e+00;
	v1 =	vadd.f32 v1, v10  }
0x76: {  	[tilespmem:s29+$0x10C0] =	vst v3;
	v2 =	vmax.f32 v2, $0.0e+00;
	v0 =	vadd.f32 v0, v7  }
0x77: {  	s0 =	sshll.u32 s26, $0x7;
	[tilespmem:s29+$0x10D0] =	vst v2;
	v1 =	vmax.f32 v1, $0.0e+00  }
0x78: {  	s0 =	sand.u32 $0x3FFFFF80, s0;
	[tilespmem:s29+$0x10E0] =	vst v1;
	v0 =	vmax.f32 v0, $0.0e+00  }
0x79: {  	p0 =	seq.s32 s26, $0xF;
	s0 =	sadd.s32 $0x800, s0;
	[tilespmem:s29+$0x10F0] =	vst v0  }
0x7a: {  	[spmem:s2] =	stream.indirect.scatter.add.f32 [tilespmem:s18], [sflag:$0x3], $0x80, s0, s17, $0xb8;
	[tilespmem:$0x1CC00] =	vst v63  }
0x7b: {  	s0 =	sadd.s32 @!p0 $0x2, s30  }
0x7c: {  	s29 =	sadd.s32 @!p0 s24, s0  }
0x7d: {  	s31 =	simm.s32 @!p0 $0x3000;
	_ =	swait.ge [sflag:s14], $0x2000;
	s29 =	sshll.u32 @!p0 s29, $0xA  }
0x7e: {  	s30 =	simm.s32 @!p0 $0x0;
	[sflag:s14] =	ssyncset.done $0x0;
	s29 =	sand.u32 @!p0 $0x1FFFF800, s29  }
0x7f: {  	s0 =	sshll.u32 @!p0 s0, $0x6;
	[sflag:s14] =	ssyncadd.s32 $0xFFFFE000;
	s29 =	sadd.s32 @!p0 s5, s29  }
0x80: {  	[tilespmem:s31], [sflag:$0x1] =	stream.linear.gather @!p0 [hbm4b:s29+s30], $0x2000, $0x38;
	[tilespmem:$0x1CC00] =	vst v63  }
0x81: {  	s0 =	sand.u32 @!p0 $0x3FFFFFC0, s0;
	s29 =	simm.s32 @!p0 $0x40;
	s30 =	simm.s32 @!p0 $0x1000  }
0x82: {  	[tilespmem:s30], [sflag:$0x1] =	stream.indirect.gather @!p0 [hbm4b:s4+s29], $0x80, s0, s29, $0xb8;
	[tilespmem:$0x1CC00] =	vst v63  }
0x83: {  	_ =	swait.ge [sflag:s22], $0x2000  }
0x84: {  	[sflag:s22] =	ssyncset.done $0x0  }
0x85: {  	[sflag:s22] =	ssyncadd.s32 $0xFFFFE000  }
0x86: {  	_ =	swait.ge [sflag:s22], $0x2000  }
0x87: {  	[sflag:s22] =	ssyncset.done $0x0  }
0x88: {  	s29 =	simm.s32 $0x0;
	[sflag:s22] =	ssyncadd.s32 $0xFFFFE000  }
0x89: {  	v6 =	vld [tilespmem:s29+$0x7000]  }
0x8a: {  	v7 =	vld [tilespmem:s29+$0x7010]  }
0x8b: {  	v8 =	vld [tilespmem:s29+$0x7020]  }
0x8c: {  	v9 =	vld [tilespmem:s29+$0x7030]  }
0x8d: {  	v10 =	vld [tilespmem:s29+$0x7040]  }
0x8e: {  	v11 =	vld [tilespmem:s29+$0x7050]  }
0x8f: {  	v12 =	vld [tilespmem:s29+$0x7060]  }
0x90: {  	v13 =	vld [tilespmem:s29+$0x7070]  }
0x91: {  	v14 =	vld [tilespmem:s29+$0x7080]  }
0x92: {  	v15 =	vld [tilespmem:s29+$0x7090]  }
0x93: {  	v5 =	vld [tilespmem:s29+$0x70A0]  }
0x94: {  	v4 =	vld [tilespmem:s29+$0x70B0]  }
0x95: {  	v3 =	vld [tilespmem:s29+$0x70C0]  }
0x96: {  	v16 =	vld [tilespmem:s29+$0x5000]  }
0x97: {  	v17 =	vld [tilespmem:s29+$0x5010]  }
0x98: {  	v2 =	vld [tilespmem:s29+$0x70D0]  }
0x99: {  	v18 =	vld [tilespmem:s29+$0x5020]  }
0x9a: {  	v19 =	vld [tilespmem:s29+$0x5030]  }
0x9b: {  	v1 =	vld [tilespmem:s29+$0x70E0];
	v6 =	vadd.f32 v6, v16  }
0x9c: {  	v20 =	vld [tilespmem:s29+$0x5040];
	v7 =	vadd.f32 v7, v17  }
0x9d: {  	v60 =	vld [tilespmem:s29+$0x5050];
	v6 =	vmax.f32 v6, $0.0e+00  }
0x9e: {  	v0 =	vld [tilespmem:s29+$0x70F0];
	v7 =	vmax.f32 v7, $0.0e+00;
	[tilespmem:s29+$0x5000] =	vst v6;
	v6 =	vadd.f32 v8, v18  }
0x9f: {  	v21 =	vld [tilespmem:s29+$0x5060];
	[tilespmem:s29+$0x5010] =	vst v7;
	v7 =	vadd.f32 v9, v19  }
0xa0: {  	v61 =	vld [tilespmem:s29+$0x5070];
	v6 =	vmax.f32 v6, $0.0e+00  }
0xa1: {  	v62 =	vld [tilespmem:s29+$0x5080];
	v8 =	vmax.f32 v7, $0.0e+00;
	[tilespmem:s29+$0x5020] =	vst v6;
	v6 =	vadd.f32 v10, v20  }
0xa2: {  	v63 =	vld [tilespmem:s29+$0x5090];
	[tilespmem:s29+$0x5030] =	vst v8;
	v8 =	vadd.f32 v11, v60  }
0xa3: {  	v7 =	vld [tilespmem:s29+$0x50A0];
	v9 =	vmax.f32 v6, $0.0e+00  }
0xa4: {  	v6 =	vld [tilespmem:s29+$0x50B0];
	v10 =	vmax.f32 v8, $0.0e+00;
	[tilespmem:s29+$0x5040] =	vst v9;
	v9 =	vadd.f32 v12, v21  }
0xa5: {  	v8 =	vld [tilespmem:s29+$0x50C0];
	[tilespmem:s29+$0x5050] =	vst v10;
	v10 =	vadd.f32 v13, v61  }
0xa6: {  	v12 =	vadd.f32 v14, v62;
	v11 =	vmax.f32 v9, $0.0e+00;
	v9 =	vld [tilespmem:s29+$0x50D0]  }
0xa7: {  	s30 =	simm.s32 $0x400;
	v13 =	vmax.f32 v10, $0.0e+00;
	v10 =	vld [tilespmem:s29+$0x50E0];
	[tilespmem:s29+$0x5060] =	vst v11;
	v11 =	vadd.f32 v15, v63  }
.LBB2_6:
0xa8: {  	s0 =	sshra.s32 s30, $0x2;
	p0 =	sne.s32 s30, $0x7C00;
	[tilespmem:s29+$0x5070] =	vst v13;
	v12 =	vmax.f32 v12, $0.0e+00;
	v5 =	vadd.f32 v5, v7;
	v7 =	vld [tilespmem:s29+$0x50F0]  }
0xa9: {  	v13 =	vld [tilespmem:s0+$0x7000];
	[tilespmem:s29+$0x5080] =	vst v12;
	v11 =	vmax.f32 v11, $0.0e+00;
	v4 =	vadd.f32 v4, v6  }
0xaa: {  	v6 =	vld [tilespmem:s0+$0x7010];
	[tilespmem:s29+$0x5090] =	vst v11;
	v5 =	vmax.f32 v5, $0.0e+00;
	v3 =	vadd.f32 v3, v8  }
0xab: {  	v8 =	vld [tilespmem:s0+$0x7020];
	[tilespmem:s29+$0x50A0] =	vst v5;
	v4 =	vmax.f32 v4, $0.0e+00;
	v2 =	vadd.f32 v2, v9  }
0xac: {  	v9 =	vld [tilespmem:s0+$0x7030];
	[tilespmem:s29+$0x50B0] =	vst v4;
	v3 =	vmax.f32 v3, $0.0e+00;
	v1 =	vadd.f32 v1, v10  }
0xad: {  	v10 =	vld [tilespmem:s0+$0x7040];
	[tilespmem:s29+$0x50C0] =	vst v3;
	v2 =	vmax.f32 v2, $0.0e+00;
	v0 =	vadd.f32 v0, v7  }
0xae: {  	v7 =	vld [tilespmem:s0+$0x7050];
	[tilespmem:s29+$0x50D0] =	vst v2;
	v1 =	vmax.f32 v1, $0.0e+00  }
0xaf: {  	v11 =	vld [tilespmem:s0+$0x7060];
	[tilespmem:s29+$0x50E0] =	vst v1;
	v0 =	vmax.f32 v0, $0.0e+00  }
0xb0: {  	v12 =	vld [tilespmem:s0+$0x7070];
	[tilespmem:s29+$0x50F0] =	vst v0;
	s29 =	smov.u32 s0  }
0xb1: {  	v14 =	vld [tilespmem:s29+$0x7080]  }
0xb2: {  	v15 =	vld [tilespmem:s29+$0x7090]  }
0xb3: {  	v5 =	vld [tilespmem:s29+$0x70A0]  }
0xb4: {  	v4 =	vld [tilespmem:s29+$0x70B0]  }
0xb5: {  	v3 =	vld [tilespmem:s29+$0x70C0]  }
0xb6: {  	v2 =	vld [tilespmem:s29+$0x70D0]  }
0xb7: {  	v1 =	vld [tilespmem:s29+$0x70E0]  }
0xb8: {  	v0 =	vld [tilespmem:s29+$0x70F0]  }
0xb9: {  	v16 =	vld [tilespmem:s29+$0x5000]  }
0xba: {  	v17 =	vld [tilespmem:s29+$0x5010]  }
0xbb: {  	v18 =	vld [tilespmem:s29+$0x5020]  }
0xbc: {  	v19 =	vld [tilespmem:s29+$0x5030]  }
0xbd: {  	v20 =	vld [tilespmem:s29+$0x5040]  }
0xbe: {  	v13 =	vadd.f32 v13, v16;
	v16 =	vld [tilespmem:s29+$0x5050]  }
0xbf: {  	v6 =	vadd.f32 v6, v17;
	v17 =	vld [tilespmem:s29+$0x5060]  }
0xc0: {  	v13 =	vmax.f32 v13, $0.0e+00;
	v8 =	vadd.f32 v8, v18;
	v18 =	vld [tilespmem:s29+$0x5070]  }
0xc1: {  	[tilespmem:s29+$0x5000] =	vst v13;
	v6 =	vmax.f32 v6, $0.0e+00;
	v9 =	vadd.f32 v9, v19;
	v13 =	vld [tilespmem:s29+$0x5080]  }
0xc2: {  	[tilespmem:s29+$0x5010] =	vst v6;
	v6 =	vmax.f32 v8, $0.0e+00;
	v8 =	vadd.f32 v10, v20;
	v10 =	vld [tilespmem:s29+$0x5090]  }
.Ltmp1:
0xc3: {  	[tilespmem:s29+$0x5020] =	vst v6;
	v6 =	vmax.f32 v9, $0.0e+00;
	v9 =	vadd.f32 v7, v16;
	v7 =	vld [tilespmem:s29+$0x50A0];
	(pc) =	sbr.rel @p0 .LBB2_6-.Ltmp1, $4  }
0xc4: {  	[tilespmem:s29+$0x5030] =	vst v6;
	v8 =	vmax.f32 v8, $0.0e+00;
	v11 =	vadd.f32 v11, v17;
	v6 =	vld [tilespmem:s29+$0x50B0]  }
0xc5: {  	[tilespmem:s29+$0x5040] =	vst v8;
	v9 =	vmax.f32 v9, $0.0e+00;
	v16 =	vadd.f32 v12, v18;
	v8 =	vld [tilespmem:s29+$0x50C0]  }
0xc6: {  	[tilespmem:s29+$0x5050] =	vst v9;
	v11 =	vmax.f32 v11, $0.0e+00;
	v12 =	vadd.f32 v14, v13;
	v9 =	vld [tilespmem:s29+$0x50D0]  }
0xc7: {  	s30 =	sadd.s32 $0x400, s30;
	[tilespmem:s29+$0x5060] =	vst v11;
	v13 =	vmax.f32 v16, $0.0e+00;
	v11 =	vadd.f32 v15, v10;
	v10 =	vld [tilespmem:s29+$0x50E0]  }
0xc8: {  	[tilespmem:s29+$0x5070] =	vst v13;
	v12 =	vmax.f32 v12, $0.0e+00;
	v5 =	vadd.f32 v5, v7;
	v63 =	vld [tilespmem:s29+$0x50F0]  }
0xc9: {  	[tilespmem:s29+$0x5080] =	vst v12;
	v11 =	vmax.f32 v11, $0.0e+00;
	v4 =	vadd.f32 v4, v6  }
0xca: {  	[tilespmem:s29+$0x5090] =	vst v11;
	v5 =	vmax.f32 v5, $0.0e+00;
	v3 =	vadd.f32 v3, v8  }
0xcb: {  	[tilespmem:s29+$0x50A0] =	vst v5;
	v4 =	vmax.f32 v4, $0.0e+00;
	v2 =	vadd.f32 v2, v9  }
0xcc: {  	[tilespmem:s29+$0x50B0] =	vst v4;
	v3 =	vmax.f32 v3, $0.0e+00;
	v1 =	vadd.f32 v1, v10  }
0xcd: {  	[tilespmem:s29+$0x50C0] =	vst v3;
	v2 =	vmax.f32 v2, $0.0e+00;
	v0 =	vadd.f32 v0, v63  }
0xce: {  	s26 =	sadd.s32 $0x1, s26;
	[tilespmem:s29+$0x50D0] =	vst v2;
	v1 =	vmax.f32 v1, $0.0e+00  }
0xcf: {  	p0 =	sne.s32 s26, $0x10;
	[tilespmem:s29+$0x50E0] =	vst v1;
	v0 =	vmax.f32 v0, $0.0e+00  }
.Ltmp2:
0xd0: {  	s0 =	sadd.s32 $0x800, s28;
	[tilespmem:s29+$0x50F0] =	vst v0;
	(pc) =	sbr.rel @p0 .LBB2_3-.Ltmp2, $4  }
0xd1: {  	[spmem:s2] =	stream.indirect.scatter.add.f32 [tilespmem:s20], [sflag:$0x3], $0x80, s0, s17, $0xb8;
	[tilespmem:$0x1CC00] =	vst v63  }
0xd2: {  	_ =	swait.ge [sflag:s14], $0x2000  }
0xd3: {  	[sflag:s14] =	ssyncset.done $0x0  }
0xd4: {  	[sflag:s14] =	ssyncadd.s32 $0xFFFFE000  }
0xd5: {  	s23 =	sadd.s32 $0x1, s23  }
0xd6: {  	p0 =	sne.s32 s23, $0x5  }
.Ltmp3:
0xd7: {  	_ = 	snop;
	(pc) =	sbr.rel @p0 .LBB2_2-.Ltmp3, $1  }
0xd8: {  	_ =	sdelay $0x3  }
0xd9: {  	s3 =	sadd.s32 $0x1, s3  }
0xda: {  	p0 =	sne.s32 s3, s12  }
.Ltmp4:
0xdb: {  	[bflag:$0x0] =	sbarrier.arrive $0xFFFF;
	(pc) =	sbr.rel @p0 .LBB2_1-.Ltmp4, $4  }
0xdc: {  	[hbm:s11], [sflag:s9] =	dma.local [spmem:s13], $0x2780  }
0xdd: {  	_ =	swait.ge [sflag:s14], $0x2780  }
0xde: {  	[sflag:s14] =	ssyncset.done $0x0  }
0xdf: {  	[sflag:s14] =	ssyncadd.s32 $0xFFFFD880  }
0xe0: {  	_ =	sfence.sel $0x180000  }
0xe1: {  	[bflag:$0x0] =	sbarrier.arrive $0xFFFF  }
0xe2: {  	_ =	strace $0x9000004A  }
0xe3: {  	[bflag:$0x2] =	sbarrier.arrive $0xFFFF  }
0xe4: {  	p0 =	sne.s32 s1, $0x0;
	s0 =	rddreg [dreg:$0x2]  }
0xe5: {  	s0 =	sadd.s32 @!p0 $0x100000, s0  }
0xe6: {  	[sflag:s0] =	ssyncadd.tile.s32 @!p0 $0x1;
	_ =	shalt  }
.Lfunc_end2:
_tile_overlayer_lowered:
.L_overlay_start_2:
0xe7: {  	(tag) =	ssettag $0x2  }
0xe8: {  	s0 =	rddreg [dreg:$0x0];
	s2 =	stileid.u32  }
0xe9: {  	s1 =	rddreg [dreg:$0x1];
	p0 =	sne.s32 s2, $0x0  }
0xea: {  	s3 =	rddreg [dreg:$0x2];
	[bflag:$0x3] =	sbarrier.arrive $0xFFFF;
	s2 =	simm.s32 @!p0 $0x1C03  }
0xeb: {  	[timem:s3], [sflag:s2] =	dma.local @!p0 [hbm:s0], s1  }
0xec: {  	s0 =	simm.s32 @!p0 $0x3  }
0xed: {  	_ =	swait.ge @!p0 [sflag:s0], s1  }
0xee: {  	s1 =	ssub.s32 @!p0 $0x0, s1;
	[sflag:s0] =	ssyncset.done @!p0 $0x0  }
0xef: {  	[sflag:s0] =	ssyncadd.s32 @!p0 s1  }
0xf0: {  	[bflag:$0x3] =	sbarrier.arrive $0xFFFF  }
0xf1: {  	_ =	shalt  }

// kernel: kernel.16.cloned.1.call-start
scs
__scs_entry_jumppad:
0x0: {  	(pc) =	sbr.rel $0x88, $3  }
0x1: {  	(tag) =	ssettag $0x0;
	lr =	simm.s32 $0x1  }
0x2: {  	[smem:$0x3F94] =	sst lr;
	_ =	strace $0xD0000000  }
0x3: {  	_ = 	snop  }
0x4: {  	_ = 	snop  }
0x5: {  	_ = 	snop  }
0x6: {  	_ = 	snop  }
0x7: {  	_ = 	snop  }
__scs_overlays_trampoline_lowered:
0x8: {  	[smem:$0x3FA3] =	sst s0  }
0x9: {  	[smem:$0x3FA4] =	sst s1  }
0xa: {  	[smem:$0x3FA5] =	sst s2  }
0xb: {  	[smem:$0x3FA6] =	sst s3  }
0xc: {  	[smem:$0x3FA7] =	sst s4  }
0xd: {  	[smem:$0x3FA8] =	sst s5  }
0xe: {  	[smem:$0x3FA9] =	sst s6  }
0xf: {  	[smem:$0x3FAA] =	sst s7  }
0x10: {  	[smem:$0x3FAB] =	sst s8  }
0x11: {  	[smem:$0x3FAC] =	sst s9;
	s0 =	simm.s32 @!p0 $0x0  }
0x12: {  	s1 =	sld [smem:$0x3F92];
	s0 =	simm.s32 @p0 $0x1  }
0x13: {  	[smem:$0x3FAD] =	sst s0;
	s0 =	simm.s32 @!p1 $0x0  }
0x14: {  	s2 =	sld [smem:$0x3F91];
	s0 =	simm.s32 @p1 $0x1  }
0x15: {  	[smem:$0x3FAE] =	sst s0;
	s0 =	simm.s32 @!p2 $0x0  }
0x16: {  	s3 =	sld [smem:$0x3FDB];
	s0 =	simm.s32 @p2 $0x1  }
0x17: {  	s4 =	simm.s32 $0x1BF5;
	[smem:$0x3FB0] =	sst s0  }
0x18: {  	s0 =	sld [smem:$0x3F93];
	_ =	swait.ge [sflag:s4], $0x0  }
0x19: {  	s7 =	sld [smem:$0x3F94]  }
0x1a: {  	s8 =	sadd.s32 $0xFFFFE003, lr  }
0x1b: {  	s9 =	sadd.s32 $0xFFFFFEF7, lr;
	s5 =	simm.s32 $0xFFFFFFFF;
	p2 =	slt.u32 s8, $0xFFFFF086  }
0x1c: {  	p1 =	slt.u32 s9, $0xF7A;
	s5 =	simm.s32 @!p2 $0x0  }
0x1d: {  	s5 =	simm.s32 @p1 $0x1;
	p0 =	seq.s32 s7, s2  }
0x1e: {  	s7 =	smul.u32 @!p0 $0xF7A, s2;
	p2 =	seq.s32 @!p0 s5, $0x0  }
0x1f: {  	s9 =	smul.u32 $0xF7A, s1;
	s8 =	simm.s32 @!p0 $0x1BF5;
	p2 =	por !p2, p0  }
0x20: {  	[sflag:s8] =	ssyncset.s32 @!p0 $0xFFFFF086;
	s6 =	sadd.s32 @!p0 s3, s7;
	s7 =	simm.s32 @!p0 $0x108  }
0x21: {  	s3 =	sadd.s32 s3, s9;
	s6 =	sadd.s32 @!p0 $0x88, s6;
	s7 =	simm.s32 @p2 $0x1082  }
0x22: {  	[simem:s7], [sflag:s8] =	dma.local @!p0 [hbm:s6], $0xF7A  }
0x23: {  	s9 =	sor.u32 $0xD0000000, s2;
	s6 =	simm.s32 $0x108;
	_ =	swait.ge @!p0 [sflag:s8], $0x0  }
0x24: {  	s3 =	sadd.s32 $0x88, s3;
	s6 =	simm.s32 @!p1 $0x1082;
	[sflag:s4] =	ssyncset.s32 $0xFFFFF086  }
0x25: {  	[simem:s6], [sflag:s4] =	dma.local [hbm:s3], $0xF7A  }
0x26: {  	[smem:$0x3F94] =	sst s1;
	(tag) =	ssettag s2;
	_ =	strace s9  }
0x27: {  	s1 =	sld [smem:$0x3FA4]  }
0x28: {  	s2 =	sld [smem:$0x3FA5]  }
0x29: {  	s4 =	sld [smem:$0x3FA7]  }
0x2a: {  	p0 =	seq.s32 s5, $0x0;
	s5 =	sld [smem:$0x3FA8]  }
0x2b: {  	s6 =	sld [smem:$0x3FA9]  }
0x2c: {  	s7 =	sld [smem:$0x3FAA]  }
0x2d: {  	s3 =	simm.s32 $0x108;
	s8 =	sld [smem:$0x3FAB]  }
0x2e: {  	s3 =	simm.s32 @!p0 $0x1082;
	s9 =	sld [smem:$0x3FAC]  }
0x2f: {  	lr =	sadd.s32 s0, s3;
	s0 =	sld [smem:$0x3FA3]  }
0x30: {  	s3 =	sld [smem:$0x3FA6]  }
0x31: {  	[smem:$0x3FAF] =	sst s10  }
0x32: {  	s10 =	sld [smem:$0x3FAD];
	_ =	sdelay $0x3  }
0x33: {  	p0 =	seq.s32 s10, $0x1;
	s10 =	sld [smem:$0x3FAF];
	_ =	sdelay $0x3  }
0x34: {  	[smem:$0x3FAF] =	sst s10  }
0x35: {  	s10 =	sld [smem:$0x3FAE];
	_ =	sdelay $0x3  }
0x36: {  	p1 =	seq.s32 s10, $0x1;
	s10 =	sld [smem:$0x3FAF];
	_ =	sdelay $0x3  }
0x37: {  	[smem:$0x3FAF] =	sst s10  }
0x38: {  	s10 =	sld [smem:$0x3FB0]  }
0x39: {  	_ = 	snop;
	(pc) =	sbr.ind lr, $3  }
0x3a: {  	_ = 	snop  }
0x3b: {  	_ = 	snop  }
0x3c: {  	p2 =	seq.s32 s10, $0x1;
	s10 =	sld [smem:$0x3FAF]  }
0x3d: {  	_ =	shalt  }
0x3e: {  	_ =	shalt  }
0x3f: {  	_ =	shalt  }
0x40: {  	_ =	shalt  }
0x41: {  	_ =	shalt  }
0x42: {  	_ =	shalt  }
0x43: {  	_ =	shalt  }
0x44: {  	_ =	shalt  }
0x45: {  	_ =	shalt  }
0x46: {  	_ =	shalt  }
0x47: {  	_ =	shalt  }
0x48: {  	_ =	shalt  }
0x49: {  	_ =	shalt  }
0x4a: {  	_ =	shalt  }
0x4b: {  	_ =	shalt  }
0x4c: {  	_ =	shalt  }
0x4d: {  	_ =	shalt  }
0x4e: {  	_ =	shalt  }
0x4f: {  	_ =	shalt  }
0x50: {  	_ =	shalt  }
0x51: {  	_ =	shalt  }
0x52: {  	_ =	shalt  }
0x53: {  	_ =	shalt  }
0x54: {  	_ =	shalt  }
0x55: {  	_ =	shalt  }
0x56: {  	_ =	shalt  }
0x57: {  	_ =	shalt  }
0x58: {  	_ =	shalt  }
0x59: {  	_ =	shalt  }
0x5a: {  	_ =	shalt  }
0x5b: {  	_ =	shalt  }
0x5c: {  	_ =	shalt  }
0x5d: {  	_ =	shalt  }
0x5e: {  	_ =	shalt  }
0x5f: {  	_ =	shalt  }
0x60: {  	_ =	shalt  }
0x61: {  	_ =	shalt  }
0x62: {  	_ =	shalt  }
0x63: {  	_ =	shalt  }
0x64: {  	_ =	shalt  }
0x65: {  	_ =	shalt  }
0x66: {  	_ =	shalt  }
0x67: {  	_ =	shalt  }
0x68: {  	_ =	shalt  }
0x69: {  	_ =	shalt  }
0x6a: {  	_ =	shalt  }
0x6b: {  	_ =	shalt  }
0x6c: {  	_ =	shalt  }
0x6d: {  	_ =	shalt  }
0x6e: {  	_ =	shalt  }
0x6f: {  	_ =	shalt  }
0x70: {  	_ =	shalt  }
0x71: {  	_ =	shalt  }
0x72: {  	_ =	shalt  }
0x73: {  	_ =	shalt  }
0x74: {  	_ =	shalt  }
0x75: {  	_ =	shalt  }
0x76: {  	_ =	shalt  }
0x77: {  	_ =	shalt  }
0x78: {  	_ =	shalt  }
0x79: {  	_ =	shalt  }
0x7a: {  	_ =	shalt  }
0x7b: {  	_ =	shalt  }
0x7c: {  	_ =	shalt  }
0x7d: {  	_ =	shalt  }
0x7e: {  	_ =	shalt  }
0x7f: {  	_ =	shalt  }
0x80: {  	_ =	shalt  }
0x81: {  	_ =	shalt  }
0x82: {  	_ =	shalt  }
0x83: {  	_ =	shalt  }
0x84: {  	_ =	shalt  }
0x85: {  	_ =	shalt  }
0x86: {  	_ =	shalt  }
0x87: {  	_ =	shalt  }
.Lfunc_end0:
.L_simem_size_0:
called_computation.2_lowered:
.L_overlay_start_0:
0x88: {  	s2 =	sld [smem:$0x3FD9]  }
0x89: {  	s3 =	sld [smem:$0x3FFE];
	_ =	sdelay $0x1  }
0x8a: {  	s1 =	srdreg.scid  }
0x8b: {  	s0 =	sand.u32 $0x1, s1  }
0x8c: {  	s17 =	sshll.u32 s0, $0xA;
	s2 =	sadd.s32 s3, s2  }
0x8d: {  	s2 =	sadd.s32 s2, s17  }
0x8e: {  	[smem:$0x3FBB] =	sst s2  }
0x8f: {  	_ = 	snop  }
0x90: {  	s2 =	sld [smem:$0x3FD0];
	(tm) =	ssettm $0x1  }
0x91: {  	s18 =	sld [smem:$0x3FFB];
	_ =	sdelay $0x3  }
0x92: {  	_ =	strace s18  }
0x93: {  	s3 =	sld [smem:$0x3FFC];
	_ =	sdelay $0x3  }
0x94: {  	_ =	strace s3  }
0x95: {  	s3 =	sld [smem:$0x3FFD];
	_ =	sdelay $0x3  }
0x96: {  	_ =	strace s3  }
0x97: {  	_ =	strace $0x8FFFFFFF  }
0x98: {  	s19 =	sld [smem:$0x3FDB];
	_ =	sdelay $0x1  }
0x99: {  	s4 =	simm.s32 $_scs_section_size  }
0x9a: {  	s5 =	simm.s32 $_size__tile_overlayer_lowered;
	s6 =	simm.s32 $_tile_overlayer_lowered  }
0x9b: {  	s22 =	simm.s32 $0x1BFF;
	s21 =	sshll.u32 s6, $0x1;
	s3 =	sadd.s32 s4, s19  }
0x9c: {  	s7 =	simm.s32 $0x0;
	s20 =	sshll.u32 s5, $0x1;
	s5 =	sadd.s32 s21, s3  }
0x9d: {  	[timem:s7], [sflag:s22] =	dma.local [hbm:s5], s20  }
0x9e: {  	_ =	swait.ge [sflag:s22], s20  }
0x9f: {  	s4 =	ssub.s32 $0x0, s20;
	[sflag:s22] =	ssyncset.done $0x0  }
0xa0: {  	[sflag:s22] =	ssyncadd.s32 s4;
	_ =	sdelay $0x1  }
0xa1: {  	s23 =	simm.s32 $0x1B8B  }
0xa2: {  	_ =	swait.ge [sflag:s23], $0x1  }
0xa3: {  	[sflag:s23] =	ssyncset.done $0x0  }
0xa4: {  	s25 =	simm.s32 $0x1B8E;
	s24 =	sld [smem:$0x3FFE];
	[sflag:s23] =	ssyncadd.s32 $0xFFFFFFFF  }
0xa5: {  	s26 =	simm.s32 $execute0_lowered;
	[smem:$0x3FD2] =	sst s25  }
0xa6: {  	s5 =	sshll.u32 s26, $0x1;
	_ =	strace $0x8000004C;
	[dreg:$0x1] =	wrdreg $0xFFFFFFFF  }
0xa7: {  	s28 =	simm.s32 $_size_execute0_lowered;
	s3 =	sadd.s32 s3, s5;
	[dreg:$0x0] =	wrdreg $0x0  }
0xa8: {  	s5 =	sshll.u32 s28, $0x1;
	[dreg:$0x2] =	wrdreg s3  }
0xa9: {  	[dreg:$0x3] =	wrdreg s5  }
0xaa: {  	[dreg:$0x4] =	wrdreg $0xC0  }
0xab: {  	_ =	task [dreg:s7], $0x5FFFF  }
0xac: {  	[dreg:$0x1] =	wrdreg $0xFFFFFFFF  }
0xad: {  	[dreg:$0x0] =	wrdreg $0x60  }
0xae: {  	[dreg:$0x2] =	wrdreg s24  }
0xaf: {  	[dreg:$0x3] =	wrdreg s2  }
0xb0: {  	[dreg:$0x4] =	wrdreg $0x90000  }
0xb1: {  	[dreg:$0x5] =	wrdreg $0x9  }
0xb2: {  	_ =	task.clear_ibuf [dreg:s7], $0x6FFFF;
	_ =	strace $0x9000004C  }
0xb3: {  	s29 =	simm.s32 $0x9;
	_ =	strace $0x8000004E  }
0xb4: {  	_ =	swait.ge [sflag:s29], $0x1  }
0xb5: {  	[sflag:s29] =	ssyncadd.s32 $0xFFFFFFFF  }
0xb6: {  	_ =	strace $0x9000004E  }
0xb7: {  	_ =	sfence  }
0xb8: {  	s30 =	sld [smem:$0x0];
	_ =	sdelay $0x2  }
0xb9: {  	s31 =	sshll.u32 s1, $0xD;
	s1 =	sshrl.u32 s1, $0x2  }
0xba: {  	s3 =	sand.u32 $0x4000, s31;
	s1 =	sadd.s32 s1, s30  }
0xbb: {  	s0 =	sor.u32 s3, s0;
	s1 =	sshll.u32 s1, $0x11  }
0xbc: {  	s0 =	sor.u32 s1, s0  }
0xbd: {  	s0 =	sadd.s32 $0x8F2B, s0  }
0xbe: {  	[sflag:s0] =	ssyncadd.remote.s32 $0x1  }
0xbf: {  	_ =	sfence.sel $0xFFFF  }
0xc0: {  	[dreg:$0x0] =	wrdreg $0xFFFFFFFF;
	(pc) =	sbr.abs _section_cstart, $3  }
0xc1: {  	[dreg:$0x1] =	wrdreg $0xFFFFFFFF  }
0xc2: {  	_ =	task.clear_ibuf [dreg:s7], $0x2FFFF;
	_ =	strace $0x9FFFFFFF  }
0xc3: {  	(tm) =	ssettm $0x7FFFFFFF  }
tec
execute0_lowered:
.L_overlay_start_1:
0x0: {  	(tag) =	ssettag $0x1  }
0x1: {  	s8 =	rddreg [dreg:$0x0]  }
0x2: {  	s11 =	rddreg [dreg:$0x1]  }
0x3: {  	s2 =	rddreg [dreg:$0x2]  }
0x4: {  	s3 =	simm.s32 $0x0;
	s1 =	stileid.u32;
	s7 =	srdreg.scid  }
0x5: {  	s16 =	simm.s32 $0x3000;
	s17 =	simm.s32 $0x40;
	s18 =	simm.s32 $0x1000  }
0x6: {  	s19 =	simm.s32 $0x7000;
	s20 =	simm.s32 $0x5000;
	s21 =	simm.s32 $0x1  }
0x7: {  	s22 =	simm.s32 $0x2;
	s25 =	simm.s32 $0x0;
	[smem:$0x7FF] =	sst s3  }
0x8: {  	s9 =	smul.u32 $0x13C00, s1;
	s4 =	sadd.s32 $0x3F800, s8;
	s5 =	sadd.s32 $0xA53000, s8  }
0x9: {  	s6 =	sadd.s32 $0x521800, s8;
	s12 =	sand.u32 $0x1, s7;
	s7 =	sadd.s32 $0x4200, s8  }
0xa: {  	s14 =	sshll.u32 s1, $0x1;
	s30 =	sshll.u32 s1, $0x6;
	_ =	strace $0x8000004D  }
0xb: {  	s26 =	ssub.s32 $0x2, s12;
	s15 =	smul.u32 $0x13C000, s12;
	s28 =	sor.u32 s12, s14  }
0xc: {  	s14 =	simm.s32 $0x3;
	s10 =	sshrl.u32 s9, $0x3;
	s13 =	sshrl.u32 s26, $0x1  }
0xd: {  	s29 =	sadd.s32 s9, s2;
	s8 =	sadd.s32 s10, s8;
	s13 =	ssub.s32 s26, s13  }
0xe: {  	s15 =	sadd.s32 s9, s15;
	s9 =	sor.u32 $0x1C03, s30;
	s10 =	smul.u32 $0xA0, s28  }
0xf: {  	s8 =	sadd.s32 $0x18000, s8;
	s31 =	sshrl.u32 s15, $0x3;
	s12 =	smax.u32 s13, $0x1  }
0x10: {  	s13 =	sshrl.u32 s29, $0x3;
	s15 =	simm.s32 $0x800;
	s11 =	sadd.s32 s11, s31  }
.LBB2_1:
0x11: {  	[spmem:s13], [sflag:s9] =	dma.local [hbm:s8], $0x2780  }
0x12: {  	_ =	swait.ge [sflag:s14], $0x2780  }
0x13: {  	[sflag:s14] =	ssyncset.done $0x0  }
0x14: {  	[sflag:s14] =	ssyncadd.s32 $0xFFFFD880  }
0x15: {  	s23 =	simm.s32 $0x0;
	[bflag:$0x0] =	sbarrier.arrive $0xFFFF  }
.LBB2_2:
0x16: {  	s24 =	sshll.u32 s23, $0x5  }
0x17: {  	s24 =	sadd.s32 s10, s24  }
0x18: {  	s26 =	sshll.u32 s24, $0x3  }
0x19: {  	s28 =	sadd.s32 s6, s26  }
0x1a: {  	[tilespmem:s25], [sflag:$0x3] =	stream.linear.gather [hbm4b:s28+s25], $0x800, $0x38;
	[tilespmem:$0x1CC00] =	vst v63  }
0x1b: {  	_ =	swait.ge [sflag:s14], $0x800  }
0x1c: {  	[sflag:s14] =	ssyncset.done $0x0  }
0x1d: {  	s26 =	sadd.s32 s7, s26;
	[sflag:s14] =	ssyncadd.s32 $0xFFFFF800  }
0x1e: {  	[tilespmem:s15], [sflag:$0x3] =	stream.linear.gather [hbm4b:s26+s25], $0x800, $0x38;
	[tilespmem:$0x1CC00] =	vst v63  }
0x1f: {  	_ =	swait.ge [sflag:s14], $0x800  }
0x20: {  	s31 =	sshll.u32 s24, $0xA;
	[sflag:s14] =	ssyncset.done $0x0  }
0x21: {  	s26 =	sadd.s32 s5, s31;
	[sflag:s14] =	ssyncadd.s32 $0xFFFFF800  }
0x22: {  	[tilespmem:s16], [sflag:$0x1] =	stream.linear.gather [hbm4b:s26+s25], $0x2000, $0x38;
	[tilespmem:$0x1CC00] =	vst v63  }
0x23: {  	s26 =	simm.s32 $0x0  }
0x24: {  	[tilespmem:s18], [sflag:$0x1] =	stream.indirect.gather [hbm4b:s4+s17], $0x80, s25, s17, $0xb8;
	[tilespmem:$0x1CC00] =	vst v63  }
.LBB2_3:
0x25: {  	s28 =	sshllo.u32 s26, $0x1  }
0x26: {  	s29 =	sadd.s32 s24, s28  }
0x27: {  	s29 =	sshll.u32 s29, $0xA  }
0x28: {  	s29 =	sand.u32 $0x1FFFFC00, s29  }
0x29: {  	s29 =	sadd.s32 s5, s29  }
0x2a: {  	[tilespmem:s19], [sflag:$0x2] =	stream.linear.gather [hbm4b:s29+s25], $0x2000, $0x38;
	[tilespmem:$0x1CC00] =	vst v63  }
0x2b: {  	s28 =	sshll.u32 s28, $0x6  }
0x2c: {  	[tilespmem:s20], [sflag:$0x2] =	stream.indirect.gather [hbm4b:s4+s17], $0x80, s28, s17, $0xb8;
	[tilespmem:$0x1CC00] =	vst v63  }
0x2d: {  	_ =	swait.ge [sflag:s21], $0x2000  }
0x2e: {  	[sflag:s21] =	ssyncset.done $0x0  }
0x2f: {  	[sflag:s21] =	ssyncadd.s32 $0xFFFFE000  }
0x30: {  	_ =	swait.ge [sflag:s21], $0x2000  }
0x31: {  	[sflag:s21] =	ssyncset.done $0x0  }
0x32: {  	s29 =	simm.s32 $0x0;
	[sflag:s21] =	ssyncadd.s32 $0xFFFFE000  }
0x33: {  	v6 =	vld [tilespmem:s29+$0x3000]  }
0x34: {  	v7 =	vld [tilespmem:s29+$0x3010]  }
0x35: {  	v8 =	vld [tilespmem:s29+$0x3020]  }
0x36: {  	v9 =	vld [tilespmem:s29+$0x3030]  }
0x37: {  	v10 =	vld [tilespmem:s29+$0x3040]  }
0x38: {  	v11 =	vld [tilespmem:s29+$0x3050]  }
0x39: {  	v12 =	vld [tilespmem:s29+$0x3060]  }
0x3a: {  	v13 =	vld [tilespmem:s29+$0x3070]  }
0x3b: {  	v14 =	vld [tilespmem:s29+$0x3080]  }
0x3c: {  	v15 =	vld [tilespmem:s29+$0x3090]  }
0x3d: {  	v5 =	vld [tilespmem:s29+$0x30A0]  }
0x3e: {  	v4 =	vld [tilespmem:s29+$0x30B0]  }
0x3f: {  	v3 =	vld [tilespmem:s29+$0x30C0]  }
0x40: {  	v16 =	vld [tilespmem:s29+$0x1000]  }
0x41: {  	v17 =	vld [tilespmem:s29+$0x1010]  }
0x42: {  	v2 =	vld [tilespmem:s29+$0x30D0]  }
0x43: {  	v18 =	vld [tilespmem:s29+$0x1020]  }
0x44: {  	v19 =	vld [tilespmem:s29+$0x1030]  }
0x45: {  	v1 =	vld [tilespmem:s29+$0x30E0];
	v6 =	vadd.f32 v6, v16  }
0x46: {  	v20 =	vld [tilespmem:s29+$0x1040];
	v7 =	vadd.f32 v7, v17  }
0x47: {  	v60 =	vld [tilespmem:s29+$0x1050];
	v6 =	vmax.f32 v6, $0.0e+00  }
0x48: {  	v0 =	vld [tilespmem:s29+$0x30F0];
	v7 =	vmax.f32 v7, $0.0e+00;
	[tilespmem:s29+$0x1000] =	vst v6;
	v6 =	vadd.f32 v8, v18  }
0x49: {  	v21 =	vld [tilespmem:s29+$0x1060];
	[tilespmem:s29+$0x1010] =	vst v7;
	v7 =	vadd.f32 v9, v19  }
0x4a: {  	v61 =	vld [tilespmem:s29+$0x1070];
	v6 =	vmax.f32 v6, $0.0e+00  }
0x4b: {  	v62 =	vld [tilespmem:s29+$0x1080];
	v8 =	vmax.f32 v7, $0.0e+00;
	[tilespmem:s29+$0x1020] =	vst v6;
	v6 =	vadd.f32 v10, v20  }
0x4c: {  	v63 =	vld [tilespmem:s29+$0x1090];
	[tilespmem:s29+$0x1030] =	vst v8;
	v8 =	vadd.f32 v11, v60  }
0x4d: {  	v7 =	vld [tilespmem:s29+$0x10A0];
	v9 =	vmax.f32 v6, $0.0e+00  }
0x4e: {  	v6 =	vld [tilespmem:s29+$0x10B0];
	v10 =	vmax.f32 v8, $0.0e+00;
	[tilespmem:s29+$0x1040] =	vst v9;
	v9 =	vadd.f32 v12, v21  }
0x4f: {  	v8 =	vld [tilespmem:s29+$0x10C0];
	[tilespmem:s29+$0x1050] =	vst v10;
	v10 =	vadd.f32 v13, v61  }
0x50: {  	v12 =	vadd.f32 v14, v62;
	v11 =	vmax.f32 v9, $0.0e+00;
	v9 =	vld [tilespmem:s29+$0x10D0]  }
0x51: {  	s30 =	sshll.u32 s26, $0x1;
	s31 =	simm.s32 $0x400;
	v13 =	vmax.f32 v10, $0.0e+00;
	v10 =	vld [tilespmem:s29+$0x10E0];
	[tilespmem:s29+$0x1060] =	vst v11;
	v11 =	vadd.f32 v15, v63  }
.LBB2_4:
0x52: {  	s0 =	sshra.s32 s31, $0x2;
	p0 =	sne.s32 s31, $0x7C00;
	[tilespmem:s29+$0x1070] =	vst v13;
	v12 =	vmax.f32 v12, $0.0e+00;
	v5 =	vadd.f32 v5, v7;
	v7 =	vld [tilespmem:s29+$0x10F0]  }
0x53: {  	v13 =	vld [tilespmem:s0+$0x3000];
	[tilespmem:s29+$0x1080] =	vst v12;
	v11 =	vmax.f32 v11, $0.0e+00;
	v4 =	vadd.f32 v4, v6  }
0x54: {  	v6 =	vld [tilespmem:s0+$0x3010];
	[tilespmem:s29+$0x1090] =	vst v11;
	v5 =	vmax.f32 v5, $0.0e+00;
	v3 =	vadd.f32 v3, v8  }
0x55: {  	v8 =	vld [tilespmem:s0+$0x3020];
	[tilespmem:s29+$0x10A0] =	vst v5;
	v4 =	vmax.f32 v4, $0.0e+00;
	v2 =	vadd.f32 v2, v9  }
0x56: {  	v9 =	vld [tilespmem:s0+$0x3030];
	[tilespmem:s29+$0x10B0] =	vst v4;
	v3 =	vmax.f32 v3, $0.0e+00;
	v1 =	vadd.f32 v1, v10  }
0x57: {  	v10 =	vld [tilespmem:s0+$0x3040];
	[tilespmem:s29+$0x10C0] =	vst v3;
	v2 =	vmax.f32 v2, $0.0e+00;
	v0 =	vadd.f32 v0, v7  }
0x58: {  	v7 =	vld [tilespmem:s0+$0x3050];
	[tilespmem:s29+$0x10D0] =	vst v2;
	v1 =	vmax.f32 v1, $0.0e+00  }
0x59: {  	v11 =	vld [tilespmem:s0+$0x3060];
	[tilespmem:s29+$0x10E0] =	vst v1;
	v0 =	vmax.f32 v0, $0.0e+00  }
0x5a: {  	v12 =	vld [tilespmem:s0+$0x3070];
	[tilespmem:s29+$0x10F0] =	vst v0;
	s29 =	smov.u32 s0  }
0x5b: {  	v14 =	vld [tilespmem:s29+$0x3080]  }
0x5c: {  	v15 =	vld [tilespmem:s29+$0x3090]  }
0x5d: {  	v5 =	vld [tilespmem:s29+$0x30A0]  }
0x5e: {  	v4 =	vld [tilespmem:s29+$0x30B0]  }
0x5f: {  	v3 =	vld [tilespmem:s29+$0x30C0]  }
0x60: {  	v2 =	vld [tilespmem:s29+$0x30D0]  }
0x61: {  	v1 =	vld [tilespmem:s29+$0x30E0]  }
0x62: {  	v0 =	vld [tilespmem:s29+$0x30F0]  }
0x63: {  	v16 =	vld [tilespmem:s29+$0x1000]  }
0x64: {  	v17 =	vld [tilespmem:s29+$0x1010]  }
0x65: {  	v18 =	vld [tilespmem:s29+$0x1020]  }
0x66: {  	v19 =	vld [tilespmem:s29+$0x1030]  }
0x67: {  	v20 =	vld [tilespmem:s29+$0x1040]  }
0x68: {  	v13 =	vadd.f32 v13, v16;
	v16 =	vld [tilespmem:s29+$0x1050]  }
0x69: {  	v6 =	vadd.f32 v6, v17;
	v17 =	vld [tilespmem:s29+$0x1060]  }
0x6a: {  	v13 =	vmax.f32 v13, $0.0e+00;
	v8 =	vadd.f32 v8, v18;
	v18 =	vld [tilespmem:s29+$0x1070]  }
0x6b: {  	[tilespmem:s29+$0x1000] =	vst v13;
	v6 =	vmax.f32 v6, $0.0e+00;
	v9 =	vadd.f32 v9, v19;
	v13 =	vld [tilespmem:s29+$0x1080]  }
0x6c: {  	[tilespmem:s29+$0x1010] =	vst v6;
	v6 =	vmax.f32 v8, $0.0e+00;
	v8 =	vadd.f32 v10, v20;
	v10 =	vld [tilespmem:s29+$0x1090]  }
.Ltmp0:
0x6d: {  	[tilespmem:s29+$0x1020] =	vst v6;
	v6 =	vmax.f32 v9, $0.0e+00;
	v9 =	vadd.f32 v7, v16;
	v7 =	vld [tilespmem:s29+$0x10A0];
	(pc) =	sbr.rel @p0 .LBB2_4-.Ltmp0, $4  }
0x6e: {  	[tilespmem:s29+$0x1030] =	vst v6;
	v8 =	vmax.f32 v8, $0.0e+00;
	v11 =	vadd.f32 v11, v17;
	v6 =	vld [tilespmem:s29+$0x10B0]  }
0x6f: {  	[tilespmem:s29+$0x1040] =	vst v8;
	v9 =	vmax.f32 v9, $0.0e+00;
	v16 =	vadd.f32 v12, v18;
	v8 =	vld [tilespmem:s29+$0x10C0]  }
0x70: {  	[tilespmem:s29+$0x1050] =	vst v9;
	v11 =	vmax.f32 v11, $0.0e+00;
	v12 =	vadd.f32 v14, v13;
	v9 =	vld [tilespmem:s29+$0x10D0]  }
0x71: {  	s31 =	sadd.s32 $0x400, s31;
	[tilespmem:s29+$0x1060] =	vst v11;
	v13 =	vmax.f32 v16, $0.0e+00;
	v11 =	vadd.f32 v15, v10;
	v10 =	vld [tilespmem:s29+$0x10E0]  }
0x72: {  	[tilespmem:s29+$0x1070] =	vst v13;
	v12 =	vmax.f32 v12, $0.0e+00;
	v5 =	vadd.f32 v5, v7;
	v7 =	vld [tilespmem:s29+$0x10F0]  }
0x73: {  	[tilespmem:s29+$0x1080] =	vst v12;
	v11 =	vmax.f32 v11, $0.0e+00;
	v4 =	vadd.f32 v4, v6  }
0x74: {  	[tilespmem:s29+$0x1090] =	vst v11;
	v5 =	vmax.f32 v5, $0.0e+00;
	v3 =	vadd.f32 v3, v8  }
0x75: {  	[tilespmem:s29+$0x10A0] =	vst v5;
	v4 =	vmax.f32 v4, $0.0e+00;
	v2 =	vadd.f32 v2, v9  }
0x76: {  	[tilespmem:s29+$0x10B0] =	vst v4;
	v3 =	vmax.f32 v3, $0.0e+00;
	v1 =	vadd.f32 v1, v10  }
0x77: {  	[tilespmem:s29+$0x10C0] =	vst v3;
	v2 =	vmax.f32 v2, $0.0e+00;
	v0 =	vadd.f32 v0, v7  }
0x78: {  	s0 =	sshll.u32 s26, $0x7;
	[tilespmem:s29+$0x10D0] =	vst v2;
	v1 =	vmax.f32 v1, $0.0e+00  }
0x79: {  	s0 =	sand.u32 $0x3FFFFF80, s0;
	[tilespmem:s29+$0x10E0] =	vst v1;
	v0 =	vmax.f32 v0, $0.0e+00  }
0x7a: {  	p0 =	seq.s32 s26, $0xF;
	s0 =	sadd.s32 $0x800, s0;
	[tilespmem:s29+$0x10F0] =	vst v0  }
0x7b: {  	[spmem:s2] =	stream.indirect.scatter.add.f32 [tilespmem:s18], [sflag:$0x3], $0x80, s0, s17, $0xb8;
	[tilespmem:$0x1CC00] =	vst v63  }
0x7c: {  	s0 =	sadd.s32 @!p0 $0x2, s30  }
0x7d: {  	s29 =	sadd.s32 @!p0 s24, s0  }
0x7e: {  	s31 =	simm.s32 @!p0 $0x3000;
	_ =	swait.ge [sflag:s14], $0x2000;
	s29 =	sshll.u32 @!p0 s29, $0xA  }
0x7f: {  	s30 =	simm.s32 @!p0 $0x0;
	[sflag:s14] =	ssyncset.done $0x0;
	s29 =	sand.u32 @!p0 $0x1FFFF800, s29  }
0x80: {  	s0 =	sshll.u32 @!p0 s0, $0x6;
	[sflag:s14] =	ssyncadd.s32 $0xFFFFE000;
	s29 =	sadd.s32 @!p0 s5, s29  }
0x81: {  	[tilespmem:s31], [sflag:$0x1] =	stream.linear.gather @!p0 [hbm4b:s29+s30], $0x2000, $0x38;
	[tilespmem:$0x1CC00] =	vst v63  }
0x82: {  	s0 =	sand.u32 @!p0 $0x3FFFFFC0, s0;
	s29 =	simm.s32 @!p0 $0x40;
	s30 =	simm.s32 @!p0 $0x1000  }
0x83: {  	[tilespmem:s30], [sflag:$0x1] =	stream.indirect.gather @!p0 [hbm4b:s4+s29], $0x80, s0, s29, $0xb8;
	[tilespmem:$0x1CC00] =	vst v63  }
0x84: {  	_ =	swait.ge [sflag:s22], $0x2000  }
0x85: {  	[sflag:s22] =	ssyncset.done $0x0  }
0x86: {  	[sflag:s22] =	ssyncadd.s32 $0xFFFFE000  }
0x87: {  	_ =	swait.ge [sflag:s22], $0x2000  }
0x88: {  	[sflag:s22] =	ssyncset.done $0x0  }
0x89: {  	s29 =	simm.s32 $0x0;
	[sflag:s22] =	ssyncadd.s32 $0xFFFFE000  }
0x8a: {  	v6 =	vld [tilespmem:s29+$0x7000]  }
0x8b: {  	v7 =	vld [tilespmem:s29+$0x7010]  }
0x8c: {  	v8 =	vld [tilespmem:s29+$0x7020]  }
0x8d: {  	v9 =	vld [tilespmem:s29+$0x7030]  }
0x8e: {  	v10 =	vld [tilespmem:s29+$0x7040]  }
0x8f: {  	v11 =	vld [tilespmem:s29+$0x7050]  }
0x90: {  	v12 =	vld [tilespmem:s29+$0x7060]  }
0x91: {  	v13 =	vld [tilespmem:s29+$0x7070]  }
0x92: {  	v14 =	vld [tilespmem:s29+$0x7080]  }
0x93: {  	v15 =	vld [tilespmem:s29+$0x7090]  }
0x94: {  	v5 =	vld [tilespmem:s29+$0x70A0]  }
0x95: {  	v4 =	vld [tilespmem:s29+$0x70B0]  }
0x96: {  	v3 =	vld [tilespmem:s29+$0x70C0]  }
0x97: {  	v16 =	vld [tilespmem:s29+$0x5000]  }
0x98: {  	v17 =	vld [tilespmem:s29+$0x5010]  }
0x99: {  	v2 =	vld [tilespmem:s29+$0x70D0]  }
0x9a: {  	v18 =	vld [tilespmem:s29+$0x5020]  }
0x9b: {  	v19 =	vld [tilespmem:s29+$0x5030]  }
0x9c: {  	v1 =	vld [tilespmem:s29+$0x70E0];
	v6 =	vadd.f32 v6, v16  }
0x9d: {  	v20 =	vld [tilespmem:s29+$0x5040];
	v7 =	vadd.f32 v7, v17  }
0x9e: {  	v60 =	vld [tilespmem:s29+$0x5050];
	v6 =	vmax.f32 v6, $0.0e+00  }
0x9f: {  	v0 =	vld [tilespmem:s29+$0x70F0];
	v7 =	vmax.f32 v7, $0.0e+00;
	[tilespmem:s29+$0x5000] =	vst v6;
	v6 =	vadd.f32 v8, v18  }
0xa0: {  	v21 =	vld [tilespmem:s29+$0x5060];
	[tilespmem:s29+$0x5010] =	vst v7;
	v7 =	vadd.f32 v9, v19  }
0xa1: {  	v61 =	vld [tilespmem:s29+$0x5070];
	v6 =	vmax.f32 v6, $0.0e+00  }
0xa2: {  	v62 =	vld [tilespmem:s29+$0x5080];
	v8 =	vmax.f32 v7, $0.0e+00;
	[tilespmem:s29+$0x5020] =	vst v6;
	v6 =	vadd.f32 v10, v20  }
0xa3: {  	v63 =	vld [tilespmem:s29+$0x5090];
	[tilespmem:s29+$0x5030] =	vst v8;
	v8 =	vadd.f32 v11, v60  }
0xa4: {  	v7 =	vld [tilespmem:s29+$0x50A0];
	v9 =	vmax.f32 v6, $0.0e+00  }
0xa5: {  	v6 =	vld [tilespmem:s29+$0x50B0];
	v10 =	vmax.f32 v8, $0.0e+00;
	[tilespmem:s29+$0x5040] =	vst v9;
	v9 =	vadd.f32 v12, v21  }
0xa6: {  	v8 =	vld [tilespmem:s29+$0x50C0];
	[tilespmem:s29+$0x5050] =	vst v10;
	v10 =	vadd.f32 v13, v61  }
0xa7: {  	v12 =	vadd.f32 v14, v62;
	v11 =	vmax.f32 v9, $0.0e+00;
	v9 =	vld [tilespmem:s29+$0x50D0]  }
0xa8: {  	s30 =	simm.s32 $0x400;
	v13 =	vmax.f32 v10, $0.0e+00;
	v10 =	vld [tilespmem:s29+$0x50E0];
	[tilespmem:s29+$0x5060] =	vst v11;
	v11 =	vadd.f32 v15, v63  }
.LBB2_6:
0xa9: {  	s0 =	sshra.s32 s30, $0x2;
	p0 =	sne.s32 s30, $0x7C00;
	[tilespmem:s29+$0x5070] =	vst v13;
	v12 =	vmax.f32 v12, $0.0e+00;
	v5 =	vadd.f32 v5, v7;
	v7 =	vld [tilespmem:s29+$0x50F0]  }
0xaa: {  	v13 =	vld [tilespmem:s0+$0x7000];
	[tilespmem:s29+$0x5080] =	vst v12;
	v11 =	vmax.f32 v11, $0.0e+00;
	v4 =	vadd.f32 v4, v6  }
0xab: {  	v6 =	vld [tilespmem:s0+$0x7010];
	[tilespmem:s29+$0x5090] =	vst v11;
	v5 =	vmax.f32 v5, $0.0e+00;
	v3 =	vadd.f32 v3, v8  }
0xac: {  	v8 =	vld [tilespmem:s0+$0x7020];
	[tilespmem:s29+$0x50A0] =	vst v5;
	v4 =	vmax.f32 v4, $0.0e+00;
	v2 =	vadd.f32 v2, v9  }
0xad: {  	v9 =	vld [tilespmem:s0+$0x7030];
	[tilespmem:s29+$0x50B0] =	vst v4;
	v3 =	vmax.f32 v3, $0.0e+00;
	v1 =	vadd.f32 v1, v10  }
0xae: {  	v10 =	vld [tilespmem:s0+$0x7040];
	[tilespmem:s29+$0x50C0] =	vst v3;
	v2 =	vmax.f32 v2, $0.0e+00;
	v0 =	vadd.f32 v0, v7  }
0xaf: {  	v7 =	vld [tilespmem:s0+$0x7050];
	[tilespmem:s29+$0x50D0] =	vst v2;
	v1 =	vmax.f32 v1, $0.0e+00  }
0xb0: {  	v11 =	vld [tilespmem:s0+$0x7060];
	[tilespmem:s29+$0x50E0] =	vst v1;
	v0 =	vmax.f32 v0, $0.0e+00  }
0xb1: {  	v12 =	vld [tilespmem:s0+$0x7070];
	[tilespmem:s29+$0x50F0] =	vst v0;
	s29 =	smov.u32 s0  }
0xb2: {  	v14 =	vld [tilespmem:s29+$0x7080]  }
0xb3: {  	v15 =	vld [tilespmem:s29+$0x7090]  }
0xb4: {  	v5 =	vld [tilespmem:s29+$0x70A0]  }
0xb5: {  	v4 =	vld [tilespmem:s29+$0x70B0]  }
0xb6: {  	v3 =	vld [tilespmem:s29+$0x70C0]  }
0xb7: {  	v2 =	vld [tilespmem:s29+$0x70D0]  }
0xb8: {  	v1 =	vld [tilespmem:s29+$0x70E0]  }
0xb9: {  	v0 =	vld [tilespmem:s29+$0x70F0]  }
0xba: {  	v16 =	vld [tilespmem:s29+$0x5000]  }
0xbb: {  	v17 =	vld [tilespmem:s29+$0x5010]  }
0xbc: {  	v18 =	vld [tilespmem:s29+$0x5020]  }
0xbd: {  	v19 =	vld [tilespmem:s29+$0x5030]  }
0xbe: {  	v20 =	vld [tilespmem:s29+$0x5040]  }
0xbf: {  	v13 =	vadd.f32 v13, v16;
	v16 =	vld [tilespmem:s29+$0x5050]  }
0xc0: {  	v6 =	vadd.f32 v6, v17;
	v17 =	vld [tilespmem:s29+$0x5060]  }
0xc1: {  	v13 =	vmax.f32 v13, $0.0e+00;
	v8 =	vadd.f32 v8, v18;
	v18 =	vld [tilespmem:s29+$0x5070]  }
0xc2: {  	[tilespmem:s29+$0x5000] =	vst v13;
	v6 =	vmax.f32 v6, $0.0e+00;
	v9 =	vadd.f32 v9, v19;
	v13 =	vld [tilespmem:s29+$0x5080]  }
0xc3: {  	[tilespmem:s29+$0x5010] =	vst v6;
	v6 =	vmax.f32 v8, $0.0e+00;
	v8 =	vadd.f32 v10, v20;
	v10 =	vld [tilespmem:s29+$0x5090]  }
.Ltmp1:
0xc4: {  	[tilespmem:s29+$0x5020] =	vst v6;
	v6 =	vmax.f32 v9, $0.0e+00;
	v9 =	vadd.f32 v7, v16;
	v7 =	vld [tilespmem:s29+$0x50A0];
	(pc) =	sbr.rel @p0 .LBB2_6-.Ltmp1, $4  }
0xc5: {  	[tilespmem:s29+$0x5030] =	vst v6;
	v8 =	vmax.f32 v8, $0.0e+00;
	v11 =	vadd.f32 v11, v17;
	v6 =	vld [tilespmem:s29+$0x50B0]  }
0xc6: {  	[tilespmem:s29+$0x5040] =	vst v8;
	v9 =	vmax.f32 v9, $0.0e+00;
	v16 =	vadd.f32 v12, v18;
	v8 =	vld [tilespmem:s29+$0x50C0]  }
0xc7: {  	[tilespmem:s29+$0x5050] =	vst v9;
	v11 =	vmax.f32 v11, $0.0e+00;
	v12 =	vadd.f32 v14, v13;
	v9 =	vld [tilespmem:s29+$0x50D0]  }
0xc8: {  	s30 =	sadd.s32 $0x400, s30;
	[tilespmem:s29+$0x5060] =	vst v11;
	v13 =	vmax.f32 v16, $0.0e+00;
	v11 =	vadd.f32 v15, v10;
	v10 =	vld [tilespmem:s29+$0x50E0]  }
0xc9: {  	[tilespmem:s29+$0x5070] =	vst v13;
	v12 =	vmax.f32 v12, $0.0e+00;
	v5 =	vadd.f32 v5, v7;
	v63 =	vld [tilespmem:s29+$0x50F0]  }
0xca: {  	[tilespmem:s29+$0x5080] =	vst v12;
	v11 =	vmax.f32 v11, $0.0e+00;
	v4 =	vadd.f32 v4, v6  }
0xcb: {  	[tilespmem:s29+$0x5090] =	vst v11;
	v5 =	vmax.f32 v5, $0.0e+00;
	v3 =	vadd.f32 v3, v8  }
0xcc: {  	[tilespmem:s29+$0x50A0] =	vst v5;
	v4 =	vmax.f32 v4, $0.0e+00;
	v2 =	vadd.f32 v2, v9  }
0xcd: {  	[tilespmem:s29+$0x50B0] =	vst v4;
	v3 =	vmax.f32 v3, $0.0e+00;
	v1 =	vadd.f32 v1, v10  }
0xce: {  	[tilespmem:s29+$0x50C0] =	vst v3;
	v2 =	vmax.f32 v2, $0.0e+00;
	v0 =	vadd.f32 v0, v63  }
0xcf: {  	s26 =	sadd.s32 $0x1, s26;
	[tilespmem:s29+$0x50D0] =	vst v2;
	v1 =	vmax.f32 v1, $0.0e+00  }
0xd0: {  	p0 =	sne.s32 s26, $0x10;
	[tilespmem:s29+$0x50E0] =	vst v1;
	v0 =	vmax.f32 v0, $0.0e+00  }
.Ltmp2:
0xd1: {  	s0 =	sadd.s32 $0x800, s28;
	[tilespmem:s29+$0x50F0] =	vst v0;
	(pc) =	sbr.rel @p0 .LBB2_3-.Ltmp2, $4  }
0xd2: {  	[spmem:s2] =	stream.indirect.scatter.add.f32 [tilespmem:s20], [sflag:$0x3], $0x80, s0, s17, $0xb8;
	[tilespmem:$0x1CC00] =	vst v63  }
0xd3: {  	_ =	swait.ge [sflag:s14], $0x2000  }
0xd4: {  	[sflag:s14] =	ssyncset.done $0x0  }
0xd5: {  	[sflag:s14] =	ssyncadd.s32 $0xFFFFE000  }
0xd6: {  	s23 =	sadd.s32 $0x1, s23  }
0xd7: {  	p0 =	sne.s32 s23, $0x5  }
.Ltmp3:
0xd8: {  	_ = 	snop;
	(pc) =	sbr.rel @p0 .LBB2_2-.Ltmp3, $1  }
0xd9: {  	_ =	sdelay $0x3  }
0xda: {  	s3 =	sadd.s32 $0x1, s3  }
0xdb: {  	p0 =	sne.s32 s3, s12  }
.Ltmp4:
0xdc: {  	[bflag:$0x0] =	sbarrier.arrive $0xFFFF;
	(pc) =	sbr.rel @p0 .LBB2_1-.Ltmp4, $4  }
0xdd: {  	[hbm:s11], [sflag:s9] =	dma.local [spmem:s13], $0x2780  }
0xde: {  	_ =	swait.ge [sflag:s14], $0x2780  }
0xdf: {  	[sflag:s14] =	ssyncset.done $0x0  }
0xe0: {  	[sflag:s14] =	ssyncadd.s32 $0xFFFFD880  }
0xe1: {  	_ =	sfence.sel $0x180000  }
0xe2: {  	[bflag:$0x0] =	sbarrier.arrive $0xFFFF  }
0xe3: {  	_ =	strace $0x9000004D  }
0xe4: {  	[bflag:$0x2] =	sbarrier.arrive $0xFFFF  }
0xe5: {  	p0 =	sne.s32 s1, $0x0;
	s0 =	rddreg [dreg:$0x3]  }
0xe6: {  	s0 =	sadd.s32 @!p0 $0x100000, s0  }
0xe7: {  	[sflag:s0] =	ssyncadd.tile.s32 @!p0 $0x1;
	_ =	shalt  }
.Lfunc_end2:
_tile_overlayer_lowered:
.L_overlay_start_2:
0xe8: {  	(tag) =	ssettag $0x2  }
0xe9: {  	s0 =	rddreg [dreg:$0x0];
	s2 =	stileid.u32  }
0xea: {  	s1 =	rddreg [dreg:$0x1];
	p0 =	sne.s32 s2, $0x0  }
0xeb: {  	s3 =	rddreg [dreg:$0x2];
	[bflag:$0x3] =	sbarrier.arrive $0xFFFF;
	s2 =	simm.s32 @!p0 $0x1C03  }
0xec: {  	[timem:s3], [sflag:s2] =	dma.local @!p0 [hbm:s0], s1  }
0xed: {  	s0 =	simm.s32 @!p0 $0x3  }
0xee: {  	_ =	swait.ge @!p0 [sflag:s0], s1  }
0xef: {  	s1 =	ssub.s32 @!p0 $0x0, s1;
	[sflag:s0] =	ssyncset.done @!p0 $0x0  }
0xf0: {  	[sflag:s0] =	ssyncadd.s32 @!p0 s1  }
0xf1: {  	[bflag:$0x3] =	sbarrier.arrive $0xFFFF  }
0xf2: {  	_ =	shalt  }

// kernel: kernel.19.cloned.1.call-start
scs
__scs_entry_jumppad:
0x0: {  	(pc) =	sbr.rel $0x88, $3  }
0x1: {  	(tag) =	ssettag $0x0;
	lr =	simm.s32 $0x1  }
0x2: {  	[smem:$0x3F94] =	sst lr;
	_ =	strace $0xD0000000  }
0x3: {  	_ = 	snop  }
0x4: {  	_ = 	snop  }
0x5: {  	_ = 	snop  }
0x6: {  	_ = 	snop  }
0x7: {  	_ = 	snop  }
__scs_overlays_trampoline_lowered:
0x8: {  	[smem:$0x3FA3] =	sst s0  }
0x9: {  	[smem:$0x3FA4] =	sst s1  }
0xa: {  	[smem:$0x3FA5] =	sst s2  }
0xb: {  	[smem:$0x3FA6] =	sst s3  }
0xc: {  	[smem:$0x3FA7] =	sst s4  }
0xd: {  	[smem:$0x3FA8] =	sst s5  }
0xe: {  	[smem:$0x3FA9] =	sst s6  }
0xf: {  	[smem:$0x3FAA] =	sst s7  }
0x10: {  	[smem:$0x3FAB] =	sst s8  }
0x11: {  	[smem:$0x3FAC] =	sst s9;
	s0 =	simm.s32 @!p0 $0x0  }
0x12: {  	s1 =	sld [smem:$0x3F92];
	s0 =	simm.s32 @p0 $0x1  }
0x13: {  	[smem:$0x3FAD] =	sst s0;
	s0 =	simm.s32 @!p1 $0x0  }
0x14: {  	s2 =	sld [smem:$0x3F91];
	s0 =	simm.s32 @p1 $0x1  }
0x15: {  	[smem:$0x3FAE] =	sst s0;
	s0 =	simm.s32 @!p2 $0x0  }
0x16: {  	s3 =	sld [smem:$0x3FDB];
	s0 =	simm.s32 @p2 $0x1  }
0x17: {  	s4 =	simm.s32 $0x1BF5;
	[smem:$0x3FB0] =	sst s0  }
0x18: {  	s0 =	sld [smem:$0x3F93];
	_ =	swait.ge [sflag:s4], $0x0  }
0x19: {  	s7 =	sld [smem:$0x3F94]  }
0x1a: {  	s8 =	sadd.s32 $0xFFFFE003, lr  }
0x1b: {  	s9 =	sadd.s32 $0xFFFFFEF7, lr;
	s5 =	simm.s32 $0xFFFFFFFF;
	p2 =	slt.u32 s8, $0xFFFFF086  }
0x1c: {  	p1 =	slt.u32 s9, $0xF7A;
	s5 =	simm.s32 @!p2 $0x0  }
0x1d: {  	s5 =	simm.s32 @p1 $0x1;
	p0 =	seq.s32 s7, s2  }
0x1e: {  	s7 =	smul.u32 @!p0 $0xF7A, s2;
	p2 =	seq.s32 @!p0 s5, $0x0  }
0x1f: {  	s9 =	smul.u32 $0xF7A, s1;
	s8 =	simm.s32 @!p0 $0x1BF5;
	p2 =	por !p2, p0  }
0x20: {  	[sflag:s8] =	ssyncset.s32 @!p0 $0xFFFFF086;
	s6 =	sadd.s32 @!p0 s3, s7;
	s7 =	simm.s32 @!p0 $0x108  }
0x21: {  	s3 =	sadd.s32 s3, s9;
	s6 =	sadd.s32 @!p0 $0x88, s6;
	s7 =	simm.s32 @p2 $0x1082  }
0x22: {  	[simem:s7], [sflag:s8] =	dma.local @!p0 [hbm:s6], $0xF7A  }
0x23: {  	s9 =	sor.u32 $0xD0000000, s2;
	s6 =	simm.s32 $0x108;
	_ =	swait.ge @!p0 [sflag:s8], $0x0  }
0x24: {  	s3 =	sadd.s32 $0x88, s3;
	s6 =	simm.s32 @!p1 $0x1082;
	[sflag:s4] =	ssyncset.s32 $0xFFFFF086  }
0x25: {  	[simem:s6], [sflag:s4] =	dma.local [hbm:s3], $0xF7A  }
0x26: {  	[smem:$0x3F94] =	sst s1;
	(tag) =	ssettag s2;
	_ =	strace s9  }
0x27: {  	s1 =	sld [smem:$0x3FA4]  }
0x28: {  	s2 =	sld [smem:$0x3FA5]  }
0x29: {  	s4 =	sld [smem:$0x3FA7]  }
0x2a: {  	p0 =	seq.s32 s5, $0x0;
	s5 =	sld [smem:$0x3FA8]  }
0x2b: {  	s6 =	sld [smem:$0x3FA9]  }
0x2c: {  	s7 =	sld [smem:$0x3FAA]  }
0x2d: {  	s3 =	simm.s32 $0x108;
	s8 =	sld [smem:$0x3FAB]  }
0x2e: {  	s3 =	simm.s32 @!p0 $0x1082;
	s9 =	sld [smem:$0x3FAC]  }
0x2f: {  	lr =	sadd.s32 s0, s3;
	s0 =	sld [smem:$0x3FA3]  }
0x30: {  	s3 =	sld [smem:$0x3FA6]  }
0x31: {  	[smem:$0x3FAF] =	sst s10  }
0x32: {  	s10 =	sld [smem:$0x3FAD];
	_ =	sdelay $0x3  }
0x33: {  	p0 =	seq.s32 s10, $0x1;
	s10 =	sld [smem:$0x3FAF];
	_ =	sdelay $0x3  }
0x34: {  	[smem:$0x3FAF] =	sst s10  }
0x35: {  	s10 =	sld [smem:$0x3FAE];
	_ =	sdelay $0x3  }
0x36: {  	p1 =	seq.s32 s10, $0x1;
	s10 =	sld [smem:$0x3FAF];
	_ =	sdelay $0x3  }
0x37: {  	[smem:$0x3FAF] =	sst s10  }
0x38: {  	s10 =	sld [smem:$0x3FB0]  }
0x39: {  	_ = 	snop;
	(pc) =	sbr.ind lr, $3  }
0x3a: {  	_ = 	snop  }
0x3b: {  	_ = 	snop  }
0x3c: {  	p2 =	seq.s32 s10, $0x1;
	s10 =	sld [smem:$0x3FAF]  }
0x3d: {  	_ =	shalt  }
0x3e: {  	_ =	shalt  }
0x3f: {  	_ =	shalt  }
0x40: {  	_ =	shalt  }
0x41: {  	_ =	shalt  }
0x42: {  	_ =	shalt  }
0x43: {  	_ =	shalt  }
0x44: {  	_ =	shalt  }
0x45: {  	_ =	shalt  }
0x46: {  	_ =	shalt  }
0x47: {  	_ =	shalt  }
0x48: {  	_ =	shalt  }
0x49: {  	_ =	shalt  }
0x4a: {  	_ =	shalt  }
0x4b: {  	_ =	shalt  }
0x4c: {  	_ =	shalt  }
0x4d: {  	_ =	shalt  }
0x4e: {  	_ =	shalt  }
0x4f: {  	_ =	shalt  }
0x50: {  	_ =	shalt  }
0x51: {  	_ =	shalt  }
0x52: {  	_ =	shalt  }
0x53: {  	_ =	shalt  }
0x54: {  	_ =	shalt  }
0x55: {  	_ =	shalt  }
0x56: {  	_ =	shalt  }
0x57: {  	_ =	shalt  }
0x58: {  	_ =	shalt  }
0x59: {  	_ =	shalt  }
0x5a: {  	_ =	shalt  }
0x5b: {  	_ =	shalt  }
0x5c: {  	_ =	shalt  }
0x5d: {  	_ =	shalt  }
0x5e: {  	_ =	shalt  }
0x5f: {  	_ =	shalt  }
0x60: {  	_ =	shalt  }
0x61: {  	_ =	shalt  }
0x62: {  	_ =	shalt  }
0x63: {  	_ =	shalt  }
0x64: {  	_ =	shalt  }
0x65: {  	_ =	shalt  }
0x66: {  	_ =	shalt  }
0x67: {  	_ =	shalt  }
0x68: {  	_ =	shalt  }
0x69: {  	_ =	shalt  }
0x6a: {  	_ =	shalt  }
0x6b: {  	_ =	shalt  }
0x6c: {  	_ =	shalt  }
0x6d: {  	_ =	shalt  }
0x6e: {  	_ =	shalt  }
0x6f: {  	_ =	shalt  }
0x70: {  	_ =	shalt  }
0x71: {  	_ =	shalt  }
0x72: {  	_ =	shalt  }
0x73: {  	_ =	shalt  }
0x74: {  	_ =	shalt  }
0x75: {  	_ =	shalt  }
0x76: {  	_ =	shalt  }
0x77: {  	_ =	shalt  }
0x78: {  	_ =	shalt  }
0x79: {  	_ =	shalt  }
0x7a: {  	_ =	shalt  }
0x7b: {  	_ =	shalt  }
0x7c: {  	_ =	shalt  }
0x7d: {  	_ =	shalt  }
0x7e: {  	_ =	shalt  }
0x7f: {  	_ =	shalt  }
0x80: {  	_ =	shalt  }
0x81: {  	_ =	shalt  }
0x82: {  	_ =	shalt  }
0x83: {  	_ =	shalt  }
0x84: {  	_ =	shalt  }
0x85: {  	_ =	shalt  }
0x86: {  	_ =	shalt  }
0x87: {  	_ =	shalt  }
.Lfunc_end0:
.L_simem_size_0:
called_computation.3_lowered:
.L_overlay_start_0:
0x88: {  	s2 =	sld [smem:$0x3FD9]  }
0x89: {  	s3 =	sld [smem:$0x3FFE];
	_ =	sdelay $0x1  }
0x8a: {  	s1 =	srdreg.scid  }
0x8b: {  	s0 =	sand.u32 $0x1, s1  }
0x8c: {  	s17 =	sshll.u32 s0, $0xA;
	s2 =	sadd.s32 s3, s2  }
0x8d: {  	s2 =	sadd.s32 s2, s17  }
0x8e: {  	[smem:$0x3FBB] =	sst s2  }
0x8f: {  	_ = 	snop  }
0x90: {  	s2 =	sld [smem:$0x3FD0];
	(tm) =	ssettm $0x1  }
0x91: {  	s18 =	sld [smem:$0x3FFB];
	_ =	sdelay $0x3  }
0x92: {  	_ =	strace s18  }
0x93: {  	s3 =	sld [smem:$0x3FFC];
	_ =	sdelay $0x3  }
0x94: {  	_ =	strace s3  }
0x95: {  	s3 =	sld [smem:$0x3FFD];
	_ =	sdelay $0x3  }
0x96: {  	_ =	strace s3  }
0x97: {  	_ =	strace $0x8FFFFFFF  }
0x98: {  	s19 =	sld [smem:$0x3FDB];
	_ =	sdelay $0x1  }
0x99: {  	s4 =	simm.s32 $_scs_section_size  }
0x9a: {  	s5 =	simm.s32 $_size__tile_overlayer_lowered;
	s6 =	simm.s32 $_tile_overlayer_lowered  }
0x9b: {  	s22 =	simm.s32 $0x1BFF;
	s21 =	sshll.u32 s6, $0x1;
	s3 =	sadd.s32 s4, s19  }
0x9c: {  	s7 =	simm.s32 $0x0;
	s20 =	sshll.u32 s5, $0x1;
	s5 =	sadd.s32 s21, s3  }
0x9d: {  	[timem:s7], [sflag:s22] =	dma.local [hbm:s5], s20  }
0x9e: {  	_ =	swait.ge [sflag:s22], s20  }
0x9f: {  	s4 =	ssub.s32 $0x0, s20;
	[sflag:s22] =	ssyncset.done $0x0  }
0xa0: {  	[sflag:s22] =	ssyncadd.s32 s4;
	_ =	sdelay $0x1  }
0xa1: {  	s23 =	simm.s32 $0x1B8B  }
0xa2: {  	_ =	swait.ge [sflag:s23], $0x1  }
0xa3: {  	[sflag:s23] =	ssyncset.done $0x0  }
0xa4: {  	s25 =	simm.s32 $0x1B8E;
	s24 =	sld [smem:$0x3FFE];
	[sflag:s23] =	ssyncadd.s32 $0xFFFFFFFF  }
0xa5: {  	s26 =	simm.s32 $execute0_lowered;
	[smem:$0x3FD2] =	sst s25  }
0xa6: {  	s5 =	sshll.u32 s26, $0x1;
	_ =	strace $0x8000004F;
	[dreg:$0x1] =	wrdreg $0xFFFFFFFF  }
0xa7: {  	s28 =	simm.s32 $_size_execute0_lowered;
	s3 =	sadd.s32 s3, s5;
	[dreg:$0x0] =	wrdreg $0x0  }
0xa8: {  	s5 =	sshll.u32 s28, $0x1;
	[dreg:$0x2] =	wrdreg s3  }
0xa9: {  	[dreg:$0x3] =	wrdreg s5  }
0xaa: {  	[dreg:$0x4] =	wrdreg $0xC0  }
0xab: {  	_ =	task [dreg:s7], $0x5FFFF  }
0xac: {  	[dreg:$0x1] =	wrdreg $0xFFFFFFFF  }
0xad: {  	[dreg:$0x0] =	wrdreg $0x60  }
0xae: {  	[dreg:$0x2] =	wrdreg s2  }
0xaf: {  	[dreg:$0x3] =	wrdreg s24  }
0xb0: {  	[dreg:$0x4] =	wrdreg $0x9  }
0xb1: {  	_ =	task.clear_ibuf [dreg:s7], $0x5FFFF;
	_ =	strace $0x9000004F  }
0xb2: {  	s29 =	simm.s32 $0x9;
	_ =	strace $0x80000051  }
0xb3: {  	_ =	swait.ge [sflag:s29], $0x1  }
0xb4: {  	[sflag:s29] =	ssyncadd.s32 $0xFFFFFFFF  }
0xb5: {  	_ =	strace $0x90000051  }
0xb6: {  	_ =	sfence  }
0xb7: {  	s30 =	sld [smem:$0x0];
	_ =	sdelay $0x2  }
0xb8: {  	s31 =	sshll.u32 s1, $0xD;
	s1 =	sshrl.u32 s1, $0x2  }
0xb9: {  	s3 =	sand.u32 $0x4000, s31;
	s1 =	sadd.s32 s1, s30  }
0xba: {  	s0 =	sor.u32 s3, s0;
	s1 =	sshll.u32 s1, $0x11  }
0xbb: {  	s0 =	sor.u32 s1, s0  }
0xbc: {  	s0 =	sadd.s32 $0x8F2B, s0  }
0xbd: {  	[sflag:s0] =	ssyncadd.remote.s32 $0x1  }
0xbe: {  	_ =	sfence.sel $0xFFFF  }
0xbf: {  	[dreg:$0x0] =	wrdreg $0xFFFFFFFF;
	(pc) =	sbr.abs _section_cstart, $3  }
0xc0: {  	[dreg:$0x1] =	wrdreg $0xFFFFFFFF  }
0xc1: {  	_ =	task.clear_ibuf [dreg:s7], $0x2FFFF;
	_ =	strace $0x9FFFFFFF  }
0xc2: {  	(tm) =	ssettm $0x7FFFFFFF  }
0xc3: {  	_ =	shalt  }
tec
execute0_lowered:
.L_overlay_start_1:
0x0: {  	(tag) =	ssettag $0x1  }
0x1: {  	s2 =	rddreg [dreg:$0x0];
	s1 =	srdreg.scid  }
0x2: {  	s0 =	stileid.u32;
	s5 =	rddreg [dreg:$0x1]  }
0x3: {  	s3 =	simm.s32 $0x0;
	s11 =	simm.s32 $0x5;
	s12 =	simm.s32 $0x2800  }
0x4: {  	s13 =	simm.s32 $0x80;
	s14 =	simm.s32 $0x5000;
	s15 =	simm.s32 $0x5800  }
0x5: {  	s16 =	simm.s32 $0x6000;
	s17 =	simm.s32 $0x2880;
	s18 =	simm.s32 $0x6800  }
0x6: {  	s19 =	simm.s32 $0x1;
	s6 =	sand.u32 $0x1, s1;
	s4 =	sshll.u32 s0, $0x1  }
0x7: {  	s20 =	simm.s32 $0x2;
	s21 =	simm.s32 $0x3;
	s7 =	sor.u32 s6, s4  }
0x8: {  	s22 =	simm.s32 $0x4;
	s23 =	simm.s32 $0x0;
	s8 =	smul.u32 $0x500, s7  }
.Ltmp0:
0x9: {  	s1 =	rddreg [dreg:$0x2];
	s9 =	ssub.s32 $0x2, s6;
	(pc) =	sbr.rel .LBB2_1-.Ltmp0, $4  }
0xa: {  	[smem:$0x7FF] =	sst s3;
	s10 =	sshrl.u32 s9, $0x1;
	s6 =	smul.u32 $0x50, s7  }
0xb: {  	_ =	strace $0x80000050;
	s4 =	sadd.s32 $0xE200, s5;
	s10 =	ssub.s32 s9, s10  }
0xc: {  	s8 =	sadd.s32 s8, s5;
	s5 =	sadd.s32 $0x13200, s5;
	s9 =	sor.u32 $0x1, s6  }
0xd: {  	s10 =	smax.u32 s10, $0x1;
	s7 =	sadd.s32 $0x521800, s8;
	s8 =	sadd.s32 $0x4200, s8  }
.LBB2_8:
0xe: {  	s23 =	sadd.s32 $0x1, s23  }
0xf: {  	p0 =	sne.s32 s23, s10  }
.Ltmp1:
0x10: {  	_ = 	snop;
	(pc) =	sbr.rel @!p0 .LBB2_9-.Ltmp1, $4  }
0x11: {  	_ = 	snop  }
0x12: {  	_ =	swait.ge [sflag:s22], $0x800  }
0x13: {  	[sflag:s22] =	ssyncset.done $0x0  }
0x14: {  	[sflag:s22] =	ssyncadd.s32 $0xFFFFF800  }
.LBB2_1:
0x15: {  	[tilespmem:s3], [sflag:$0x5] =	stream.linear.gather [hbm4b:s7+s3], $0x2800, $0x38;
	[tilespmem:$0x7000] =	vst v63  }
0x16: {  	_ =	swait.ge [sflag:s11], $0x2800  }
0x17: {  	[sflag:s11] =	ssyncset.done $0x0  }
0x18: {  	[sflag:s11] =	ssyncadd.s32 $0xFFFFD800  }
0x19: {  	[tilespmem:s12], [sflag:$0x5] =	stream.linear.gather [hbm4b:s8+s3], $0x2800, $0x38;
	[tilespmem:$0x7000] =	vst v63  }
0x1a: {  	_ =	swait.ge [sflag:s11], $0x2800  }
0x1b: {  	[sflag:s11] =	ssyncset.done $0x0  }
0x1c: {  	[sflag:s11] =	ssyncadd.s32 $0xFFFFD800  }
0x1d: {  	[tilespmem:s14], [sflag:$0x1] =	stream.indirect.gather [hbm4b:s2+s13], $0x10, s3, s13, $0xb8;
	[tilespmem:$0x7000] =	vst v63  }
0x1e: {  	_ = 	snop  }
0x1f: {  	[tilespmem:s15], [sflag:$0x1] =	stream.indirect.gather [hbm4b:s4+s13], $0x10, s12, s13, $0xb8;
	[tilespmem:$0x7000] =	vst v63  }
0x20: {  	_ = 	snop  }
0x21: {  	[tilespmem:s16], [sflag:$0x2] =	stream.indirect.gather [hbm4b:s2+s13], $0x10, s13, s13, $0xb8;
	[tilespmem:$0x7000] =	vst v63  }
0x22: {  	s24 =	simm.s32 $0x0  }
0x23: {  	[tilespmem:s18], [sflag:$0x2] =	stream.indirect.gather [hbm4b:s4+s13], $0x10, s17, s13, $0xb8;
	[tilespmem:$0x7000] =	vst v63  }
.LBB2_2:
0x24: {  	_ =	swait.ge [sflag:s19], $0x800  }
0x25: {  	[sflag:s19] =	ssyncset.done $0x0  }
0x26: {  	[sflag:s19] =	ssyncadd.s32 $0xFFFFF800  }
0x27: {  	_ =	swait.ge [sflag:s19], $0x800  }
0x28: {  	[sflag:s19] =	ssyncset.done $0x0  }
0x29: {  	s26 =	simm.s32 $0x0;
	[sflag:s19] =	ssyncadd.s32 $0xFFFFF800  }
0x2a: {  	v1 =	vld [tilespmem:s26+$0x5800]  }
0x2b: {  	v0 =	vld [tilespmem:s26+$0x5810]  }
0x2c: {  	s25 =	simm.s32 $0x80;
	v2 =	vld [tilespmem:s26+$0x5000]  }
.LBB2_3:
0x2d: {  	p0 =	sne.s32 s25, $0x1F80;
	v3 =	vld [tilespmem:s26+$0x5010];
	_ =	sdelay $0x2  }
.Ltmp2:
0x2e: {  	(pc) =	sbr.rel @p0 .LBB2_3-.Ltmp2, $4  }
0x2f: {  	s28 =	sshra.s32 s25, $0x2;
	v2 =	vadd.f32 v1, v2  }
0x30: {  	v1 =	vld [tilespmem:s28+$0x5800];
	v3 =	vadd.f32 v0, v3  }
0x31: {  	v0 =	vld [tilespmem:s28+$0x5810];
	[tilespmem:s26+$0x5000] =	vst v2  }
0x32: {  	s25 =	sadd.s32 $0x80, s25;
	v2 =	vld [tilespmem:s28+$0x5000];
	[tilespmem:s26+$0x5010] =	vst v3;
	s26 =	smov.u32 s28  }
0x33: {  	v3 =	vld [tilespmem:s26+$0x5010];
	_ =	sdelay $0x3  }
0x34: {  	s25 =	sshll.u32 s24, $0x1;
	v1 =	vadd.f32 v1, v2  }
0x35: {  	s28 =	sadd.s32 s6, s25;
	v0 =	vadd.f32 v0, v3  }
0x36: {  	s28 =	sshll.u32 s28, $0x8;
	[tilespmem:s26+$0x5000] =	vst v1  }
0x37: {  	s31 =	sadd.s32 s5, s28;
	s28 =	simm.s32 $0x0;
	[tilespmem:s26+$0x5010] =	vst v0  }
0x38: {  	[hbm4b:s31+s28] =	stream.linear.scatter [tilespmem:s14], [sflag:$0x3], $0x800, $0x38;
	[tilespmem:$0x7000] =	vst v63  }
0x39: {  	_ =	swait.ge [sflag:s20], $0x800  }
0x3a: {  	[sflag:s20] =	ssyncset.done $0x0  }
0x3b: {  	[sflag:s20] =	ssyncadd.s32 $0xFFFFF800  }
0x3c: {  	_ =	swait.ge [sflag:s20], $0x800  }
0x3d: {  	[sflag:s20] =	ssyncset.done $0x0  }
0x3e: {  	s26 =	simm.s32 $0x0;
	[sflag:s20] =	ssyncadd.s32 $0xFFFFF800  }
0x3f: {  	v1 =	vld [tilespmem:s26+$0x6800]  }
0x40: {  	v0 =	vld [tilespmem:s26+$0x6810]  }
0x41: {  	s28 =	simm.s32 $0x80;
	v2 =	vld [tilespmem:s26+$0x6000]  }
.LBB2_5:
0x42: {  	p0 =	sne.s32 s28, $0x1F80;
	v3 =	vld [tilespmem:s26+$0x6010];
	_ =	sdelay $0x2  }
.Ltmp3:
0x43: {  	(pc) =	sbr.rel @p0 .LBB2_5-.Ltmp3, $4  }
0x44: {  	s29 =	sshra.s32 s28, $0x2;
	v2 =	vadd.f32 v1, v2  }
0x45: {  	v1 =	vld [tilespmem:s29+$0x6800];
	v3 =	vadd.f32 v0, v3  }
0x46: {  	v0 =	vld [tilespmem:s29+$0x6810];
	[tilespmem:s26+$0x6000] =	vst v2  }
0x47: {  	s28 =	sadd.s32 $0x80, s28;
	v2 =	vld [tilespmem:s29+$0x6000];
	[tilespmem:s26+$0x6010] =	vst v3;
	s26 =	smov.u32 s29  }
0x48: {  	v3 =	vld [tilespmem:s26+$0x6010];
	_ =	sdelay $0x3  }
0x49: {  	s25 =	sadd.s32 s25, s9;
	v1 =	vadd.f32 v1, v2  }
0x4a: {  	s25 =	sshll.u32 s25, $0x8;
	v0 =	vadd.f32 v0, v3  }
0x4b: {  	p0 =	seq.s32 s24, $0x27;
	s25 =	sand.u32 $0x1FFFFF00, s25;
	[tilespmem:s26+$0x6000] =	vst v1  }
.Ltmp4:
0x4c: {  	s25 =	sadd.s32 s5, s25;
	[tilespmem:s26+$0x6010] =	vst v0;
	(pc) =	sbr.rel @p0 .LBB2_8-.Ltmp4, $4  }
0x4d: {  	[hbm4b:s25+s3] =	stream.linear.scatter [tilespmem:s16], [sflag:$0x4], $0x800, $0x38;
	[tilespmem:$0x7000] =	vst v63  }
0x4e: {  	_ =	swait.ge [sflag:s21], $0x800  }
0x4f: {  	[sflag:s21] =	ssyncset.done $0x0  }
0x50: {  	[sflag:s21] =	ssyncadd.s32 $0xFFFFF800  }
0x51: {  	s25 =	sshll.u32 s24, $0x8  }
0x52: {  	s26 =	sadd.s32 $0x100, s25  }
0x53: {  	[tilespmem:s14], [sflag:$0x1] =	stream.indirect.gather [hbm4b:s2+s13], $0x10, s26, s13, $0xb8;
	[tilespmem:$0x7000] =	vst v63  }
0x54: {  	s30 =	sadd.s32 $0x2900, s25  }
0x55: {  	[tilespmem:s15], [sflag:$0x1] =	stream.indirect.gather [hbm4b:s4+s13], $0x10, s30, s13, $0xb8;
	[tilespmem:$0x7000] =	vst v63  }
0x56: {  	_ =	swait.ge [sflag:s22], $0x800  }
.Ltmp5:
0x57: {  	[sflag:s22] =	ssyncset.done $0x0;
	(pc) =	sbr.rel .LBB2_2-.Ltmp5, $4  }
0x58: {  	s31 =	sadd.s32 $0x180, s25;
	[sflag:s22] =	ssyncadd.s32 $0xFFFFF800  }
0x59: {  	[tilespmem:s16], [sflag:$0x2] =	stream.indirect.gather [hbm4b:s2+s13], $0x10, s31, s13, $0xb8;
	[tilespmem:$0x7000] =	vst v63  }
0x5a: {  	s24 =	sadd.s32 $0x1, s24;
	s25 =	sadd.s32 $0x2980, s25  }
0x5b: {  	[tilespmem:s18], [sflag:$0x2] =	stream.indirect.gather [hbm4b:s4+s13], $0x10, s25, s13, $0xb8;
	[tilespmem:$0x7000] =	vst v63  }
.LBB2_9:
0x5c: {  	_ =	sfence.sel $0x180000  }
0x5d: {  	[bflag:$0x0] =	sbarrier.arrive $0xFFFF  }
0x5e: {  	p0 =	sne.s32 s0, $0x0;
	_ =	strace $0x90000050  }
0x5f: {  	s0 =	sadd.s32 @!p0 $0x100000, s1;
	[bflag:$0x2] =	sbarrier.arrive $0xFFFF  }
0x60: {  	[sflag:s0] =	ssyncadd.tile.s32 @!p0 $0x1;
	_ =	shalt  }
.Lfunc_end2:
_tile_overlayer_lowered:
.L_overlay_start_2:
0x61: {  	(tag) =	ssettag $0x2  }
0x62: {  	s0 =	rddreg [dreg:$0x0];
	s2 =	stileid.u32  }
0x63: {  	s1 =	rddreg [dreg:$0x1];
	p0 =	sne.s32 s2, $0x0  }
0x64: {  	s3 =	rddreg [dreg:$0x2];
	[bflag:$0x3] =	sbarrier.arrive $0xFFFF;
	s2 =	simm.s32 @!p0 $0x1C05  }
0x65: {  	[timem:s3], [sflag:s2] =	dma.local @!p0 [hbm:s0], s1  }
0x66: {  	s0 =	simm.s32 @!p0 $0x5  }
0x67: {  	_ =	swait.ge @!p0 [sflag:s0], s1  }
0x68: {  	s1 =	ssub.s32 @!p0 $0x0, s1;
	[sflag:s0] =	ssyncset.done @!p0 $0x0  }
0x69: {  	[sflag:s0] =	ssyncadd.s32 @!p0 s1  }
0x6a: {  	[bflag:$0x3] =	sbarrier.arrive $0xFFFF  }
0x6b: {  	_ =	shalt  }

</sc_bundles>
